<compile_context>
chip_gen: v7x
topology: tpu7x:2x2x1
jax: 0.10.2.dev20260603
libtpu: 0.0.44.dev20260713+nightly
codegen_flags: <defaults>
</compile_context>

<pallas_src>
import functools
import math

import jax
import jax.numpy as jnp
from jax.experimental import pallas as pl

_NIMG = 4
_A = 3
_H = 192
_W = 256
_PRE = 2000
_PAD = 2048
_CHUNK = 128
_NCHUNK = _PAD // _CHUNK
_POST = 1000
_NMS_T = 0.7
_MIN_SIZE = 0.0
_IM_W = 1024.0
_IM_H = 800.0
_CLIP = math.log(1000.0 / 16.0)


def _decode(anc, rel):
    ax1, ay1, ax2, ay2 = anc[0], anc[1], anc[2], anc[3]
    aw = ax2 - ax1 + 1.0
    ah = ay2 - ay1 + 1.0
    acx = ax1 + 0.5 * aw
    acy = ay1 + 0.5 * ah
    dx = rel[0]
    dy = rel[1]
    dw = jnp.minimum(rel[2], _CLIP)
    dh = jnp.minimum(rel[3], _CLIP)
    pcx = dx * aw + acx
    pcy = dy * ah + acy
    pw = jnp.exp(dw) * aw
    ph = jnp.exp(dh) * ah
    x1 = jnp.clip(pcx - 0.5 * pw, 0.0, _IM_W - 1.0)
    y1 = jnp.clip(pcy - 0.5 * ph, 0.0, _IM_H - 1.0)
    x2 = jnp.clip(pcx + 0.5 * pw - 1.0, 0.0, _IM_W - 1.0)
    y2 = jnp.clip(pcy + 0.5 * ph - 1.0, 0.0, _IM_H - 1.0)
    return x1, y1, x2, y2


def _nms_body(s_ref, anc_ref, breg_ref, anct_ref, bregt_ref, sm_ref, box_ref):
    scores = s_ref[0]
    anc = anc_ref[0]
    rel = breg_ref[0]
    x1, y1, x2, y2 = _decode(
        [anc[i : i + 1, :] for i in range(4)],
        [rel[i : i + 1, :] for i in range(4)],
    )
    anct = anct_ref[0]
    relt = bregt_ref[0]
    x1t, y1t, x2t, y2t = _decode(
        [anct[i] for i in range(4)],
        [relt[i] for i in range(4)],
    )

    ws = x2 - x1 + 1.0
    hs = y2 - y1 + 1.0
    small_ok = (ws >= _MIN_SIZE) & (hs >= _MIN_SIZE)
    area = ws * hs
    wst = x2t - x1t + 1.0
    hst = y2t - y1t + 1.0
    areat = wst * hst

    lane128 = jax.lax.broadcasted_iota(jnp.int32, (1, _CHUNK), 1)
    glob = jax.lax.broadcasted_iota(jnp.int32, (1, _PAD), 1)
    tmat = (
        jax.lax.broadcasted_iota(jnp.int32, (_CHUNK, _CHUNK), 0)
        == jax.lax.broadcasted_iota(jnp.int32, (_CHUNK, _CHUNK), 1)
    )

    keep = jnp.ones((1, _PAD), jnp.float32)

    for c in range(_NCHUNK):
        lo = c * _CHUNK
        hi = lo + _CHUNK
        cx1 = x1[:, lo:hi]
        cy1 = y1[:, lo:hi]
        cx2 = x2[:, lo:hi]
        cy2 = y2[:, lo:hi]
        car = area[:, lo:hi]
        kchunk = keep[:, lo:hi]

        def body(k, kc, cx1=cx1, cy1=cy1, cx2=cx2, cy2=cy2, car=car):
            sel = lane128 == k
            kx1 = jnp.max(jnp.where(sel, cx1, -1e30), keepdims=True)
            ky1 = jnp.max(jnp.where(sel, cy1, -1e30), keepdims=True)
            kx2 = jnp.max(jnp.where(sel, cx2, -1e30), keepdims=True)
            ky2 = jnp.max(jnp.where(sel, cy2, -1e30), keepdims=True)
            kar = jnp.max(jnp.where(sel, car, -1e30), keepdims=True)
            klive = jnp.max(jnp.where(sel, kc, 0.0), keepdims=True)
            iw = jnp.maximum(jnp.minimum(cx2, kx2) - jnp.maximum(cx1, kx1) + 1.0, 0.0)
            ih = jnp.maximum(jnp.minimum(cy2, ky2) - jnp.maximum(cy1, ky1) + 1.0, 0.0)
            inter = iw * ih
            iou = inter / (car + kar - inter)
            sup = (iou > _NMS_T) & (lane128 > k) & (klive > 0.5)
            return kc * jnp.where(sup, 0.0, 1.0)

        kchunk = jax.lax.fori_loop(0, _CHUNK, body, kchunk)

        kt = jnp.max(
            jnp.where(tmat & (kchunk > 0.5), 1.0, 0.0), axis=1, keepdims=True
        )
        ccx1 = x1t[:, c : c + 1]
        ccy1 = y1t[:, c : c + 1]
        ccx2 = x2t[:, c : c + 1]
        ccy2 = y2t[:, c : c + 1]
        ccar = areat[:, c : c + 1]

        iw = jnp.maximum(jnp.minimum(x2, ccx2) - jnp.maximum(x1, ccx1) + 1.0, 0.0)
        ih = jnp.maximum(jnp.minimum(y2, ccy2) - jnp.maximum(y1, ccy1) + 1.0, 0.0)
        inter = iw * ih
        iou = inter / (area + ccar - inter)
        supm = (iou > _NMS_T) & (glob >= hi) & (kt > 0.5)
        sup_any = jnp.max(jnp.where(supm, 1.0, 0.0), axis=0, keepdims=True)

        parts = []
        if lo > 0:
            parts.append(keep[:, :lo])
        parts.append(kchunk)
        if hi < _PAD:
            parts.append(keep[:, hi:])
        keep = jnp.concatenate(parts, axis=1) * jnp.where(sup_any > 0.5, 0.0, 1.0)

    sm_ref[0] = jnp.where((keep > 0.5) & small_ok, scores, -1e9)
    box_ref[0] = jnp.concatenate([x1, y1, x2, y2], axis=0)


def _run_nms(scores3, anc3, breg3, anc3t, breg3t):
    return pl.pallas_call(
        _nms_body,
        grid=(_NIMG,),
        in_specs=[
            pl.BlockSpec((1, 1, _PAD), lambda i: (i, 0, 0)),
            pl.BlockSpec((1, 4, _PAD), lambda i: (i, 0, 0)),
            pl.BlockSpec((1, 4, _PAD), lambda i: (i, 0, 0)),
            pl.BlockSpec((1, 4, _CHUNK, _NCHUNK), lambda i: (i, 0, 0, 0)),
            pl.BlockSpec((1, 4, _CHUNK, _NCHUNK), lambda i: (i, 0, 0, 0)),
        ],
        out_specs=[
            pl.BlockSpec((1, 1, _PAD), lambda i: (i, 0, 0)),
            pl.BlockSpec((1, 4, _PAD), lambda i: (i, 0, 0)),
        ],
        out_shape=[
            jax.ShapeDtypeStruct((_NIMG, 1, _PAD), jnp.float32),
            jax.ShapeDtypeStruct((_NIMG, 4, _PAD), jnp.float32),
        ],
    )(scores3, anc3, breg3, anc3t, breg3t)


@jax.jit
def kernel(anchors, objectness, box_regression):
    n = objectness.shape[0]
    s_raw = jax.nn.sigmoid(objectness.reshape(n, _A, _H * _W))
    ch_scores, ch_hw = jax.lax.top_k(s_raw, _PRE)
    ch_flat = ch_hw * _A + jnp.arange(_A, dtype=ch_hw.dtype)[None, :, None]
    cand_scores = ch_scores.reshape(n, _A * _PRE)
    cand_idx = ch_flat.reshape(n, _A * _PRE)
    neg_sorted, idx_sorted = jax.lax.sort(
        (-cand_scores, cand_idx), dimension=1, num_keys=2
    )
    topk_scores = -neg_sorted[:, :_PRE]
    topk_idx = idx_sorted[:, :_PRE]
    a_idx = topk_idx % _A
    hw_idx = topk_idx // _A
    flat4 = (a_idx[:, :, None] * 4 + jnp.arange(4)[None, None, :]) * (_H * _W) + hw_idx[
        :, :, None
    ]
    breg_sel = jnp.take_along_axis(
        box_regression.reshape(n, -1), flat4.reshape(n, -1), axis=1
    ).reshape(n, _PRE, 4)
    anc_sel = jnp.take_along_axis(anchors, topk_idx[:, :, None], axis=1)

    pad = _PAD - _PRE
    scores3 = jnp.pad(topk_scores, ((0, 0), (0, pad)), constant_values=-1e9)
    scores3 = scores3.reshape(n, 1, _PAD)
    anc_p = jnp.pad(anc_sel, ((0, 0), (0, pad), (0, 0)))
    breg_p = jnp.pad(breg_sel, ((0, 0), (0, pad), (0, 0)))
    anc3 = jnp.transpose(anc_p, (0, 2, 1))
    breg3 = jnp.transpose(breg_p, (0, 2, 1))
    anc3t = jnp.transpose(
        anc_p.reshape(n, _NCHUNK, _CHUNK, 4), (0, 3, 2, 1)
    )
    breg3t = jnp.transpose(
        breg_p.reshape(n, _NCHUNK, _CHUNK, 4), (0, 3, 2, 1)
    )

    sm, boxes_t = _run_nms(scores3, anc3, breg3, anc3t, breg3t)
    sm = sm.reshape(n, _PAD)[:, :_PRE]
    boxes = jnp.transpose(boxes_t, (0, 2, 1))[:, :_PRE, :]

    top_scores, top_idx = jax.lax.top_k(sm, _POST)
    out_boxes = jnp.take_along_axis(boxes, top_idx[:, :, None], axis=1)
    valid = top_scores > -1e8
    out_boxes = jnp.where(valid[:, :, None], out_boxes, 0.0)
    out_scores = jnp.where(valid, top_scores, 0.0)
    return out_boxes, out_scores

# --- scband reference (transcript-rebuilt; emitter-appended) ---
"""Pipeline reference for scband-rpnpost-processor-6622839571279 (READ-ONLY COPY).

The authoritative reference and input builder live on the scoring server;
editing this copy changes nothing except your own understanding.
"""

import jax, jax.numpy as jnp
import numpy as np
import math

NIMG = 4
A = 3
H = 192
W = 256
PRE_NMS_TOP_N = 2000
POST_NMS_TOP_N = 1000
NMS_THRESH = 0.7
MIN_SIZE = 0
IM_W = 1024.0
IM_H = 800.0
BBOX_XFORM_CLIP = math.log(1000.0 / 16.0)


def setup_inputs(seed: int = 0):
    key = jax.random.key(seed)
    k1, k2, k3, k4 = jax.random.split(key, 4)
    objectness = jax.random.normal(k1, (NIMG, A, H, W), dtype=jnp.float32)
    box_regression = jax.random.normal(k2, (NIMG, A * 4, H, W), dtype=jnp.float32) * 0.1
    na = A * H * W
    ctr = jax.random.uniform(k3, (NIMG, na, 2), dtype=jnp.float32) * jnp.array([IM_W, IM_H], dtype=jnp.float32)
    wh = jax.random.uniform(k4, (NIMG, na, 2), dtype=jnp.float32) * 128.0 + 16.0
    anchors = jnp.concatenate([ctr - 0.5 * wh, ctr + 0.5 * wh], axis=-1)
    return {"anchors": anchors, "objectness": objectness, "box_regression": box_regression}


def permute_and_flatten(layer, N, A_, C, H_, W_):
    layer = layer.reshape(N, A_, C, H_, W_)
    layer = jnp.transpose(layer, (0, 3, 4, 1, 2))
    return layer.reshape(N, -1, C)


def decode_boxes(rel_codes, boxes):
    # BoxCoder.decode with weights (1,1,1,1), maskrcnn-benchmark semantics
    TO_REMOVE = 1.0
    widths = boxes[:, 2] - boxes[:, 0] + TO_REMOVE
    heights = boxes[:, 3] - boxes[:, 1] + TO_REMOVE
    ctr_x = boxes[:, 0] + 0.5 * widths
    ctr_y = boxes[:, 1] + 0.5 * heights
    dx = rel_codes[:, 0]
    dy = rel_codes[:, 1]
    dw = jnp.minimum(rel_codes[:, 2], BBOX_XFORM_CLIP)
    dh = jnp.minimum(rel_codes[:, 3], BBOX_XFORM_CLIP)
    pred_ctr_x = dx * widths + ctr_x
    pred_ctr_y = dy * heights + ctr_y
    pred_w = jnp.exp(dw) * widths
    pred_h = jnp.exp(dh) * heights
    x1 = pred_ctr_x - 0.5 * pred_w
    y1 = pred_ctr_y - 0.5 * pred_h
    x2 = pred_ctr_x + 0.5 * pred_w - 1.0
    y2 = pred_ctr_y + 0.5 * pred_h - 1.0
    return jnp.stack([x1, y1, x2, y2], axis=-1)


def nms_per_image(boxes, scores):
    # boxes are sorted by score descending; greedy NMS, +1 box convention
    n = boxes.shape[0]
    area = (boxes[:, 2] - boxes[:, 0] + 1.0) * (boxes[:, 3] - boxes[:, 1] + 1.0)
    lt = jnp.maximum(boxes[:, None, :2], boxes[None, :, :2])
    rb = jnp.minimum(boxes[:, None, 2:], boxes[None, :, 2:])
    wh = jnp.clip(rb - lt + 1.0, 0.0)
    inter = wh[..., 0] * wh[..., 1]
    iou = inter / (area[:, None] + area[None, :] - inter)
    iou = jax.lax.stop_gradient(iou)
    idxs = jnp.arange(n)

    def body(i, keep):
        sup = (iou[i] > NMS_THRESH) & keep[i] & (idxs > i)
        return keep & jnp.logical_not(sup)

    keep = jax.lax.fori_loop(0, n, body, jnp.ones((n,), dtype=bool))
    scores_masked = jnp.where(keep, scores, -1e9)
    top_scores, top_idx = jax.lax.top_k(scores_masked, POST_NMS_TOP_N)
    out_boxes = boxes[top_idx]
    valid = top_scores > -1e8
    out_boxes = jnp.where(valid[:, None], out_boxes, 0.0)
    out_scores = jnp.where(valid, top_scores, 0.0)
    return out_boxes, out_scores


def reference(anchors, objectness, box_regression):
    N = objectness.shape[0]
    obj = permute_and_flatten(objectness, N, A, 1, H, W).reshape(N, -1)
    obj = jax.nn.sigmoid(obj)
    breg = permute_and_flatten(box_regression, N, A, 4, H, W)
    num_anchors = A * H * W
    pre = min(PRE_NMS_TOP_N, num_anchors)
    topk_scores, topk_idx = jax.lax.top_k(obj, pre)
    breg_sel = jnp.take_along_axis(breg, topk_idx[:, :, None], axis=1)
    anc_sel = jnp.take_along_axis(anchors, topk_idx[:, :, None], axis=1)
    proposals = decode_boxes(breg_sel.reshape(-1, 4), anc_sel.reshape(-1, 4)).reshape(N, pre, 4)
    # clip_to_image
    x1 = jnp.clip(proposals[..., 0], 0.0, IM_W - 1.0)
    y1 = jnp.clip(proposals[..., 1], 0.0, IM_H - 1.0)
    x2 = jnp.clip(proposals[..., 2], 0.0, IM_W - 1.0)
    y2 = jnp.clip(proposals[..., 3], 0.0, IM_H - 1.0)
    proposals = jnp.stack([x1, y1, x2, y2], axis=-1)
    # remove_small_boxes (mask via score since shapes must stay static)
    ws = proposals[..., 2] - proposals[..., 0] + 1.0
    hs = proposals[..., 3] - proposals[..., 1] + 1.0
    keep_small = (ws >= MIN_SIZE) & (hs >= MIN_SIZE)
    scores = jnp.where(keep_small, topk_scores, -1e9)
    boxes_out, scores_out = jax.vmap(nms_per_image)(proposals, scores)
    return boxes_out, scores_out

if __name__ == "__main__":
    import jax
    _d = setup_inputs()
    print(jax.jit(kernel)(*tuple(_d.values())))

</pallas_src>

<mosaic_0001>
module attributes {stable_mosaic.version = 14 : i64} {
  func.func @_nms_body(%arg0: i32, %arg1: memref<1x1x2048xf32, #tpu.memory_space<vmem>>, %arg2: memref<1x4x2048xf32, #tpu.memory_space<vmem>>, %arg3: memref<1x4x2048xf32, #tpu.memory_space<vmem>>, %arg4: memref<1x4x128x16xf32, #tpu.memory_space<vmem>>, %arg5: memref<1x4x128x16xf32, #tpu.memory_space<vmem>>, %arg6: memref<1x1x2048xf32, #tpu.memory_space<vmem>>, %arg7: memref<1x4x2048xf32, #tpu.memory_space<vmem>>) attributes {dimension_semantics = [#tpu.dimension_semantics<arbitrary>], iteration_bounds = array<i64: 4>, scalar_prefetch = 0 : i64, scratch_operands = 0 : i64, tpu.core_type = #tpu.core_type<tc>, window_params = [{transform_indices = @transform_0, window_bounds = array<i64: 1, 1, 2048>}, {transform_indices = @transform_1, window_bounds = array<i64: 1, 4, 2048>}, {transform_indices = @transform_2, window_bounds = array<i64: 1, 4, 2048>}, {transform_indices = @transform_3, window_bounds = array<i64: 1, 4, 128, 16>}, {transform_indices = @transform_4, window_bounds = array<i64: 1, 4, 128, 16>}, {transform_indices = @transform_5, window_bounds = array<i64: 1, 1, 2048>}, {transform_indices = @transform_6, window_bounds = array<i64: 1, 4, 2048>}]} {
    %get3A = arith.constant 0 : index
    %get3A_0 = arith.constant 0 : index
    %get3A_1 = arith.constant 0 : index
    %get3A_2 = vector.load %arg1[%get3A, %get3A_0, %get3A_1] : memref<1x1x2048xf32, #tpu.memory_space<vmem>>, vector<1x1x2048xf32>
    %get3A_3 = vector.shape_cast %get3A_2 : vector<1x1x2048xf32> to vector<1x2048xf32>
    %get3A_4 = arith.constant 0 : index
    %get3A_5 = arith.constant 0 : index
    %get3A_6 = arith.constant 0 : index
    %get3A_7 = vector.load %arg2[%get3A_4, %get3A_5, %get3A_6] : memref<1x4x2048xf32, #tpu.memory_space<vmem>>, vector<1x4x2048xf32>
    %get3A_8 = vector.shape_cast %get3A_7 : vector<1x4x2048xf32> to vector<4x2048xf32>
    %get3A_9 = arith.constant 0 : index
    %get3A_10 = arith.constant 0 : index
    %get3A_11 = arith.constant 0 : index
    %get3A_12 = vector.load %arg3[%get3A_9, %get3A_10, %get3A_11] : memref<1x4x2048xf32, #tpu.memory_space<vmem>>, vector<1x4x2048xf32>
    %get3A_13 = vector.shape_cast %get3A_12 : vector<1x4x2048xf32> to vector<4x2048xf32>
    %slice3A = vector.extract_strided_slice %get3A_8 {offsets = [0, 0], sizes = [1, 2048], strides = [1, 1]} : vector<4x2048xf32> to vector<1x2048xf32>
    %slice3A_14 = vector.extract_strided_slice %get3A_8 {offsets = [1, 0], sizes = [1, 2048], strides = [1, 1]} : vector<4x2048xf32> to vector<1x2048xf32>
    %slice3A_15 = vector.extract_strided_slice %get3A_8 {offsets = [2, 0], sizes = [1, 2048], strides = [1, 1]} : vector<4x2048xf32> to vector<1x2048xf32>
    %slice3A_16 = vector.extract_strided_slice %get3A_8 {offsets = [3, 0], sizes = [1, 2048], strides = [1, 1]} : vector<4x2048xf32> to vector<1x2048xf32>
    %slice3A_17 = vector.extract_strided_slice %get3A_13 {offsets = [0, 0], sizes = [1, 2048], strides = [1, 1]} : vector<4x2048xf32> to vector<1x2048xf32>
    %slice3A_18 = vector.extract_strided_slice %get3A_13 {offsets = [1, 0], sizes = [1, 2048], strides = [1, 1]} : vector<4x2048xf32> to vector<1x2048xf32>
    %slice3A_19 = vector.extract_strided_slice %get3A_13 {offsets = [2, 0], sizes = [1, 2048], strides = [1, 1]} : vector<4x2048xf32> to vector<1x2048xf32>
    %slice3A_20 = vector.extract_strided_slice %get3A_13 {offsets = [3, 0], sizes = [1, 2048], strides = [1, 1]} : vector<4x2048xf32> to vector<1x2048xf32>
    %sub3A = arith.subf %slice3A_15, %slice3A : vector<1x2048xf32>
    %add3A = arith.constant 1.000000e+00 : f32
    %add3A_21 = vector.broadcast %add3A : f32 to vector<1x2048xf32>
    %add3A_22 = arith.addf %sub3A, %add3A_21 : vector<1x2048xf32>
    %sub3A_23 = arith.subf %slice3A_16, %slice3A_14 : vector<1x2048xf32>
    %add3A_24 = arith.constant 1.000000e+00 : f32
    %add3A_25 = vector.broadcast %add3A_24 : f32 to vector<1x2048xf32>
    %add3A_26 = arith.addf %sub3A_23, %add3A_25 : vector<1x2048xf32>
    %mul3A = arith.constant 5.000000e-01 : f32
    %mul3A_27 = vector.broadcast %mul3A : f32 to vector<1x2048xf32>
    %mul3A_28 = arith.mulf %mul3A_27, %add3A_22 : vector<1x2048xf32>
    %add3A_29 = arith.addf %slice3A, %mul3A_28 : vector<1x2048xf32>
    %mul3A_30 = arith.constant 5.000000e-01 : f32
    %mul3A_31 = vector.broadcast %mul3A_30 : f32 to vector<1x2048xf32>
    %mul3A_32 = arith.mulf %mul3A_31, %add3A_26 : vector<1x2048xf32>
    %add3A_33 = arith.addf %slice3A_14, %mul3A_32 : vector<1x2048xf32>
    %min3A = arith.constant 4.13516665 : f32
    %min3A_34 = vector.broadcast %min3A : f32 to vector<1x2048xf32>
    %min3A_35 = arith.minimumf %slice3A_19, %min3A_34 : vector<1x2048xf32>
    %min3A_36 = arith.constant 4.13516665 : f32
    %min3A_37 = vector.broadcast %min3A_36 : f32 to vector<1x2048xf32>
    %min3A_38 = arith.minimumf %slice3A_20, %min3A_37 : vector<1x2048xf32>
    %mul3A_39 = arith.mulf %slice3A_17, %add3A_22 : vector<1x2048xf32>
    %add3A_40 = arith.addf %mul3A_39, %add3A_29 : vector<1x2048xf32>
    %mul3A_41 = arith.mulf %slice3A_18, %add3A_26 : vector<1x2048xf32>
    %add3A_42 = arith.addf %mul3A_41, %add3A_33 : vector<1x2048xf32>
    %exp3A = math.exp %min3A_35 : vector<1x2048xf32>
    %mul3A_43 = arith.mulf %exp3A, %add3A_22 : vector<1x2048xf32>
    %exp3A_44 = math.exp %min3A_38 : vector<1x2048xf32>
    %mul3A_45 = arith.mulf %exp3A_44, %add3A_26 : vector<1x2048xf32>
    %mul3A_46 = arith.constant 5.000000e-01 : f32
    %mul3A_47 = vector.broadcast %mul3A_46 : f32 to vector<1x2048xf32>
    %mul3A_48 = arith.mulf %mul3A_47, %mul3A_43 : vector<1x2048xf32>
    %sub3A_49 = arith.subf %add3A_40, %mul3A_48 : vector<1x2048xf32>
    %jit3A = arith.constant 0.000000e+00 : f32
    %jit3A_50 = arith.constant 1.023000e+03 : f32
    %max3A = vector.broadcast %jit3A : f32 to vector<1x2048xf32>
    %max3A_51 = arith.maximumf %max3A, %sub3A_49 : vector<1x2048xf32>
    %min3A_52 = vector.broadcast %jit3A_50 : f32 to vector<1x2048xf32>
    %min3A_53 = arith.minimumf %min3A_52, %max3A_51 : vector<1x2048xf32>
    %mul3A_54 = arith.constant 5.000000e-01 : f32
    %mul3A_55 = vector.broadcast %mul3A_54 : f32 to vector<1x2048xf32>
    %mul3A_56 = arith.mulf %mul3A_55, %mul3A_45 : vector<1x2048xf32>
    %sub3A_57 = arith.subf %add3A_42, %mul3A_56 : vector<1x2048xf32>
    %jit3A_58 = arith.constant 0.000000e+00 : f32
    %jit3A_59 = arith.constant 7.990000e+02 : f32
    %max3A_60 = vector.broadcast %jit3A_58 : f32 to vector<1x2048xf32>
    %max3A_61 = arith.maximumf %max3A_60, %sub3A_57 : vector<1x2048xf32>
    %min3A_62 = vector.broadcast %jit3A_59 : f32 to vector<1x2048xf32>
    %min3A_63 = arith.minimumf %min3A_62, %max3A_61 : vector<1x2048xf32>
    %mul3A_64 = arith.constant 5.000000e-01 : f32
    %mul3A_65 = vector.broadcast %mul3A_64 : f32 to vector<1x2048xf32>
    %mul3A_66 = arith.mulf %mul3A_65, %mul3A_43 : vector<1x2048xf32>
    %add3A_67 = arith.addf %add3A_40, %mul3A_66 : vector<1x2048xf32>
    %sub3A_68 = arith.constant 1.000000e+00 : f32
    %sub3A_69 = vector.broadcast %sub3A_68 : f32 to vector<1x2048xf32>
    %sub3A_70 = arith.subf %add3A_67, %sub3A_69 : vector<1x2048xf32>
    %jit3A_71 = arith.constant 0.000000e+00 : f32
    %jit3A_72 = arith.constant 1.023000e+03 : f32
    %max3A_73 = vector.broadcast %jit3A_71 : f32 to vector<1x2048xf32>
    %max3A_74 = arith.maximumf %max3A_73, %sub3A_70 : vector<1x2048xf32>
    %min3A_75 = vector.broadcast %jit3A_72 : f32 to vector<1x2048xf32>
    %min3A_76 = arith.minimumf %min3A_75, %max3A_74 : vector<1x2048xf32>
    %mul3A_77 = arith.constant 5.000000e-01 : f32
    %mul3A_78 = vector.broadcast %mul3A_77 : f32 to vector<1x2048xf32>
    %mul3A_79 = arith.mulf %mul3A_78, %mul3A_45 : vector<1x2048xf32>
    %add3A_80 = arith.addf %add3A_42, %mul3A_79 : vector<1x2048xf32>
    %sub3A_81 = arith.constant 1.000000e+00 : f32
    %sub3A_82 = vector.broadcast %sub3A_81 : f32 to vector<1x2048xf32>
    %sub3A_83 = arith.subf %add3A_80, %sub3A_82 : vector<1x2048xf32>
    %jit3A_84 = arith.constant 0.000000e+00 : f32
    %jit3A_85 = arith.constant 7.990000e+02 : f32
    %max3A_86 = vector.broadcast %jit3A_84 : f32 to vector<1x2048xf32>
    %max3A_87 = arith.maximumf %max3A_86, %sub3A_83 : vector<1x2048xf32>
    %min3A_88 = vector.broadcast %jit3A_85 : f32 to vector<1x2048xf32>
    %min3A_89 = arith.minimumf %min3A_88, %max3A_87 : vector<1x2048xf32>
    %get3A_90 = arith.constant 0 : index
    %get3A_91 = arith.constant 0 : index
    %get3A_92 = arith.constant 0 : index
    %get3A_93 = arith.constant 0 : index
    %get3A_94 = vector.load %arg4[%get3A_90, %get3A_91, %get3A_92, %get3A_93] : memref<1x4x128x16xf32, #tpu.memory_space<vmem>>, vector<1x4x128x16xf32>
    %get3A_95 = vector.shape_cast %get3A_94 : vector<1x4x128x16xf32> to vector<4x128x16xf32>
    %get3A_96 = arith.constant 0 : index
    %get3A_97 = arith.constant 0 : index
    %get3A_98 = arith.constant 0 : index
    %get3A_99 = arith.constant 0 : index
    %get3A_100 = vector.load %arg5[%get3A_96, %get3A_97, %get3A_98, %get3A_99] : memref<1x4x128x16xf32, #tpu.memory_space<vmem>>, vector<1x4x128x16xf32>
    %get3A_101 = vector.shape_cast %get3A_100 : vector<1x4x128x16xf32> to vector<4x128x16xf32>
    %slice3A_102 = vector.extract_strided_slice %get3A_95 {offsets = [0, 0, 0], sizes = [1, 128, 16], strides = [1, 1, 1]} : vector<4x128x16xf32> to vector<1x128x16xf32>
    %squeeze3A = vector.shape_cast %slice3A_102 : vector<1x128x16xf32> to vector<128x16xf32>
    %slice3A_103 = vector.extract_strided_slice %get3A_95 {offsets = [1, 0, 0], sizes = [1, 128, 16], strides = [1, 1, 1]} : vector<4x128x16xf32> to vector<1x128x16xf32>
    %squeeze3A_104 = vector.shape_cast %slice3A_103 : vector<1x128x16xf32> to vector<128x16xf32>
    %slice3A_105 = vector.extract_strided_slice %get3A_95 {offsets = [2, 0, 0], sizes = [1, 128, 16], strides = [1, 1, 1]} : vector<4x128x16xf32> to vector<1x128x16xf32>
    %squeeze3A_106 = vector.shape_cast %slice3A_105 : vector<1x128x16xf32> to vector<128x16xf32>
    %slice3A_107 = vector.extract_strided_slice %get3A_95 {offsets = [3, 0, 0], sizes = [1, 128, 16], strides = [1, 1, 1]} : vector<4x128x16xf32> to vector<1x128x16xf32>
    %squeeze3A_108 = vector.shape_cast %slice3A_107 : vector<1x128x16xf32> to vector<128x16xf32>
    %slice3A_109 = vector.extract_strided_slice %get3A_101 {offsets = [0, 0, 0], sizes = [1, 128, 16], strides = [1, 1, 1]} : vector<4x128x16xf32> to vector<1x128x16xf32>
    %squeeze3A_110 = vector.shape_cast %slice3A_109 : vector<1x128x16xf32> to vector<128x16xf32>
    %slice3A_111 = vector.extract_strided_slice %get3A_101 {offsets = [1, 0, 0], sizes = [1, 128, 16], strides = [1, 1, 1]} : vector<4x128x16xf32> to vector<1x128x16xf32>
    %squeeze3A_112 = vector.shape_cast %slice3A_111 : vector<1x128x16xf32> to vector<128x16xf32>
    %slice3A_113 = vector.extract_strided_slice %get3A_101 {offsets = [2, 0, 0], sizes = [1, 128, 16], strides = [1, 1, 1]} : vector<4x128x16xf32> to vector<1x128x16xf32>
    %squeeze3A_114 = vector.shape_cast %slice3A_113 : vector<1x128x16xf32> to vector<128x16xf32>
    %slice3A_115 = vector.extract_strided_slice %get3A_101 {offsets = [3, 0, 0], sizes = [1, 128, 16], strides = [1, 1, 1]} : vector<4x128x16xf32> to vector<1x128x16xf32>
    %squeeze3A_116 = vector.shape_cast %slice3A_115 : vector<1x128x16xf32> to vector<128x16xf32>
    %sub3A_117 = arith.subf %squeeze3A_106, %squeeze3A : vector<128x16xf32>
    %add3A_118 = arith.constant 1.000000e+00 : f32
    %add3A_119 = vector.broadcast %add3A_118 : f32 to vector<128x16xf32>
    %add3A_120 = arith.addf %sub3A_117, %add3A_119 : vector<128x16xf32>
    %sub3A_121 = arith.subf %squeeze3A_108, %squeeze3A_104 : vector<128x16xf32>
    %add3A_122 = arith.constant 1.000000e+00 : f32
    %add3A_123 = vector.broadcast %add3A_122 : f32 to vector<128x16xf32>
    %add3A_124 = arith.addf %sub3A_121, %add3A_123 : vector<128x16xf32>
    %mul3A_125 = arith.constant 5.000000e-01 : f32
    %mul3A_126 = vector.broadcast %mul3A_125 : f32 to vector<128x16xf32>
    %mul3A_127 = arith.mulf %mul3A_126, %add3A_120 : vector<128x16xf32>
    %add3A_128 = arith.addf %squeeze3A, %mul3A_127 : vector<128x16xf32>
    %mul3A_129 = arith.constant 5.000000e-01 : f32
    %mul3A_130 = vector.broadcast %mul3A_129 : f32 to vector<128x16xf32>
    %mul3A_131 = arith.mulf %mul3A_130, %add3A_124 : vector<128x16xf32>
    %add3A_132 = arith.addf %squeeze3A_104, %mul3A_131 : vector<128x16xf32>
    %min3A_133 = arith.constant 4.13516665 : f32
    %min3A_134 = vector.broadcast %min3A_133 : f32 to vector<128x16xf32>
    %min3A_135 = arith.minimumf %squeeze3A_114, %min3A_134 : vector<128x16xf32>
    %min3A_136 = arith.constant 4.13516665 : f32
    %min3A_137 = vector.broadcast %min3A_136 : f32 to vector<128x16xf32>
    %min3A_138 = arith.minimumf %squeeze3A_116, %min3A_137 : vector<128x16xf32>
    %mul3A_139 = arith.mulf %squeeze3A_110, %add3A_120 : vector<128x16xf32>
    %add3A_140 = arith.addf %mul3A_139, %add3A_128 : vector<128x16xf32>
    %mul3A_141 = arith.mulf %squeeze3A_112, %add3A_124 : vector<128x16xf32>
    %add3A_142 = arith.addf %mul3A_141, %add3A_132 : vector<128x16xf32>
    %exp3A_143 = math.exp %min3A_135 : vector<128x16xf32>
    %mul3A_144 = arith.mulf %exp3A_143, %add3A_120 : vector<128x16xf32>
    %exp3A_145 = math.exp %min3A_138 : vector<128x16xf32>
    %mul3A_146 = arith.mulf %exp3A_145, %add3A_124 : vector<128x16xf32>
    %mul3A_147 = arith.constant 5.000000e-01 : f32
    %mul3A_148 = vector.broadcast %mul3A_147 : f32 to vector<128x16xf32>
    %mul3A_149 = arith.mulf %mul3A_148, %mul3A_144 : vector<128x16xf32>
    %sub3A_150 = arith.subf %add3A_140, %mul3A_149 : vector<128x16xf32>
    %jit3A_151 = arith.constant 0.000000e+00 : f32
    %jit3A_152 = arith.constant 1.023000e+03 : f32
    %max3A_153 = vector.broadcast %jit3A_151 : f32 to vector<128x16xf32>
    %max3A_154 = arith.maximumf %max3A_153, %sub3A_150 : vector<128x16xf32>
    %min3A_155 = vector.broadcast %jit3A_152 : f32 to vector<128x16xf32>
    %min3A_156 = arith.minimumf %min3A_155, %max3A_154 : vector<128x16xf32>
    %mul3A_157 = arith.constant 5.000000e-01 : f32
    %mul3A_158 = vector.broadcast %mul3A_157 : f32 to vector<128x16xf32>
    %mul3A_159 = arith.mulf %mul3A_158, %mul3A_146 : vector<128x16xf32>
    %sub3A_160 = arith.subf %add3A_142, %mul3A_159 : vector<128x16xf32>
    %jit3A_161 = arith.constant 0.000000e+00 : f32
    %jit3A_162 = arith.constant 7.990000e+02 : f32
    %max3A_163 = vector.broadcast %jit3A_161 : f32 to vector<128x16xf32>
    %max3A_164 = arith.maximumf %max3A_163, %sub3A_160 : vector<128x16xf32>
    %min3A_165 = vector.broadcast %jit3A_162 : f32 to vector<128x16xf32>
    %min3A_166 = arith.minimumf %min3A_165, %max3A_164 : vector<128x16xf32>
    %mul3A_167 = arith.constant 5.000000e-01 : f32
    %mul3A_168 = vector.broadcast %mul3A_167 : f32 to vector<128x16xf32>
    %mul3A_169 = arith.mulf %mul3A_168, %mul3A_144 : vector<128x16xf32>
    %add3A_170 = arith.addf %add3A_140, %mul3A_169 : vector<128x16xf32>
    %sub3A_171 = arith.constant 1.000000e+00 : f32
    %sub3A_172 = vector.broadcast %sub3A_171 : f32 to vector<128x16xf32>
    %sub3A_173 = arith.subf %add3A_170, %sub3A_172 : vector<128x16xf32>
    %jit3A_174 = arith.constant 0.000000e+00 : f32
    %jit3A_175 = arith.constant 1.023000e+03 : f32
    %max3A_176 = vector.broadcast %jit3A_174 : f32 to vector<128x16xf32>
    %max3A_177 = arith.maximumf %max3A_176, %sub3A_173 : vector<128x16xf32>
    %min3A_178 = vector.broadcast %jit3A_175 : f32 to vector<128x16xf32>
    %min3A_179 = arith.minimumf %min3A_178, %max3A_177 : vector<128x16xf32>
    %mul3A_180 = arith.constant 5.000000e-01 : f32
    %mul3A_181 = vector.broadcast %mul3A_180 : f32 to vector<128x16xf32>
    %mul3A_182 = arith.mulf %mul3A_181, %mul3A_146 : vector<128x16xf32>
    %add3A_183 = arith.addf %add3A_142, %mul3A_182 : vector<128x16xf32>
    %sub3A_184 = arith.constant 1.000000e+00 : f32
    %sub3A_185 = vector.broadcast %sub3A_184 : f32 to vector<128x16xf32>
    %sub3A_186 = arith.subf %add3A_183, %sub3A_185 : vector<128x16xf32>
    %jit3A_187 = arith.constant 0.000000e+00 : f32
    %jit3A_188 = arith.constant 7.990000e+02 : f32
    %max3A_189 = vector.broadcast %jit3A_187 : f32 to vector<128x16xf32>
    %max3A_190 = arith.maximumf %max3A_189, %sub3A_186 : vector<128x16xf32>
    %min3A_191 = vector.broadcast %jit3A_188 : f32 to vector<128x16xf32>
    %min3A_192 = arith.minimumf %min3A_191, %max3A_190 : vector<128x16xf32>
    %sub3A_193 = arith.subf %min3A_76, %min3A_53 : vector<1x2048xf32>
    %add3A_194 = arith.constant 1.000000e+00 : f32
    %add3A_195 = vector.broadcast %add3A_194 : f32 to vector<1x2048xf32>
    %add3A_196 = arith.addf %sub3A_193, %add3A_195 : vector<1x2048xf32>
    %sub3A_197 = arith.subf %min3A_89, %min3A_63 : vector<1x2048xf32>
    %add3A_198 = arith.constant 1.000000e+00 : f32
    %add3A_199 = vector.broadcast %add3A_198 : f32 to vector<1x2048xf32>
    %add3A_200 = arith.addf %sub3A_197, %add3A_199 : vector<1x2048xf32>
    %ge3A = arith.constant 0.000000e+00 : f32
    %ge3A_201 = vector.broadcast %ge3A : f32 to vector<1x2048xf32>
    %ge3A_202 = arith.cmpf oge, %add3A_196, %ge3A_201 : vector<1x2048xf32>
    %ge3A_203 = arith.constant 0.000000e+00 : f32
    %ge3A_204 = vector.broadcast %ge3A_203 : f32 to vector<1x2048xf32>
    %ge3A_205 = arith.cmpf oge, %add3A_200, %ge3A_204 : vector<1x2048xf32>
    %and3A = arith.andi %ge3A_202, %ge3A_205 : vector<1x2048xi1>
    %mul3A_206 = arith.mulf %add3A_196, %add3A_200 : vector<1x2048xf32>
    %sub3A_207 = arith.subf %min3A_179, %min3A_156 : vector<128x16xf32>
    %add3A_208 = arith.constant 1.000000e+00 : f32
    %add3A_209 = vector.broadcast %add3A_208 : f32 to vector<128x16xf32>
    %add3A_210 = arith.addf %sub3A_207, %add3A_209 : vector<128x16xf32>
    %sub3A_211 = arith.subf %min3A_192, %min3A_166 : vector<128x16xf32>
    %add3A_212 = arith.constant 1.000000e+00 : f32
    %add3A_213 = vector.broadcast %add3A_212 : f32 to vector<128x16xf32>
    %add3A_214 = arith.addf %sub3A_211, %add3A_213 : vector<128x16xf32>
    %mul3A_215 = arith.mulf %add3A_210, %add3A_214 : vector<128x16xf32>
    %iota3A = tpu.iota {dimensions = array<i32: 1>} : vector<1x128xi32>
    %iota3A_216 = tpu.iota {dimensions = array<i32: 1>} : vector<1x2048xi32>
    %iota3A_217 = tpu.iota {dimensions = array<i32: 0>} : vector<128x128xi32>
    %iota3A_218 = tpu.iota {dimensions = array<i32: 1>} : vector<128x128xi32>
    %eq3A = arith.cmpi eq, %iota3A_217, %iota3A_218 : vector<128x128xi32>
    %broadcast_in_dim3A = arith.constant 1.000000e+00 : f32
    %broadcast_in_dim3A_219 = vector.broadcast %broadcast_in_dim3A : f32 to vector<1x2048xf32>
    %slice3A_220 = vector.extract_strided_slice %min3A_53 {offsets = [0, 0], sizes = [1, 128], strides = [1, 1]} : vector<1x2048xf32> to vector<1x128xf32>
    %slice3A_221 = vector.extract_strided_slice %min3A_63 {offsets = [0, 0], sizes = [1, 128], strides = [1, 1]} : vector<1x2048xf32> to vector<1x128xf32>
    %slice3A_222 = vector.extract_strided_slice %min3A_76 {offsets = [0, 0], sizes = [1, 128], strides = [1, 1]} : vector<1x2048xf32> to vector<1x128xf32>
    %slice3A_223 = vector.extract_strided_slice %min3A_89 {offsets = [0, 0], sizes = [1, 128], strides = [1, 1]} : vector<1x2048xf32> to vector<1x128xf32>
    %slice3A_224 = vector.extract_strided_slice %mul3A_206 {offsets = [0, 0], sizes = [1, 128], strides = [1, 1]} : vector<1x2048xf32> to vector<1x128xf32>
    %slice3A_225 = vector.extract_strided_slice %broadcast_in_dim3A_219 {offsets = [0, 0], sizes = [1, 128], strides = [1, 1]} : vector<1x2048xf32> to vector<1x128xf32>
    %scan3A = arith.constant 0 : i32
    %scan3A_226 = arith.constant 128 : i32
    %scan3A_227 = arith.addi %scan3A, %scan3A_226 : i32
    %scan3A_228 = arith.constant 1 : i32
    %scan3A_229 = scf.for %scan3A_1751 = %scan3A to %scan3A_227 step %scan3A_228 iter_args(%scan3A_1752 = %slice3A_225) -> (vector<1x128xf32>)  : i32 {
      %eq3A_1753 = vector.broadcast %scan3A_1751 : i32 to vector<1x128xi32>
      %eq3A_1754 = arith.cmpi eq, %iota3A, %eq3A_1753 : vector<1x128xi32>
      %jit3A_1755 = arith.constant -1.000000e+30 : f32
      %broadcast_in_dim3A_1756 = vector.broadcast %jit3A_1755 : f32 to vector<1x128xf32>
      %select_n3A_1757 = arith.select %eq3A_1754, %slice3A_220, %broadcast_in_dim3A_1756 : vector<1x128xi1>, vector<1x128xf32>
      %reduce_max3A_1758 = vector.shape_cast %select_n3A_1757 : vector<1x128xf32> to vector<1x1x128xf32>
      %reduce_max3A_1759 = arith.constant dense<0xFF800000> : vector<1xf32>
      %reduce_max3A_1760 = vector.multi_reduction <maximumf>, %reduce_max3A_1758, %reduce_max3A_1759 [1, 2] : vector<1x1x128xf32> to vector<1xf32>
      %reduce_max3A_1761 = vector.shape_cast %reduce_max3A_1760 : vector<1xf32> to vector<1x1x1xf32>
      %reduce_max3A_1762 = vector.extract %reduce_max3A_1761[0, 0, 0] : f32 from vector<1x1x1xf32>
      %broadcast_in_dim3A_1763 = vector.broadcast %reduce_max3A_1762 : f32 to vector<1x1xf32>
      %jit3A_1764 = arith.constant -1.000000e+30 : f32
      %broadcast_in_dim3A_1765 = vector.broadcast %jit3A_1764 : f32 to vector<1x128xf32>
      %select_n3A_1766 = arith.select %eq3A_1754, %slice3A_221, %broadcast_in_dim3A_1765 : vector<1x128xi1>, vector<1x128xf32>
      %reduce_max3A_1767 = vector.shape_cast %select_n3A_1766 : vector<1x128xf32> to vector<1x1x128xf32>
      %reduce_max3A_1768 = arith.constant dense<0xFF800000> : vector<1xf32>
      %reduce_max3A_1769 = vector.multi_reduction <maximumf>, %reduce_max3A_1767, %reduce_max3A_1768 [1, 2] : vector<1x1x128xf32> to vector<1xf32>
      %reduce_max3A_1770 = vector.shape_cast %reduce_max3A_1769 : vector<1xf32> to vector<1x1x1xf32>
      %reduce_max3A_1771 = vector.extract %reduce_max3A_1770[0, 0, 0] : f32 from vector<1x1x1xf32>
      %broadcast_in_dim3A_1772 = vector.broadcast %reduce_max3A_1771 : f32 to vector<1x1xf32>
      %jit3A_1773 = arith.constant -1.000000e+30 : f32
      %broadcast_in_dim3A_1774 = vector.broadcast %jit3A_1773 : f32 to vector<1x128xf32>
      %select_n3A_1775 = arith.select %eq3A_1754, %slice3A_222, %broadcast_in_dim3A_1774 : vector<1x128xi1>, vector<1x128xf32>
      %reduce_max3A_1776 = vector.shape_cast %select_n3A_1775 : vector<1x128xf32> to vector<1x1x128xf32>
      %reduce_max3A_1777 = arith.constant dense<0xFF800000> : vector<1xf32>
      %reduce_max3A_1778 = vector.multi_reduction <maximumf>, %reduce_max3A_1776, %reduce_max3A_1777 [1, 2] : vector<1x1x128xf32> to vector<1xf32>
      %reduce_max3A_1779 = vector.shape_cast %reduce_max3A_1778 : vector<1xf32> to vector<1x1x1xf32>
      %reduce_max3A_1780 = vector.extract %reduce_max3A_1779[0, 0, 0] : f32 from vector<1x1x1xf32>
      %broadcast_in_dim3A_1781 = vector.broadcast %reduce_max3A_1780 : f32 to vector<1x1xf32>
      %jit3A_1782 = arith.constant -1.000000e+30 : f32
      %broadcast_in_dim3A_1783 = vector.broadcast %jit3A_1782 : f32 to vector<1x128xf32>
      %select_n3A_1784 = arith.select %eq3A_1754, %slice3A_223, %broadcast_in_dim3A_1783 : vector<1x128xi1>, vector<1x128xf32>
      %reduce_max3A_1785 = vector.shape_cast %select_n3A_1784 : vector<1x128xf32> to vector<1x1x128xf32>
      %reduce_max3A_1786 = arith.constant dense<0xFF800000> : vector<1xf32>
      %reduce_max3A_1787 = vector.multi_reduction <maximumf>, %reduce_max3A_1785, %reduce_max3A_1786 [1, 2] : vector<1x1x128xf32> to vector<1xf32>
      %reduce_max3A_1788 = vector.shape_cast %reduce_max3A_1787 : vector<1xf32> to vector<1x1x1xf32>
      %reduce_max3A_1789 = vector.extract %reduce_max3A_1788[0, 0, 0] : f32 from vector<1x1x1xf32>
      %broadcast_in_dim3A_1790 = vector.broadcast %reduce_max3A_1789 : f32 to vector<1x1xf32>
      %jit3A_1791 = arith.constant -1.000000e+30 : f32
      %broadcast_in_dim3A_1792 = vector.broadcast %jit3A_1791 : f32 to vector<1x128xf32>
      %select_n3A_1793 = arith.select %eq3A_1754, %slice3A_224, %broadcast_in_dim3A_1792 : vector<1x128xi1>, vector<1x128xf32>
      %reduce_max3A_1794 = vector.shape_cast %select_n3A_1793 : vector<1x128xf32> to vector<1x1x128xf32>
      %reduce_max3A_1795 = arith.constant dense<0xFF800000> : vector<1xf32>
      %reduce_max3A_1796 = vector.multi_reduction <maximumf>, %reduce_max3A_1794, %reduce_max3A_1795 [1, 2] : vector<1x1x128xf32> to vector<1xf32>
      %reduce_max3A_1797 = vector.shape_cast %reduce_max3A_1796 : vector<1xf32> to vector<1x1x1xf32>
      %reduce_max3A_1798 = vector.extract %reduce_max3A_1797[0, 0, 0] : f32 from vector<1x1x1xf32>
      %broadcast_in_dim3A_1799 = vector.broadcast %reduce_max3A_1798 : f32 to vector<1x1xf32>
      %jit3A_1800 = arith.constant 0.000000e+00 : f32
      %broadcast_in_dim3A_1801 = vector.broadcast %jit3A_1800 : f32 to vector<1x128xf32>
      %select_n3A_1802 = arith.select %eq3A_1754, %scan3A_1752, %broadcast_in_dim3A_1801 : vector<1x128xi1>, vector<1x128xf32>
      %reduce_max3A_1803 = vector.shape_cast %select_n3A_1802 : vector<1x128xf32> to vector<1x1x128xf32>
      %reduce_max3A_1804 = arith.constant dense<0xFF800000> : vector<1xf32>
      %reduce_max3A_1805 = vector.multi_reduction <maximumf>, %reduce_max3A_1803, %reduce_max3A_1804 [1, 2] : vector<1x1x128xf32> to vector<1xf32>
      %reduce_max3A_1806 = vector.shape_cast %reduce_max3A_1805 : vector<1xf32> to vector<1x1x1xf32>
      %reduce_max3A_1807 = vector.extract %reduce_max3A_1806[0, 0, 0] : f32 from vector<1x1x1xf32>
      %broadcast_in_dim3A_1808 = vector.broadcast %reduce_max3A_1807 : f32 to vector<1x1xf32>
      %min3A_1809 = vector.broadcast %broadcast_in_dim3A_1781 : vector<1x1xf32> to vector<1x128xf32>
      %min3A_1810 = arith.minimumf %slice3A_222, %min3A_1809 : vector<1x128xf32>
      %max3A_1811 = vector.broadcast %broadcast_in_dim3A_1763 : vector<1x1xf32> to vector<1x128xf32>
      %max3A_1812 = arith.maximumf %slice3A_220, %max3A_1811 : vector<1x128xf32>
      %sub3A_1813 = arith.subf %min3A_1810, %max3A_1812 : vector<1x128xf32>
      %add3A_1814 = arith.constant 1.000000e+00 : f32
      %add3A_1815 = vector.broadcast %add3A_1814 : f32 to vector<1x128xf32>
      %add3A_1816 = arith.addf %sub3A_1813, %add3A_1815 : vector<1x128xf32>
      %max3A_1817 = arith.constant 0.000000e+00 : f32
      %max3A_1818 = vector.broadcast %max3A_1817 : f32 to vector<1x128xf32>
      %max3A_1819 = arith.maximumf %add3A_1816, %max3A_1818 : vector<1x128xf32>
      %min3A_1820 = vector.broadcast %broadcast_in_dim3A_1790 : vector<1x1xf32> to vector<1x128xf32>
      %min3A_1821 = arith.minimumf %slice3A_223, %min3A_1820 : vector<1x128xf32>
      %max3A_1822 = vector.broadcast %broadcast_in_dim3A_1772 : vector<1x1xf32> to vector<1x128xf32>
      %max3A_1823 = arith.maximumf %slice3A_221, %max3A_1822 : vector<1x128xf32>
      %sub3A_1824 = arith.subf %min3A_1821, %max3A_1823 : vector<1x128xf32>
      %add3A_1825 = arith.constant 1.000000e+00 : f32
      %add3A_1826 = vector.broadcast %add3A_1825 : f32 to vector<1x128xf32>
      %add3A_1827 = arith.addf %sub3A_1824, %add3A_1826 : vector<1x128xf32>
      %max3A_1828 = arith.constant 0.000000e+00 : f32
      %max3A_1829 = vector.broadcast %max3A_1828 : f32 to vector<1x128xf32>
      %max3A_1830 = arith.maximumf %add3A_1827, %max3A_1829 : vector<1x128xf32>
      %mul3A_1831 = arith.mulf %max3A_1819, %max3A_1830 : vector<1x128xf32>
      %add3A_1832 = vector.broadcast %broadcast_in_dim3A_1799 : vector<1x1xf32> to vector<1x128xf32>
      %add3A_1833 = arith.addf %slice3A_224, %add3A_1832 : vector<1x128xf32>
      %sub3A_1834 = arith.subf %add3A_1833, %mul3A_1831 : vector<1x128xf32>
      %div3A_1835 = arith.divf %mul3A_1831, %sub3A_1834 : vector<1x128xf32>
      %gt3A_1836 = arith.constant 0.699999988 : f32
      %gt3A_1837 = vector.broadcast %gt3A_1836 : f32 to vector<1x128xf32>
      %gt3A_1838 = arith.cmpf ogt, %div3A_1835, %gt3A_1837 : vector<1x128xf32>
      %gt3A_1839 = vector.broadcast %scan3A_1751 : i32 to vector<1x128xi32>
      %gt3A_1840 = arith.cmpi sgt, %iota3A, %gt3A_1839 : vector<1x128xi32>
      %and3A_1841 = arith.andi %gt3A_1838, %gt3A_1840 : vector<1x128xi1>
      %gt3A_1842 = arith.constant 5.000000e-01 : f32
      %gt3A_1843 = vector.broadcast %gt3A_1842 : f32 to vector<1x1xf32>
      %gt3A_1844 = arith.cmpf ogt, %broadcast_in_dim3A_1808, %gt3A_1843 : vector<1x1xf32>
      %and3A_1845 = vector.broadcast %gt3A_1844 : vector<1x1xi1> to vector<1x128xi1>
      %and3A_1846 = arith.andi %and3A_1841, %and3A_1845 : vector<1x128xi1>
      %jit3A_1847 = arith.constant 0.000000e+00 : f32
      %jit3A_1848 = arith.constant 1.000000e+00 : f32
      %broadcast_in_dim3A_1849 = vector.broadcast %jit3A_1847 : f32 to vector<1x128xf32>
      %broadcast_in_dim3A_1850 = vector.broadcast %jit3A_1848 : f32 to vector<1x128xf32>
      %select_n3A_1851 = arith.select %and3A_1846, %broadcast_in_dim3A_1849, %broadcast_in_dim3A_1850 : vector<1x128xi1>, vector<1x128xf32>
      %mul3A_1852 = arith.mulf %scan3A_1752, %select_n3A_1851 : vector<1x128xf32>
      scf.yield %mul3A_1852 : vector<1x128xf32>
    }
    %scan3A_230 = arith.constant 128 : i32
    %gt3A = arith.constant 5.000000e-01 : f32
    %gt3A_231 = vector.broadcast %gt3A : f32 to vector<1x128xf32>
    %gt3A_232 = arith.cmpf ogt, %scan3A_229, %gt3A_231 : vector<1x128xf32>
    %and3A_233 = vector.broadcast %gt3A_232 : vector<1x128xi1> to vector<128x128xi1>
    %and3A_234 = arith.andi %eq3A, %and3A_233 : vector<128x128xi1>
    %jit3A_235 = arith.constant 1.000000e+00 : f32
    %jit3A_236 = arith.constant 0.000000e+00 : f32
    %broadcast_in_dim3A_237 = vector.broadcast %jit3A_235 : f32 to vector<128x128xf32>
    %broadcast_in_dim3A_238 = vector.broadcast %jit3A_236 : f32 to vector<128x128xf32>
    %select_n3A = arith.select %and3A_234, %broadcast_in_dim3A_237, %broadcast_in_dim3A_238 : vector<128x128xi1>, vector<128x128xf32>
    %reduce_max3A = arith.constant dense<0xFF800000> : vector<128xf32>
    %reduce_max3A_239 = vector.multi_reduction <maximumf>, %select_n3A, %reduce_max3A [1] : vector<128x128xf32> to vector<128xf32>
    %broadcast_in_dim3A_240 = vector.shape_cast %reduce_max3A_239 : vector<128xf32> to vector<128x1xf32>
    %slice3A_241 = vector.extract_strided_slice %min3A_156 {offsets = [0, 0], sizes = [128, 1], strides = [1, 1]} : vector<128x16xf32> to vector<128x1xf32>
    %slice3A_242 = vector.extract_strided_slice %min3A_166 {offsets = [0, 0], sizes = [128, 1], strides = [1, 1]} : vector<128x16xf32> to vector<128x1xf32>
    %slice3A_243 = vector.extract_strided_slice %min3A_179 {offsets = [0, 0], sizes = [128, 1], strides = [1, 1]} : vector<128x16xf32> to vector<128x1xf32>
    %slice3A_244 = vector.extract_strided_slice %min3A_192 {offsets = [0, 0], sizes = [128, 1], strides = [1, 1]} : vector<128x16xf32> to vector<128x1xf32>
    %slice3A_245 = vector.extract_strided_slice %mul3A_215 {offsets = [0, 0], sizes = [128, 1], strides = [1, 1]} : vector<128x16xf32> to vector<128x1xf32>
    %min3A_246 = vector.broadcast %min3A_76 : vector<1x2048xf32> to vector<128x2048xf32>
    %min3A_247 = vector.broadcast %slice3A_243 : vector<128x1xf32> to vector<128x2048xf32>
    %min3A_248 = arith.minimumf %min3A_246, %min3A_247 : vector<128x2048xf32>
    %max3A_249 = vector.broadcast %min3A_53 : vector<1x2048xf32> to vector<128x2048xf32>
    %max3A_250 = vector.broadcast %slice3A_241 : vector<128x1xf32> to vector<128x2048xf32>
    %max3A_251 = arith.maximumf %max3A_249, %max3A_250 : vector<128x2048xf32>
    %sub3A_252 = arith.subf %min3A_248, %max3A_251 : vector<128x2048xf32>
    %add3A_253 = arith.constant 1.000000e+00 : f32
    %add3A_254 = vector.broadcast %add3A_253 : f32 to vector<128x2048xf32>
    %add3A_255 = arith.addf %sub3A_252, %add3A_254 : vector<128x2048xf32>
    %max3A_256 = arith.constant 0.000000e+00 : f32
    %max3A_257 = vector.broadcast %max3A_256 : f32 to vector<128x2048xf32>
    %max3A_258 = arith.maximumf %add3A_255, %max3A_257 : vector<128x2048xf32>
    %min3A_259 = vector.broadcast %min3A_89 : vector<1x2048xf32> to vector<128x2048xf32>
    %min3A_260 = vector.broadcast %slice3A_244 : vector<128x1xf32> to vector<128x2048xf32>
    %min3A_261 = arith.minimumf %min3A_259, %min3A_260 : vector<128x2048xf32>
    %max3A_262 = vector.broadcast %min3A_63 : vector<1x2048xf32> to vector<128x2048xf32>
    %max3A_263 = vector.broadcast %slice3A_242 : vector<128x1xf32> to vector<128x2048xf32>
    %max3A_264 = arith.maximumf %max3A_262, %max3A_263 : vector<128x2048xf32>
    %sub3A_265 = arith.subf %min3A_261, %max3A_264 : vector<128x2048xf32>
    %add3A_266 = arith.constant 1.000000e+00 : f32
    %add3A_267 = vector.broadcast %add3A_266 : f32 to vector<128x2048xf32>
    %add3A_268 = arith.addf %sub3A_265, %add3A_267 : vector<128x2048xf32>
    %max3A_269 = arith.constant 0.000000e+00 : f32
    %max3A_270 = vector.broadcast %max3A_269 : f32 to vector<128x2048xf32>
    %max3A_271 = arith.maximumf %add3A_268, %max3A_270 : vector<128x2048xf32>
    %mul3A_272 = arith.mulf %max3A_258, %max3A_271 : vector<128x2048xf32>
    %add3A_273 = vector.broadcast %mul3A_206 : vector<1x2048xf32> to vector<128x2048xf32>
    %add3A_274 = vector.broadcast %slice3A_245 : vector<128x1xf32> to vector<128x2048xf32>
    %add3A_275 = arith.addf %add3A_273, %add3A_274 : vector<128x2048xf32>
    %sub3A_276 = arith.subf %add3A_275, %mul3A_272 : vector<128x2048xf32>
    %div3A = arith.divf %mul3A_272, %sub3A_276 : vector<128x2048xf32>
    %gt3A_277 = arith.constant 0.699999988 : f32
    %gt3A_278 = vector.broadcast %gt3A_277 : f32 to vector<128x2048xf32>
    %gt3A_279 = arith.cmpf ogt, %div3A, %gt3A_278 : vector<128x2048xf32>
    %ge3A_280 = arith.constant 128 : i32
    %ge3A_281 = vector.broadcast %ge3A_280 : i32 to vector<1x2048xi32>
    %ge3A_282 = arith.cmpi sge, %iota3A_216, %ge3A_281 : vector<1x2048xi32>
    %and3A_283 = vector.broadcast %ge3A_282 : vector<1x2048xi1> to vector<128x2048xi1>
    %and3A_284 = arith.andi %gt3A_279, %and3A_283 : vector<128x2048xi1>
    %gt3A_285 = arith.constant 5.000000e-01 : f32
    %gt3A_286 = vector.broadcast %gt3A_285 : f32 to vector<128x1xf32>
    %gt3A_287 = arith.cmpf ogt, %broadcast_in_dim3A_240, %gt3A_286 : vector<128x1xf32>
    %and3A_288 = vector.broadcast %gt3A_287 : vector<128x1xi1> to vector<128x2048xi1>
    %and3A_289 = arith.andi %and3A_284, %and3A_288 : vector<128x2048xi1>
    %jit3A_290 = arith.constant 1.000000e+00 : f32
    %jit3A_291 = arith.constant 0.000000e+00 : f32
    %broadcast_in_dim3A_292 = vector.broadcast %jit3A_290 : f32 to vector<128x2048xf32>
    %broadcast_in_dim3A_293 = vector.broadcast %jit3A_291 : f32 to vector<128x2048xf32>
    %select_n3A_294 = arith.select %and3A_289, %broadcast_in_dim3A_292, %broadcast_in_dim3A_293 : vector<128x2048xi1>, vector<128x2048xf32>
    %reduce_max3A_295 = arith.constant dense<0xFF800000> : vector<2048xf32>
    %reduce_max3A_296 = vector.multi_reduction <maximumf>, %select_n3A_294, %reduce_max3A_295 [0] : vector<128x2048xf32> to vector<2048xf32>
    %broadcast_in_dim3A_297 = vector.shape_cast %reduce_max3A_296 : vector<2048xf32> to vector<1x2048xf32>
    %slice3A_298 = vector.extract_strided_slice %broadcast_in_dim3A_219 {offsets = [0, 128], sizes = [1, 1920], strides = [1, 1]} : vector<1x2048xf32> to vector<1x1920xf32>
    %concatenate3A = tpu.concatenate %scan3A_229, %slice3A_298 in 1 : vector<1x128xf32>, vector<1x1920xf32> -> vector<1x2048xf32>
    %gt3A_299 = arith.constant 5.000000e-01 : f32
    %gt3A_300 = vector.broadcast %gt3A_299 : f32 to vector<1x2048xf32>
    %gt3A_301 = arith.cmpf ogt, %broadcast_in_dim3A_297, %gt3A_300 : vector<1x2048xf32>
    %jit3A_302 = arith.constant 0.000000e+00 : f32
    %jit3A_303 = arith.constant 1.000000e+00 : f32
    %broadcast_in_dim3A_304 = vector.broadcast %jit3A_302 : f32 to vector<1x2048xf32>
    %broadcast_in_dim3A_305 = vector.broadcast %jit3A_303 : f32 to vector<1x2048xf32>
    %select_n3A_306 = arith.select %gt3A_301, %broadcast_in_dim3A_304, %broadcast_in_dim3A_305 : vector<1x2048xi1>, vector<1x2048xf32>
    %mul3A_307 = arith.mulf %concatenate3A, %select_n3A_306 : vector<1x2048xf32>
    %slice3A_308 = vector.extract_strided_slice %min3A_53 {offsets = [0, 128], sizes = [1, 128], strides = [1, 1]} : vector<1x2048xf32> to vector<1x128xf32>
    %slice3A_309 = vector.extract_strided_slice %min3A_63 {offsets = [0, 128], sizes = [1, 128], strides = [1, 1]} : vector<1x2048xf32> to vector<1x128xf32>
    %slice3A_310 = vector.extract_strided_slice %min3A_76 {offsets = [0, 128], sizes = [1, 128], strides = [1, 1]} : vector<1x2048xf32> to vector<1x128xf32>
    %slice3A_311 = vector.extract_strided_slice %min3A_89 {offsets = [0, 128], sizes = [1, 128], strides = [1, 1]} : vector<1x2048xf32> to vector<1x128xf32>
    %slice3A_312 = vector.extract_strided_slice %mul3A_206 {offsets = [0, 128], sizes = [1, 128], strides = [1, 1]} : vector<1x2048xf32> to vector<1x128xf32>
    %slice3A_313 = vector.extract_strided_slice %mul3A_307 {offsets = [0, 128], sizes = [1, 128], strides = [1, 1]} : vector<1x2048xf32> to vector<1x128xf32>
    %scan3A_314 = arith.constant 0 : i32
    %scan3A_315 = arith.constant 128 : i32
    %scan3A_316 = arith.addi %scan3A_314, %scan3A_315 : i32
    %scan3A_317 = arith.constant 1 : i32
    %scan3A_318 = scf.for %scan3A_1751 = %scan3A_314 to %scan3A_316 step %scan3A_317 iter_args(%scan3A_1752 = %slice3A_313) -> (vector<1x128xf32>)  : i32 {
      %eq3A_1753 = vector.broadcast %scan3A_1751 : i32 to vector<1x128xi32>
      %eq3A_1754 = arith.cmpi eq, %iota3A, %eq3A_1753 : vector<1x128xi32>
      %jit3A_1755 = arith.constant -1.000000e+30 : f32
      %broadcast_in_dim3A_1756 = vector.broadcast %jit3A_1755 : f32 to vector<1x128xf32>
      %select_n3A_1757 = arith.select %eq3A_1754, %slice3A_308, %broadcast_in_dim3A_1756 : vector<1x128xi1>, vector<1x128xf32>
      %reduce_max3A_1758 = vector.shape_cast %select_n3A_1757 : vector<1x128xf32> to vector<1x1x128xf32>
      %reduce_max3A_1759 = arith.constant dense<0xFF800000> : vector<1xf32>
      %reduce_max3A_1760 = vector.multi_reduction <maximumf>, %reduce_max3A_1758, %reduce_max3A_1759 [1, 2] : vector<1x1x128xf32> to vector<1xf32>
      %reduce_max3A_1761 = vector.shape_cast %reduce_max3A_1760 : vector<1xf32> to vector<1x1x1xf32>
      %reduce_max3A_1762 = vector.extract %reduce_max3A_1761[0, 0, 0] : f32 from vector<1x1x1xf32>
      %broadcast_in_dim3A_1763 = vector.broadcast %reduce_max3A_1762 : f32 to vector<1x1xf32>
      %jit3A_1764 = arith.constant -1.000000e+30 : f32
      %broadcast_in_dim3A_1765 = vector.broadcast %jit3A_1764 : f32 to vector<1x128xf32>
      %select_n3A_1766 = arith.select %eq3A_1754, %slice3A_309, %broadcast_in_dim3A_1765 : vector<1x128xi1>, vector<1x128xf32>
      %reduce_max3A_1767 = vector.shape_cast %select_n3A_1766 : vector<1x128xf32> to vector<1x1x128xf32>
      %reduce_max3A_1768 = arith.constant dense<0xFF800000> : vector<1xf32>
      %reduce_max3A_1769 = vector.multi_reduction <maximumf>, %reduce_max3A_1767, %reduce_max3A_1768 [1, 2] : vector<1x1x128xf32> to vector<1xf32>
      %reduce_max3A_1770 = vector.shape_cast %reduce_max3A_1769 : vector<1xf32> to vector<1x1x1xf32>
      %reduce_max3A_1771 = vector.extract %reduce_max3A_1770[0, 0, 0] : f32 from vector<1x1x1xf32>
      %broadcast_in_dim3A_1772 = vector.broadcast %reduce_max3A_1771 : f32 to vector<1x1xf32>
      %jit3A_1773 = arith.constant -1.000000e+30 : f32
      %broadcast_in_dim3A_1774 = vector.broadcast %jit3A_1773 : f32 to vector<1x128xf32>
      %select_n3A_1775 = arith.select %eq3A_1754, %slice3A_310, %broadcast_in_dim3A_1774 : vector<1x128xi1>, vector<1x128xf32>
      %reduce_max3A_1776 = vector.shape_cast %select_n3A_1775 : vector<1x128xf32> to vector<1x1x128xf32>
      %reduce_max3A_1777 = arith.constant dense<0xFF800000> : vector<1xf32>
      %reduce_max3A_1778 = vector.multi_reduction <maximumf>, %reduce_max3A_1776, %reduce_max3A_1777 [1, 2] : vector<1x1x128xf32> to vector<1xf32>
      %reduce_max3A_1779 = vector.shape_cast %reduce_max3A_1778 : vector<1xf32> to vector<1x1x1xf32>
      %reduce_max3A_1780 = vector.extract %reduce_max3A_1779[0, 0, 0] : f32 from vector<1x1x1xf32>
      %broadcast_in_dim3A_1781 = vector.broadcast %reduce_max3A_1780 : f32 to vector<1x1xf32>
      %jit3A_1782 = arith.constant -1.000000e+30 : f32
      %broadcast_in_dim3A_1783 = vector.broadcast %jit3A_1782 : f32 to vector<1x128xf32>
      %select_n3A_1784 = arith.select %eq3A_1754, %slice3A_311, %broadcast_in_dim3A_1783 : vector<1x128xi1>, vector<1x128xf32>
      %reduce_max3A_1785 = vector.shape_cast %select_n3A_1784 : vector<1x128xf32> to vector<1x1x128xf32>
      %reduce_max3A_1786 = arith.constant dense<0xFF800000> : vector<1xf32>
      %reduce_max3A_1787 = vector.multi_reduction <maximumf>, %reduce_max3A_1785, %reduce_max3A_1786 [1, 2] : vector<1x1x128xf32> to vector<1xf32>
      %reduce_max3A_1788 = vector.shape_cast %reduce_max3A_1787 : vector<1xf32> to vector<1x1x1xf32>
      %reduce_max3A_1789 = vector.extract %reduce_max3A_1788[0, 0, 0] : f32 from vector<1x1x1xf32>
      %broadcast_in_dim3A_1790 = vector.broadcast %reduce_max3A_1789 : f32 to vector<1x1xf32>
      %jit3A_1791 = arith.constant -1.000000e+30 : f32
      %broadcast_in_dim3A_1792 = vector.broadcast %jit3A_1791 : f32 to vector<1x128xf32>
      %select_n3A_1793 = arith.select %eq3A_1754, %slice3A_312, %broadcast_in_dim3A_1792 : vector<1x128xi1>, vector<1x128xf32>
      %reduce_max3A_1794 = vector.shape_cast %select_n3A_1793 : vector<1x128xf32> to vector<1x1x128xf32>
      %reduce_max3A_1795 = arith.constant dense<0xFF800000> : vector<1xf32>
      %reduce_max3A_1796 = vector.multi_reduction <maximumf>, %reduce_max3A_1794, %reduce_max3A_1795 [1, 2] : vector<1x1x128xf32> to vector<1xf32>
      %reduce_max3A_1797 = vector.shape_cast %reduce_max3A_1796 : vector<1xf32> to vector<1x1x1xf32>
      %reduce_max3A_1798 = vector.extract %reduce_max3A_1797[0, 0, 0] : f32 from vector<1x1x1xf32>
      %broadcast_in_dim3A_1799 = vector.broadcast %reduce_max3A_1798 : f32 to vector<1x1xf32>
      %jit3A_1800 = arith.constant 0.000000e+00 : f32
      %broadcast_in_dim3A_1801 = vector.broadcast %jit3A_1800 : f32 to vector<1x128xf32>
      %select_n3A_1802 = arith.select %eq3A_1754, %scan3A_1752, %broadcast_in_dim3A_1801 : vector<1x128xi1>, vector<1x128xf32>
      %reduce_max3A_1803 = vector.shape_cast %select_n3A_1802 : vector<1x128xf32> to vector<1x1x128xf32>
      %reduce_max3A_1804 = arith.constant dense<0xFF800000> : vector<1xf32>
      %reduce_max3A_1805 = vector.multi_reduction <maximumf>, %reduce_max3A_1803, %reduce_max3A_1804 [1, 2] : vector<1x1x128xf32> to vector<1xf32>
      %reduce_max3A_1806 = vector.shape_cast %reduce_max3A_1805 : vector<1xf32> to vector<1x1x1xf32>
      %reduce_max3A_1807 = vector.extract %reduce_max3A_1806[0, 0, 0] : f32 from vector<1x1x1xf32>
      %broadcast_in_dim3A_1808 = vector.broadcast %reduce_max3A_1807 : f32 to vector<1x1xf32>
      %min3A_1809 = vector.broadcast %broadcast_in_dim3A_1781 : vector<1x1xf32> to vector<1x128xf32>
      %min3A_1810 = arith.minimumf %slice3A_310, %min3A_1809 : vector<1x128xf32>
      %max3A_1811 = vector.broadcast %broadcast_in_dim3A_1763 : vector<1x1xf32> to vector<1x128xf32>
      %max3A_1812 = arith.maximumf %slice3A_308, %max3A_1811 : vector<1x128xf32>
      %sub3A_1813 = arith.subf %min3A_1810, %max3A_1812 : vector<1x128xf32>
      %add3A_1814 = arith.constant 1.000000e+00 : f32
      %add3A_1815 = vector.broadcast %add3A_1814 : f32 to vector<1x128xf32>
      %add3A_1816 = arith.addf %sub3A_1813, %add3A_1815 : vector<1x128xf32>
      %max3A_1817 = arith.constant 0.000000e+00 : f32
      %max3A_1818 = vector.broadcast %max3A_1817 : f32 to vector<1x128xf32>
      %max3A_1819 = arith.maximumf %add3A_1816, %max3A_1818 : vector<1x128xf32>
      %min3A_1820 = vector.broadcast %broadcast_in_dim3A_1790 : vector<1x1xf32> to vector<1x128xf32>
      %min3A_1821 = arith.minimumf %slice3A_311, %min3A_1820 : vector<1x128xf32>
      %max3A_1822 = vector.broadcast %broadcast_in_dim3A_1772 : vector<1x1xf32> to vector<1x128xf32>
      %max3A_1823 = arith.maximumf %slice3A_309, %max3A_1822 : vector<1x128xf32>
      %sub3A_1824 = arith.subf %min3A_1821, %max3A_1823 : vector<1x128xf32>
      %add3A_1825 = arith.constant 1.000000e+00 : f32
      %add3A_1826 = vector.broadcast %add3A_1825 : f32 to vector<1x128xf32>
      %add3A_1827 = arith.addf %sub3A_1824, %add3A_1826 : vector<1x128xf32>
      %max3A_1828 = arith.constant 0.000000e+00 : f32
      %max3A_1829 = vector.broadcast %max3A_1828 : f32 to vector<1x128xf32>
      %max3A_1830 = arith.maximumf %add3A_1827, %max3A_1829 : vector<1x128xf32>
      %mul3A_1831 = arith.mulf %max3A_1819, %max3A_1830 : vector<1x128xf32>
      %add3A_1832 = vector.broadcast %broadcast_in_dim3A_1799 : vector<1x1xf32> to vector<1x128xf32>
      %add3A_1833 = arith.addf %slice3A_312, %add3A_1832 : vector<1x128xf32>
      %sub3A_1834 = arith.subf %add3A_1833, %mul3A_1831 : vector<1x128xf32>
      %div3A_1835 = arith.divf %mul3A_1831, %sub3A_1834 : vector<1x128xf32>
      %gt3A_1836 = arith.constant 0.699999988 : f32
      %gt3A_1837 = vector.broadcast %gt3A_1836 : f32 to vector<1x128xf32>
      %gt3A_1838 = arith.cmpf ogt, %div3A_1835, %gt3A_1837 : vector<1x128xf32>
      %gt3A_1839 = vector.broadcast %scan3A_1751 : i32 to vector<1x128xi32>
      %gt3A_1840 = arith.cmpi sgt, %iota3A, %gt3A_1839 : vector<1x128xi32>
      %and3A_1841 = arith.andi %gt3A_1838, %gt3A_1840 : vector<1x128xi1>
      %gt3A_1842 = arith.constant 5.000000e-01 : f32
      %gt3A_1843 = vector.broadcast %gt3A_1842 : f32 to vector<1x1xf32>
      %gt3A_1844 = arith.cmpf ogt, %broadcast_in_dim3A_1808, %gt3A_1843 : vector<1x1xf32>
      %and3A_1845 = vector.broadcast %gt3A_1844 : vector<1x1xi1> to vector<1x128xi1>
      %and3A_1846 = arith.andi %and3A_1841, %and3A_1845 : vector<1x128xi1>
      %jit3A_1847 = arith.constant 0.000000e+00 : f32
      %jit3A_1848 = arith.constant 1.000000e+00 : f32
      %broadcast_in_dim3A_1849 = vector.broadcast %jit3A_1847 : f32 to vector<1x128xf32>
      %broadcast_in_dim3A_1850 = vector.broadcast %jit3A_1848 : f32 to vector<1x128xf32>
      %select_n3A_1851 = arith.select %and3A_1846, %broadcast_in_dim3A_1849, %broadcast_in_dim3A_1850 : vector<1x128xi1>, vector<1x128xf32>
      %mul3A_1852 = arith.mulf %scan3A_1752, %select_n3A_1851 : vector<1x128xf32>
      scf.yield %mul3A_1852 : vector<1x128xf32>
    }
    %scan3A_319 = arith.constant 128 : i32
    %gt3A_320 = arith.constant 5.000000e-01 : f32
    %gt3A_321 = vector.broadcast %gt3A_320 : f32 to vector<1x128xf32>
    %gt3A_322 = arith.cmpf ogt, %scan3A_318, %gt3A_321 : vector<1x128xf32>
    %and3A_323 = vector.broadcast %gt3A_322 : vector<1x128xi1> to vector<128x128xi1>
    %and3A_324 = arith.andi %eq3A, %and3A_323 : vector<128x128xi1>
    %jit3A_325 = arith.constant 1.000000e+00 : f32
    %jit3A_326 = arith.constant 0.000000e+00 : f32
    %broadcast_in_dim3A_327 = vector.broadcast %jit3A_325 : f32 to vector<128x128xf32>
    %broadcast_in_dim3A_328 = vector.broadcast %jit3A_326 : f32 to vector<128x128xf32>
    %select_n3A_329 = arith.select %and3A_324, %broadcast_in_dim3A_327, %broadcast_in_dim3A_328 : vector<128x128xi1>, vector<128x128xf32>
    %reduce_max3A_330 = arith.constant dense<0xFF800000> : vector<128xf32>
    %reduce_max3A_331 = vector.multi_reduction <maximumf>, %select_n3A_329, %reduce_max3A_330 [1] : vector<128x128xf32> to vector<128xf32>
    %broadcast_in_dim3A_332 = vector.shape_cast %reduce_max3A_331 : vector<128xf32> to vector<128x1xf32>
    %slice3A_333 = vector.extract_strided_slice %min3A_156 {offsets = [0, 1], sizes = [128, 1], strides = [1, 1]} : vector<128x16xf32> to vector<128x1xf32>
    %slice3A_334 = vector.extract_strided_slice %min3A_166 {offsets = [0, 1], sizes = [128, 1], strides = [1, 1]} : vector<128x16xf32> to vector<128x1xf32>
    %slice3A_335 = vector.extract_strided_slice %min3A_179 {offsets = [0, 1], sizes = [128, 1], strides = [1, 1]} : vector<128x16xf32> to vector<128x1xf32>
    %slice3A_336 = vector.extract_strided_slice %min3A_192 {offsets = [0, 1], sizes = [128, 1], strides = [1, 1]} : vector<128x16xf32> to vector<128x1xf32>
    %slice3A_337 = vector.extract_strided_slice %mul3A_215 {offsets = [0, 1], sizes = [128, 1], strides = [1, 1]} : vector<128x16xf32> to vector<128x1xf32>
    %min3A_338 = vector.broadcast %min3A_76 : vector<1x2048xf32> to vector<128x2048xf32>
    %min3A_339 = vector.broadcast %slice3A_335 : vector<128x1xf32> to vector<128x2048xf32>
    %min3A_340 = arith.minimumf %min3A_338, %min3A_339 : vector<128x2048xf32>
    %max3A_341 = vector.broadcast %min3A_53 : vector<1x2048xf32> to vector<128x2048xf32>
    %max3A_342 = vector.broadcast %slice3A_333 : vector<128x1xf32> to vector<128x2048xf32>
    %max3A_343 = arith.maximumf %max3A_341, %max3A_342 : vector<128x2048xf32>
    %sub3A_344 = arith.subf %min3A_340, %max3A_343 : vector<128x2048xf32>
    %add3A_345 = arith.constant 1.000000e+00 : f32
    %add3A_346 = vector.broadcast %add3A_345 : f32 to vector<128x2048xf32>
    %add3A_347 = arith.addf %sub3A_344, %add3A_346 : vector<128x2048xf32>
    %max3A_348 = arith.constant 0.000000e+00 : f32
    %max3A_349 = vector.broadcast %max3A_348 : f32 to vector<128x2048xf32>
    %max3A_350 = arith.maximumf %add3A_347, %max3A_349 : vector<128x2048xf32>
    %min3A_351 = vector.broadcast %min3A_89 : vector<1x2048xf32> to vector<128x2048xf32>
    %min3A_352 = vector.broadcast %slice3A_336 : vector<128x1xf32> to vector<128x2048xf32>
    %min3A_353 = arith.minimumf %min3A_351, %min3A_352 : vector<128x2048xf32>
    %max3A_354 = vector.broadcast %min3A_63 : vector<1x2048xf32> to vector<128x2048xf32>
    %max3A_355 = vector.broadcast %slice3A_334 : vector<128x1xf32> to vector<128x2048xf32>
    %max3A_356 = arith.maximumf %max3A_354, %max3A_355 : vector<128x2048xf32>
    %sub3A_357 = arith.subf %min3A_353, %max3A_356 : vector<128x2048xf32>
    %add3A_358 = arith.constant 1.000000e+00 : f32
    %add3A_359 = vector.broadcast %add3A_358 : f32 to vector<128x2048xf32>
    %add3A_360 = arith.addf %sub3A_357, %add3A_359 : vector<128x2048xf32>
    %max3A_361 = arith.constant 0.000000e+00 : f32
    %max3A_362 = vector.broadcast %max3A_361 : f32 to vector<128x2048xf32>
    %max3A_363 = arith.maximumf %add3A_360, %max3A_362 : vector<128x2048xf32>
    %mul3A_364 = arith.mulf %max3A_350, %max3A_363 : vector<128x2048xf32>
    %add3A_365 = vector.broadcast %mul3A_206 : vector<1x2048xf32> to vector<128x2048xf32>
    %add3A_366 = vector.broadcast %slice3A_337 : vector<128x1xf32> to vector<128x2048xf32>
    %add3A_367 = arith.addf %add3A_365, %add3A_366 : vector<128x2048xf32>
    %sub3A_368 = arith.subf %add3A_367, %mul3A_364 : vector<128x2048xf32>
    %div3A_369 = arith.divf %mul3A_364, %sub3A_368 : vector<128x2048xf32>
    %gt3A_370 = arith.constant 0.699999988 : f32
    %gt3A_371 = vector.broadcast %gt3A_370 : f32 to vector<128x2048xf32>
    %gt3A_372 = arith.cmpf ogt, %div3A_369, %gt3A_371 : vector<128x2048xf32>
    %ge3A_373 = arith.constant 256 : i32
    %ge3A_374 = vector.broadcast %ge3A_373 : i32 to vector<1x2048xi32>
    %ge3A_375 = arith.cmpi sge, %iota3A_216, %ge3A_374 : vector<1x2048xi32>
    %and3A_376 = vector.broadcast %ge3A_375 : vector<1x2048xi1> to vector<128x2048xi1>
    %and3A_377 = arith.andi %gt3A_372, %and3A_376 : vector<128x2048xi1>
    %gt3A_378 = arith.constant 5.000000e-01 : f32
    %gt3A_379 = vector.broadcast %gt3A_378 : f32 to vector<128x1xf32>
    %gt3A_380 = arith.cmpf ogt, %broadcast_in_dim3A_332, %gt3A_379 : vector<128x1xf32>
    %and3A_381 = vector.broadcast %gt3A_380 : vector<128x1xi1> to vector<128x2048xi1>
    %and3A_382 = arith.andi %and3A_377, %and3A_381 : vector<128x2048xi1>
    %jit3A_383 = arith.constant 1.000000e+00 : f32
    %jit3A_384 = arith.constant 0.000000e+00 : f32
    %broadcast_in_dim3A_385 = vector.broadcast %jit3A_383 : f32 to vector<128x2048xf32>
    %broadcast_in_dim3A_386 = vector.broadcast %jit3A_384 : f32 to vector<128x2048xf32>
    %select_n3A_387 = arith.select %and3A_382, %broadcast_in_dim3A_385, %broadcast_in_dim3A_386 : vector<128x2048xi1>, vector<128x2048xf32>
    %reduce_max3A_388 = arith.constant dense<0xFF800000> : vector<2048xf32>
    %reduce_max3A_389 = vector.multi_reduction <maximumf>, %select_n3A_387, %reduce_max3A_388 [0] : vector<128x2048xf32> to vector<2048xf32>
    %broadcast_in_dim3A_390 = vector.shape_cast %reduce_max3A_389 : vector<2048xf32> to vector<1x2048xf32>
    %slice3A_391 = vector.extract_strided_slice %mul3A_307 {offsets = [0, 0], sizes = [1, 128], strides = [1, 1]} : vector<1x2048xf32> to vector<1x128xf32>
    %slice3A_392 = vector.extract_strided_slice %mul3A_307 {offsets = [0, 256], sizes = [1, 1792], strides = [1, 1]} : vector<1x2048xf32> to vector<1x1792xf32>
    %concatenate3A_393 = tpu.concatenate %slice3A_391, %scan3A_318, %slice3A_392 in 1 : vector<1x128xf32>, vector<1x128xf32>, vector<1x1792xf32> -> vector<1x2048xf32>
    %gt3A_394 = arith.constant 5.000000e-01 : f32
    %gt3A_395 = vector.broadcast %gt3A_394 : f32 to vector<1x2048xf32>
    %gt3A_396 = arith.cmpf ogt, %broadcast_in_dim3A_390, %gt3A_395 : vector<1x2048xf32>
    %jit3A_397 = arith.constant 0.000000e+00 : f32
    %jit3A_398 = arith.constant 1.000000e+00 : f32
    %broadcast_in_dim3A_399 = vector.broadcast %jit3A_397 : f32 to vector<1x2048xf32>
    %broadcast_in_dim3A_400 = vector.broadcast %jit3A_398 : f32 to vector<1x2048xf32>
    %select_n3A_401 = arith.select %gt3A_396, %broadcast_in_dim3A_399, %broadcast_in_dim3A_400 : vector<1x2048xi1>, vector<1x2048xf32>
    %mul3A_402 = arith.mulf %concatenate3A_393, %select_n3A_401 : vector<1x2048xf32>
    %slice3A_403 = vector.extract_strided_slice %min3A_53 {offsets = [0, 256], sizes = [1, 128], strides = [1, 1]} : vector<1x2048xf32> to vector<1x128xf32>
    %slice3A_404 = vector.extract_strided_slice %min3A_63 {offsets = [0, 256], sizes = [1, 128], strides = [1, 1]} : vector<1x2048xf32> to vector<1x128xf32>
    %slice3A_405 = vector.extract_strided_slice %min3A_76 {offsets = [0, 256], sizes = [1, 128], strides = [1, 1]} : vector<1x2048xf32> to vector<1x128xf32>
    %slice3A_406 = vector.extract_strided_slice %min3A_89 {offsets = [0, 256], sizes = [1, 128], strides = [1, 1]} : vector<1x2048xf32> to vector<1x128xf32>
    %slice3A_407 = vector.extract_strided_slice %mul3A_206 {offsets = [0, 256], sizes = [1, 128], strides = [1, 1]} : vector<1x2048xf32> to vector<1x128xf32>
    %slice3A_408 = vector.extract_strided_slice %mul3A_402 {offsets = [0, 256], sizes = [1, 128], strides = [1, 1]} : vector<1x2048xf32> to vector<1x128xf32>
    %scan3A_409 = arith.constant 0 : i32
    %scan3A_410 = arith.constant 128 : i32
    %scan3A_411 = arith.addi %scan3A_409, %scan3A_410 : i32
    %scan3A_412 = arith.constant 1 : i32
    %scan3A_413 = scf.for %scan3A_1751 = %scan3A_409 to %scan3A_411 step %scan3A_412 iter_args(%scan3A_1752 = %slice3A_408) -> (vector<1x128xf32>)  : i32 {
      %eq3A_1753 = vector.broadcast %scan3A_1751 : i32 to vector<1x128xi32>
      %eq3A_1754 = arith.cmpi eq, %iota3A, %eq3A_1753 : vector<1x128xi32>
      %jit3A_1755 = arith.constant -1.000000e+30 : f32
      %broadcast_in_dim3A_1756 = vector.broadcast %jit3A_1755 : f32 to vector<1x128xf32>
      %select_n3A_1757 = arith.select %eq3A_1754, %slice3A_403, %broadcast_in_dim3A_1756 : vector<1x128xi1>, vector<1x128xf32>
      %reduce_max3A_1758 = vector.shape_cast %select_n3A_1757 : vector<1x128xf32> to vector<1x1x128xf32>
      %reduce_max3A_1759 = arith.constant dense<0xFF800000> : vector<1xf32>
      %reduce_max3A_1760 = vector.multi_reduction <maximumf>, %reduce_max3A_1758, %reduce_max3A_1759 [1, 2] : vector<1x1x128xf32> to vector<1xf32>
      %reduce_max3A_1761 = vector.shape_cast %reduce_max3A_1760 : vector<1xf32> to vector<1x1x1xf32>
      %reduce_max3A_1762 = vector.extract %reduce_max3A_1761[0, 0, 0] : f32 from vector<1x1x1xf32>
      %broadcast_in_dim3A_1763 = vector.broadcast %reduce_max3A_1762 : f32 to vector<1x1xf32>
      %jit3A_1764 = arith.constant -1.000000e+30 : f32
      %broadcast_in_dim3A_1765 = vector.broadcast %jit3A_1764 : f32 to vector<1x128xf32>
      %select_n3A_1766 = arith.select %eq3A_1754, %slice3A_404, %broadcast_in_dim3A_1765 : vector<1x128xi1>, vector<1x128xf32>
      %reduce_max3A_1767 = vector.shape_cast %select_n3A_1766 : vector<1x128xf32> to vector<1x1x128xf32>
      %reduce_max3A_1768 = arith.constant dense<0xFF800000> : vector<1xf32>
      %reduce_max3A_1769 = vector.multi_reduction <maximumf>, %reduce_max3A_1767, %reduce_max3A_1768 [1, 2] : vector<1x1x128xf32> to vector<1xf32>
      %reduce_max3A_1770 = vector.shape_cast %reduce_max3A_1769 : vector<1xf32> to vector<1x1x1xf32>
      %reduce_max3A_1771 = vector.extract %reduce_max3A_1770[0, 0, 0] : f32 from vector<1x1x1xf32>
      %broadcast_in_dim3A_1772 = vector.broadcast %reduce_max3A_1771 : f32 to vector<1x1xf32>
      %jit3A_1773 = arith.constant -1.000000e+30 : f32
      %broadcast_in_dim3A_1774 = vector.broadcast %jit3A_1773 : f32 to vector<1x128xf32>
      %select_n3A_1775 = arith.select %eq3A_1754, %slice3A_405, %broadcast_in_dim3A_1774 : vector<1x128xi1>, vector<1x128xf32>
      %reduce_max3A_1776 = vector.shape_cast %select_n3A_1775 : vector<1x128xf32> to vector<1x1x128xf32>
      %reduce_max3A_1777 = arith.constant dense<0xFF800000> : vector<1xf32>
      %reduce_max3A_1778 = vector.multi_reduction <maximumf>, %reduce_max3A_1776, %reduce_max3A_1777 [1, 2] : vector<1x1x128xf32> to vector<1xf32>
      %reduce_max3A_1779 = vector.shape_cast %reduce_max3A_1778 : vector<1xf32> to vector<1x1x1xf32>
      %reduce_max3A_1780 = vector.extract %reduce_max3A_1779[0, 0, 0] : f32 from vector<1x1x1xf32>
      %broadcast_in_dim3A_1781 = vector.broadcast %reduce_max3A_1780 : f32 to vector<1x1xf32>
      %jit3A_1782 = arith.constant -1.000000e+30 : f32
      %broadcast_in_dim3A_1783 = vector.broadcast %jit3A_1782 : f32 to vector<1x128xf32>
      %select_n3A_1784 = arith.select %eq3A_1754, %slice3A_406, %broadcast_in_dim3A_1783 : vector<1x128xi1>, vector<1x128xf32>
      %reduce_max3A_1785 = vector.shape_cast %select_n3A_1784 : vector<1x128xf32> to vector<1x1x128xf32>
      %reduce_max3A_1786 = arith.constant dense<0xFF800000> : vector<1xf32>
      %reduce_max3A_1787 = vector.multi_reduction <maximumf>, %reduce_max3A_1785, %reduce_max3A_1786 [1, 2] : vector<1x1x128xf32> to vector<1xf32>
      %reduce_max3A_1788 = vector.shape_cast %reduce_max3A_1787 : vector<1xf32> to vector<1x1x1xf32>
      %reduce_max3A_1789 = vector.extract %reduce_max3A_1788[0, 0, 0] : f32 from vector<1x1x1xf32>
      %broadcast_in_dim3A_1790 = vector.broadcast %reduce_max3A_1789 : f32 to vector<1x1xf32>
      %jit3A_1791 = arith.constant -1.000000e+30 : f32
      %broadcast_in_dim3A_1792 = vector.broadcast %jit3A_1791 : f32 to vector<1x128xf32>
      %select_n3A_1793 = arith.select %eq3A_1754, %slice3A_407, %broadcast_in_dim3A_1792 : vector<1x128xi1>, vector<1x128xf32>
      %reduce_max3A_1794 = vector.shape_cast %select_n3A_1793 : vector<1x128xf32> to vector<1x1x128xf32>
      %reduce_max3A_1795 = arith.constant dense<0xFF800000> : vector<1xf32>
      %reduce_max3A_1796 = vector.multi_reduction <maximumf>, %reduce_max3A_1794, %reduce_max3A_1795 [1, 2] : vector<1x1x128xf32> to vector<1xf32>
      %reduce_max3A_1797 = vector.shape_cast %reduce_max3A_1796 : vector<1xf32> to vector<1x1x1xf32>
      %reduce_max3A_1798 = vector.extract %reduce_max3A_1797[0, 0, 0] : f32 from vector<1x1x1xf32>
      %broadcast_in_dim3A_1799 = vector.broadcast %reduce_max3A_1798 : f32 to vector<1x1xf32>
      %jit3A_1800 = arith.constant 0.000000e+00 : f32
      %broadcast_in_dim3A_1801 = vector.broadcast %jit3A_1800 : f32 to vector<1x128xf32>
      %select_n3A_1802 = arith.select %eq3A_1754, %scan3A_1752, %broadcast_in_dim3A_1801 : vector<1x128xi1>, vector<1x128xf32>
      %reduce_max3A_1803 = vector.shape_cast %select_n3A_1802 : vector<1x128xf32> to vector<1x1x128xf32>
      %reduce_max3A_1804 = arith.constant dense<0xFF800000> : vector<1xf32>
      %reduce_max3A_1805 = vector.multi_reduction <maximumf>, %reduce_max3A_1803, %reduce_max3A_1804 [1, 2] : vector<1x1x128xf32> to vector<1xf32>
      %reduce_max3A_1806 = vector.shape_cast %reduce_max3A_1805 : vector<1xf32> to vector<1x1x1xf32>
      %reduce_max3A_1807 = vector.extract %reduce_max3A_1806[0, 0, 0] : f32 from vector<1x1x1xf32>
      %broadcast_in_dim3A_1808 = vector.broadcast %reduce_max3A_1807 : f32 to vector<1x1xf32>
      %min3A_1809 = vector.broadcast %broadcast_in_dim3A_1781 : vector<1x1xf32> to vector<1x128xf32>
      %min3A_1810 = arith.minimumf %slice3A_405, %min3A_1809 : vector<1x128xf32>
      %max3A_1811 = vector.broadcast %broadcast_in_dim3A_1763 : vector<1x1xf32> to vector<1x128xf32>
      %max3A_1812 = arith.maximumf %slice3A_403, %max3A_1811 : vector<1x128xf32>
      %sub3A_1813 = arith.subf %min3A_1810, %max3A_1812 : vector<1x128xf32>
      %add3A_1814 = arith.constant 1.000000e+00 : f32
      %add3A_1815 = vector.broadcast %add3A_1814 : f32 to vector<1x128xf32>
      %add3A_1816 = arith.addf %sub3A_1813, %add3A_1815 : vector<1x128xf32>
      %max3A_1817 = arith.constant 0.000000e+00 : f32
      %max3A_1818 = vector.broadcast %max3A_1817 : f32 to vector<1x128xf32>
      %max3A_1819 = arith.maximumf %add3A_1816, %max3A_1818 : vector<1x128xf32>
      %min3A_1820 = vector.broadcast %broadcast_in_dim3A_1790 : vector<1x1xf32> to vector<1x128xf32>
      %min3A_1821 = arith.minimumf %slice3A_406, %min3A_1820 : vector<1x128xf32>
      %max3A_1822 = vector.broadcast %broadcast_in_dim3A_1772 : vector<1x1xf32> to vector<1x128xf32>
      %max3A_1823 = arith.maximumf %slice3A_404, %max3A_1822 : vector<1x128xf32>
      %sub3A_1824 = arith.subf %min3A_1821, %max3A_1823 : vector<1x128xf32>
      %add3A_1825 = arith.constant 1.000000e+00 : f32
      %add3A_1826 = vector.broadcast %add3A_1825 : f32 to vector<1x128xf32>
      %add3A_1827 = arith.addf %sub3A_1824, %add3A_1826 : vector<1x128xf32>
      %max3A_1828 = arith.constant 0.000000e+00 : f32
      %max3A_1829 = vector.broadcast %max3A_1828 : f32 to vector<1x128xf32>
      %max3A_1830 = arith.maximumf %add3A_1827, %max3A_1829 : vector<1x128xf32>
      %mul3A_1831 = arith.mulf %max3A_1819, %max3A_1830 : vector<1x128xf32>
      %add3A_1832 = vector.broadcast %broadcast_in_dim3A_1799 : vector<1x1xf32> to vector<1x128xf32>
      %add3A_1833 = arith.addf %slice3A_407, %add3A_1832 : vector<1x128xf32>
      %sub3A_1834 = arith.subf %add3A_1833, %mul3A_1831 : vector<1x128xf32>
      %div3A_1835 = arith.divf %mul3A_1831, %sub3A_1834 : vector<1x128xf32>
      %gt3A_1836 = arith.constant 0.699999988 : f32
      %gt3A_1837 = vector.broadcast %gt3A_1836 : f32 to vector<1x128xf32>
      %gt3A_1838 = arith.cmpf ogt, %div3A_1835, %gt3A_1837 : vector<1x128xf32>
      %gt3A_1839 = vector.broadcast %scan3A_1751 : i32 to vector<1x128xi32>
      %gt3A_1840 = arith.cmpi sgt, %iota3A, %gt3A_1839 : vector<1x128xi32>
      %and3A_1841 = arith.andi %gt3A_1838, %gt3A_1840 : vector<1x128xi1>
      %gt3A_1842 = arith.constant 5.000000e-01 : f32
      %gt3A_1843 = vector.broadcast %gt3A_1842 : f32 to vector<1x1xf32>
      %gt3A_1844 = arith.cmpf ogt, %broadcast_in_dim3A_1808, %gt3A_1843 : vector<1x1xf32>
      %and3A_1845 = vector.broadcast %gt3A_1844 : vector<1x1xi1> to vector<1x128xi1>
      %and3A_1846 = arith.andi %and3A_1841, %and3A_1845 : vector<1x128xi1>
      %jit3A_1847 = arith.constant 0.000000e+00 : f32
      %jit3A_1848 = arith.constant 1.000000e+00 : f32
      %broadcast_in_dim3A_1849 = vector.broadcast %jit3A_1847 : f32 to vector<1x128xf32>
      %broadcast_in_dim3A_1850 = vector.broadcast %jit3A_1848 : f32 to vector<1x128xf32>
      %select_n3A_1851 = arith.select %and3A_1846, %broadcast_in_dim3A_1849, %broadcast_in_dim3A_1850 : vector<1x128xi1>, vector<1x128xf32>
      %mul3A_1852 = arith.mulf %scan3A_1752, %select_n3A_1851 : vector<1x128xf32>
      scf.yield %mul3A_1852 : vector<1x128xf32>
    }
    %scan3A_414 = arith.constant 128 : i32
    %gt3A_415 = arith.constant 5.000000e-01 : f32
    %gt3A_416 = vector.broadcast %gt3A_415 : f32 to vector<1x128xf32>
    %gt3A_417 = arith.cmpf ogt, %scan3A_413, %gt3A_416 : vector<1x128xf32>
    %and3A_418 = vector.broadcast %gt3A_417 : vector<1x128xi1> to vector<128x128xi1>
    %and3A_419 = arith.andi %eq3A, %and3A_418 : vector<128x128xi1>
    %jit3A_420 = arith.constant 1.000000e+00 : f32
    %jit3A_421 = arith.constant 0.000000e+00 : f32
    %broadcast_in_dim3A_422 = vector.broadcast %jit3A_420 : f32 to vector<128x128xf32>
    %broadcast_in_dim3A_423 = vector.broadcast %jit3A_421 : f32 to vector<128x128xf32>
    %select_n3A_424 = arith.select %and3A_419, %broadcast_in_dim3A_422, %broadcast_in_dim3A_423 : vector<128x128xi1>, vector<128x128xf32>
    %reduce_max3A_425 = arith.constant dense<0xFF800000> : vector<128xf32>
    %reduce_max3A_426 = vector.multi_reduction <maximumf>, %select_n3A_424, %reduce_max3A_425 [1] : vector<128x128xf32> to vector<128xf32>
    %broadcast_in_dim3A_427 = vector.shape_cast %reduce_max3A_426 : vector<128xf32> to vector<128x1xf32>
    %slice3A_428 = vector.extract_strided_slice %min3A_156 {offsets = [0, 2], sizes = [128, 1], strides = [1, 1]} : vector<128x16xf32> to vector<128x1xf32>
    %slice3A_429 = vector.extract_strided_slice %min3A_166 {offsets = [0, 2], sizes = [128, 1], strides = [1, 1]} : vector<128x16xf32> to vector<128x1xf32>
    %slice3A_430 = vector.extract_strided_slice %min3A_179 {offsets = [0, 2], sizes = [128, 1], strides = [1, 1]} : vector<128x16xf32> to vector<128x1xf32>
    %slice3A_431 = vector.extract_strided_slice %min3A_192 {offsets = [0, 2], sizes = [128, 1], strides = [1, 1]} : vector<128x16xf32> to vector<128x1xf32>
    %slice3A_432 = vector.extract_strided_slice %mul3A_215 {offsets = [0, 2], sizes = [128, 1], strides = [1, 1]} : vector<128x16xf32> to vector<128x1xf32>
    %min3A_433 = vector.broadcast %min3A_76 : vector<1x2048xf32> to vector<128x2048xf32>
    %min3A_434 = vector.broadcast %slice3A_430 : vector<128x1xf32> to vector<128x2048xf32>
    %min3A_435 = arith.minimumf %min3A_433, %min3A_434 : vector<128x2048xf32>
    %max3A_436 = vector.broadcast %min3A_53 : vector<1x2048xf32> to vector<128x2048xf32>
    %max3A_437 = vector.broadcast %slice3A_428 : vector<128x1xf32> to vector<128x2048xf32>
    %max3A_438 = arith.maximumf %max3A_436, %max3A_437 : vector<128x2048xf32>
    %sub3A_439 = arith.subf %min3A_435, %max3A_438 : vector<128x2048xf32>
    %add3A_440 = arith.constant 1.000000e+00 : f32
    %add3A_441 = vector.broadcast %add3A_440 : f32 to vector<128x2048xf32>
    %add3A_442 = arith.addf %sub3A_439, %add3A_441 : vector<128x2048xf32>
    %max3A_443 = arith.constant 0.000000e+00 : f32
    %max3A_444 = vector.broadcast %max3A_443 : f32 to vector<128x2048xf32>
    %max3A_445 = arith.maximumf %add3A_442, %max3A_444 : vector<128x2048xf32>
    %min3A_446 = vector.broadcast %min3A_89 : vector<1x2048xf32> to vector<128x2048xf32>
    %min3A_447 = vector.broadcast %slice3A_431 : vector<128x1xf32> to vector<128x2048xf32>
    %min3A_448 = arith.minimumf %min3A_446, %min3A_447 : vector<128x2048xf32>
    %max3A_449 = vector.broadcast %min3A_63 : vector<1x2048xf32> to vector<128x2048xf32>
    %max3A_450 = vector.broadcast %slice3A_429 : vector<128x1xf32> to vector<128x2048xf32>
    %max3A_451 = arith.maximumf %max3A_449, %max3A_450 : vector<128x2048xf32>
    %sub3A_452 = arith.subf %min3A_448, %max3A_451 : vector<128x2048xf32>
    %add3A_453 = arith.constant 1.000000e+00 : f32
    %add3A_454 = vector.broadcast %add3A_453 : f32 to vector<128x2048xf32>
    %add3A_455 = arith.addf %sub3A_452, %add3A_454 : vector<128x2048xf32>
    %max3A_456 = arith.constant 0.000000e+00 : f32
    %max3A_457 = vector.broadcast %max3A_456 : f32 to vector<128x2048xf32>
    %max3A_458 = arith.maximumf %add3A_455, %max3A_457 : vector<128x2048xf32>
    %mul3A_459 = arith.mulf %max3A_445, %max3A_458 : vector<128x2048xf32>
    %add3A_460 = vector.broadcast %mul3A_206 : vector<1x2048xf32> to vector<128x2048xf32>
    %add3A_461 = vector.broadcast %slice3A_432 : vector<128x1xf32> to vector<128x2048xf32>
    %add3A_462 = arith.addf %add3A_460, %add3A_461 : vector<128x2048xf32>
    %sub3A_463 = arith.subf %add3A_462, %mul3A_459 : vector<128x2048xf32>
    %div3A_464 = arith.divf %mul3A_459, %sub3A_463 : vector<128x2048xf32>
    %gt3A_465 = arith.constant 0.699999988 : f32
    %gt3A_466 = vector.broadcast %gt3A_465 : f32 to vector<128x2048xf32>
    %gt3A_467 = arith.cmpf ogt, %div3A_464, %gt3A_466 : vector<128x2048xf32>
    %ge3A_468 = arith.constant 384 : i32
    %ge3A_469 = vector.broadcast %ge3A_468 : i32 to vector<1x2048xi32>
    %ge3A_470 = arith.cmpi sge, %iota3A_216, %ge3A_469 : vector<1x2048xi32>
    %and3A_471 = vector.broadcast %ge3A_470 : vector<1x2048xi1> to vector<128x2048xi1>
    %and3A_472 = arith.andi %gt3A_467, %and3A_471 : vector<128x2048xi1>
    %gt3A_473 = arith.constant 5.000000e-01 : f32
    %gt3A_474 = vector.broadcast %gt3A_473 : f32 to vector<128x1xf32>
    %gt3A_475 = arith.cmpf ogt, %broadcast_in_dim3A_427, %gt3A_474 : vector<128x1xf32>
    %and3A_476 = vector.broadcast %gt3A_475 : vector<128x1xi1> to vector<128x2048xi1>
    %and3A_477 = arith.andi %and3A_472, %and3A_476 : vector<128x2048xi1>
    %jit3A_478 = arith.constant 1.000000e+00 : f32
    %jit3A_479 = arith.constant 0.000000e+00 : f32
    %broadcast_in_dim3A_480 = vector.broadcast %jit3A_478 : f32 to vector<128x2048xf32>
    %broadcast_in_dim3A_481 = vector.broadcast %jit3A_479 : f32 to vector<128x2048xf32>
    %select_n3A_482 = arith.select %and3A_477, %broadcast_in_dim3A_480, %broadcast_in_dim3A_481 : vector<128x2048xi1>, vector<128x2048xf32>
    %reduce_max3A_483 = arith.constant dense<0xFF800000> : vector<2048xf32>
    %reduce_max3A_484 = vector.multi_reduction <maximumf>, %select_n3A_482, %reduce_max3A_483 [0] : vector<128x2048xf32> to vector<2048xf32>
    %broadcast_in_dim3A_485 = vector.shape_cast %reduce_max3A_484 : vector<2048xf32> to vector<1x2048xf32>
    %slice3A_486 = vector.extract_strided_slice %mul3A_402 {offsets = [0, 0], sizes = [1, 256], strides = [1, 1]} : vector<1x2048xf32> to vector<1x256xf32>
    %slice3A_487 = vector.extract_strided_slice %mul3A_402 {offsets = [0, 384], sizes = [1, 1664], strides = [1, 1]} : vector<1x2048xf32> to vector<1x1664xf32>
    %concatenate3A_488 = tpu.concatenate %slice3A_486, %scan3A_413, %slice3A_487 in 1 : vector<1x256xf32>, vector<1x128xf32>, vector<1x1664xf32> -> vector<1x2048xf32>
    %gt3A_489 = arith.constant 5.000000e-01 : f32
    %gt3A_490 = vector.broadcast %gt3A_489 : f32 to vector<1x2048xf32>
    %gt3A_491 = arith.cmpf ogt, %broadcast_in_dim3A_485, %gt3A_490 : vector<1x2048xf32>
    %jit3A_492 = arith.constant 0.000000e+00 : f32
    %jit3A_493 = arith.constant 1.000000e+00 : f32
    %broadcast_in_dim3A_494 = vector.broadcast %jit3A_492 : f32 to vector<1x2048xf32>
    %broadcast_in_dim3A_495 = vector.broadcast %jit3A_493 : f32 to vector<1x2048xf32>
    %select_n3A_496 = arith.select %gt3A_491, %broadcast_in_dim3A_494, %broadcast_in_dim3A_495 : vector<1x2048xi1>, vector<1x2048xf32>
    %mul3A_497 = arith.mulf %concatenate3A_488, %select_n3A_496 : vector<1x2048xf32>
    %slice3A_498 = vector.extract_strided_slice %min3A_53 {offsets = [0, 384], sizes = [1, 128], strides = [1, 1]} : vector<1x2048xf32> to vector<1x128xf32>
    %slice3A_499 = vector.extract_strided_slice %min3A_63 {offsets = [0, 384], sizes = [1, 128], strides = [1, 1]} : vector<1x2048xf32> to vector<1x128xf32>
    %slice3A_500 = vector.extract_strided_slice %min3A_76 {offsets = [0, 384], sizes = [1, 128], strides = [1, 1]} : vector<1x2048xf32> to vector<1x128xf32>
    %slice3A_501 = vector.extract_strided_slice %min3A_89 {offsets = [0, 384], sizes = [1, 128], strides = [1, 1]} : vector<1x2048xf32> to vector<1x128xf32>
    %slice3A_502 = vector.extract_strided_slice %mul3A_206 {offsets = [0, 384], sizes = [1, 128], strides = [1, 1]} : vector<1x2048xf32> to vector<1x128xf32>
    %slice3A_503 = vector.extract_strided_slice %mul3A_497 {offsets = [0, 384], sizes = [1, 128], strides = [1, 1]} : vector<1x2048xf32> to vector<1x128xf32>
    %scan3A_504 = arith.constant 0 : i32
    %scan3A_505 = arith.constant 128 : i32
    %scan3A_506 = arith.addi %scan3A_504, %scan3A_505 : i32
    %scan3A_507 = arith.constant 1 : i32
    %scan3A_508 = scf.for %scan3A_1751 = %scan3A_504 to %scan3A_506 step %scan3A_507 iter_args(%scan3A_1752 = %slice3A_503) -> (vector<1x128xf32>)  : i32 {
      %eq3A_1753 = vector.broadcast %scan3A_1751 : i32 to vector<1x128xi32>
      %eq3A_1754 = arith.cmpi eq, %iota3A, %eq3A_1753 : vector<1x128xi32>
      %jit3A_1755 = arith.constant -1.000000e+30 : f32
      %broadcast_in_dim3A_1756 = vector.broadcast %jit3A_1755 : f32 to vector<1x128xf32>
      %select_n3A_1757 = arith.select %eq3A_1754, %slice3A_498, %broadcast_in_dim3A_1756 : vector<1x128xi1>, vector<1x128xf32>
      %reduce_max3A_1758 = vector.shape_cast %select_n3A_1757 : vector<1x128xf32> to vector<1x1x128xf32>
      %reduce_max3A_1759 = arith.constant dense<0xFF800000> : vector<1xf32>
      %reduce_max3A_1760 = vector.multi_reduction <maximumf>, %reduce_max3A_1758, %reduce_max3A_1759 [1, 2] : vector<1x1x128xf32> to vector<1xf32>
      %reduce_max3A_1761 = vector.shape_cast %reduce_max3A_1760 : vector<1xf32> to vector<1x1x1xf32>
      %reduce_max3A_1762 = vector.extract %reduce_max3A_1761[0, 0, 0] : f32 from vector<1x1x1xf32>
      %broadcast_in_dim3A_1763 = vector.broadcast %reduce_max3A_1762 : f32 to vector<1x1xf32>
      %jit3A_1764 = arith.constant -1.000000e+30 : f32
      %broadcast_in_dim3A_1765 = vector.broadcast %jit3A_1764 : f32 to vector<1x128xf32>
      %select_n3A_1766 = arith.select %eq3A_1754, %slice3A_499, %broadcast_in_dim3A_1765 : vector<1x128xi1>, vector<1x128xf32>
      %reduce_max3A_1767 = vector.shape_cast %select_n3A_1766 : vector<1x128xf32> to vector<1x1x128xf32>
      %reduce_max3A_1768 = arith.constant dense<0xFF800000> : vector<1xf32>
      %reduce_max3A_1769 = vector.multi_reduction <maximumf>, %reduce_max3A_1767, %reduce_max3A_1768 [1, 2] : vector<1x1x128xf32> to vector<1xf32>
      %reduce_max3A_1770 = vector.shape_cast %reduce_max3A_1769 : vector<1xf32> to vector<1x1x1xf32>
      %reduce_max3A_1771 = vector.extract %reduce_max3A_1770[0, 0, 0] : f32 from vector<1x1x1xf32>
      %broadcast_in_dim3A_1772 = vector.broadcast %reduce_max3A_1771 : f32 to vector<1x1xf32>
      %jit3A_1773 = arith.constant -1.000000e+30 : f32
      %broadcast_in_dim3A_1774 = vector.broadcast %jit3A_1773 : f32 to vector<1x128xf32>
      %select_n3A_1775 = arith.select %eq3A_1754, %slice3A_500, %broadcast_in_dim3A_1774 : vector<1x128xi1>, vector<1x128xf32>
      %reduce_max3A_1776 = vector.shape_cast %select_n3A_1775 : vector<1x128xf32> to vector<1x1x128xf32>
      %reduce_max3A_1777 = arith.constant dense<0xFF800000> : vector<1xf32>
      %reduce_max3A_1778 = vector.multi_reduction <maximumf>, %reduce_max3A_1776, %reduce_max3A_1777 [1, 2] : vector<1x1x128xf32> to vector<1xf32>
      %reduce_max3A_1779 = vector.shape_cast %reduce_max3A_1778 : vector<1xf32> to vector<1x1x1xf32>
      %reduce_max3A_1780 = vector.extract %reduce_max3A_1779[0, 0, 0] : f32 from vector<1x1x1xf32>
      %broadcast_in_dim3A_1781 = vector.broadcast %reduce_max3A_1780 : f32 to vector<1x1xf32>
      %jit3A_1782 = arith.constant -1.000000e+30 : f32
      %broadcast_in_dim3A_1783 = vector.broadcast %jit3A_1782 : f32 to vector<1x128xf32>
      %select_n3A_1784 = arith.select %eq3A_1754, %slice3A_501, %broadcast_in_dim3A_1783 : vector<1x128xi1>, vector<1x128xf32>
      %reduce_max3A_1785 = vector.shape_cast %select_n3A_1784 : vector<1x128xf32> to vector<1x1x128xf32>
      %reduce_max3A_1786 = arith.constant dense<0xFF800000> : vector<1xf32>
      %reduce_max3A_1787 = vector.multi_reduction <maximumf>, %reduce_max3A_1785, %reduce_max3A_1786 [1, 2] : vector<1x1x128xf32> to vector<1xf32>
      %reduce_max3A_1788 = vector.shape_cast %reduce_max3A_1787 : vector<1xf32> to vector<1x1x1xf32>
      %reduce_max3A_1789 = vector.extract %reduce_max3A_1788[0, 0, 0] : f32 from vector<1x1x1xf32>
      %broadcast_in_dim3A_1790 = vector.broadcast %reduce_max3A_1789 : f32 to vector<1x1xf32>
      %jit3A_1791 = arith.constant -1.000000e+30 : f32
      %broadcast_in_dim3A_1792 = vector.broadcast %jit3A_1791 : f32 to vector<1x128xf32>
      %select_n3A_1793 = arith.select %eq3A_1754, %slice3A_502, %broadcast_in_dim3A_1792 : vector<1x128xi1>, vector<1x128xf32>
      %reduce_max3A_1794 = vector.shape_cast %select_n3A_1793 : vector<1x128xf32> to vector<1x1x128xf32>
      %reduce_max3A_1795 = arith.constant dense<0xFF800000> : vector<1xf32>
      %reduce_max3A_1796 = vector.multi_reduction <maximumf>, %reduce_max3A_1794, %reduce_max3A_1795 [1, 2] : vector<1x1x128xf32> to vector<1xf32>
      %reduce_max3A_1797 = vector.shape_cast %reduce_max3A_1796 : vector<1xf32> to vector<1x1x1xf32>
      %reduce_max3A_1798 = vector.extract %reduce_max3A_1797[0, 0, 0] : f32 from vector<1x1x1xf32>
      %broadcast_in_dim3A_1799 = vector.broadcast %reduce_max3A_1798 : f32 to vector<1x1xf32>
      %jit3A_1800 = arith.constant 0.000000e+00 : f32
      %broadcast_in_dim3A_1801 = vector.broadcast %jit3A_1800 : f32 to vector<1x128xf32>
      %select_n3A_1802 = arith.select %eq3A_1754, %scan3A_1752, %broadcast_in_dim3A_1801 : vector<1x128xi1>, vector<1x128xf32>
      %reduce_max3A_1803 = vector.shape_cast %select_n3A_1802 : vector<1x128xf32> to vector<1x1x128xf32>
      %reduce_max3A_1804 = arith.constant dense<0xFF800000> : vector<1xf32>
      %reduce_max3A_1805 = vector.multi_reduction <maximumf>, %reduce_max3A_1803, %reduce_max3A_1804 [1, 2] : vector<1x1x128xf32> to vector<1xf32>
      %reduce_max3A_1806 = vector.shape_cast %reduce_max3A_1805 : vector<1xf32> to vector<1x1x1xf32>
      %reduce_max3A_1807 = vector.extract %reduce_max3A_1806[0, 0, 0] : f32 from vector<1x1x1xf32>
      %broadcast_in_dim3A_1808 = vector.broadcast %reduce_max3A_1807 : f32 to vector<1x1xf32>
      %min3A_1809 = vector.broadcast %broadcast_in_dim3A_1781 : vector<1x1xf32> to vector<1x128xf32>
      %min3A_1810 = arith.minimumf %slice3A_500, %min3A_1809 : vector<1x128xf32>
      %max3A_1811 = vector.broadcast %broadcast_in_dim3A_1763 : vector<1x1xf32> to vector<1x128xf32>
      %max3A_1812 = arith.maximumf %slice3A_498, %max3A_1811 : vector<1x128xf32>
      %sub3A_1813 = arith.subf %min3A_1810, %max3A_1812 : vector<1x128xf32>
      %add3A_1814 = arith.constant 1.000000e+00 : f32
      %add3A_1815 = vector.broadcast %add3A_1814 : f32 to vector<1x128xf32>
      %add3A_1816 = arith.addf %sub3A_1813, %add3A_1815 : vector<1x128xf32>
      %max3A_1817 = arith.constant 0.000000e+00 : f32
      %max3A_1818 = vector.broadcast %max3A_1817 : f32 to vector<1x128xf32>
      %max3A_1819 = arith.maximumf %add3A_1816, %max3A_1818 : vector<1x128xf32>
      %min3A_1820 = vector.broadcast %broadcast_in_dim3A_1790 : vector<1x1xf32> to vector<1x128xf32>
      %min3A_1821 = arith.minimumf %slice3A_501, %min3A_1820 : vector<1x128xf32>
      %max3A_1822 = vector.broadcast %broadcast_in_dim3A_1772 : vector<1x1xf32> to vector<1x128xf32>
      %max3A_1823 = arith.maximumf %slice3A_499, %max3A_1822 : vector<1x128xf32>
      %sub3A_1824 = arith.subf %min3A_1821, %max3A_1823 : vector<1x128xf32>
      %add3A_1825 = arith.constant 1.000000e+00 : f32
      %add3A_1826 = vector.broadcast %add3A_1825 : f32 to vector<1x128xf32>
      %add3A_1827 = arith.addf %sub3A_1824, %add3A_1826 : vector<1x128xf32>
      %max3A_1828 = arith.constant 0.000000e+00 : f32
      %max3A_1829 = vector.broadcast %max3A_1828 : f32 to vector<1x128xf32>
      %max3A_1830 = arith.maximumf %add3A_1827, %max3A_1829 : vector<1x128xf32>
      %mul3A_1831 = arith.mulf %max3A_1819, %max3A_1830 : vector<1x128xf32>
      %add3A_1832 = vector.broadcast %broadcast_in_dim3A_1799 : vector<1x1xf32> to vector<1x128xf32>
      %add3A_1833 = arith.addf %slice3A_502, %add3A_1832 : vector<1x128xf32>
      %sub3A_1834 = arith.subf %add3A_1833, %mul3A_1831 : vector<1x128xf32>
      %div3A_1835 = arith.divf %mul3A_1831, %sub3A_1834 : vector<1x128xf32>
      %gt3A_1836 = arith.constant 0.699999988 : f32
      %gt3A_1837 = vector.broadcast %gt3A_1836 : f32 to vector<1x128xf32>
      %gt3A_1838 = arith.cmpf ogt, %div3A_1835, %gt3A_1837 : vector<1x128xf32>
      %gt3A_1839 = vector.broadcast %scan3A_1751 : i32 to vector<1x128xi32>
      %gt3A_1840 = arith.cmpi sgt, %iota3A, %gt3A_1839 : vector<1x128xi32>
      %and3A_1841 = arith.andi %gt3A_1838, %gt3A_1840 : vector<1x128xi1>
      %gt3A_1842 = arith.constant 5.000000e-01 : f32
      %gt3A_1843 = vector.broadcast %gt3A_1842 : f32 to vector<1x1xf32>
      %gt3A_1844 = arith.cmpf ogt, %broadcast_in_dim3A_1808, %gt3A_1843 : vector<1x1xf32>
      %and3A_1845 = vector.broadcast %gt3A_1844 : vector<1x1xi1> to vector<1x128xi1>
      %and3A_1846 = arith.andi %and3A_1841, %and3A_1845 : vector<1x128xi1>
      %jit3A_1847 = arith.constant 0.000000e+00 : f32
      %jit3A_1848 = arith.constant 1.000000e+00 : f32
      %broadcast_in_dim3A_1849 = vector.broadcast %jit3A_1847 : f32 to vector<1x128xf32>
      %broadcast_in_dim3A_1850 = vector.broadcast %jit3A_1848 : f32 to vector<1x128xf32>
      %select_n3A_1851 = arith.select %and3A_1846, %broadcast_in_dim3A_1849, %broadcast_in_dim3A_1850 : vector<1x128xi1>, vector<1x128xf32>
      %mul3A_1852 = arith.mulf %scan3A_1752, %select_n3A_1851 : vector<1x128xf32>
      scf.yield %mul3A_1852 : vector<1x128xf32>
    }
    %scan3A_509 = arith.constant 128 : i32
    %gt3A_510 = arith.constant 5.000000e-01 : f32
    %gt3A_511 = vector.broadcast %gt3A_510 : f32 to vector<1x128xf32>
    %gt3A_512 = arith.cmpf ogt, %scan3A_508, %gt3A_511 : vector<1x128xf32>
    %and3A_513 = vector.broadcast %gt3A_512 : vector<1x128xi1> to vector<128x128xi1>
    %and3A_514 = arith.andi %eq3A, %and3A_513 : vector<128x128xi1>
    %jit3A_515 = arith.constant 1.000000e+00 : f32
    %jit3A_516 = arith.constant 0.000000e+00 : f32
    %broadcast_in_dim3A_517 = vector.broadcast %jit3A_515 : f32 to vector<128x128xf32>
    %broadcast_in_dim3A_518 = vector.broadcast %jit3A_516 : f32 to vector<128x128xf32>
    %select_n3A_519 = arith.select %and3A_514, %broadcast_in_dim3A_517, %broadcast_in_dim3A_518 : vector<128x128xi1>, vector<128x128xf32>
    %reduce_max3A_520 = arith.constant dense<0xFF800000> : vector<128xf32>
    %reduce_max3A_521 = vector.multi_reduction <maximumf>, %select_n3A_519, %reduce_max3A_520 [1] : vector<128x128xf32> to vector<128xf32>
    %broadcast_in_dim3A_522 = vector.shape_cast %reduce_max3A_521 : vector<128xf32> to vector<128x1xf32>
    %slice3A_523 = vector.extract_strided_slice %min3A_156 {offsets = [0, 3], sizes = [128, 1], strides = [1, 1]} : vector<128x16xf32> to vector<128x1xf32>
    %slice3A_524 = vector.extract_strided_slice %min3A_166 {offsets = [0, 3], sizes = [128, 1], strides = [1, 1]} : vector<128x16xf32> to vector<128x1xf32>
    %slice3A_525 = vector.extract_strided_slice %min3A_179 {offsets = [0, 3], sizes = [128, 1], strides = [1, 1]} : vector<128x16xf32> to vector<128x1xf32>
    %slice3A_526 = vector.extract_strided_slice %min3A_192 {offsets = [0, 3], sizes = [128, 1], strides = [1, 1]} : vector<128x16xf32> to vector<128x1xf32>
    %slice3A_527 = vector.extract_strided_slice %mul3A_215 {offsets = [0, 3], sizes = [128, 1], strides = [1, 1]} : vector<128x16xf32> to vector<128x1xf32>
    %min3A_528 = vector.broadcast %min3A_76 : vector<1x2048xf32> to vector<128x2048xf32>
    %min3A_529 = vector.broadcast %slice3A_525 : vector<128x1xf32> to vector<128x2048xf32>
    %min3A_530 = arith.minimumf %min3A_528, %min3A_529 : vector<128x2048xf32>
    %max3A_531 = vector.broadcast %min3A_53 : vector<1x2048xf32> to vector<128x2048xf32>
    %max3A_532 = vector.broadcast %slice3A_523 : vector<128x1xf32> to vector<128x2048xf32>
    %max3A_533 = arith.maximumf %max3A_531, %max3A_532 : vector<128x2048xf32>
    %sub3A_534 = arith.subf %min3A_530, %max3A_533 : vector<128x2048xf32>
    %add3A_535 = arith.constant 1.000000e+00 : f32
    %add3A_536 = vector.broadcast %add3A_535 : f32 to vector<128x2048xf32>
    %add3A_537 = arith.addf %sub3A_534, %add3A_536 : vector<128x2048xf32>
    %max3A_538 = arith.constant 0.000000e+00 : f32
    %max3A_539 = vector.broadcast %max3A_538 : f32 to vector<128x2048xf32>
    %max3A_540 = arith.maximumf %add3A_537, %max3A_539 : vector<128x2048xf32>
    %min3A_541 = vector.broadcast %min3A_89 : vector<1x2048xf32> to vector<128x2048xf32>
    %min3A_542 = vector.broadcast %slice3A_526 : vector<128x1xf32> to vector<128x2048xf32>
    %min3A_543 = arith.minimumf %min3A_541, %min3A_542 : vector<128x2048xf32>
    %max3A_544 = vector.broadcast %min3A_63 : vector<1x2048xf32> to vector<128x2048xf32>
    %max3A_545 = vector.broadcast %slice3A_524 : vector<128x1xf32> to vector<128x2048xf32>
    %max3A_546 = arith.maximumf %max3A_544, %max3A_545 : vector<128x2048xf32>
    %sub3A_547 = arith.subf %min3A_543, %max3A_546 : vector<128x2048xf32>
    %add3A_548 = arith.constant 1.000000e+00 : f32
    %add3A_549 = vector.broadcast %add3A_548 : f32 to vector<128x2048xf32>
    %add3A_550 = arith.addf %sub3A_547, %add3A_549 : vector<128x2048xf32>
    %max3A_551 = arith.constant 0.000000e+00 : f32
    %max3A_552 = vector.broadcast %max3A_551 : f32 to vector<128x2048xf32>
    %max3A_553 = arith.maximumf %add3A_550, %max3A_552 : vector<128x2048xf32>
    %mul3A_554 = arith.mulf %max3A_540, %max3A_553 : vector<128x2048xf32>
    %add3A_555 = vector.broadcast %mul3A_206 : vector<1x2048xf32> to vector<128x2048xf32>
    %add3A_556 = vector.broadcast %slice3A_527 : vector<128x1xf32> to vector<128x2048xf32>
    %add3A_557 = arith.addf %add3A_555, %add3A_556 : vector<128x2048xf32>
    %sub3A_558 = arith.subf %add3A_557, %mul3A_554 : vector<128x2048xf32>
    %div3A_559 = arith.divf %mul3A_554, %sub3A_558 : vector<128x2048xf32>
    %gt3A_560 = arith.constant 0.699999988 : f32
    %gt3A_561 = vector.broadcast %gt3A_560 : f32 to vector<128x2048xf32>
    %gt3A_562 = arith.cmpf ogt, %div3A_559, %gt3A_561 : vector<128x2048xf32>
    %ge3A_563 = arith.constant 512 : i32
    %ge3A_564 = vector.broadcast %ge3A_563 : i32 to vector<1x2048xi32>
    %ge3A_565 = arith.cmpi sge, %iota3A_216, %ge3A_564 : vector<1x2048xi32>
    %and3A_566 = vector.broadcast %ge3A_565 : vector<1x2048xi1> to vector<128x2048xi1>
    %and3A_567 = arith.andi %gt3A_562, %and3A_566 : vector<128x2048xi1>
    %gt3A_568 = arith.constant 5.000000e-01 : f32
    %gt3A_569 = vector.broadcast %gt3A_568 : f32 to vector<128x1xf32>
    %gt3A_570 = arith.cmpf ogt, %broadcast_in_dim3A_522, %gt3A_569 : vector<128x1xf32>
    %and3A_571 = vector.broadcast %gt3A_570 : vector<128x1xi1> to vector<128x2048xi1>
    %and3A_572 = arith.andi %and3A_567, %and3A_571 : vector<128x2048xi1>
    %jit3A_573 = arith.constant 1.000000e+00 : f32
    %jit3A_574 = arith.constant 0.000000e+00 : f32
    %broadcast_in_dim3A_575 = vector.broadcast %jit3A_573 : f32 to vector<128x2048xf32>
    %broadcast_in_dim3A_576 = vector.broadcast %jit3A_574 : f32 to vector<128x2048xf32>
    %select_n3A_577 = arith.select %and3A_572, %broadcast_in_dim3A_575, %broadcast_in_dim3A_576 : vector<128x2048xi1>, vector<128x2048xf32>
    %reduce_max3A_578 = arith.constant dense<0xFF800000> : vector<2048xf32>
    %reduce_max3A_579 = vector.multi_reduction <maximumf>, %select_n3A_577, %reduce_max3A_578 [0] : vector<128x2048xf32> to vector<2048xf32>
    %broadcast_in_dim3A_580 = vector.shape_cast %reduce_max3A_579 : vector<2048xf32> to vector<1x2048xf32>
    %slice3A_581 = vector.extract_strided_slice %mul3A_497 {offsets = [0, 0], sizes = [1, 384], strides = [1, 1]} : vector<1x2048xf32> to vector<1x384xf32>
    %slice3A_582 = vector.extract_strided_slice %mul3A_497 {offsets = [0, 512], sizes = [1, 1536], strides = [1, 1]} : vector<1x2048xf32> to vector<1x1536xf32>
    %concatenate3A_583 = tpu.concatenate %slice3A_581, %scan3A_508, %slice3A_582 in 1 : vector<1x384xf32>, vector<1x128xf32>, vector<1x1536xf32> -> vector<1x2048xf32>
    %gt3A_584 = arith.constant 5.000000e-01 : f32
    %gt3A_585 = vector.broadcast %gt3A_584 : f32 to vector<1x2048xf32>
    %gt3A_586 = arith.cmpf ogt, %broadcast_in_dim3A_580, %gt3A_585 : vector<1x2048xf32>
    %jit3A_587 = arith.constant 0.000000e+00 : f32
    %jit3A_588 = arith.constant 1.000000e+00 : f32
    %broadcast_in_dim3A_589 = vector.broadcast %jit3A_587 : f32 to vector<1x2048xf32>
    %broadcast_in_dim3A_590 = vector.broadcast %jit3A_588 : f32 to vector<1x2048xf32>
    %select_n3A_591 = arith.select %gt3A_586, %broadcast_in_dim3A_589, %broadcast_in_dim3A_590 : vector<1x2048xi1>, vector<1x2048xf32>
    %mul3A_592 = arith.mulf %concatenate3A_583, %select_n3A_591 : vector<1x2048xf32>
    %slice3A_593 = vector.extract_strided_slice %min3A_53 {offsets = [0, 512], sizes = [1, 128], strides = [1, 1]} : vector<1x2048xf32> to vector<1x128xf32>
    %slice3A_594 = vector.extract_strided_slice %min3A_63 {offsets = [0, 512], sizes = [1, 128], strides = [1, 1]} : vector<1x2048xf32> to vector<1x128xf32>
    %slice3A_595 = vector.extract_strided_slice %min3A_76 {offsets = [0, 512], sizes = [1, 128], strides = [1, 1]} : vector<1x2048xf32> to vector<1x128xf32>
    %slice3A_596 = vector.extract_strided_slice %min3A_89 {offsets = [0, 512], sizes = [1, 128], strides = [1, 1]} : vector<1x2048xf32> to vector<1x128xf32>
    %slice3A_597 = vector.extract_strided_slice %mul3A_206 {offsets = [0, 512], sizes = [1, 128], strides = [1, 1]} : vector<1x2048xf32> to vector<1x128xf32>
    %slice3A_598 = vector.extract_strided_slice %mul3A_592 {offsets = [0, 512], sizes = [1, 128], strides = [1, 1]} : vector<1x2048xf32> to vector<1x128xf32>
    %scan3A_599 = arith.constant 0 : i32
    %scan3A_600 = arith.constant 128 : i32
    %scan3A_601 = arith.addi %scan3A_599, %scan3A_600 : i32
    %scan3A_602 = arith.constant 1 : i32
    %scan3A_603 = scf.for %scan3A_1751 = %scan3A_599 to %scan3A_601 step %scan3A_602 iter_args(%scan3A_1752 = %slice3A_598) -> (vector<1x128xf32>)  : i32 {
      %eq3A_1753 = vector.broadcast %scan3A_1751 : i32 to vector<1x128xi32>
      %eq3A_1754 = arith.cmpi eq, %iota3A, %eq3A_1753 : vector<1x128xi32>
      %jit3A_1755 = arith.constant -1.000000e+30 : f32
      %broadcast_in_dim3A_1756 = vector.broadcast %jit3A_1755 : f32 to vector<1x128xf32>
      %select_n3A_1757 = arith.select %eq3A_1754, %slice3A_593, %broadcast_in_dim3A_1756 : vector<1x128xi1>, vector<1x128xf32>
      %reduce_max3A_1758 = vector.shape_cast %select_n3A_1757 : vector<1x128xf32> to vector<1x1x128xf32>
      %reduce_max3A_1759 = arith.constant dense<0xFF800000> : vector<1xf32>
      %reduce_max3A_1760 = vector.multi_reduction <maximumf>, %reduce_max3A_1758, %reduce_max3A_1759 [1, 2] : vector<1x1x128xf32> to vector<1xf32>
      %reduce_max3A_1761 = vector.shape_cast %reduce_max3A_1760 : vector<1xf32> to vector<1x1x1xf32>
      %reduce_max3A_1762 = vector.extract %reduce_max3A_1761[0, 0, 0] : f32 from vector<1x1x1xf32>
      %broadcast_in_dim3A_1763 = vector.broadcast %reduce_max3A_1762 : f32 to vector<1x1xf32>
      %jit3A_1764 = arith.constant -1.000000e+30 : f32
      %broadcast_in_dim3A_1765 = vector.broadcast %jit3A_1764 : f32 to vector<1x128xf32>
      %select_n3A_1766 = arith.select %eq3A_1754, %slice3A_594, %broadcast_in_dim3A_1765 : vector<1x128xi1>, vector<1x128xf32>
      %reduce_max3A_1767 = vector.shape_cast %select_n3A_1766 : vector<1x128xf32> to vector<1x1x128xf32>
      %reduce_max3A_1768 = arith.constant dense<0xFF800000> : vector<1xf32>
      %reduce_max3A_1769 = vector.multi_reduction <maximumf>, %reduce_max3A_1767, %reduce_max3A_1768 [1, 2] : vector<1x1x128xf32> to vector<1xf32>
      %reduce_max3A_1770 = vector.shape_cast %reduce_max3A_1769 : vector<1xf32> to vector<1x1x1xf32>
      %reduce_max3A_1771 = vector.extract %reduce_max3A_1770[0, 0, 0] : f32 from vector<1x1x1xf32>
      %broadcast_in_dim3A_1772 = vector.broadcast %reduce_max3A_1771 : f32 to vector<1x1xf32>
      %jit3A_1773 = arith.constant -1.000000e+30 : f32
      %broadcast_in_dim3A_1774 = vector.broadcast %jit3A_1773 : f32 to vector<1x128xf32>
      %select_n3A_1775 = arith.select %eq3A_1754, %slice3A_595, %broadcast_in_dim3A_1774 : vector<1x128xi1>, vector<1x128xf32>
      %reduce_max3A_1776 = vector.shape_cast %select_n3A_1775 : vector<1x128xf32> to vector<1x1x128xf32>
      %reduce_max3A_1777 = arith.constant dense<0xFF800000> : vector<1xf32>
      %reduce_max3A_1778 = vector.multi_reduction <maximumf>, %reduce_max3A_1776, %reduce_max3A_1777 [1, 2] : vector<1x1x128xf32> to vector<1xf32>
      %reduce_max3A_1779 = vector.shape_cast %reduce_max3A_1778 : vector<1xf32> to vector<1x1x1xf32>
      %reduce_max3A_1780 = vector.extract %reduce_max3A_1779[0, 0, 0] : f32 from vector<1x1x1xf32>
      %broadcast_in_dim3A_1781 = vector.broadcast %reduce_max3A_1780 : f32 to vector<1x1xf32>
      %jit3A_1782 = arith.constant -1.000000e+30 : f32
      %broadcast_in_dim3A_1783 = vector.broadcast %jit3A_1782 : f32 to vector<1x128xf32>
      %select_n3A_1784 = arith.select %eq3A_1754, %slice3A_596, %broadcast_in_dim3A_1783 : vector<1x128xi1>, vector<1x128xf32>
      %reduce_max3A_1785 = vector.shape_cast %select_n3A_1784 : vector<1x128xf32> to vector<1x1x128xf32>
      %reduce_max3A_1786 = arith.constant dense<0xFF800000> : vector<1xf32>
      %reduce_max3A_1787 = vector.multi_reduction <maximumf>, %reduce_max3A_1785, %reduce_max3A_1786 [1, 2] : vector<1x1x128xf32> to vector<1xf32>
      %reduce_max3A_1788 = vector.shape_cast %reduce_max3A_1787 : vector<1xf32> to vector<1x1x1xf32>
      %reduce_max3A_1789 = vector.extract %reduce_max3A_1788[0, 0, 0] : f32 from vector<1x1x1xf32>
      %broadcast_in_dim3A_1790 = vector.broadcast %reduce_max3A_1789 : f32 to vector<1x1xf32>
      %jit3A_1791 = arith.constant -1.000000e+30 : f32
      %broadcast_in_dim3A_1792 = vector.broadcast %jit3A_1791 : f32 to vector<1x128xf32>
      %select_n3A_1793 = arith.select %eq3A_1754, %slice3A_597, %broadcast_in_dim3A_1792 : vector<1x128xi1>, vector<1x128xf32>
      %reduce_max3A_1794 = vector.shape_cast %select_n3A_1793 : vector<1x128xf32> to vector<1x1x128xf32>
      %reduce_max3A_1795 = arith.constant dense<0xFF800000> : vector<1xf32>
      %reduce_max3A_1796 = vector.multi_reduction <maximumf>, %reduce_max3A_1794, %reduce_max3A_1795 [1, 2] : vector<1x1x128xf32> to vector<1xf32>
      %reduce_max3A_1797 = vector.shape_cast %reduce_max3A_1796 : vector<1xf32> to vector<1x1x1xf32>
      %reduce_max3A_1798 = vector.extract %reduce_max3A_1797[0, 0, 0] : f32 from vector<1x1x1xf32>
      %broadcast_in_dim3A_1799 = vector.broadcast %reduce_max3A_1798 : f32 to vector<1x1xf32>
      %jit3A_1800 = arith.constant 0.000000e+00 : f32
      %broadcast_in_dim3A_1801 = vector.broadcast %jit3A_1800 : f32 to vector<1x128xf32>
      %select_n3A_1802 = arith.select %eq3A_1754, %scan3A_1752, %broadcast_in_dim3A_1801 : vector<1x128xi1>, vector<1x128xf32>
      %reduce_max3A_1803 = vector.shape_cast %select_n3A_1802 : vector<1x128xf32> to vector<1x1x128xf32>
      %reduce_max3A_1804 = arith.constant dense<0xFF800000> : vector<1xf32>
      %reduce_max3A_1805 = vector.multi_reduction <maximumf>, %reduce_max3A_1803, %reduce_max3A_1804 [1, 2] : vector<1x1x128xf32> to vector<1xf32>
      %reduce_max3A_1806 = vector.shape_cast %reduce_max3A_1805 : vector<1xf32> to vector<1x1x1xf32>
      %reduce_max3A_1807 = vector.extract %reduce_max3A_1806[0, 0, 0] : f32 from vector<1x1x1xf32>
      %broadcast_in_dim3A_1808 = vector.broadcast %reduce_max3A_1807 : f32 to vector<1x1xf32>
      %min3A_1809 = vector.broadcast %broadcast_in_dim3A_1781 : vector<1x1xf32> to vector<1x128xf32>
      %min3A_1810 = arith.minimumf %slice3A_595, %min3A_1809 : vector<1x128xf32>
      %max3A_1811 = vector.broadcast %broadcast_in_dim3A_1763 : vector<1x1xf32> to vector<1x128xf32>
      %max3A_1812 = arith.maximumf %slice3A_593, %max3A_1811 : vector<1x128xf32>
      %sub3A_1813 = arith.subf %min3A_1810, %max3A_1812 : vector<1x128xf32>
      %add3A_1814 = arith.constant 1.000000e+00 : f32
      %add3A_1815 = vector.broadcast %add3A_1814 : f32 to vector<1x128xf32>
      %add3A_1816 = arith.addf %sub3A_1813, %add3A_1815 : vector<1x128xf32>
      %max3A_1817 = arith.constant 0.000000e+00 : f32
      %max3A_1818 = vector.broadcast %max3A_1817 : f32 to vector<1x128xf32>
      %max3A_1819 = arith.maximumf %add3A_1816, %max3A_1818 : vector<1x128xf32>
      %min3A_1820 = vector.broadcast %broadcast_in_dim3A_1790 : vector<1x1xf32> to vector<1x128xf32>
      %min3A_1821 = arith.minimumf %slice3A_596, %min3A_1820 : vector<1x128xf32>
      %max3A_1822 = vector.broadcast %broadcast_in_dim3A_1772 : vector<1x1xf32> to vector<1x128xf32>
      %max3A_1823 = arith.maximumf %slice3A_594, %max3A_1822 : vector<1x128xf32>
      %sub3A_1824 = arith.subf %min3A_1821, %max3A_1823 : vector<1x128xf32>
      %add3A_1825 = arith.constant 1.000000e+00 : f32
      %add3A_1826 = vector.broadcast %add3A_1825 : f32 to vector<1x128xf32>
      %add3A_1827 = arith.addf %sub3A_1824, %add3A_1826 : vector<1x128xf32>
      %max3A_1828 = arith.constant 0.000000e+00 : f32
      %max3A_1829 = vector.broadcast %max3A_1828 : f32 to vector<1x128xf32>
      %max3A_1830 = arith.maximumf %add3A_1827, %max3A_1829 : vector<1x128xf32>
      %mul3A_1831 = arith.mulf %max3A_1819, %max3A_1830 : vector<1x128xf32>
      %add3A_1832 = vector.broadcast %broadcast_in_dim3A_1799 : vector<1x1xf32> to vector<1x128xf32>
      %add3A_1833 = arith.addf %slice3A_597, %add3A_1832 : vector<1x128xf32>
      %sub3A_1834 = arith.subf %add3A_1833, %mul3A_1831 : vector<1x128xf32>
      %div3A_1835 = arith.divf %mul3A_1831, %sub3A_1834 : vector<1x128xf32>
      %gt3A_1836 = arith.constant 0.699999988 : f32
      %gt3A_1837 = vector.broadcast %gt3A_1836 : f32 to vector<1x128xf32>
      %gt3A_1838 = arith.cmpf ogt, %div3A_1835, %gt3A_1837 : vector<1x128xf32>
      %gt3A_1839 = vector.broadcast %scan3A_1751 : i32 to vector<1x128xi32>
      %gt3A_1840 = arith.cmpi sgt, %iota3A, %gt3A_1839 : vector<1x128xi32>
      %and3A_1841 = arith.andi %gt3A_1838, %gt3A_1840 : vector<1x128xi1>
      %gt3A_1842 = arith.constant 5.000000e-01 : f32
      %gt3A_1843 = vector.broadcast %gt3A_1842 : f32 to vector<1x1xf32>
      %gt3A_1844 = arith.cmpf ogt, %broadcast_in_dim3A_1808, %gt3A_1843 : vector<1x1xf32>
      %and3A_1845 = vector.broadcast %gt3A_1844 : vector<1x1xi1> to vector<1x128xi1>
      %and3A_1846 = arith.andi %and3A_1841, %and3A_1845 : vector<1x128xi1>
      %jit3A_1847 = arith.constant 0.000000e+00 : f32
      %jit3A_1848 = arith.constant 1.000000e+00 : f32
      %broadcast_in_dim3A_1849 = vector.broadcast %jit3A_1847 : f32 to vector<1x128xf32>
      %broadcast_in_dim3A_1850 = vector.broadcast %jit3A_1848 : f32 to vector<1x128xf32>
      %select_n3A_1851 = arith.select %and3A_1846, %broadcast_in_dim3A_1849, %broadcast_in_dim3A_1850 : vector<1x128xi1>, vector<1x128xf32>
      %mul3A_1852 = arith.mulf %scan3A_1752, %select_n3A_1851 : vector<1x128xf32>
      scf.yield %mul3A_1852 : vector<1x128xf32>
    }
    %scan3A_604 = arith.constant 128 : i32
    %gt3A_605 = arith.constant 5.000000e-01 : f32
    %gt3A_606 = vector.broadcast %gt3A_605 : f32 to vector<1x128xf32>
    %gt3A_607 = arith.cmpf ogt, %scan3A_603, %gt3A_606 : vector<1x128xf32>
    %and3A_608 = vector.broadcast %gt3A_607 : vector<1x128xi1> to vector<128x128xi1>
    %and3A_609 = arith.andi %eq3A, %and3A_608 : vector<128x128xi1>
    %jit3A_610 = arith.constant 1.000000e+00 : f32
    %jit3A_611 = arith.constant 0.000000e+00 : f32
    %broadcast_in_dim3A_612 = vector.broadcast %jit3A_610 : f32 to vector<128x128xf32>
    %broadcast_in_dim3A_613 = vector.broadcast %jit3A_611 : f32 to vector<128x128xf32>
    %select_n3A_614 = arith.select %and3A_609, %broadcast_in_dim3A_612, %broadcast_in_dim3A_613 : vector<128x128xi1>, vector<128x128xf32>
    %reduce_max3A_615 = arith.constant dense<0xFF800000> : vector<128xf32>
    %reduce_max3A_616 = vector.multi_reduction <maximumf>, %select_n3A_614, %reduce_max3A_615 [1] : vector<128x128xf32> to vector<128xf32>
    %broadcast_in_dim3A_617 = vector.shape_cast %reduce_max3A_616 : vector<128xf32> to vector<128x1xf32>
    %slice3A_618 = vector.extract_strided_slice %min3A_156 {offsets = [0, 4], sizes = [128, 1], strides = [1, 1]} : vector<128x16xf32> to vector<128x1xf32>
    %slice3A_619 = vector.extract_strided_slice %min3A_166 {offsets = [0, 4], sizes = [128, 1], strides = [1, 1]} : vector<128x16xf32> to vector<128x1xf32>
    %slice3A_620 = vector.extract_strided_slice %min3A_179 {offsets = [0, 4], sizes = [128, 1], strides = [1, 1]} : vector<128x16xf32> to vector<128x1xf32>
    %slice3A_621 = vector.extract_strided_slice %min3A_192 {offsets = [0, 4], sizes = [128, 1], strides = [1, 1]} : vector<128x16xf32> to vector<128x1xf32>
    %slice3A_622 = vector.extract_strided_slice %mul3A_215 {offsets = [0, 4], sizes = [128, 1], strides = [1, 1]} : vector<128x16xf32> to vector<128x1xf32>
    %min3A_623 = vector.broadcast %min3A_76 : vector<1x2048xf32> to vector<128x2048xf32>
    %min3A_624 = vector.broadcast %slice3A_620 : vector<128x1xf32> to vector<128x2048xf32>
    %min3A_625 = arith.minimumf %min3A_623, %min3A_624 : vector<128x2048xf32>
    %max3A_626 = vector.broadcast %min3A_53 : vector<1x2048xf32> to vector<128x2048xf32>
    %max3A_627 = vector.broadcast %slice3A_618 : vector<128x1xf32> to vector<128x2048xf32>
    %max3A_628 = arith.maximumf %max3A_626, %max3A_627 : vector<128x2048xf32>
    %sub3A_629 = arith.subf %min3A_625, %max3A_628 : vector<128x2048xf32>
    %add3A_630 = arith.constant 1.000000e+00 : f32
    %add3A_631 = vector.broadcast %add3A_630 : f32 to vector<128x2048xf32>
    %add3A_632 = arith.addf %sub3A_629, %add3A_631 : vector<128x2048xf32>
    %max3A_633 = arith.constant 0.000000e+00 : f32
    %max3A_634 = vector.broadcast %max3A_633 : f32 to vector<128x2048xf32>
    %max3A_635 = arith.maximumf %add3A_632, %max3A_634 : vector<128x2048xf32>
    %min3A_636 = vector.broadcast %min3A_89 : vector<1x2048xf32> to vector<128x2048xf32>
    %min3A_637 = vector.broadcast %slice3A_621 : vector<128x1xf32> to vector<128x2048xf32>
    %min3A_638 = arith.minimumf %min3A_636, %min3A_637 : vector<128x2048xf32>
    %max3A_639 = vector.broadcast %min3A_63 : vector<1x2048xf32> to vector<128x2048xf32>
    %max3A_640 = vector.broadcast %slice3A_619 : vector<128x1xf32> to vector<128x2048xf32>
    %max3A_641 = arith.maximumf %max3A_639, %max3A_640 : vector<128x2048xf32>
    %sub3A_642 = arith.subf %min3A_638, %max3A_641 : vector<128x2048xf32>
    %add3A_643 = arith.constant 1.000000e+00 : f32
    %add3A_644 = vector.broadcast %add3A_643 : f32 to vector<128x2048xf32>
    %add3A_645 = arith.addf %sub3A_642, %add3A_644 : vector<128x2048xf32>
    %max3A_646 = arith.constant 0.000000e+00 : f32
    %max3A_647 = vector.broadcast %max3A_646 : f32 to vector<128x2048xf32>
    %max3A_648 = arith.maximumf %add3A_645, %max3A_647 : vector<128x2048xf32>
    %mul3A_649 = arith.mulf %max3A_635, %max3A_648 : vector<128x2048xf32>
    %add3A_650 = vector.broadcast %mul3A_206 : vector<1x2048xf32> to vector<128x2048xf32>
    %add3A_651 = vector.broadcast %slice3A_622 : vector<128x1xf32> to vector<128x2048xf32>
    %add3A_652 = arith.addf %add3A_650, %add3A_651 : vector<128x2048xf32>
    %sub3A_653 = arith.subf %add3A_652, %mul3A_649 : vector<128x2048xf32>
    %div3A_654 = arith.divf %mul3A_649, %sub3A_653 : vector<128x2048xf32>
    %gt3A_655 = arith.constant 0.699999988 : f32
    %gt3A_656 = vector.broadcast %gt3A_655 : f32 to vector<128x2048xf32>
    %gt3A_657 = arith.cmpf ogt, %div3A_654, %gt3A_656 : vector<128x2048xf32>
    %ge3A_658 = arith.constant 640 : i32
    %ge3A_659 = vector.broadcast %ge3A_658 : i32 to vector<1x2048xi32>
    %ge3A_660 = arith.cmpi sge, %iota3A_216, %ge3A_659 : vector<1x2048xi32>
    %and3A_661 = vector.broadcast %ge3A_660 : vector<1x2048xi1> to vector<128x2048xi1>
    %and3A_662 = arith.andi %gt3A_657, %and3A_661 : vector<128x2048xi1>
    %gt3A_663 = arith.constant 5.000000e-01 : f32
    %gt3A_664 = vector.broadcast %gt3A_663 : f32 to vector<128x1xf32>
    %gt3A_665 = arith.cmpf ogt, %broadcast_in_dim3A_617, %gt3A_664 : vector<128x1xf32>
    %and3A_666 = vector.broadcast %gt3A_665 : vector<128x1xi1> to vector<128x2048xi1>
    %and3A_667 = arith.andi %and3A_662, %and3A_666 : vector<128x2048xi1>
    %jit3A_668 = arith.constant 1.000000e+00 : f32
    %jit3A_669 = arith.constant 0.000000e+00 : f32
    %broadcast_in_dim3A_670 = vector.broadcast %jit3A_668 : f32 to vector<128x2048xf32>
    %broadcast_in_dim3A_671 = vector.broadcast %jit3A_669 : f32 to vector<128x2048xf32>
    %select_n3A_672 = arith.select %and3A_667, %broadcast_in_dim3A_670, %broadcast_in_dim3A_671 : vector<128x2048xi1>, vector<128x2048xf32>
    %reduce_max3A_673 = arith.constant dense<0xFF800000> : vector<2048xf32>
    %reduce_max3A_674 = vector.multi_reduction <maximumf>, %select_n3A_672, %reduce_max3A_673 [0] : vector<128x2048xf32> to vector<2048xf32>
    %broadcast_in_dim3A_675 = vector.shape_cast %reduce_max3A_674 : vector<2048xf32> to vector<1x2048xf32>
    %slice3A_676 = vector.extract_strided_slice %mul3A_592 {offsets = [0, 0], sizes = [1, 512], strides = [1, 1]} : vector<1x2048xf32> to vector<1x512xf32>
    %slice3A_677 = vector.extract_strided_slice %mul3A_592 {offsets = [0, 640], sizes = [1, 1408], strides = [1, 1]} : vector<1x2048xf32> to vector<1x1408xf32>
    %concatenate3A_678 = tpu.concatenate %slice3A_676, %scan3A_603, %slice3A_677 in 1 : vector<1x512xf32>, vector<1x128xf32>, vector<1x1408xf32> -> vector<1x2048xf32>
    %gt3A_679 = arith.constant 5.000000e-01 : f32
    %gt3A_680 = vector.broadcast %gt3A_679 : f32 to vector<1x2048xf32>
    %gt3A_681 = arith.cmpf ogt, %broadcast_in_dim3A_675, %gt3A_680 : vector<1x2048xf32>
    %jit3A_682 = arith.constant 0.000000e+00 : f32
    %jit3A_683 = arith.constant 1.000000e+00 : f32
    %broadcast_in_dim3A_684 = vector.broadcast %jit3A_682 : f32 to vector<1x2048xf32>
    %broadcast_in_dim3A_685 = vector.broadcast %jit3A_683 : f32 to vector<1x2048xf32>
    %select_n3A_686 = arith.select %gt3A_681, %broadcast_in_dim3A_684, %broadcast_in_dim3A_685 : vector<1x2048xi1>, vector<1x2048xf32>
    %mul3A_687 = arith.mulf %concatenate3A_678, %select_n3A_686 : vector<1x2048xf32>
    %slice3A_688 = vector.extract_strided_slice %min3A_53 {offsets = [0, 640], sizes = [1, 128], strides = [1, 1]} : vector<1x2048xf32> to vector<1x128xf32>
    %slice3A_689 = vector.extract_strided_slice %min3A_63 {offsets = [0, 640], sizes = [1, 128], strides = [1, 1]} : vector<1x2048xf32> to vector<1x128xf32>
    %slice3A_690 = vector.extract_strided_slice %min3A_76 {offsets = [0, 640], sizes = [1, 128], strides = [1, 1]} : vector<1x2048xf32> to vector<1x128xf32>
    %slice3A_691 = vector.extract_strided_slice %min3A_89 {offsets = [0, 640], sizes = [1, 128], strides = [1, 1]} : vector<1x2048xf32> to vector<1x128xf32>
    %slice3A_692 = vector.extract_strided_slice %mul3A_206 {offsets = [0, 640], sizes = [1, 128], strides = [1, 1]} : vector<1x2048xf32> to vector<1x128xf32>
    %slice3A_693 = vector.extract_strided_slice %mul3A_687 {offsets = [0, 640], sizes = [1, 128], strides = [1, 1]} : vector<1x2048xf32> to vector<1x128xf32>
    %scan3A_694 = arith.constant 0 : i32
    %scan3A_695 = arith.constant 128 : i32
    %scan3A_696 = arith.addi %scan3A_694, %scan3A_695 : i32
    %scan3A_697 = arith.constant 1 : i32
    %scan3A_698 = scf.for %scan3A_1751 = %scan3A_694 to %scan3A_696 step %scan3A_697 iter_args(%scan3A_1752 = %slice3A_693) -> (vector<1x128xf32>)  : i32 {
      %eq3A_1753 = vector.broadcast %scan3A_1751 : i32 to vector<1x128xi32>
      %eq3A_1754 = arith.cmpi eq, %iota3A, %eq3A_1753 : vector<1x128xi32>
      %jit3A_1755 = arith.constant -1.000000e+30 : f32
      %broadcast_in_dim3A_1756 = vector.broadcast %jit3A_1755 : f32 to vector<1x128xf32>
      %select_n3A_1757 = arith.select %eq3A_1754, %slice3A_688, %broadcast_in_dim3A_1756 : vector<1x128xi1>, vector<1x128xf32>
      %reduce_max3A_1758 = vector.shape_cast %select_n3A_1757 : vector<1x128xf32> to vector<1x1x128xf32>
      %reduce_max3A_1759 = arith.constant dense<0xFF800000> : vector<1xf32>
      %reduce_max3A_1760 = vector.multi_reduction <maximumf>, %reduce_max3A_1758, %reduce_max3A_1759 [1, 2] : vector<1x1x128xf32> to vector<1xf32>
      %reduce_max3A_1761 = vector.shape_cast %reduce_max3A_1760 : vector<1xf32> to vector<1x1x1xf32>
      %reduce_max3A_1762 = vector.extract %reduce_max3A_1761[0, 0, 0] : f32 from vector<1x1x1xf32>
      %broadcast_in_dim3A_1763 = vector.broadcast %reduce_max3A_1762 : f32 to vector<1x1xf32>
      %jit3A_1764 = arith.constant -1.000000e+30 : f32
      %broadcast_in_dim3A_1765 = vector.broadcast %jit3A_1764 : f32 to vector<1x128xf32>
      %select_n3A_1766 = arith.select %eq3A_1754, %slice3A_689, %broadcast_in_dim3A_1765 : vector<1x128xi1>, vector<1x128xf32>
      %reduce_max3A_1767 = vector.shape_cast %select_n3A_1766 : vector<1x128xf32> to vector<1x1x128xf32>
      %reduce_max3A_1768 = arith.constant dense<0xFF800000> : vector<1xf32>
      %reduce_max3A_1769 = vector.multi_reduction <maximumf>, %reduce_max3A_1767, %reduce_max3A_1768 [1, 2] : vector<1x1x128xf32> to vector<1xf32>
      %reduce_max3A_1770 = vector.shape_cast %reduce_max3A_1769 : vector<1xf32> to vector<1x1x1xf32>
      %reduce_max3A_1771 = vector.extract %reduce_max3A_1770[0, 0, 0] : f32 from vector<1x1x1xf32>
      %broadcast_in_dim3A_1772 = vector.broadcast %reduce_max3A_1771 : f32 to vector<1x1xf32>
      %jit3A_1773 = arith.constant -1.000000e+30 : f32
      %broadcast_in_dim3A_1774 = vector.broadcast %jit3A_1773 : f32 to vector<1x128xf32>
      %select_n3A_1775 = arith.select %eq3A_1754, %slice3A_690, %broadcast_in_dim3A_1774 : vector<1x128xi1>, vector<1x128xf32>
      %reduce_max3A_1776 = vector.shape_cast %select_n3A_1775 : vector<1x128xf32> to vector<1x1x128xf32>
      %reduce_max3A_1777 = arith.constant dense<0xFF800000> : vector<1xf32>
      %reduce_max3A_1778 = vector.multi_reduction <maximumf>, %reduce_max3A_1776, %reduce_max3A_1777 [1, 2] : vector<1x1x128xf32> to vector<1xf32>
      %reduce_max3A_1779 = vector.shape_cast %reduce_max3A_1778 : vector<1xf32> to vector<1x1x1xf32>
      %reduce_max3A_1780 = vector.extract %reduce_max3A_1779[0, 0, 0] : f32 from vector<1x1x1xf32>
      %broadcast_in_dim3A_1781 = vector.broadcast %reduce_max3A_1780 : f32 to vector<1x1xf32>
      %jit3A_1782 = arith.constant -1.000000e+30 : f32
      %broadcast_in_dim3A_1783 = vector.broadcast %jit3A_1782 : f32 to vector<1x128xf32>
      %select_n3A_1784 = arith.select %eq3A_1754, %slice3A_691, %broadcast_in_dim3A_1783 : vector<1x128xi1>, vector<1x128xf32>
      %reduce_max3A_1785 = vector.shape_cast %select_n3A_1784 : vector<1x128xf32> to vector<1x1x128xf32>
      %reduce_max3A_1786 = arith.constant dense<0xFF800000> : vector<1xf32>
      %reduce_max3A_1787 = vector.multi_reduction <maximumf>, %reduce_max3A_1785, %reduce_max3A_1786 [1, 2] : vector<1x1x128xf32> to vector<1xf32>
      %reduce_max3A_1788 = vector.shape_cast %reduce_max3A_1787 : vector<1xf32> to vector<1x1x1xf32>
      %reduce_max3A_1789 = vector.extract %reduce_max3A_1788[0, 0, 0] : f32 from vector<1x1x1xf32>
      %broadcast_in_dim3A_1790 = vector.broadcast %reduce_max3A_1789 : f32 to vector<1x1xf32>
      %jit3A_1791 = arith.constant -1.000000e+30 : f32
      %broadcast_in_dim3A_1792 = vector.broadcast %jit3A_1791 : f32 to vector<1x128xf32>
      %select_n3A_1793 = arith.select %eq3A_1754, %slice3A_692, %broadcast_in_dim3A_1792 : vector<1x128xi1>, vector<1x128xf32>
      %reduce_max3A_1794 = vector.shape_cast %select_n3A_1793 : vector<1x128xf32> to vector<1x1x128xf32>
      %reduce_max3A_1795 = arith.constant dense<0xFF800000> : vector<1xf32>
      %reduce_max3A_1796 = vector.multi_reduction <maximumf>, %reduce_max3A_1794, %reduce_max3A_1795 [1, 2] : vector<1x1x128xf32> to vector<1xf32>
      %reduce_max3A_1797 = vector.shape_cast %reduce_max3A_1796 : vector<1xf32> to vector<1x1x1xf32>
      %reduce_max3A_1798 = vector.extract %reduce_max3A_1797[0, 0, 0] : f32 from vector<1x1x1xf32>
      %broadcast_in_dim3A_1799 = vector.broadcast %reduce_max3A_1798 : f32 to vector<1x1xf32>
      %jit3A_1800 = arith.constant 0.000000e+00 : f32
      %broadcast_in_dim3A_1801 = vector.broadcast %jit3A_1800 : f32 to vector<1x128xf32>
      %select_n3A_1802 = arith.select %eq3A_1754, %scan3A_1752, %broadcast_in_dim3A_1801 : vector<1x128xi1>, vector<1x128xf32>
      %reduce_max3A_1803 = vector.shape_cast %select_n3A_1802 : vector<1x128xf32> to vector<1x1x128xf32>
      %reduce_max3A_1804 = arith.constant dense<0xFF800000> : vector<1xf32>
      %reduce_max3A_1805 = vector.multi_reduction <maximumf>, %reduce_max3A_1803, %reduce_max3A_1804 [1, 2] : vector<1x1x128xf32> to vector<1xf32>
      %reduce_max3A_1806 = vector.shape_cast %reduce_max3A_1805 : vector<1xf32> to vector<1x1x1xf32>
      %reduce_max3A_1807 = vector.extract %reduce_max3A_1806[0, 0, 0] : f32 from vector<1x1x1xf32>
      %broadcast_in_dim3A_1808 = vector.broadcast %reduce_max3A_1807 : f32 to vector<1x1xf32>
      %min3A_1809 = vector.broadcast %broadcast_in_dim3A_1781 : vector<1x1xf32> to vector<1x128xf32>
      %min3A_1810 = arith.minimumf %slice3A_690, %min3A_1809 : vector<1x128xf32>
      %max3A_1811 = vector.broadcast %broadcast_in_dim3A_1763 : vector<1x1xf32> to vector<1x128xf32>
      %max3A_1812 = arith.maximumf %slice3A_688, %max3A_1811 : vector<1x128xf32>
      %sub3A_1813 = arith.subf %min3A_1810, %max3A_1812 : vector<1x128xf32>
      %add3A_1814 = arith.constant 1.000000e+00 : f32
      %add3A_1815 = vector.broadcast %add3A_1814 : f32 to vector<1x128xf32>
      %add3A_1816 = arith.addf %sub3A_1813, %add3A_1815 : vector<1x128xf32>
      %max3A_1817 = arith.constant 0.000000e+00 : f32
      %max3A_1818 = vector.broadcast %max3A_1817 : f32 to vector<1x128xf32>
      %max3A_1819 = arith.maximumf %add3A_1816, %max3A_1818 : vector<1x128xf32>
      %min3A_1820 = vector.broadcast %broadcast_in_dim3A_1790 : vector<1x1xf32> to vector<1x128xf32>
      %min3A_1821 = arith.minimumf %slice3A_691, %min3A_1820 : vector<1x128xf32>
      %max3A_1822 = vector.broadcast %broadcast_in_dim3A_1772 : vector<1x1xf32> to vector<1x128xf32>
      %max3A_1823 = arith.maximumf %slice3A_689, %max3A_1822 : vector<1x128xf32>
      %sub3A_1824 = arith.subf %min3A_1821, %max3A_1823 : vector<1x128xf32>
      %add3A_1825 = arith.constant 1.000000e+00 : f32
      %add3A_1826 = vector.broadcast %add3A_1825 : f32 to vector<1x128xf32>
      %add3A_1827 = arith.addf %sub3A_1824, %add3A_1826 : vector<1x128xf32>
      %max3A_1828 = arith.constant 0.000000e+00 : f32
      %max3A_1829 = vector.broadcast %max3A_1828 : f32 to vector<1x128xf32>
      %max3A_1830 = arith.maximumf %add3A_1827, %max3A_1829 : vector<1x128xf32>
      %mul3A_1831 = arith.mulf %max3A_1819, %max3A_1830 : vector<1x128xf32>
      %add3A_1832 = vector.broadcast %broadcast_in_dim3A_1799 : vector<1x1xf32> to vector<1x128xf32>
      %add3A_1833 = arith.addf %slice3A_692, %add3A_1832 : vector<1x128xf32>
      %sub3A_1834 = arith.subf %add3A_1833, %mul3A_1831 : vector<1x128xf32>
      %div3A_1835 = arith.divf %mul3A_1831, %sub3A_1834 : vector<1x128xf32>
      %gt3A_1836 = arith.constant 0.699999988 : f32
      %gt3A_1837 = vector.broadcast %gt3A_1836 : f32 to vector<1x128xf32>
      %gt3A_1838 = arith.cmpf ogt, %div3A_1835, %gt3A_1837 : vector<1x128xf32>
      %gt3A_1839 = vector.broadcast %scan3A_1751 : i32 to vector<1x128xi32>
      %gt3A_1840 = arith.cmpi sgt, %iota3A, %gt3A_1839 : vector<1x128xi32>
      %and3A_1841 = arith.andi %gt3A_1838, %gt3A_1840 : vector<1x128xi1>
      %gt3A_1842 = arith.constant 5.000000e-01 : f32
      %gt3A_1843 = vector.broadcast %gt3A_1842 : f32 to vector<1x1xf32>
      %gt3A_1844 = arith.cmpf ogt, %broadcast_in_dim3A_1808, %gt3A_1843 : vector<1x1xf32>
      %and3A_1845 = vector.broadcast %gt3A_1844 : vector<1x1xi1> to vector<1x128xi1>
      %and3A_1846 = arith.andi %and3A_1841, %and3A_1845 : vector<1x128xi1>
      %jit3A_1847 = arith.constant 0.000000e+00 : f32
      %jit3A_1848 = arith.constant 1.000000e+00 : f32
      %broadcast_in_dim3A_1849 = vector.broadcast %jit3A_1847 : f32 to vector<1x128xf32>
      %broadcast_in_dim3A_1850 = vector.broadcast %jit3A_1848 : f32 to vector<1x128xf32>
      %select_n3A_1851 = arith.select %and3A_1846, %broadcast_in_dim3A_1849, %broadcast_in_dim3A_1850 : vector<1x128xi1>, vector<1x128xf32>
      %mul3A_1852 = arith.mulf %scan3A_1752, %select_n3A_1851 : vector<1x128xf32>
      scf.yield %mul3A_1852 : vector<1x128xf32>
    }
    %scan3A_699 = arith.constant 128 : i32
    %gt3A_700 = arith.constant 5.000000e-01 : f32
    %gt3A_701 = vector.broadcast %gt3A_700 : f32 to vector<1x128xf32>
    %gt3A_702 = arith.cmpf ogt, %scan3A_698, %gt3A_701 : vector<1x128xf32>
    %and3A_703 = vector.broadcast %gt3A_702 : vector<1x128xi1> to vector<128x128xi1>
    %and3A_704 = arith.andi %eq3A, %and3A_703 : vector<128x128xi1>
    %jit3A_705 = arith.constant 1.000000e+00 : f32
    %jit3A_706 = arith.constant 0.000000e+00 : f32
    %broadcast_in_dim3A_707 = vector.broadcast %jit3A_705 : f32 to vector<128x128xf32>
    %broadcast_in_dim3A_708 = vector.broadcast %jit3A_706 : f32 to vector<128x128xf32>
    %select_n3A_709 = arith.select %and3A_704, %broadcast_in_dim3A_707, %broadcast_in_dim3A_708 : vector<128x128xi1>, vector<128x128xf32>
    %reduce_max3A_710 = arith.constant dense<0xFF800000> : vector<128xf32>
    %reduce_max3A_711 = vector.multi_reduction <maximumf>, %select_n3A_709, %reduce_max3A_710 [1] : vector<128x128xf32> to vector<128xf32>
    %broadcast_in_dim3A_712 = vector.shape_cast %reduce_max3A_711 : vector<128xf32> to vector<128x1xf32>
    %slice3A_713 = vector.extract_strided_slice %min3A_156 {offsets = [0, 5], sizes = [128, 1], strides = [1, 1]} : vector<128x16xf32> to vector<128x1xf32>
    %slice3A_714 = vector.extract_strided_slice %min3A_166 {offsets = [0, 5], sizes = [128, 1], strides = [1, 1]} : vector<128x16xf32> to vector<128x1xf32>
    %slice3A_715 = vector.extract_strided_slice %min3A_179 {offsets = [0, 5], sizes = [128, 1], strides = [1, 1]} : vector<128x16xf32> to vector<128x1xf32>
    %slice3A_716 = vector.extract_strided_slice %min3A_192 {offsets = [0, 5], sizes = [128, 1], strides = [1, 1]} : vector<128x16xf32> to vector<128x1xf32>
    %slice3A_717 = vector.extract_strided_slice %mul3A_215 {offsets = [0, 5], sizes = [128, 1], strides = [1, 1]} : vector<128x16xf32> to vector<128x1xf32>
    %min3A_718 = vector.broadcast %min3A_76 : vector<1x2048xf32> to vector<128x2048xf32>
    %min3A_719 = vector.broadcast %slice3A_715 : vector<128x1xf32> to vector<128x2048xf32>
    %min3A_720 = arith.minimumf %min3A_718, %min3A_719 : vector<128x2048xf32>
    %max3A_721 = vector.broadcast %min3A_53 : vector<1x2048xf32> to vector<128x2048xf32>
    %max3A_722 = vector.broadcast %slice3A_713 : vector<128x1xf32> to vector<128x2048xf32>
    %max3A_723 = arith.maximumf %max3A_721, %max3A_722 : vector<128x2048xf32>
    %sub3A_724 = arith.subf %min3A_720, %max3A_723 : vector<128x2048xf32>
    %add3A_725 = arith.constant 1.000000e+00 : f32
    %add3A_726 = vector.broadcast %add3A_725 : f32 to vector<128x2048xf32>
    %add3A_727 = arith.addf %sub3A_724, %add3A_726 : vector<128x2048xf32>
    %max3A_728 = arith.constant 0.000000e+00 : f32
    %max3A_729 = vector.broadcast %max3A_728 : f32 to vector<128x2048xf32>
    %max3A_730 = arith.maximumf %add3A_727, %max3A_729 : vector<128x2048xf32>
    %min3A_731 = vector.broadcast %min3A_89 : vector<1x2048xf32> to vector<128x2048xf32>
    %min3A_732 = vector.broadcast %slice3A_716 : vector<128x1xf32> to vector<128x2048xf32>
    %min3A_733 = arith.minimumf %min3A_731, %min3A_732 : vector<128x2048xf32>
    %max3A_734 = vector.broadcast %min3A_63 : vector<1x2048xf32> to vector<128x2048xf32>
    %max3A_735 = vector.broadcast %slice3A_714 : vector<128x1xf32> to vector<128x2048xf32>
    %max3A_736 = arith.maximumf %max3A_734, %max3A_735 : vector<128x2048xf32>
    %sub3A_737 = arith.subf %min3A_733, %max3A_736 : vector<128x2048xf32>
    %add3A_738 = arith.constant 1.000000e+00 : f32
    %add3A_739 = vector.broadcast %add3A_738 : f32 to vector<128x2048xf32>
    %add3A_740 = arith.addf %sub3A_737, %add3A_739 : vector<128x2048xf32>
    %max3A_741 = arith.constant 0.000000e+00 : f32
    %max3A_742 = vector.broadcast %max3A_741 : f32 to vector<128x2048xf32>
    %max3A_743 = arith.maximumf %add3A_740, %max3A_742 : vector<128x2048xf32>
    %mul3A_744 = arith.mulf %max3A_730, %max3A_743 : vector<128x2048xf32>
    %add3A_745 = vector.broadcast %mul3A_206 : vector<1x2048xf32> to vector<128x2048xf32>
    %add3A_746 = vector.broadcast %slice3A_717 : vector<128x1xf32> to vector<128x2048xf32>
    %add3A_747 = arith.addf %add3A_745, %add3A_746 : vector<128x2048xf32>
    %sub3A_748 = arith.subf %add3A_747, %mul3A_744 : vector<128x2048xf32>
    %div3A_749 = arith.divf %mul3A_744, %sub3A_748 : vector<128x2048xf32>
    %gt3A_750 = arith.constant 0.699999988 : f32
    %gt3A_751 = vector.broadcast %gt3A_750 : f32 to vector<128x2048xf32>
    %gt3A_752 = arith.cmpf ogt, %div3A_749, %gt3A_751 : vector<128x2048xf32>
    %ge3A_753 = arith.constant 768 : i32
    %ge3A_754 = vector.broadcast %ge3A_753 : i32 to vector<1x2048xi32>
    %ge3A_755 = arith.cmpi sge, %iota3A_216, %ge3A_754 : vector<1x2048xi32>
    %and3A_756 = vector.broadcast %ge3A_755 : vector<1x2048xi1> to vector<128x2048xi1>
    %and3A_757 = arith.andi %gt3A_752, %and3A_756 : vector<128x2048xi1>
    %gt3A_758 = arith.constant 5.000000e-01 : f32
    %gt3A_759 = vector.broadcast %gt3A_758 : f32 to vector<128x1xf32>
    %gt3A_760 = arith.cmpf ogt, %broadcast_in_dim3A_712, %gt3A_759 : vector<128x1xf32>
    %and3A_761 = vector.broadcast %gt3A_760 : vector<128x1xi1> to vector<128x2048xi1>
    %and3A_762 = arith.andi %and3A_757, %and3A_761 : vector<128x2048xi1>
    %jit3A_763 = arith.constant 1.000000e+00 : f32
    %jit3A_764 = arith.constant 0.000000e+00 : f32
    %broadcast_in_dim3A_765 = vector.broadcast %jit3A_763 : f32 to vector<128x2048xf32>
    %broadcast_in_dim3A_766 = vector.broadcast %jit3A_764 : f32 to vector<128x2048xf32>
    %select_n3A_767 = arith.select %and3A_762, %broadcast_in_dim3A_765, %broadcast_in_dim3A_766 : vector<128x2048xi1>, vector<128x2048xf32>
    %reduce_max3A_768 = arith.constant dense<0xFF800000> : vector<2048xf32>
    %reduce_max3A_769 = vector.multi_reduction <maximumf>, %select_n3A_767, %reduce_max3A_768 [0] : vector<128x2048xf32> to vector<2048xf32>
    %broadcast_in_dim3A_770 = vector.shape_cast %reduce_max3A_769 : vector<2048xf32> to vector<1x2048xf32>
    %slice3A_771 = vector.extract_strided_slice %mul3A_687 {offsets = [0, 0], sizes = [1, 640], strides = [1, 1]} : vector<1x2048xf32> to vector<1x640xf32>
    %slice3A_772 = vector.extract_strided_slice %mul3A_687 {offsets = [0, 768], sizes = [1, 1280], strides = [1, 1]} : vector<1x2048xf32> to vector<1x1280xf32>
    %concatenate3A_773 = tpu.concatenate %slice3A_771, %scan3A_698, %slice3A_772 in 1 : vector<1x640xf32>, vector<1x128xf32>, vector<1x1280xf32> -> vector<1x2048xf32>
    %gt3A_774 = arith.constant 5.000000e-01 : f32
    %gt3A_775 = vector.broadcast %gt3A_774 : f32 to vector<1x2048xf32>
    %gt3A_776 = arith.cmpf ogt, %broadcast_in_dim3A_770, %gt3A_775 : vector<1x2048xf32>
    %jit3A_777 = arith.constant 0.000000e+00 : f32
    %jit3A_778 = arith.constant 1.000000e+00 : f32
    %broadcast_in_dim3A_779 = vector.broadcast %jit3A_777 : f32 to vector<1x2048xf32>
    %broadcast_in_dim3A_780 = vector.broadcast %jit3A_778 : f32 to vector<1x2048xf32>
    %select_n3A_781 = arith.select %gt3A_776, %broadcast_in_dim3A_779, %broadcast_in_dim3A_780 : vector<1x2048xi1>, vector<1x2048xf32>
    %mul3A_782 = arith.mulf %concatenate3A_773, %select_n3A_781 : vector<1x2048xf32>
    %slice3A_783 = vector.extract_strided_slice %min3A_53 {offsets = [0, 768], sizes = [1, 128], strides = [1, 1]} : vector<1x2048xf32> to vector<1x128xf32>
    %slice3A_784 = vector.extract_strided_slice %min3A_63 {offsets = [0, 768], sizes = [1, 128], strides = [1, 1]} : vector<1x2048xf32> to vector<1x128xf32>
    %slice3A_785 = vector.extract_strided_slice %min3A_76 {offsets = [0, 768], sizes = [1, 128], strides = [1, 1]} : vector<1x2048xf32> to vector<1x128xf32>
    %slice3A_786 = vector.extract_strided_slice %min3A_89 {offsets = [0, 768], sizes = [1, 128], strides = [1, 1]} : vector<1x2048xf32> to vector<1x128xf32>
    %slice3A_787 = vector.extract_strided_slice %mul3A_206 {offsets = [0, 768], sizes = [1, 128], strides = [1, 1]} : vector<1x2048xf32> to vector<1x128xf32>
    %slice3A_788 = vector.extract_strided_slice %mul3A_782 {offsets = [0, 768], sizes = [1, 128], strides = [1, 1]} : vector<1x2048xf32> to vector<1x128xf32>
    %scan3A_789 = arith.constant 0 : i32
    %scan3A_790 = arith.constant 128 : i32
    %scan3A_791 = arith.addi %scan3A_789, %scan3A_790 : i32
    %scan3A_792 = arith.constant 1 : i32
    %scan3A_793 = scf.for %scan3A_1751 = %scan3A_789 to %scan3A_791 step %scan3A_792 iter_args(%scan3A_1752 = %slice3A_788) -> (vector<1x128xf32>)  : i32 {
      %eq3A_1753 = vector.broadcast %scan3A_1751 : i32 to vector<1x128xi32>
      %eq3A_1754 = arith.cmpi eq, %iota3A, %eq3A_1753 : vector<1x128xi32>
      %jit3A_1755 = arith.constant -1.000000e+30 : f32
      %broadcast_in_dim3A_1756 = vector.broadcast %jit3A_1755 : f32 to vector<1x128xf32>
      %select_n3A_1757 = arith.select %eq3A_1754, %slice3A_783, %broadcast_in_dim3A_1756 : vector<1x128xi1>, vector<1x128xf32>
      %reduce_max3A_1758 = vector.shape_cast %select_n3A_1757 : vector<1x128xf32> to vector<1x1x128xf32>
      %reduce_max3A_1759 = arith.constant dense<0xFF800000> : vector<1xf32>
      %reduce_max3A_1760 = vector.multi_reduction <maximumf>, %reduce_max3A_1758, %reduce_max3A_1759 [1, 2] : vector<1x1x128xf32> to vector<1xf32>
      %reduce_max3A_1761 = vector.shape_cast %reduce_max3A_1760 : vector<1xf32> to vector<1x1x1xf32>
      %reduce_max3A_1762 = vector.extract %reduce_max3A_1761[0, 0, 0] : f32 from vector<1x1x1xf32>
      %broadcast_in_dim3A_1763 = vector.broadcast %reduce_max3A_1762 : f32 to vector<1x1xf32>
      %jit3A_1764 = arith.constant -1.000000e+30 : f32
      %broadcast_in_dim3A_1765 = vector.broadcast %jit3A_1764 : f32 to vector<1x128xf32>
      %select_n3A_1766 = arith.select %eq3A_1754, %slice3A_784, %broadcast_in_dim3A_1765 : vector<1x128xi1>, vector<1x128xf32>
      %reduce_max3A_1767 = vector.shape_cast %select_n3A_1766 : vector<1x128xf32> to vector<1x1x128xf32>
      %reduce_max3A_1768 = arith.constant dense<0xFF800000> : vector<1xf32>
      %reduce_max3A_1769 = vector.multi_reduction <maximumf>, %reduce_max3A_1767, %reduce_max3A_1768 [1, 2] : vector<1x1x128xf32> to vector<1xf32>
      %reduce_max3A_1770 = vector.shape_cast %reduce_max3A_1769 : vector<1xf32> to vector<1x1x1xf32>
      %reduce_max3A_1771 = vector.extract %reduce_max3A_1770[0, 0, 0] : f32 from vector<1x1x1xf32>
      %broadcast_in_dim3A_1772 = vector.broadcast %reduce_max3A_1771 : f32 to vector<1x1xf32>
      %jit3A_1773 = arith.constant -1.000000e+30 : f32
      %broadcast_in_dim3A_1774 = vector.broadcast %jit3A_1773 : f32 to vector<1x128xf32>
      %select_n3A_1775 = arith.select %eq3A_1754, %slice3A_785, %broadcast_in_dim3A_1774 : vector<1x128xi1>, vector<1x128xf32>
      %reduce_max3A_1776 = vector.shape_cast %select_n3A_1775 : vector<1x128xf32> to vector<1x1x128xf32>
      %reduce_max3A_1777 = arith.constant dense<0xFF800000> : vector<1xf32>
      %reduce_max3A_1778 = vector.multi_reduction <maximumf>, %reduce_max3A_1776, %reduce_max3A_1777 [1, 2] : vector<1x1x128xf32> to vector<1xf32>
      %reduce_max3A_1779 = vector.shape_cast %reduce_max3A_1778 : vector<1xf32> to vector<1x1x1xf32>
      %reduce_max3A_1780 = vector.extract %reduce_max3A_1779[0, 0, 0] : f32 from vector<1x1x1xf32>
      %broadcast_in_dim3A_1781 = vector.broadcast %reduce_max3A_1780 : f32 to vector<1x1xf32>
      %jit3A_1782 = arith.constant -1.000000e+30 : f32
      %broadcast_in_dim3A_1783 = vector.broadcast %jit3A_1782 : f32 to vector<1x128xf32>
      %select_n3A_1784 = arith.select %eq3A_1754, %slice3A_786, %broadcast_in_dim3A_1783 : vector<1x128xi1>, vector<1x128xf32>
      %reduce_max3A_1785 = vector.shape_cast %select_n3A_1784 : vector<1x128xf32> to vector<1x1x128xf32>
      %reduce_max3A_1786 = arith.constant dense<0xFF800000> : vector<1xf32>
      %reduce_max3A_1787 = vector.multi_reduction <maximumf>, %reduce_max3A_1785, %reduce_max3A_1786 [1, 2] : vector<1x1x128xf32> to vector<1xf32>
      %reduce_max3A_1788 = vector.shape_cast %reduce_max3A_1787 : vector<1xf32> to vector<1x1x1xf32>
      %reduce_max3A_1789 = vector.extract %reduce_max3A_1788[0, 0, 0] : f32 from vector<1x1x1xf32>
      %broadcast_in_dim3A_1790 = vector.broadcast %reduce_max3A_1789 : f32 to vector<1x1xf32>
      %jit3A_1791 = arith.constant -1.000000e+30 : f32
      %broadcast_in_dim3A_1792 = vector.broadcast %jit3A_1791 : f32 to vector<1x128xf32>
      %select_n3A_1793 = arith.select %eq3A_1754, %slice3A_787, %broadcast_in_dim3A_1792 : vector<1x128xi1>, vector<1x128xf32>
      %reduce_max3A_1794 = vector.shape_cast %select_n3A_1793 : vector<1x128xf32> to vector<1x1x128xf32>
      %reduce_max3A_1795 = arith.constant dense<0xFF800000> : vector<1xf32>
      %reduce_max3A_1796 = vector.multi_reduction <maximumf>, %reduce_max3A_1794, %reduce_max3A_1795 [1, 2] : vector<1x1x128xf32> to vector<1xf32>
      %reduce_max3A_1797 = vector.shape_cast %reduce_max3A_1796 : vector<1xf32> to vector<1x1x1xf32>
      %reduce_max3A_1798 = vector.extract %reduce_max3A_1797[0, 0, 0] : f32 from vector<1x1x1xf32>
      %broadcast_in_dim3A_1799 = vector.broadcast %reduce_max3A_1798 : f32 to vector<1x1xf32>
      %jit3A_1800 = arith.constant 0.000000e+00 : f32
      %broadcast_in_dim3A_1801 = vector.broadcast %jit3A_1800 : f32 to vector<1x128xf32>
      %select_n3A_1802 = arith.select %eq3A_1754, %scan3A_1752, %broadcast_in_dim3A_1801 : vector<1x128xi1>, vector<1x128xf32>
      %reduce_max3A_1803 = vector.shape_cast %select_n3A_1802 : vector<1x128xf32> to vector<1x1x128xf32>
      %reduce_max3A_1804 = arith.constant dense<0xFF800000> : vector<1xf32>
      %reduce_max3A_1805 = vector.multi_reduction <maximumf>, %reduce_max3A_1803, %reduce_max3A_1804 [1, 2] : vector<1x1x128xf32> to vector<1xf32>
      %reduce_max3A_1806 = vector.shape_cast %reduce_max3A_1805 : vector<1xf32> to vector<1x1x1xf32>
      %reduce_max3A_1807 = vector.extract %reduce_max3A_1806[0, 0, 0] : f32 from vector<1x1x1xf32>
      %broadcast_in_dim3A_1808 = vector.broadcast %reduce_max3A_1807 : f32 to vector<1x1xf32>
      %min3A_1809 = vector.broadcast %broadcast_in_dim3A_1781 : vector<1x1xf32> to vector<1x128xf32>
      %min3A_1810 = arith.minimumf %slice3A_785, %min3A_1809 : vector<1x128xf32>
      %max3A_1811 = vector.broadcast %broadcast_in_dim3A_1763 : vector<1x1xf32> to vector<1x128xf32>
      %max3A_1812 = arith.maximumf %slice3A_783, %max3A_1811 : vector<1x128xf32>
      %sub3A_1813 = arith.subf %min3A_1810, %max3A_1812 : vector<1x128xf32>
      %add3A_1814 = arith.constant 1.000000e+00 : f32
      %add3A_1815 = vector.broadcast %add3A_1814 : f32 to vector<1x128xf32>
      %add3A_1816 = arith.addf %sub3A_1813, %add3A_1815 : vector<1x128xf32>
      %max3A_1817 = arith.constant 0.000000e+00 : f32
      %max3A_1818 = vector.broadcast %max3A_1817 : f32 to vector<1x128xf32>
      %max3A_1819 = arith.maximumf %add3A_1816, %max3A_1818 : vector<1x128xf32>
      %min3A_1820 = vector.broadcast %broadcast_in_dim3A_1790 : vector<1x1xf32> to vector<1x128xf32>
      %min3A_1821 = arith.minimumf %slice3A_786, %min3A_1820 : vector<1x128xf32>
      %max3A_1822 = vector.broadcast %broadcast_in_dim3A_1772 : vector<1x1xf32> to vector<1x128xf32>
      %max3A_1823 = arith.maximumf %slice3A_784, %max3A_1822 : vector<1x128xf32>
      %sub3A_1824 = arith.subf %min3A_1821, %max3A_1823 : vector<1x128xf32>
      %add3A_1825 = arith.constant 1.000000e+00 : f32
      %add3A_1826 = vector.broadcast %add3A_1825 : f32 to vector<1x128xf32>
      %add3A_1827 = arith.addf %sub3A_1824, %add3A_1826 : vector<1x128xf32>
      %max3A_1828 = arith.constant 0.000000e+00 : f32
      %max3A_1829 = vector.broadcast %max3A_1828 : f32 to vector<1x128xf32>
      %max3A_1830 = arith.maximumf %add3A_1827, %max3A_1829 : vector<1x128xf32>
      %mul3A_1831 = arith.mulf %max3A_1819, %max3A_1830 : vector<1x128xf32>
      %add3A_1832 = vector.broadcast %broadcast_in_dim3A_1799 : vector<1x1xf32> to vector<1x128xf32>
      %add3A_1833 = arith.addf %slice3A_787, %add3A_1832 : vector<1x128xf32>
      %sub3A_1834 = arith.subf %add3A_1833, %mul3A_1831 : vector<1x128xf32>
      %div3A_1835 = arith.divf %mul3A_1831, %sub3A_1834 : vector<1x128xf32>
      %gt3A_1836 = arith.constant 0.699999988 : f32
      %gt3A_1837 = vector.broadcast %gt3A_1836 : f32 to vector<1x128xf32>
      %gt3A_1838 = arith.cmpf ogt, %div3A_1835, %gt3A_1837 : vector<1x128xf32>
      %gt3A_1839 = vector.broadcast %scan3A_1751 : i32 to vector<1x128xi32>
      %gt3A_1840 = arith.cmpi sgt, %iota3A, %gt3A_1839 : vector<1x128xi32>
      %and3A_1841 = arith.andi %gt3A_1838, %gt3A_1840 : vector<1x128xi1>
      %gt3A_1842 = arith.constant 5.000000e-01 : f32
      %gt3A_1843 = vector.broadcast %gt3A_1842 : f32 to vector<1x1xf32>
      %gt3A_1844 = arith.cmpf ogt, %broadcast_in_dim3A_1808, %gt3A_1843 : vector<1x1xf32>
      %and3A_1845 = vector.broadcast %gt3A_1844 : vector<1x1xi1> to vector<1x128xi1>
      %and3A_1846 = arith.andi %and3A_1841, %and3A_1845 : vector<1x128xi1>
      %jit3A_1847 = arith.constant 0.000000e+00 : f32
      %jit3A_1848 = arith.constant 1.000000e+00 : f32
      %broadcast_in_dim3A_1849 = vector.broadcast %jit3A_1847 : f32 to vector<1x128xf32>
      %broadcast_in_dim3A_1850 = vector.broadcast %jit3A_1848 : f32 to vector<1x128xf32>
      %select_n3A_1851 = arith.select %and3A_1846, %broadcast_in_dim3A_1849, %broadcast_in_dim3A_1850 : vector<1x128xi1>, vector<1x128xf32>
      %mul3A_1852 = arith.mulf %scan3A_1752, %select_n3A_1851 : vector<1x128xf32>
      scf.yield %mul3A_1852 : vector<1x128xf32>
    }
    %scan3A_794 = arith.constant 128 : i32
    %gt3A_795 = arith.constant 5.000000e-01 : f32
    %gt3A_796 = vector.broadcast %gt3A_795 : f32 to vector<1x128xf32>
    %gt3A_797 = arith.cmpf ogt, %scan3A_793, %gt3A_796 : vector<1x128xf32>
    %and3A_798 = vector.broadcast %gt3A_797 : vector<1x128xi1> to vector<128x128xi1>
    %and3A_799 = arith.andi %eq3A, %and3A_798 : vector<128x128xi1>
    %jit3A_800 = arith.constant 1.000000e+00 : f32
    %jit3A_801 = arith.constant 0.000000e+00 : f32
    %broadcast_in_dim3A_802 = vector.broadcast %jit3A_800 : f32 to vector<128x128xf32>
    %broadcast_in_dim3A_803 = vector.broadcast %jit3A_801 : f32 to vector<128x128xf32>
    %select_n3A_804 = arith.select %and3A_799, %broadcast_in_dim3A_802, %broadcast_in_dim3A_803 : vector<128x128xi1>, vector<128x128xf32>
    %reduce_max3A_805 = arith.constant dense<0xFF800000> : vector<128xf32>
    %reduce_max3A_806 = vector.multi_reduction <maximumf>, %select_n3A_804, %reduce_max3A_805 [1] : vector<128x128xf32> to vector<128xf32>
    %broadcast_in_dim3A_807 = vector.shape_cast %reduce_max3A_806 : vector<128xf32> to vector<128x1xf32>
    %slice3A_808 = vector.extract_strided_slice %min3A_156 {offsets = [0, 6], sizes = [128, 1], strides = [1, 1]} : vector<128x16xf32> to vector<128x1xf32>
    %slice3A_809 = vector.extract_strided_slice %min3A_166 {offsets = [0, 6], sizes = [128, 1], strides = [1, 1]} : vector<128x16xf32> to vector<128x1xf32>
    %slice3A_810 = vector.extract_strided_slice %min3A_179 {offsets = [0, 6], sizes = [128, 1], strides = [1, 1]} : vector<128x16xf32> to vector<128x1xf32>
    %slice3A_811 = vector.extract_strided_slice %min3A_192 {offsets = [0, 6], sizes = [128, 1], strides = [1, 1]} : vector<128x16xf32> to vector<128x1xf32>
    %slice3A_812 = vector.extract_strided_slice %mul3A_215 {offsets = [0, 6], sizes = [128, 1], strides = [1, 1]} : vector<128x16xf32> to vector<128x1xf32>
    %min3A_813 = vector.broadcast %min3A_76 : vector<1x2048xf32> to vector<128x2048xf32>
    %min3A_814 = vector.broadcast %slice3A_810 : vector<128x1xf32> to vector<128x2048xf32>
    %min3A_815 = arith.minimumf %min3A_813, %min3A_814 : vector<128x2048xf32>
    %max3A_816 = vector.broadcast %min3A_53 : vector<1x2048xf32> to vector<128x2048xf32>
    %max3A_817 = vector.broadcast %slice3A_808 : vector<128x1xf32> to vector<128x2048xf32>
    %max3A_818 = arith.maximumf %max3A_816, %max3A_817 : vector<128x2048xf32>
    %sub3A_819 = arith.subf %min3A_815, %max3A_818 : vector<128x2048xf32>
    %add3A_820 = arith.constant 1.000000e+00 : f32
    %add3A_821 = vector.broadcast %add3A_820 : f32 to vector<128x2048xf32>
    %add3A_822 = arith.addf %sub3A_819, %add3A_821 : vector<128x2048xf32>
    %max3A_823 = arith.constant 0.000000e+00 : f32
    %max3A_824 = vector.broadcast %max3A_823 : f32 to vector<128x2048xf32>
    %max3A_825 = arith.maximumf %add3A_822, %max3A_824 : vector<128x2048xf32>
    %min3A_826 = vector.broadcast %min3A_89 : vector<1x2048xf32> to vector<128x2048xf32>
    %min3A_827 = vector.broadcast %slice3A_811 : vector<128x1xf32> to vector<128x2048xf32>
    %min3A_828 = arith.minimumf %min3A_826, %min3A_827 : vector<128x2048xf32>
    %max3A_829 = vector.broadcast %min3A_63 : vector<1x2048xf32> to vector<128x2048xf32>
    %max3A_830 = vector.broadcast %slice3A_809 : vector<128x1xf32> to vector<128x2048xf32>
    %max3A_831 = arith.maximumf %max3A_829, %max3A_830 : vector<128x2048xf32>
    %sub3A_832 = arith.subf %min3A_828, %max3A_831 : vector<128x2048xf32>
    %add3A_833 = arith.constant 1.000000e+00 : f32
    %add3A_834 = vector.broadcast %add3A_833 : f32 to vector<128x2048xf32>
    %add3A_835 = arith.addf %sub3A_832, %add3A_834 : vector<128x2048xf32>
    %max3A_836 = arith.constant 0.000000e+00 : f32
    %max3A_837 = vector.broadcast %max3A_836 : f32 to vector<128x2048xf32>
    %max3A_838 = arith.maximumf %add3A_835, %max3A_837 : vector<128x2048xf32>
    %mul3A_839 = arith.mulf %max3A_825, %max3A_838 : vector<128x2048xf32>
    %add3A_840 = vector.broadcast %mul3A_206 : vector<1x2048xf32> to vector<128x2048xf32>
    %add3A_841 = vector.broadcast %slice3A_812 : vector<128x1xf32> to vector<128x2048xf32>
    %add3A_842 = arith.addf %add3A_840, %add3A_841 : vector<128x2048xf32>
    %sub3A_843 = arith.subf %add3A_842, %mul3A_839 : vector<128x2048xf32>
    %div3A_844 = arith.divf %mul3A_839, %sub3A_843 : vector<128x2048xf32>
    %gt3A_845 = arith.constant 0.699999988 : f32
    %gt3A_846 = vector.broadcast %gt3A_845 : f32 to vector<128x2048xf32>
    %gt3A_847 = arith.cmpf ogt, %div3A_844, %gt3A_846 : vector<128x2048xf32>
    %ge3A_848 = arith.constant 896 : i32
    %ge3A_849 = vector.broadcast %ge3A_848 : i32 to vector<1x2048xi32>
    %ge3A_850 = arith.cmpi sge, %iota3A_216, %ge3A_849 : vector<1x2048xi32>
    %and3A_851 = vector.broadcast %ge3A_850 : vector<1x2048xi1> to vector<128x2048xi1>
    %and3A_852 = arith.andi %gt3A_847, %and3A_851 : vector<128x2048xi1>
    %gt3A_853 = arith.constant 5.000000e-01 : f32
    %gt3A_854 = vector.broadcast %gt3A_853 : f32 to vector<128x1xf32>
    %gt3A_855 = arith.cmpf ogt, %broadcast_in_dim3A_807, %gt3A_854 : vector<128x1xf32>
    %and3A_856 = vector.broadcast %gt3A_855 : vector<128x1xi1> to vector<128x2048xi1>
    %and3A_857 = arith.andi %and3A_852, %and3A_856 : vector<128x2048xi1>
    %jit3A_858 = arith.constant 1.000000e+00 : f32
    %jit3A_859 = arith.constant 0.000000e+00 : f32
    %broadcast_in_dim3A_860 = vector.broadcast %jit3A_858 : f32 to vector<128x2048xf32>
    %broadcast_in_dim3A_861 = vector.broadcast %jit3A_859 : f32 to vector<128x2048xf32>
    %select_n3A_862 = arith.select %and3A_857, %broadcast_in_dim3A_860, %broadcast_in_dim3A_861 : vector<128x2048xi1>, vector<128x2048xf32>
    %reduce_max3A_863 = arith.constant dense<0xFF800000> : vector<2048xf32>
    %reduce_max3A_864 = vector.multi_reduction <maximumf>, %select_n3A_862, %reduce_max3A_863 [0] : vector<128x2048xf32> to vector<2048xf32>
    %broadcast_in_dim3A_865 = vector.shape_cast %reduce_max3A_864 : vector<2048xf32> to vector<1x2048xf32>
    %slice3A_866 = vector.extract_strided_slice %mul3A_782 {offsets = [0, 0], sizes = [1, 768], strides = [1, 1]} : vector<1x2048xf32> to vector<1x768xf32>
    %slice3A_867 = vector.extract_strided_slice %mul3A_782 {offsets = [0, 896], sizes = [1, 1152], strides = [1, 1]} : vector<1x2048xf32> to vector<1x1152xf32>
    %concatenate3A_868 = tpu.concatenate %slice3A_866, %scan3A_793, %slice3A_867 in 1 : vector<1x768xf32>, vector<1x128xf32>, vector<1x1152xf32> -> vector<1x2048xf32>
    %gt3A_869 = arith.constant 5.000000e-01 : f32
    %gt3A_870 = vector.broadcast %gt3A_869 : f32 to vector<1x2048xf32>
    %gt3A_871 = arith.cmpf ogt, %broadcast_in_dim3A_865, %gt3A_870 : vector<1x2048xf32>
    %jit3A_872 = arith.constant 0.000000e+00 : f32
    %jit3A_873 = arith.constant 1.000000e+00 : f32
    %broadcast_in_dim3A_874 = vector.broadcast %jit3A_872 : f32 to vector<1x2048xf32>
    %broadcast_in_dim3A_875 = vector.broadcast %jit3A_873 : f32 to vector<1x2048xf32>
    %select_n3A_876 = arith.select %gt3A_871, %broadcast_in_dim3A_874, %broadcast_in_dim3A_875 : vector<1x2048xi1>, vector<1x2048xf32>
    %mul3A_877 = arith.mulf %concatenate3A_868, %select_n3A_876 : vector<1x2048xf32>
    %slice3A_878 = vector.extract_strided_slice %min3A_53 {offsets = [0, 896], sizes = [1, 128], strides = [1, 1]} : vector<1x2048xf32> to vector<1x128xf32>
    %slice3A_879 = vector.extract_strided_slice %min3A_63 {offsets = [0, 896], sizes = [1, 128], strides = [1, 1]} : vector<1x2048xf32> to vector<1x128xf32>
    %slice3A_880 = vector.extract_strided_slice %min3A_76 {offsets = [0, 896], sizes = [1, 128], strides = [1, 1]} : vector<1x2048xf32> to vector<1x128xf32>
    %slice3A_881 = vector.extract_strided_slice %min3A_89 {offsets = [0, 896], sizes = [1, 128], strides = [1, 1]} : vector<1x2048xf32> to vector<1x128xf32>
    %slice3A_882 = vector.extract_strided_slice %mul3A_206 {offsets = [0, 896], sizes = [1, 128], strides = [1, 1]} : vector<1x2048xf32> to vector<1x128xf32>
    %slice3A_883 = vector.extract_strided_slice %mul3A_877 {offsets = [0, 896], sizes = [1, 128], strides = [1, 1]} : vector<1x2048xf32> to vector<1x128xf32>
    %scan3A_884 = arith.constant 0 : i32
    %scan3A_885 = arith.constant 128 : i32
    %scan3A_886 = arith.addi %scan3A_884, %scan3A_885 : i32
    %scan3A_887 = arith.constant 1 : i32
    %scan3A_888 = scf.for %scan3A_1751 = %scan3A_884 to %scan3A_886 step %scan3A_887 iter_args(%scan3A_1752 = %slice3A_883) -> (vector<1x128xf32>)  : i32 {
      %eq3A_1753 = vector.broadcast %scan3A_1751 : i32 to vector<1x128xi32>
      %eq3A_1754 = arith.cmpi eq, %iota3A, %eq3A_1753 : vector<1x128xi32>
      %jit3A_1755 = arith.constant -1.000000e+30 : f32
      %broadcast_in_dim3A_1756 = vector.broadcast %jit3A_1755 : f32 to vector<1x128xf32>
      %select_n3A_1757 = arith.select %eq3A_1754, %slice3A_878, %broadcast_in_dim3A_1756 : vector<1x128xi1>, vector<1x128xf32>
      %reduce_max3A_1758 = vector.shape_cast %select_n3A_1757 : vector<1x128xf32> to vector<1x1x128xf32>
      %reduce_max3A_1759 = arith.constant dense<0xFF800000> : vector<1xf32>
      %reduce_max3A_1760 = vector.multi_reduction <maximumf>, %reduce_max3A_1758, %reduce_max3A_1759 [1, 2] : vector<1x1x128xf32> to vector<1xf32>
      %reduce_max3A_1761 = vector.shape_cast %reduce_max3A_1760 : vector<1xf32> to vector<1x1x1xf32>
      %reduce_max3A_1762 = vector.extract %reduce_max3A_1761[0, 0, 0] : f32 from vector<1x1x1xf32>
      %broadcast_in_dim3A_1763 = vector.broadcast %reduce_max3A_1762 : f32 to vector<1x1xf32>
      %jit3A_1764 = arith.constant -1.000000e+30 : f32
      %broadcast_in_dim3A_1765 = vector.broadcast %jit3A_1764 : f32 to vector<1x128xf32>
      %select_n3A_1766 = arith.select %eq3A_1754, %slice3A_879, %broadcast_in_dim3A_1765 : vector<1x128xi1>, vector<1x128xf32>
      %reduce_max3A_1767 = vector.shape_cast %select_n3A_1766 : vector<1x128xf32> to vector<1x1x128xf32>
      %reduce_max3A_1768 = arith.constant dense<0xFF800000> : vector<1xf32>
      %reduce_max3A_1769 = vector.multi_reduction <maximumf>, %reduce_max3A_1767, %reduce_max3A_1768 [1, 2] : vector<1x1x128xf32> to vector<1xf32>
      %reduce_max3A_1770 = vector.shape_cast %reduce_max3A_1769 : vector<1xf32> to vector<1x1x1xf32>
      %reduce_max3A_1771 = vector.extract %reduce_max3A_1770[0, 0, 0] : f32 from vector<1x1x1xf32>
      %broadcast_in_dim3A_1772 = vector.broadcast %reduce_max3A_1771 : f32 to vector<1x1xf32>
      %jit3A_1773 = arith.constant -1.000000e+30 : f32
      %broadcast_in_dim3A_1774 = vector.broadcast %jit3A_1773 : f32 to vector<1x128xf32>
      %select_n3A_1775 = arith.select %eq3A_1754, %slice3A_880, %broadcast_in_dim3A_1774 : vector<1x128xi1>, vector<1x128xf32>
      %reduce_max3A_1776 = vector.shape_cast %select_n3A_1775 : vector<1x128xf32> to vector<1x1x128xf32>
      %reduce_max3A_1777 = arith.constant dense<0xFF800000> : vector<1xf32>
      %reduce_max3A_1778 = vector.multi_reduction <maximumf>, %reduce_max3A_1776, %reduce_max3A_1777 [1, 2] : vector<1x1x128xf32> to vector<1xf32>
      %reduce_max3A_1779 = vector.shape_cast %reduce_max3A_1778 : vector<1xf32> to vector<1x1x1xf32>
      %reduce_max3A_1780 = vector.extract %reduce_max3A_1779[0, 0, 0] : f32 from vector<1x1x1xf32>
      %broadcast_in_dim3A_1781 = vector.broadcast %reduce_max3A_1780 : f32 to vector<1x1xf32>
      %jit3A_1782 = arith.constant -1.000000e+30 : f32
      %broadcast_in_dim3A_1783 = vector.broadcast %jit3A_1782 : f32 to vector<1x128xf32>
      %select_n3A_1784 = arith.select %eq3A_1754, %slice3A_881, %broadcast_in_dim3A_1783 : vector<1x128xi1>, vector<1x128xf32>
      %reduce_max3A_1785 = vector.shape_cast %select_n3A_1784 : vector<1x128xf32> to vector<1x1x128xf32>
      %reduce_max3A_1786 = arith.constant dense<0xFF800000> : vector<1xf32>
      %reduce_max3A_1787 = vector.multi_reduction <maximumf>, %reduce_max3A_1785, %reduce_max3A_1786 [1, 2] : vector<1x1x128xf32> to vector<1xf32>
      %reduce_max3A_1788 = vector.shape_cast %reduce_max3A_1787 : vector<1xf32> to vector<1x1x1xf32>
      %reduce_max3A_1789 = vector.extract %reduce_max3A_1788[0, 0, 0] : f32 from vector<1x1x1xf32>
      %broadcast_in_dim3A_1790 = vector.broadcast %reduce_max3A_1789 : f32 to vector<1x1xf32>
      %jit3A_1791 = arith.constant -1.000000e+30 : f32
      %broadcast_in_dim3A_1792 = vector.broadcast %jit3A_1791 : f32 to vector<1x128xf32>
      %select_n3A_1793 = arith.select %eq3A_1754, %slice3A_882, %broadcast_in_dim3A_1792 : vector<1x128xi1>, vector<1x128xf32>
      %reduce_max3A_1794 = vector.shape_cast %select_n3A_1793 : vector<1x128xf32> to vector<1x1x128xf32>
      %reduce_max3A_1795 = arith.constant dense<0xFF800000> : vector<1xf32>
      %reduce_max3A_1796 = vector.multi_reduction <maximumf>, %reduce_max3A_1794, %reduce_max3A_1795 [1, 2] : vector<1x1x128xf32> to vector<1xf32>
      %reduce_max3A_1797 = vector.shape_cast %reduce_max3A_1796 : vector<1xf32> to vector<1x1x1xf32>
      %reduce_max3A_1798 = vector.extract %reduce_max3A_1797[0, 0, 0] : f32 from vector<1x1x1xf32>
      %broadcast_in_dim3A_1799 = vector.broadcast %reduce_max3A_1798 : f32 to vector<1x1xf32>
      %jit3A_1800 = arith.constant 0.000000e+00 : f32
      %broadcast_in_dim3A_1801 = vector.broadcast %jit3A_1800 : f32 to vector<1x128xf32>
      %select_n3A_1802 = arith.select %eq3A_1754, %scan3A_1752, %broadcast_in_dim3A_1801 : vector<1x128xi1>, vector<1x128xf32>
      %reduce_max3A_1803 = vector.shape_cast %select_n3A_1802 : vector<1x128xf32> to vector<1x1x128xf32>
      %reduce_max3A_1804 = arith.constant dense<0xFF800000> : vector<1xf32>
      %reduce_max3A_1805 = vector.multi_reduction <maximumf>, %reduce_max3A_1803, %reduce_max3A_1804 [1, 2] : vector<1x1x128xf32> to vector<1xf32>
      %reduce_max3A_1806 = vector.shape_cast %reduce_max3A_1805 : vector<1xf32> to vector<1x1x1xf32>
      %reduce_max3A_1807 = vector.extract %reduce_max3A_1806[0, 0, 0] : f32 from vector<1x1x1xf32>
      %broadcast_in_dim3A_1808 = vector.broadcast %reduce_max3A_1807 : f32 to vector<1x1xf32>
      %min3A_1809 = vector.broadcast %broadcast_in_dim3A_1781 : vector<1x1xf32> to vector<1x128xf32>
      %min3A_1810 = arith.minimumf %slice3A_880, %min3A_1809 : vector<1x128xf32>
      %max3A_1811 = vector.broadcast %broadcast_in_dim3A_1763 : vector<1x1xf32> to vector<1x128xf32>
      %max3A_1812 = arith.maximumf %slice3A_878, %max3A_1811 : vector<1x128xf32>
      %sub3A_1813 = arith.subf %min3A_1810, %max3A_1812 : vector<1x128xf32>
      %add3A_1814 = arith.constant 1.000000e+00 : f32
      %add3A_1815 = vector.broadcast %add3A_1814 : f32 to vector<1x128xf32>
      %add3A_1816 = arith.addf %sub3A_1813, %add3A_1815 : vector<1x128xf32>
      %max3A_1817 = arith.constant 0.000000e+00 : f32
      %max3A_1818 = vector.broadcast %max3A_1817 : f32 to vector<1x128xf32>
      %max3A_1819 = arith.maximumf %add3A_1816, %max3A_1818 : vector<1x128xf32>
      %min3A_1820 = vector.broadcast %broadcast_in_dim3A_1790 : vector<1x1xf32> to vector<1x128xf32>
      %min3A_1821 = arith.minimumf %slice3A_881, %min3A_1820 : vector<1x128xf32>
      %max3A_1822 = vector.broadcast %broadcast_in_dim3A_1772 : vector<1x1xf32> to vector<1x128xf32>
      %max3A_1823 = arith.maximumf %slice3A_879, %max3A_1822 : vector<1x128xf32>
      %sub3A_1824 = arith.subf %min3A_1821, %max3A_1823 : vector<1x128xf32>
      %add3A_1825 = arith.constant 1.000000e+00 : f32
      %add3A_1826 = vector.broadcast %add3A_1825 : f32 to vector<1x128xf32>
      %add3A_1827 = arith.addf %sub3A_1824, %add3A_1826 : vector<1x128xf32>
      %max3A_1828 = arith.constant 0.000000e+00 : f32
      %max3A_1829 = vector.broadcast %max3A_1828 : f32 to vector<1x128xf32>
      %max3A_1830 = arith.maximumf %add3A_1827, %max3A_1829 : vector<1x128xf32>
      %mul3A_1831 = arith.mulf %max3A_1819, %max3A_1830 : vector<1x128xf32>
      %add3A_1832 = vector.broadcast %broadcast_in_dim3A_1799 : vector<1x1xf32> to vector<1x128xf32>
      %add3A_1833 = arith.addf %slice3A_882, %add3A_1832 : vector<1x128xf32>
      %sub3A_1834 = arith.subf %add3A_1833, %mul3A_1831 : vector<1x128xf32>
      %div3A_1835 = arith.divf %mul3A_1831, %sub3A_1834 : vector<1x128xf32>
      %gt3A_1836 = arith.constant 0.699999988 : f32
      %gt3A_1837 = vector.broadcast %gt3A_1836 : f32 to vector<1x128xf32>
      %gt3A_1838 = arith.cmpf ogt, %div3A_1835, %gt3A_1837 : vector<1x128xf32>
      %gt3A_1839 = vector.broadcast %scan3A_1751 : i32 to vector<1x128xi32>
      %gt3A_1840 = arith.cmpi sgt, %iota3A, %gt3A_1839 : vector<1x128xi32>
      %and3A_1841 = arith.andi %gt3A_1838, %gt3A_1840 : vector<1x128xi1>
      %gt3A_1842 = arith.constant 5.000000e-01 : f32
      %gt3A_1843 = vector.broadcast %gt3A_1842 : f32 to vector<1x1xf32>
      %gt3A_1844 = arith.cmpf ogt, %broadcast_in_dim3A_1808, %gt3A_1843 : vector<1x1xf32>
      %and3A_1845 = vector.broadcast %gt3A_1844 : vector<1x1xi1> to vector<1x128xi1>
      %and3A_1846 = arith.andi %and3A_1841, %and3A_1845 : vector<1x128xi1>
      %jit3A_1847 = arith.constant 0.000000e+00 : f32
      %jit3A_1848 = arith.constant 1.000000e+00 : f32
      %broadcast_in_dim3A_1849 = vector.broadcast %jit3A_1847 : f32 to vector<1x128xf32>
      %broadcast_in_dim3A_1850 = vector.broadcast %jit3A_1848 : f32 to vector<1x128xf32>
      %select_n3A_1851 = arith.select %and3A_1846, %broadcast_in_dim3A_1849, %broadcast_in_dim3A_1850 : vector<1x128xi1>, vector<1x128xf32>
      %mul3A_1852 = arith.mulf %scan3A_1752, %select_n3A_1851 : vector<1x128xf32>
      scf.yield %mul3A_1852 : vector<1x128xf32>
    }
    %scan3A_889 = arith.constant 128 : i32
    %gt3A_890 = arith.constant 5.000000e-01 : f32
    %gt3A_891 = vector.broadcast %gt3A_890 : f32 to vector<1x128xf32>
    %gt3A_892 = arith.cmpf ogt, %scan3A_888, %gt3A_891 : vector<1x128xf32>
    %and3A_893 = vector.broadcast %gt3A_892 : vector<1x128xi1> to vector<128x128xi1>
    %and3A_894 = arith.andi %eq3A, %and3A_893 : vector<128x128xi1>
    %jit3A_895 = arith.constant 1.000000e+00 : f32
    %jit3A_896 = arith.constant 0.000000e+00 : f32
    %broadcast_in_dim3A_897 = vector.broadcast %jit3A_895 : f32 to vector<128x128xf32>
    %broadcast_in_dim3A_898 = vector.broadcast %jit3A_896 : f32 to vector<128x128xf32>
    %select_n3A_899 = arith.select %and3A_894, %broadcast_in_dim3A_897, %broadcast_in_dim3A_898 : vector<128x128xi1>, vector<128x128xf32>
    %reduce_max3A_900 = arith.constant dense<0xFF800000> : vector<128xf32>
    %reduce_max3A_901 = vector.multi_reduction <maximumf>, %select_n3A_899, %reduce_max3A_900 [1] : vector<128x128xf32> to vector<128xf32>
    %broadcast_in_dim3A_902 = vector.shape_cast %reduce_max3A_901 : vector<128xf32> to vector<128x1xf32>
    %slice3A_903 = vector.extract_strided_slice %min3A_156 {offsets = [0, 7], sizes = [128, 1], strides = [1, 1]} : vector<128x16xf32> to vector<128x1xf32>
    %slice3A_904 = vector.extract_strided_slice %min3A_166 {offsets = [0, 7], sizes = [128, 1], strides = [1, 1]} : vector<128x16xf32> to vector<128x1xf32>
    %slice3A_905 = vector.extract_strided_slice %min3A_179 {offsets = [0, 7], sizes = [128, 1], strides = [1, 1]} : vector<128x16xf32> to vector<128x1xf32>
    %slice3A_906 = vector.extract_strided_slice %min3A_192 {offsets = [0, 7], sizes = [128, 1], strides = [1, 1]} : vector<128x16xf32> to vector<128x1xf32>
    %slice3A_907 = vector.extract_strided_slice %mul3A_215 {offsets = [0, 7], sizes = [128, 1], strides = [1, 1]} : vector<128x16xf32> to vector<128x1xf32>
    %min3A_908 = vector.broadcast %min3A_76 : vector<1x2048xf32> to vector<128x2048xf32>
    %min3A_909 = vector.broadcast %slice3A_905 : vector<128x1xf32> to vector<128x2048xf32>
    %min3A_910 = arith.minimumf %min3A_908, %min3A_909 : vector<128x2048xf32>
    %max3A_911 = vector.broadcast %min3A_53 : vector<1x2048xf32> to vector<128x2048xf32>
    %max3A_912 = vector.broadcast %slice3A_903 : vector<128x1xf32> to vector<128x2048xf32>
    %max3A_913 = arith.maximumf %max3A_911, %max3A_912 : vector<128x2048xf32>
    %sub3A_914 = arith.subf %min3A_910, %max3A_913 : vector<128x2048xf32>
    %add3A_915 = arith.constant 1.000000e+00 : f32
    %add3A_916 = vector.broadcast %add3A_915 : f32 to vector<128x2048xf32>
    %add3A_917 = arith.addf %sub3A_914, %add3A_916 : vector<128x2048xf32>
    %max3A_918 = arith.constant 0.000000e+00 : f32
    %max3A_919 = vector.broadcast %max3A_918 : f32 to vector<128x2048xf32>
    %max3A_920 = arith.maximumf %add3A_917, %max3A_919 : vector<128x2048xf32>
    %min3A_921 = vector.broadcast %min3A_89 : vector<1x2048xf32> to vector<128x2048xf32>
    %min3A_922 = vector.broadcast %slice3A_906 : vector<128x1xf32> to vector<128x2048xf32>
    %min3A_923 = arith.minimumf %min3A_921, %min3A_922 : vector<128x2048xf32>
    %max3A_924 = vector.broadcast %min3A_63 : vector<1x2048xf32> to vector<128x2048xf32>
    %max3A_925 = vector.broadcast %slice3A_904 : vector<128x1xf32> to vector<128x2048xf32>
    %max3A_926 = arith.maximumf %max3A_924, %max3A_925 : vector<128x2048xf32>
    %sub3A_927 = arith.subf %min3A_923, %max3A_926 : vector<128x2048xf32>
    %add3A_928 = arith.constant 1.000000e+00 : f32
    %add3A_929 = vector.broadcast %add3A_928 : f32 to vector<128x2048xf32>
    %add3A_930 = arith.addf %sub3A_927, %add3A_929 : vector<128x2048xf32>
    %max3A_931 = arith.constant 0.000000e+00 : f32
    %max3A_932 = vector.broadcast %max3A_931 : f32 to vector<128x2048xf32>
    %max3A_933 = arith.maximumf %add3A_930, %max3A_932 : vector<128x2048xf32>
    %mul3A_934 = arith.mulf %max3A_920, %max3A_933 : vector<128x2048xf32>
    %add3A_935 = vector.broadcast %mul3A_206 : vector<1x2048xf32> to vector<128x2048xf32>
    %add3A_936 = vector.broadcast %slice3A_907 : vector<128x1xf32> to vector<128x2048xf32>
    %add3A_937 = arith.addf %add3A_935, %add3A_936 : vector<128x2048xf32>
    %sub3A_938 = arith.subf %add3A_937, %mul3A_934 : vector<128x2048xf32>
    %div3A_939 = arith.divf %mul3A_934, %sub3A_938 : vector<128x2048xf32>
    %gt3A_940 = arith.constant 0.699999988 : f32
    %gt3A_941 = vector.broadcast %gt3A_940 : f32 to vector<128x2048xf32>
    %gt3A_942 = arith.cmpf ogt, %div3A_939, %gt3A_941 : vector<128x2048xf32>
    %ge3A_943 = arith.constant 1024 : i32
    %ge3A_944 = vector.broadcast %ge3A_943 : i32 to vector<1x2048xi32>
    %ge3A_945 = arith.cmpi sge, %iota3A_216, %ge3A_944 : vector<1x2048xi32>
    %and3A_946 = vector.broadcast %ge3A_945 : vector<1x2048xi1> to vector<128x2048xi1>
    %and3A_947 = arith.andi %gt3A_942, %and3A_946 : vector<128x2048xi1>
    %gt3A_948 = arith.constant 5.000000e-01 : f32
    %gt3A_949 = vector.broadcast %gt3A_948 : f32 to vector<128x1xf32>
    %gt3A_950 = arith.cmpf ogt, %broadcast_in_dim3A_902, %gt3A_949 : vector<128x1xf32>
    %and3A_951 = vector.broadcast %gt3A_950 : vector<128x1xi1> to vector<128x2048xi1>
    %and3A_952 = arith.andi %and3A_947, %and3A_951 : vector<128x2048xi1>
    %jit3A_953 = arith.constant 1.000000e+00 : f32
    %jit3A_954 = arith.constant 0.000000e+00 : f32
    %broadcast_in_dim3A_955 = vector.broadcast %jit3A_953 : f32 to vector<128x2048xf32>
    %broadcast_in_dim3A_956 = vector.broadcast %jit3A_954 : f32 to vector<128x2048xf32>
    %select_n3A_957 = arith.select %and3A_952, %broadcast_in_dim3A_955, %broadcast_in_dim3A_956 : vector<128x2048xi1>, vector<128x2048xf32>
    %reduce_max3A_958 = arith.constant dense<0xFF800000> : vector<2048xf32>
    %reduce_max3A_959 = vector.multi_reduction <maximumf>, %select_n3A_957, %reduce_max3A_958 [0] : vector<128x2048xf32> to vector<2048xf32>
    %broadcast_in_dim3A_960 = vector.shape_cast %reduce_max3A_959 : vector<2048xf32> to vector<1x2048xf32>
    %slice3A_961 = vector.extract_strided_slice %mul3A_877 {offsets = [0, 0], sizes = [1, 896], strides = [1, 1]} : vector<1x2048xf32> to vector<1x896xf32>
    %slice3A_962 = vector.extract_strided_slice %mul3A_877 {offsets = [0, 1024], sizes = [1, 1024], strides = [1, 1]} : vector<1x2048xf32> to vector<1x1024xf32>
    %concatenate3A_963 = tpu.concatenate %slice3A_961, %scan3A_888, %slice3A_962 in 1 : vector<1x896xf32>, vector<1x128xf32>, vector<1x1024xf32> -> vector<1x2048xf32>
    %gt3A_964 = arith.constant 5.000000e-01 : f32
    %gt3A_965 = vector.broadcast %gt3A_964 : f32 to vector<1x2048xf32>
    %gt3A_966 = arith.cmpf ogt, %broadcast_in_dim3A_960, %gt3A_965 : vector<1x2048xf32>
    %jit3A_967 = arith.constant 0.000000e+00 : f32
    %jit3A_968 = arith.constant 1.000000e+00 : f32
    %broadcast_in_dim3A_969 = vector.broadcast %jit3A_967 : f32 to vector<1x2048xf32>
    %broadcast_in_dim3A_970 = vector.broadcast %jit3A_968 : f32 to vector<1x2048xf32>
    %select_n3A_971 = arith.select %gt3A_966, %broadcast_in_dim3A_969, %broadcast_in_dim3A_970 : vector<1x2048xi1>, vector<1x2048xf32>
    %mul3A_972 = arith.mulf %concatenate3A_963, %select_n3A_971 : vector<1x2048xf32>
    %slice3A_973 = vector.extract_strided_slice %min3A_53 {offsets = [0, 1024], sizes = [1, 128], strides = [1, 1]} : vector<1x2048xf32> to vector<1x128xf32>
    %slice3A_974 = vector.extract_strided_slice %min3A_63 {offsets = [0, 1024], sizes = [1, 128], strides = [1, 1]} : vector<1x2048xf32> to vector<1x128xf32>
    %slice3A_975 = vector.extract_strided_slice %min3A_76 {offsets = [0, 1024], sizes = [1, 128], strides = [1, 1]} : vector<1x2048xf32> to vector<1x128xf32>
    %slice3A_976 = vector.extract_strided_slice %min3A_89 {offsets = [0, 1024], sizes = [1, 128], strides = [1, 1]} : vector<1x2048xf32> to vector<1x128xf32>
    %slice3A_977 = vector.extract_strided_slice %mul3A_206 {offsets = [0, 1024], sizes = [1, 128], strides = [1, 1]} : vector<1x2048xf32> to vector<1x128xf32>
    %slice3A_978 = vector.extract_strided_slice %mul3A_972 {offsets = [0, 1024], sizes = [1, 128], strides = [1, 1]} : vector<1x2048xf32> to vector<1x128xf32>
    %scan3A_979 = arith.constant 0 : i32
    %scan3A_980 = arith.constant 128 : i32
    %scan3A_981 = arith.addi %scan3A_979, %scan3A_980 : i32
    %scan3A_982 = arith.constant 1 : i32
    %scan3A_983 = scf.for %scan3A_1751 = %scan3A_979 to %scan3A_981 step %scan3A_982 iter_args(%scan3A_1752 = %slice3A_978) -> (vector<1x128xf32>)  : i32 {
      %eq3A_1753 = vector.broadcast %scan3A_1751 : i32 to vector<1x128xi32>
      %eq3A_1754 = arith.cmpi eq, %iota3A, %eq3A_1753 : vector<1x128xi32>
      %jit3A_1755 = arith.constant -1.000000e+30 : f32
      %broadcast_in_dim3A_1756 = vector.broadcast %jit3A_1755 : f32 to vector<1x128xf32>
      %select_n3A_1757 = arith.select %eq3A_1754, %slice3A_973, %broadcast_in_dim3A_1756 : vector<1x128xi1>, vector<1x128xf32>
      %reduce_max3A_1758 = vector.shape_cast %select_n3A_1757 : vector<1x128xf32> to vector<1x1x128xf32>
      %reduce_max3A_1759 = arith.constant dense<0xFF800000> : vector<1xf32>
      %reduce_max3A_1760 = vector.multi_reduction <maximumf>, %reduce_max3A_1758, %reduce_max3A_1759 [1, 2] : vector<1x1x128xf32> to vector<1xf32>
      %reduce_max3A_1761 = vector.shape_cast %reduce_max3A_1760 : vector<1xf32> to vector<1x1x1xf32>
      %reduce_max3A_1762 = vector.extract %reduce_max3A_1761[0, 0, 0] : f32 from vector<1x1x1xf32>
      %broadcast_in_dim3A_1763 = vector.broadcast %reduce_max3A_1762 : f32 to vector<1x1xf32>
      %jit3A_1764 = arith.constant -1.000000e+30 : f32
      %broadcast_in_dim3A_1765 = vector.broadcast %jit3A_1764 : f32 to vector<1x128xf32>
      %select_n3A_1766 = arith.select %eq3A_1754, %slice3A_974, %broadcast_in_dim3A_1765 : vector<1x128xi1>, vector<1x128xf32>
      %reduce_max3A_1767 = vector.shape_cast %select_n3A_1766 : vector<1x128xf32> to vector<1x1x128xf32>
      %reduce_max3A_1768 = arith.constant dense<0xFF800000> : vector<1xf32>
      %reduce_max3A_1769 = vector.multi_reduction <maximumf>, %reduce_max3A_1767, %reduce_max3A_1768 [1, 2] : vector<1x1x128xf32> to vector<1xf32>
      %reduce_max3A_1770 = vector.shape_cast %reduce_max3A_1769 : vector<1xf32> to vector<1x1x1xf32>
      %reduce_max3A_1771 = vector.extract %reduce_max3A_1770[0, 0, 0] : f32 from vector<1x1x1xf32>
      %broadcast_in_dim3A_1772 = vector.broadcast %reduce_max3A_1771 : f32 to vector<1x1xf32>
      %jit3A_1773 = arith.constant -1.000000e+30 : f32
      %broadcast_in_dim3A_1774 = vector.broadcast %jit3A_1773 : f32 to vector<1x128xf32>
      %select_n3A_1775 = arith.select %eq3A_1754, %slice3A_975, %broadcast_in_dim3A_1774 : vector<1x128xi1>, vector<1x128xf32>
      %reduce_max3A_1776 = vector.shape_cast %select_n3A_1775 : vector<1x128xf32> to vector<1x1x128xf32>
      %reduce_max3A_1777 = arith.constant dense<0xFF800000> : vector<1xf32>
      %reduce_max3A_1778 = vector.multi_reduction <maximumf>, %reduce_max3A_1776, %reduce_max3A_1777 [1, 2] : vector<1x1x128xf32> to vector<1xf32>
      %reduce_max3A_1779 = vector.shape_cast %reduce_max3A_1778 : vector<1xf32> to vector<1x1x1xf32>
      %reduce_max3A_1780 = vector.extract %reduce_max3A_1779[0, 0, 0] : f32 from vector<1x1x1xf32>
      %broadcast_in_dim3A_1781 = vector.broadcast %reduce_max3A_1780 : f32 to vector<1x1xf32>
      %jit3A_1782 = arith.constant -1.000000e+30 : f32
      %broadcast_in_dim3A_1783 = vector.broadcast %jit3A_1782 : f32 to vector<1x128xf32>
      %select_n3A_1784 = arith.select %eq3A_1754, %slice3A_976, %broadcast_in_dim3A_1783 : vector<1x128xi1>, vector<1x128xf32>
      %reduce_max3A_1785 = vector.shape_cast %select_n3A_1784 : vector<1x128xf32> to vector<1x1x128xf32>
      %reduce_max3A_1786 = arith.constant dense<0xFF800000> : vector<1xf32>
      %reduce_max3A_1787 = vector.multi_reduction <maximumf>, %reduce_max3A_1785, %reduce_max3A_1786 [1, 2] : vector<1x1x128xf32> to vector<1xf32>
      %reduce_max3A_1788 = vector.shape_cast %reduce_max3A_1787 : vector<1xf32> to vector<1x1x1xf32>
      %reduce_max3A_1789 = vector.extract %reduce_max3A_1788[0, 0, 0] : f32 from vector<1x1x1xf32>
      %broadcast_in_dim3A_1790 = vector.broadcast %reduce_max3A_1789 : f32 to vector<1x1xf32>
      %jit3A_1791 = arith.constant -1.000000e+30 : f32
      %broadcast_in_dim3A_1792 = vector.broadcast %jit3A_1791 : f32 to vector<1x128xf32>
      %select_n3A_1793 = arith.select %eq3A_1754, %slice3A_977, %broadcast_in_dim3A_1792 : vector<1x128xi1>, vector<1x128xf32>
      %reduce_max3A_1794 = vector.shape_cast %select_n3A_1793 : vector<1x128xf32> to vector<1x1x128xf32>
      %reduce_max3A_1795 = arith.constant dense<0xFF800000> : vector<1xf32>
      %reduce_max3A_1796 = vector.multi_reduction <maximumf>, %reduce_max3A_1794, %reduce_max3A_1795 [1, 2] : vector<1x1x128xf32> to vector<1xf32>
      %reduce_max3A_1797 = vector.shape_cast %reduce_max3A_1796 : vector<1xf32> to vector<1x1x1xf32>
      %reduce_max3A_1798 = vector.extract %reduce_max3A_1797[0, 0, 0] : f32 from vector<1x1x1xf32>
      %broadcast_in_dim3A_1799 = vector.broadcast %reduce_max3A_1798 : f32 to vector<1x1xf32>
      %jit3A_1800 = arith.constant 0.000000e+00 : f32
      %broadcast_in_dim3A_1801 = vector.broadcast %jit3A_1800 : f32 to vector<1x128xf32>
      %select_n3A_1802 = arith.select %eq3A_1754, %scan3A_1752, %broadcast_in_dim3A_1801 : vector<1x128xi1>, vector<1x128xf32>
      %reduce_max3A_1803 = vector.shape_cast %select_n3A_1802 : vector<1x128xf32> to vector<1x1x128xf32>
      %reduce_max3A_1804 = arith.constant dense<0xFF800000> : vector<1xf32>
      %reduce_max3A_1805 = vector.multi_reduction <maximumf>, %reduce_max3A_1803, %reduce_max3A_1804 [1, 2] : vector<1x1x128xf32> to vector<1xf32>
      %reduce_max3A_1806 = vector.shape_cast %reduce_max3A_1805 : vector<1xf32> to vector<1x1x1xf32>
      %reduce_max3A_1807 = vector.extract %reduce_max3A_1806[0, 0, 0] : f32 from vector<1x1x1xf32>
      %broadcast_in_dim3A_1808 = vector.broadcast %reduce_max3A_1807 : f32 to vector<1x1xf32>
      %min3A_1809 = vector.broadcast %broadcast_in_dim3A_1781 : vector<1x1xf32> to vector<1x128xf32>
      %min3A_1810 = arith.minimumf %slice3A_975, %min3A_1809 : vector<1x128xf32>
      %max3A_1811 = vector.broadcast %broadcast_in_dim3A_1763 : vector<1x1xf32> to vector<1x128xf32>
      %max3A_1812 = arith.maximumf %slice3A_973, %max3A_1811 : vector<1x128xf32>
      %sub3A_1813 = arith.subf %min3A_1810, %max3A_1812 : vector<1x128xf32>
      %add3A_1814 = arith.constant 1.000000e+00 : f32
      %add3A_1815 = vector.broadcast %add3A_1814 : f32 to vector<1x128xf32>
      %add3A_1816 = arith.addf %sub3A_1813, %add3A_1815 : vector<1x128xf32>
      %max3A_1817 = arith.constant 0.000000e+00 : f32
      %max3A_1818 = vector.broadcast %max3A_1817 : f32 to vector<1x128xf32>
      %max3A_1819 = arith.maximumf %add3A_1816, %max3A_1818 : vector<1x128xf32>
      %min3A_1820 = vector.broadcast %broadcast_in_dim3A_1790 : vector<1x1xf32> to vector<1x128xf32>
      %min3A_1821 = arith.minimumf %slice3A_976, %min3A_1820 : vector<1x128xf32>
      %max3A_1822 = vector.broadcast %broadcast_in_dim3A_1772 : vector<1x1xf32> to vector<1x128xf32>
      %max3A_1823 = arith.maximumf %slice3A_974, %max3A_1822 : vector<1x128xf32>
      %sub3A_1824 = arith.subf %min3A_1821, %max3A_1823 : vector<1x128xf32>
      %add3A_1825 = arith.constant 1.000000e+00 : f32
      %add3A_1826 = vector.broadcast %add3A_1825 : f32 to vector<1x128xf32>
      %add3A_1827 = arith.addf %sub3A_1824, %add3A_1826 : vector<1x128xf32>
      %max3A_1828 = arith.constant 0.000000e+00 : f32
      %max3A_1829 = vector.broadcast %max3A_1828 : f32 to vector<1x128xf32>
      %max3A_1830 = arith.maximumf %add3A_1827, %max3A_1829 : vector<1x128xf32>
      %mul3A_1831 = arith.mulf %max3A_1819, %max3A_1830 : vector<1x128xf32>
      %add3A_1832 = vector.broadcast %broadcast_in_dim3A_1799 : vector<1x1xf32> to vector<1x128xf32>
      %add3A_1833 = arith.addf %slice3A_977, %add3A_1832 : vector<1x128xf32>
      %sub3A_1834 = arith.subf %add3A_1833, %mul3A_1831 : vector<1x128xf32>
      %div3A_1835 = arith.divf %mul3A_1831, %sub3A_1834 : vector<1x128xf32>
      %gt3A_1836 = arith.constant 0.699999988 : f32
      %gt3A_1837 = vector.broadcast %gt3A_1836 : f32 to vector<1x128xf32>
      %gt3A_1838 = arith.cmpf ogt, %div3A_1835, %gt3A_1837 : vector<1x128xf32>
      %gt3A_1839 = vector.broadcast %scan3A_1751 : i32 to vector<1x128xi32>
      %gt3A_1840 = arith.cmpi sgt, %iota3A, %gt3A_1839 : vector<1x128xi32>
      %and3A_1841 = arith.andi %gt3A_1838, %gt3A_1840 : vector<1x128xi1>
      %gt3A_1842 = arith.constant 5.000000e-01 : f32
      %gt3A_1843 = vector.broadcast %gt3A_1842 : f32 to vector<1x1xf32>
      %gt3A_1844 = arith.cmpf ogt, %broadcast_in_dim3A_1808, %gt3A_1843 : vector<1x1xf32>
      %and3A_1845 = vector.broadcast %gt3A_1844 : vector<1x1xi1> to vector<1x128xi1>
      %and3A_1846 = arith.andi %and3A_1841, %and3A_1845 : vector<1x128xi1>
      %jit3A_1847 = arith.constant 0.000000e+00 : f32
      %jit3A_1848 = arith.constant 1.000000e+00 : f32
      %broadcast_in_dim3A_1849 = vector.broadcast %jit3A_1847 : f32 to vector<1x128xf32>
      %broadcast_in_dim3A_1850 = vector.broadcast %jit3A_1848 : f32 to vector<1x128xf32>
      %select_n3A_1851 = arith.select %and3A_1846, %broadcast_in_dim3A_1849, %broadcast_in_dim3A_1850 : vector<1x128xi1>, vector<1x128xf32>
      %mul3A_1852 = arith.mulf %scan3A_1752, %select_n3A_1851 : vector<1x128xf32>
      scf.yield %mul3A_1852 : vector<1x128xf32>
    }
    %scan3A_984 = arith.constant 128 : i32
    %gt3A_985 = arith.constant 5.000000e-01 : f32
    %gt3A_986 = vector.broadcast %gt3A_985 : f32 to vector<1x128xf32>
    %gt3A_987 = arith.cmpf ogt, %scan3A_983, %gt3A_986 : vector<1x128xf32>
    %and3A_988 = vector.broadcast %gt3A_987 : vector<1x128xi1> to vector<128x128xi1>
    %and3A_989 = arith.andi %eq3A, %and3A_988 : vector<128x128xi1>
    %jit3A_990 = arith.constant 1.000000e+00 : f32
    %jit3A_991 = arith.constant 0.000000e+00 : f32
    %broadcast_in_dim3A_992 = vector.broadcast %jit3A_990 : f32 to vector<128x128xf32>
    %broadcast_in_dim3A_993 = vector.broadcast %jit3A_991 : f32 to vector<128x128xf32>
    %select_n3A_994 = arith.select %and3A_989, %broadcast_in_dim3A_992, %broadcast_in_dim3A_993 : vector<128x128xi1>, vector<128x128xf32>
    %reduce_max3A_995 = arith.constant dense<0xFF800000> : vector<128xf32>
    %reduce_max3A_996 = vector.multi_reduction <maximumf>, %select_n3A_994, %reduce_max3A_995 [1] : vector<128x128xf32> to vector<128xf32>
    %broadcast_in_dim3A_997 = vector.shape_cast %reduce_max3A_996 : vector<128xf32> to vector<128x1xf32>
    %slice3A_998 = vector.extract_strided_slice %min3A_156 {offsets = [0, 8], sizes = [128, 1], strides = [1, 1]} : vector<128x16xf32> to vector<128x1xf32>
    %slice3A_999 = vector.extract_strided_slice %min3A_166 {offsets = [0, 8], sizes = [128, 1], strides = [1, 1]} : vector<128x16xf32> to vector<128x1xf32>
    %slice3A_1000 = vector.extract_strided_slice %min3A_179 {offsets = [0, 8], sizes = [128, 1], strides = [1, 1]} : vector<128x16xf32> to vector<128x1xf32>
    %slice3A_1001 = vector.extract_strided_slice %min3A_192 {offsets = [0, 8], sizes = [128, 1], strides = [1, 1]} : vector<128x16xf32> to vector<128x1xf32>
    %slice3A_1002 = vector.extract_strided_slice %mul3A_215 {offsets = [0, 8], sizes = [128, 1], strides = [1, 1]} : vector<128x16xf32> to vector<128x1xf32>
    %min3A_1003 = vector.broadcast %min3A_76 : vector<1x2048xf32> to vector<128x2048xf32>
    %min3A_1004 = vector.broadcast %slice3A_1000 : vector<128x1xf32> to vector<128x2048xf32>
    %min3A_1005 = arith.minimumf %min3A_1003, %min3A_1004 : vector<128x2048xf32>
    %max3A_1006 = vector.broadcast %min3A_53 : vector<1x2048xf32> to vector<128x2048xf32>
    %max3A_1007 = vector.broadcast %slice3A_998 : vector<128x1xf32> to vector<128x2048xf32>
    %max3A_1008 = arith.maximumf %max3A_1006, %max3A_1007 : vector<128x2048xf32>
    %sub3A_1009 = arith.subf %min3A_1005, %max3A_1008 : vector<128x2048xf32>
    %add3A_1010 = arith.constant 1.000000e+00 : f32
    %add3A_1011 = vector.broadcast %add3A_1010 : f32 to vector<128x2048xf32>
    %add3A_1012 = arith.addf %sub3A_1009, %add3A_1011 : vector<128x2048xf32>
    %max3A_1013 = arith.constant 0.000000e+00 : f32
    %max3A_1014 = vector.broadcast %max3A_1013 : f32 to vector<128x2048xf32>
    %max3A_1015 = arith.maximumf %add3A_1012, %max3A_1014 : vector<128x2048xf32>
    %min3A_1016 = vector.broadcast %min3A_89 : vector<1x2048xf32> to vector<128x2048xf32>
    %min3A_1017 = vector.broadcast %slice3A_1001 : vector<128x1xf32> to vector<128x2048xf32>
    %min3A_1018 = arith.minimumf %min3A_1016, %min3A_1017 : vector<128x2048xf32>
    %max3A_1019 = vector.broadcast %min3A_63 : vector<1x2048xf32> to vector<128x2048xf32>
    %max3A_1020 = vector.broadcast %slice3A_999 : vector<128x1xf32> to vector<128x2048xf32>
    %max3A_1021 = arith.maximumf %max3A_1019, %max3A_1020 : vector<128x2048xf32>
    %sub3A_1022 = arith.subf %min3A_1018, %max3A_1021 : vector<128x2048xf32>
    %add3A_1023 = arith.constant 1.000000e+00 : f32
    %add3A_1024 = vector.broadcast %add3A_1023 : f32 to vector<128x2048xf32>
    %add3A_1025 = arith.addf %sub3A_1022, %add3A_1024 : vector<128x2048xf32>
    %max3A_1026 = arith.constant 0.000000e+00 : f32
    %max3A_1027 = vector.broadcast %max3A_1026 : f32 to vector<128x2048xf32>
    %max3A_1028 = arith.maximumf %add3A_1025, %max3A_1027 : vector<128x2048xf32>
    %mul3A_1029 = arith.mulf %max3A_1015, %max3A_1028 : vector<128x2048xf32>
    %add3A_1030 = vector.broadcast %mul3A_206 : vector<1x2048xf32> to vector<128x2048xf32>
    %add3A_1031 = vector.broadcast %slice3A_1002 : vector<128x1xf32> to vector<128x2048xf32>
    %add3A_1032 = arith.addf %add3A_1030, %add3A_1031 : vector<128x2048xf32>
    %sub3A_1033 = arith.subf %add3A_1032, %mul3A_1029 : vector<128x2048xf32>
    %div3A_1034 = arith.divf %mul3A_1029, %sub3A_1033 : vector<128x2048xf32>
    %gt3A_1035 = arith.constant 0.699999988 : f32
    %gt3A_1036 = vector.broadcast %gt3A_1035 : f32 to vector<128x2048xf32>
    %gt3A_1037 = arith.cmpf ogt, %div3A_1034, %gt3A_1036 : vector<128x2048xf32>
    %ge3A_1038 = arith.constant 1152 : i32
    %ge3A_1039 = vector.broadcast %ge3A_1038 : i32 to vector<1x2048xi32>
    %ge3A_1040 = arith.cmpi sge, %iota3A_216, %ge3A_1039 : vector<1x2048xi32>
    %and3A_1041 = vector.broadcast %ge3A_1040 : vector<1x2048xi1> to vector<128x2048xi1>
    %and3A_1042 = arith.andi %gt3A_1037, %and3A_1041 : vector<128x2048xi1>
    %gt3A_1043 = arith.constant 5.000000e-01 : f32
    %gt3A_1044 = vector.broadcast %gt3A_1043 : f32 to vector<128x1xf32>
    %gt3A_1045 = arith.cmpf ogt, %broadcast_in_dim3A_997, %gt3A_1044 : vector<128x1xf32>
    %and3A_1046 = vector.broadcast %gt3A_1045 : vector<128x1xi1> to vector<128x2048xi1>
    %and3A_1047 = arith.andi %and3A_1042, %and3A_1046 : vector<128x2048xi1>
    %jit3A_1048 = arith.constant 1.000000e+00 : f32
    %jit3A_1049 = arith.constant 0.000000e+00 : f32
    %broadcast_in_dim3A_1050 = vector.broadcast %jit3A_1048 : f32 to vector<128x2048xf32>
    %broadcast_in_dim3A_1051 = vector.broadcast %jit3A_1049 : f32 to vector<128x2048xf32>
    %select_n3A_1052 = arith.select %and3A_1047, %broadcast_in_dim3A_1050, %broadcast_in_dim3A_1051 : vector<128x2048xi1>, vector<128x2048xf32>
    %reduce_max3A_1053 = arith.constant dense<0xFF800000> : vector<2048xf32>
    %reduce_max3A_1054 = vector.multi_reduction <maximumf>, %select_n3A_1052, %reduce_max3A_1053 [0] : vector<128x2048xf32> to vector<2048xf32>
    %broadcast_in_dim3A_1055 = vector.shape_cast %reduce_max3A_1054 : vector<2048xf32> to vector<1x2048xf32>
    %slice3A_1056 = vector.extract_strided_slice %mul3A_972 {offsets = [0, 0], sizes = [1, 1024], strides = [1, 1]} : vector<1x2048xf32> to vector<1x1024xf32>
    %slice3A_1057 = vector.extract_strided_slice %mul3A_972 {offsets = [0, 1152], sizes = [1, 896], strides = [1, 1]} : vector<1x2048xf32> to vector<1x896xf32>
    %concatenate3A_1058 = tpu.concatenate %slice3A_1056, %scan3A_983, %slice3A_1057 in 1 : vector<1x1024xf32>, vector<1x128xf32>, vector<1x896xf32> -> vector<1x2048xf32>
    %gt3A_1059 = arith.constant 5.000000e-01 : f32
    %gt3A_1060 = vector.broadcast %gt3A_1059 : f32 to vector<1x2048xf32>
    %gt3A_1061 = arith.cmpf ogt, %broadcast_in_dim3A_1055, %gt3A_1060 : vector<1x2048xf32>
    %jit3A_1062 = arith.constant 0.000000e+00 : f32
    %jit3A_1063 = arith.constant 1.000000e+00 : f32
    %broadcast_in_dim3A_1064 = vector.broadcast %jit3A_1062 : f32 to vector<1x2048xf32>
    %broadcast_in_dim3A_1065 = vector.broadcast %jit3A_1063 : f32 to vector<1x2048xf32>
    %select_n3A_1066 = arith.select %gt3A_1061, %broadcast_in_dim3A_1064, %broadcast_in_dim3A_1065 : vector<1x2048xi1>, vector<1x2048xf32>
    %mul3A_1067 = arith.mulf %concatenate3A_1058, %select_n3A_1066 : vector<1x2048xf32>
    %slice3A_1068 = vector.extract_strided_slice %min3A_53 {offsets = [0, 1152], sizes = [1, 128], strides = [1, 1]} : vector<1x2048xf32> to vector<1x128xf32>
    %slice3A_1069 = vector.extract_strided_slice %min3A_63 {offsets = [0, 1152], sizes = [1, 128], strides = [1, 1]} : vector<1x2048xf32> to vector<1x128xf32>
    %slice3A_1070 = vector.extract_strided_slice %min3A_76 {offsets = [0, 1152], sizes = [1, 128], strides = [1, 1]} : vector<1x2048xf32> to vector<1x128xf32>
    %slice3A_1071 = vector.extract_strided_slice %min3A_89 {offsets = [0, 1152], sizes = [1, 128], strides = [1, 1]} : vector<1x2048xf32> to vector<1x128xf32>
    %slice3A_1072 = vector.extract_strided_slice %mul3A_206 {offsets = [0, 1152], sizes = [1, 128], strides = [1, 1]} : vector<1x2048xf32> to vector<1x128xf32>
    %slice3A_1073 = vector.extract_strided_slice %mul3A_1067 {offsets = [0, 1152], sizes = [1, 128], strides = [1, 1]} : vector<1x2048xf32> to vector<1x128xf32>
    %scan3A_1074 = arith.constant 0 : i32
    %scan3A_1075 = arith.constant 128 : i32
    %scan3A_1076 = arith.addi %scan3A_1074, %scan3A_1075 : i32
    %scan3A_1077 = arith.constant 1 : i32
    %scan3A_1078 = scf.for %scan3A_1751 = %scan3A_1074 to %scan3A_1076 step %scan3A_1077 iter_args(%scan3A_1752 = %slice3A_1073) -> (vector<1x128xf32>)  : i32 {
      %eq3A_1753 = vector.broadcast %scan3A_1751 : i32 to vector<1x128xi32>
      %eq3A_1754 = arith.cmpi eq, %iota3A, %eq3A_1753 : vector<1x128xi32>
      %jit3A_1755 = arith.constant -1.000000e+30 : f32
      %broadcast_in_dim3A_1756 = vector.broadcast %jit3A_1755 : f32 to vector<1x128xf32>
      %select_n3A_1757 = arith.select %eq3A_1754, %slice3A_1068, %broadcast_in_dim3A_1756 : vector<1x128xi1>, vector<1x128xf32>
      %reduce_max3A_1758 = vector.shape_cast %select_n3A_1757 : vector<1x128xf32> to vector<1x1x128xf32>
      %reduce_max3A_1759 = arith.constant dense<0xFF800000> : vector<1xf32>
      %reduce_max3A_1760 = vector.multi_reduction <maximumf>, %reduce_max3A_1758, %reduce_max3A_1759 [1, 2] : vector<1x1x128xf32> to vector<1xf32>
      %reduce_max3A_1761 = vector.shape_cast %reduce_max3A_1760 : vector<1xf32> to vector<1x1x1xf32>
      %reduce_max3A_1762 = vector.extract %reduce_max3A_1761[0, 0, 0] : f32 from vector<1x1x1xf32>
      %broadcast_in_dim3A_1763 = vector.broadcast %reduce_max3A_1762 : f32 to vector<1x1xf32>
      %jit3A_1764 = arith.constant -1.000000e+30 : f32
      %broadcast_in_dim3A_1765 = vector.broadcast %jit3A_1764 : f32 to vector<1x128xf32>
      %select_n3A_1766 = arith.select %eq3A_1754, %slice3A_1069, %broadcast_in_dim3A_1765 : vector<1x128xi1>, vector<1x128xf32>
      %reduce_max3A_1767 = vector.shape_cast %select_n3A_1766 : vector<1x128xf32> to vector<1x1x128xf32>
      %reduce_max3A_1768 = arith.constant dense<0xFF800000> : vector<1xf32>
      %reduce_max3A_1769 = vector.multi_reduction <maximumf>, %reduce_max3A_1767, %reduce_max3A_1768 [1, 2] : vector<1x1x128xf32> to vector<1xf32>
      %reduce_max3A_1770 = vector.shape_cast %reduce_max3A_1769 : vector<1xf32> to vector<1x1x1xf32>
      %reduce_max3A_1771 = vector.extract %reduce_max3A_1770[0, 0, 0] : f32 from vector<1x1x1xf32>
      %broadcast_in_dim3A_1772 = vector.broadcast %reduce_max3A_1771 : f32 to vector<1x1xf32>
      %jit3A_1773 = arith.constant -1.000000e+30 : f32
      %broadcast_in_dim3A_1774 = vector.broadcast %jit3A_1773 : f32 to vector<1x128xf32>
      %select_n3A_1775 = arith.select %eq3A_1754, %slice3A_1070, %broadcast_in_dim3A_1774 : vector<1x128xi1>, vector<1x128xf32>
      %reduce_max3A_1776 = vector.shape_cast %select_n3A_1775 : vector<1x128xf32> to vector<1x1x128xf32>
      %reduce_max3A_1777 = arith.constant dense<0xFF800000> : vector<1xf32>
      %reduce_max3A_1778 = vector.multi_reduction <maximumf>, %reduce_max3A_1776, %reduce_max3A_1777 [1, 2] : vector<1x1x128xf32> to vector<1xf32>
      %reduce_max3A_1779 = vector.shape_cast %reduce_max3A_1778 : vector<1xf32> to vector<1x1x1xf32>
      %reduce_max3A_1780 = vector.extract %reduce_max3A_1779[0, 0, 0] : f32 from vector<1x1x1xf32>
      %broadcast_in_dim3A_1781 = vector.broadcast %reduce_max3A_1780 : f32 to vector<1x1xf32>
      %jit3A_1782 = arith.constant -1.000000e+30 : f32
      %broadcast_in_dim3A_1783 = vector.broadcast %jit3A_1782 : f32 to vector<1x128xf32>
      %select_n3A_1784 = arith.select %eq3A_1754, %slice3A_1071, %broadcast_in_dim3A_1783 : vector<1x128xi1>, vector<1x128xf32>
      %reduce_max3A_1785 = vector.shape_cast %select_n3A_1784 : vector<1x128xf32> to vector<1x1x128xf32>
      %reduce_max3A_1786 = arith.constant dense<0xFF800000> : vector<1xf32>
      %reduce_max3A_1787 = vector.multi_reduction <maximumf>, %reduce_max3A_1785, %reduce_max3A_1786 [1, 2] : vector<1x1x128xf32> to vector<1xf32>
      %reduce_max3A_1788 = vector.shape_cast %reduce_max3A_1787 : vector<1xf32> to vector<1x1x1xf32>
      %reduce_max3A_1789 = vector.extract %reduce_max3A_1788[0, 0, 0] : f32 from vector<1x1x1xf32>
      %broadcast_in_dim3A_1790 = vector.broadcast %reduce_max3A_1789 : f32 to vector<1x1xf32>
      %jit3A_1791 = arith.constant -1.000000e+30 : f32
      %broadcast_in_dim3A_1792 = vector.broadcast %jit3A_1791 : f32 to vector<1x128xf32>
      %select_n3A_1793 = arith.select %eq3A_1754, %slice3A_1072, %broadcast_in_dim3A_1792 : vector<1x128xi1>, vector<1x128xf32>
      %reduce_max3A_1794 = vector.shape_cast %select_n3A_1793 : vector<1x128xf32> to vector<1x1x128xf32>
      %reduce_max3A_1795 = arith.constant dense<0xFF800000> : vector<1xf32>
      %reduce_max3A_1796 = vector.multi_reduction <maximumf>, %reduce_max3A_1794, %reduce_max3A_1795 [1, 2] : vector<1x1x128xf32> to vector<1xf32>
      %reduce_max3A_1797 = vector.shape_cast %reduce_max3A_1796 : vector<1xf32> to vector<1x1x1xf32>
      %reduce_max3A_1798 = vector.extract %reduce_max3A_1797[0, 0, 0] : f32 from vector<1x1x1xf32>
      %broadcast_in_dim3A_1799 = vector.broadcast %reduce_max3A_1798 : f32 to vector<1x1xf32>
      %jit3A_1800 = arith.constant 0.000000e+00 : f32
      %broadcast_in_dim3A_1801 = vector.broadcast %jit3A_1800 : f32 to vector<1x128xf32>
      %select_n3A_1802 = arith.select %eq3A_1754, %scan3A_1752, %broadcast_in_dim3A_1801 : vector<1x128xi1>, vector<1x128xf32>
      %reduce_max3A_1803 = vector.shape_cast %select_n3A_1802 : vector<1x128xf32> to vector<1x1x128xf32>
      %reduce_max3A_1804 = arith.constant dense<0xFF800000> : vector<1xf32>
      %reduce_max3A_1805 = vector.multi_reduction <maximumf>, %reduce_max3A_1803, %reduce_max3A_1804 [1, 2] : vector<1x1x128xf32> to vector<1xf32>
      %reduce_max3A_1806 = vector.shape_cast %reduce_max3A_1805 : vector<1xf32> to vector<1x1x1xf32>
      %reduce_max3A_1807 = vector.extract %reduce_max3A_1806[0, 0, 0] : f32 from vector<1x1x1xf32>
      %broadcast_in_dim3A_1808 = vector.broadcast %reduce_max3A_1807 : f32 to vector<1x1xf32>
      %min3A_1809 = vector.broadcast %broadcast_in_dim3A_1781 : vector<1x1xf32> to vector<1x128xf32>
      %min3A_1810 = arith.minimumf %slice3A_1070, %min3A_1809 : vector<1x128xf32>
      %max3A_1811 = vector.broadcast %broadcast_in_dim3A_1763 : vector<1x1xf32> to vector<1x128xf32>
      %max3A_1812 = arith.maximumf %slice3A_1068, %max3A_1811 : vector<1x128xf32>
      %sub3A_1813 = arith.subf %min3A_1810, %max3A_1812 : vector<1x128xf32>
      %add3A_1814 = arith.constant 1.000000e+00 : f32
      %add3A_1815 = vector.broadcast %add3A_1814 : f32 to vector<1x128xf32>
      %add3A_1816 = arith.addf %sub3A_1813, %add3A_1815 : vector<1x128xf32>
      %max3A_1817 = arith.constant 0.000000e+00 : f32
      %max3A_1818 = vector.broadcast %max3A_1817 : f32 to vector<1x128xf32>
      %max3A_1819 = arith.maximumf %add3A_1816, %max3A_1818 : vector<1x128xf32>
      %min3A_1820 = vector.broadcast %broadcast_in_dim3A_1790 : vector<1x1xf32> to vector<1x128xf32>
      %min3A_1821 = arith.minimumf %slice3A_1071, %min3A_1820 : vector<1x128xf32>
      %max3A_1822 = vector.broadcast %broadcast_in_dim3A_1772 : vector<1x1xf32> to vector<1x128xf32>
      %max3A_1823 = arith.maximumf %slice3A_1069, %max3A_1822 : vector<1x128xf32>
      %sub3A_1824 = arith.subf %min3A_1821, %max3A_1823 : vector<1x128xf32>
      %add3A_1825 = arith.constant 1.000000e+00 : f32
      %add3A_1826 = vector.broadcast %add3A_1825 : f32 to vector<1x128xf32>
      %add3A_1827 = arith.addf %sub3A_1824, %add3A_1826 : vector<1x128xf32>
      %max3A_1828 = arith.constant 0.000000e+00 : f32
      %max3A_1829 = vector.broadcast %max3A_1828 : f32 to vector<1x128xf32>
      %max3A_1830 = arith.maximumf %add3A_1827, %max3A_1829 : vector<1x128xf32>
      %mul3A_1831 = arith.mulf %max3A_1819, %max3A_1830 : vector<1x128xf32>
      %add3A_1832 = vector.broadcast %broadcast_in_dim3A_1799 : vector<1x1xf32> to vector<1x128xf32>
      %add3A_1833 = arith.addf %slice3A_1072, %add3A_1832 : vector<1x128xf32>
      %sub3A_1834 = arith.subf %add3A_1833, %mul3A_1831 : vector<1x128xf32>
      %div3A_1835 = arith.divf %mul3A_1831, %sub3A_1834 : vector<1x128xf32>
      %gt3A_1836 = arith.constant 0.699999988 : f32
      %gt3A_1837 = vector.broadcast %gt3A_1836 : f32 to vector<1x128xf32>
      %gt3A_1838 = arith.cmpf ogt, %div3A_1835, %gt3A_1837 : vector<1x128xf32>
      %gt3A_1839 = vector.broadcast %scan3A_1751 : i32 to vector<1x128xi32>
      %gt3A_1840 = arith.cmpi sgt, %iota3A, %gt3A_1839 : vector<1x128xi32>
      %and3A_1841 = arith.andi %gt3A_1838, %gt3A_1840 : vector<1x128xi1>
      %gt3A_1842 = arith.constant 5.000000e-01 : f32
      %gt3A_1843 = vector.broadcast %gt3A_1842 : f32 to vector<1x1xf32>
      %gt3A_1844 = arith.cmpf ogt, %broadcast_in_dim3A_1808, %gt3A_1843 : vector<1x1xf32>
      %and3A_1845 = vector.broadcast %gt3A_1844 : vector<1x1xi1> to vector<1x128xi1>
      %and3A_1846 = arith.andi %and3A_1841, %and3A_1845 : vector<1x128xi1>
      %jit3A_1847 = arith.constant 0.000000e+00 : f32
      %jit3A_1848 = arith.constant 1.000000e+00 : f32
      %broadcast_in_dim3A_1849 = vector.broadcast %jit3A_1847 : f32 to vector<1x128xf32>
      %broadcast_in_dim3A_1850 = vector.broadcast %jit3A_1848 : f32 to vector<1x128xf32>
      %select_n3A_1851 = arith.select %and3A_1846, %broadcast_in_dim3A_1849, %broadcast_in_dim3A_1850 : vector<1x128xi1>, vector<1x128xf32>
      %mul3A_1852 = arith.mulf %scan3A_1752, %select_n3A_1851 : vector<1x128xf32>
      scf.yield %mul3A_1852 : vector<1x128xf32>
    }
    %scan3A_1079 = arith.constant 128 : i32
    %gt3A_1080 = arith.constant 5.000000e-01 : f32
    %gt3A_1081 = vector.broadcast %gt3A_1080 : f32 to vector<1x128xf32>
    %gt3A_1082 = arith.cmpf ogt, %scan3A_1078, %gt3A_1081 : vector<1x128xf32>
    %and3A_1083 = vector.broadcast %gt3A_1082 : vector<1x128xi1> to vector<128x128xi1>
    %and3A_1084 = arith.andi %eq3A, %and3A_1083 : vector<128x128xi1>
    %jit3A_1085 = arith.constant 1.000000e+00 : f32
    %jit3A_1086 = arith.constant 0.000000e+00 : f32
    %broadcast_in_dim3A_1087 = vector.broadcast %jit3A_1085 : f32 to vector<128x128xf32>
    %broadcast_in_dim3A_1088 = vector.broadcast %jit3A_1086 : f32 to vector<128x128xf32>
    %select_n3A_1089 = arith.select %and3A_1084, %broadcast_in_dim3A_1087, %broadcast_in_dim3A_1088 : vector<128x128xi1>, vector<128x128xf32>
    %reduce_max3A_1090 = arith.constant dense<0xFF800000> : vector<128xf32>
    %reduce_max3A_1091 = vector.multi_reduction <maximumf>, %select_n3A_1089, %reduce_max3A_1090 [1] : vector<128x128xf32> to vector<128xf32>
    %broadcast_in_dim3A_1092 = vector.shape_cast %reduce_max3A_1091 : vector<128xf32> to vector<128x1xf32>
    %slice3A_1093 = vector.extract_strided_slice %min3A_156 {offsets = [0, 9], sizes = [128, 1], strides = [1, 1]} : vector<128x16xf32> to vector<128x1xf32>
    %slice3A_1094 = vector.extract_strided_slice %min3A_166 {offsets = [0, 9], sizes = [128, 1], strides = [1, 1]} : vector<128x16xf32> to vector<128x1xf32>
    %slice3A_1095 = vector.extract_strided_slice %min3A_179 {offsets = [0, 9], sizes = [128, 1], strides = [1, 1]} : vector<128x16xf32> to vector<128x1xf32>
    %slice3A_1096 = vector.extract_strided_slice %min3A_192 {offsets = [0, 9], sizes = [128, 1], strides = [1, 1]} : vector<128x16xf32> to vector<128x1xf32>
    %slice3A_1097 = vector.extract_strided_slice %mul3A_215 {offsets = [0, 9], sizes = [128, 1], strides = [1, 1]} : vector<128x16xf32> to vector<128x1xf32>
    %min3A_1098 = vector.broadcast %min3A_76 : vector<1x2048xf32> to vector<128x2048xf32>
    %min3A_1099 = vector.broadcast %slice3A_1095 : vector<128x1xf32> to vector<128x2048xf32>
    %min3A_1100 = arith.minimumf %min3A_1098, %min3A_1099 : vector<128x2048xf32>
    %max3A_1101 = vector.broadcast %min3A_53 : vector<1x2048xf32> to vector<128x2048xf32>
    %max3A_1102 = vector.broadcast %slice3A_1093 : vector<128x1xf32> to vector<128x2048xf32>
    %max3A_1103 = arith.maximumf %max3A_1101, %max3A_1102 : vector<128x2048xf32>
    %sub3A_1104 = arith.subf %min3A_1100, %max3A_1103 : vector<128x2048xf32>
    %add3A_1105 = arith.constant 1.000000e+00 : f32
    %add3A_1106 = vector.broadcast %add3A_1105 : f32 to vector<128x2048xf32>
    %add3A_1107 = arith.addf %sub3A_1104, %add3A_1106 : vector<128x2048xf32>
    %max3A_1108 = arith.constant 0.000000e+00 : f32
    %max3A_1109 = vector.broadcast %max3A_1108 : f32 to vector<128x2048xf32>
    %max3A_1110 = arith.maximumf %add3A_1107, %max3A_1109 : vector<128x2048xf32>
    %min3A_1111 = vector.broadcast %min3A_89 : vector<1x2048xf32> to vector<128x2048xf32>
    %min3A_1112 = vector.broadcast %slice3A_1096 : vector<128x1xf32> to vector<128x2048xf32>
    %min3A_1113 = arith.minimumf %min3A_1111, %min3A_1112 : vector<128x2048xf32>
    %max3A_1114 = vector.broadcast %min3A_63 : vector<1x2048xf32> to vector<128x2048xf32>
    %max3A_1115 = vector.broadcast %slice3A_1094 : vector<128x1xf32> to vector<128x2048xf32>
    %max3A_1116 = arith.maximumf %max3A_1114, %max3A_1115 : vector<128x2048xf32>
    %sub3A_1117 = arith.subf %min3A_1113, %max3A_1116 : vector<128x2048xf32>
    %add3A_1118 = arith.constant 1.000000e+00 : f32
    %add3A_1119 = vector.broadcast %add3A_1118 : f32 to vector<128x2048xf32>
    %add3A_1120 = arith.addf %sub3A_1117, %add3A_1119 : vector<128x2048xf32>
    %max3A_1121 = arith.constant 0.000000e+00 : f32
    %max3A_1122 = vector.broadcast %max3A_1121 : f32 to vector<128x2048xf32>
    %max3A_1123 = arith.maximumf %add3A_1120, %max3A_1122 : vector<128x2048xf32>
    %mul3A_1124 = arith.mulf %max3A_1110, %max3A_1123 : vector<128x2048xf32>
    %add3A_1125 = vector.broadcast %mul3A_206 : vector<1x2048xf32> to vector<128x2048xf32>
    %add3A_1126 = vector.broadcast %slice3A_1097 : vector<128x1xf32> to vector<128x2048xf32>
    %add3A_1127 = arith.addf %add3A_1125, %add3A_1126 : vector<128x2048xf32>
    %sub3A_1128 = arith.subf %add3A_1127, %mul3A_1124 : vector<128x2048xf32>
    %div3A_1129 = arith.divf %mul3A_1124, %sub3A_1128 : vector<128x2048xf32>
    %gt3A_1130 = arith.constant 0.699999988 : f32
    %gt3A_1131 = vector.broadcast %gt3A_1130 : f32 to vector<128x2048xf32>
    %gt3A_1132 = arith.cmpf ogt, %div3A_1129, %gt3A_1131 : vector<128x2048xf32>
    %ge3A_1133 = arith.constant 1280 : i32
    %ge3A_1134 = vector.broadcast %ge3A_1133 : i32 to vector<1x2048xi32>
    %ge3A_1135 = arith.cmpi sge, %iota3A_216, %ge3A_1134 : vector<1x2048xi32>
    %and3A_1136 = vector.broadcast %ge3A_1135 : vector<1x2048xi1> to vector<128x2048xi1>
    %and3A_1137 = arith.andi %gt3A_1132, %and3A_1136 : vector<128x2048xi1>
    %gt3A_1138 = arith.constant 5.000000e-01 : f32
    %gt3A_1139 = vector.broadcast %gt3A_1138 : f32 to vector<128x1xf32>
    %gt3A_1140 = arith.cmpf ogt, %broadcast_in_dim3A_1092, %gt3A_1139 : vector<128x1xf32>
    %and3A_1141 = vector.broadcast %gt3A_1140 : vector<128x1xi1> to vector<128x2048xi1>
    %and3A_1142 = arith.andi %and3A_1137, %and3A_1141 : vector<128x2048xi1>
    %jit3A_1143 = arith.constant 1.000000e+00 : f32
    %jit3A_1144 = arith.constant 0.000000e+00 : f32
    %broadcast_in_dim3A_1145 = vector.broadcast %jit3A_1143 : f32 to vector<128x2048xf32>
    %broadcast_in_dim3A_1146 = vector.broadcast %jit3A_1144 : f32 to vector<128x2048xf32>
    %select_n3A_1147 = arith.select %and3A_1142, %broadcast_in_dim3A_1145, %broadcast_in_dim3A_1146 : vector<128x2048xi1>, vector<128x2048xf32>
    %reduce_max3A_1148 = arith.constant dense<0xFF800000> : vector<2048xf32>
    %reduce_max3A_1149 = vector.multi_reduction <maximumf>, %select_n3A_1147, %reduce_max3A_1148 [0] : vector<128x2048xf32> to vector<2048xf32>
    %broadcast_in_dim3A_1150 = vector.shape_cast %reduce_max3A_1149 : vector<2048xf32> to vector<1x2048xf32>
    %slice3A_1151 = vector.extract_strided_slice %mul3A_1067 {offsets = [0, 0], sizes = [1, 1152], strides = [1, 1]} : vector<1x2048xf32> to vector<1x1152xf32>
    %slice3A_1152 = vector.extract_strided_slice %mul3A_1067 {offsets = [0, 1280], sizes = [1, 768], strides = [1, 1]} : vector<1x2048xf32> to vector<1x768xf32>
    %concatenate3A_1153 = tpu.concatenate %slice3A_1151, %scan3A_1078, %slice3A_1152 in 1 : vector<1x1152xf32>, vector<1x128xf32>, vector<1x768xf32> -> vector<1x2048xf32>
    %gt3A_1154 = arith.constant 5.000000e-01 : f32
    %gt3A_1155 = vector.broadcast %gt3A_1154 : f32 to vector<1x2048xf32>
    %gt3A_1156 = arith.cmpf ogt, %broadcast_in_dim3A_1150, %gt3A_1155 : vector<1x2048xf32>
    %jit3A_1157 = arith.constant 0.000000e+00 : f32
    %jit3A_1158 = arith.constant 1.000000e+00 : f32
    %broadcast_in_dim3A_1159 = vector.broadcast %jit3A_1157 : f32 to vector<1x2048xf32>
    %broadcast_in_dim3A_1160 = vector.broadcast %jit3A_1158 : f32 to vector<1x2048xf32>
    %select_n3A_1161 = arith.select %gt3A_1156, %broadcast_in_dim3A_1159, %broadcast_in_dim3A_1160 : vector<1x2048xi1>, vector<1x2048xf32>
    %mul3A_1162 = arith.mulf %concatenate3A_1153, %select_n3A_1161 : vector<1x2048xf32>
    %slice3A_1163 = vector.extract_strided_slice %min3A_53 {offsets = [0, 1280], sizes = [1, 128], strides = [1, 1]} : vector<1x2048xf32> to vector<1x128xf32>
    %slice3A_1164 = vector.extract_strided_slice %min3A_63 {offsets = [0, 1280], sizes = [1, 128], strides = [1, 1]} : vector<1x2048xf32> to vector<1x128xf32>
    %slice3A_1165 = vector.extract_strided_slice %min3A_76 {offsets = [0, 1280], sizes = [1, 128], strides = [1, 1]} : vector<1x2048xf32> to vector<1x128xf32>
    %slice3A_1166 = vector.extract_strided_slice %min3A_89 {offsets = [0, 1280], sizes = [1, 128], strides = [1, 1]} : vector<1x2048xf32> to vector<1x128xf32>
    %slice3A_1167 = vector.extract_strided_slice %mul3A_206 {offsets = [0, 1280], sizes = [1, 128], strides = [1, 1]} : vector<1x2048xf32> to vector<1x128xf32>
    %slice3A_1168 = vector.extract_strided_slice %mul3A_1162 {offsets = [0, 1280], sizes = [1, 128], strides = [1, 1]} : vector<1x2048xf32> to vector<1x128xf32>
    %scan3A_1169 = arith.constant 0 : i32
    %scan3A_1170 = arith.constant 128 : i32
    %scan3A_1171 = arith.addi %scan3A_1169, %scan3A_1170 : i32
    %scan3A_1172 = arith.constant 1 : i32
    %scan3A_1173 = scf.for %scan3A_1751 = %scan3A_1169 to %scan3A_1171 step %scan3A_1172 iter_args(%scan3A_1752 = %slice3A_1168) -> (vector<1x128xf32>)  : i32 {
      %eq3A_1753 = vector.broadcast %scan3A_1751 : i32 to vector<1x128xi32>
      %eq3A_1754 = arith.cmpi eq, %iota3A, %eq3A_1753 : vector<1x128xi32>
      %jit3A_1755 = arith.constant -1.000000e+30 : f32
      %broadcast_in_dim3A_1756 = vector.broadcast %jit3A_1755 : f32 to vector<1x128xf32>
      %select_n3A_1757 = arith.select %eq3A_1754, %slice3A_1163, %broadcast_in_dim3A_1756 : vector<1x128xi1>, vector<1x128xf32>
      %reduce_max3A_1758 = vector.shape_cast %select_n3A_1757 : vector<1x128xf32> to vector<1x1x128xf32>
      %reduce_max3A_1759 = arith.constant dense<0xFF800000> : vector<1xf32>
      %reduce_max3A_1760 = vector.multi_reduction <maximumf>, %reduce_max3A_1758, %reduce_max3A_1759 [1, 2] : vector<1x1x128xf32> to vector<1xf32>
      %reduce_max3A_1761 = vector.shape_cast %reduce_max3A_1760 : vector<1xf32> to vector<1x1x1xf32>
      %reduce_max3A_1762 = vector.extract %reduce_max3A_1761[0, 0, 0] : f32 from vector<1x1x1xf32>
      %broadcast_in_dim3A_1763 = vector.broadcast %reduce_max3A_1762 : f32 to vector<1x1xf32>
      %jit3A_1764 = arith.constant -1.000000e+30 : f32
      %broadcast_in_dim3A_1765 = vector.broadcast %jit3A_1764 : f32 to vector<1x128xf32>
      %select_n3A_1766 = arith.select %eq3A_1754, %slice3A_1164, %broadcast_in_dim3A_1765 : vector<1x128xi1>, vector<1x128xf32>
      %reduce_max3A_1767 = vector.shape_cast %select_n3A_1766 : vector<1x128xf32> to vector<1x1x128xf32>
      %reduce_max3A_1768 = arith.constant dense<0xFF800000> : vector<1xf32>
      %reduce_max3A_1769 = vector.multi_reduction <maximumf>, %reduce_max3A_1767, %reduce_max3A_1768 [1, 2] : vector<1x1x128xf32> to vector<1xf32>
      %reduce_max3A_1770 = vector.shape_cast %reduce_max3A_1769 : vector<1xf32> to vector<1x1x1xf32>
      %reduce_max3A_1771 = vector.extract %reduce_max3A_1770[0, 0, 0] : f32 from vector<1x1x1xf32>
      %broadcast_in_dim3A_1772 = vector.broadcast %reduce_max3A_1771 : f32 to vector<1x1xf32>
      %jit3A_1773 = arith.constant -1.000000e+30 : f32
      %broadcast_in_dim3A_1774 = vector.broadcast %jit3A_1773 : f32 to vector<1x128xf32>
      %select_n3A_1775 = arith.select %eq3A_1754, %slice3A_1165, %broadcast_in_dim3A_1774 : vector<1x128xi1>, vector<1x128xf32>
      %reduce_max3A_1776 = vector.shape_cast %select_n3A_1775 : vector<1x128xf32> to vector<1x1x128xf32>
      %reduce_max3A_1777 = arith.constant dense<0xFF800000> : vector<1xf32>
      %reduce_max3A_1778 = vector.multi_reduction <maximumf>, %reduce_max3A_1776, %reduce_max3A_1777 [1, 2] : vector<1x1x128xf32> to vector<1xf32>
      %reduce_max3A_1779 = vector.shape_cast %reduce_max3A_1778 : vector<1xf32> to vector<1x1x1xf32>
      %reduce_max3A_1780 = vector.extract %reduce_max3A_1779[0, 0, 0] : f32 from vector<1x1x1xf32>
      %broadcast_in_dim3A_1781 = vector.broadcast %reduce_max3A_1780 : f32 to vector<1x1xf32>
      %jit3A_1782 = arith.constant -1.000000e+30 : f32
      %broadcast_in_dim3A_1783 = vector.broadcast %jit3A_1782 : f32 to vector<1x128xf32>
      %select_n3A_1784 = arith.select %eq3A_1754, %slice3A_1166, %broadcast_in_dim3A_1783 : vector<1x128xi1>, vector<1x128xf32>
      %reduce_max3A_1785 = vector.shape_cast %select_n3A_1784 : vector<1x128xf32> to vector<1x1x128xf32>
      %reduce_max3A_1786 = arith.constant dense<0xFF800000> : vector<1xf32>
      %reduce_max3A_1787 = vector.multi_reduction <maximumf>, %reduce_max3A_1785, %reduce_max3A_1786 [1, 2] : vector<1x1x128xf32> to vector<1xf32>
      %reduce_max3A_1788 = vector.shape_cast %reduce_max3A_1787 : vector<1xf32> to vector<1x1x1xf32>
      %reduce_max3A_1789 = vector.extract %reduce_max3A_1788[0, 0, 0] : f32 from vector<1x1x1xf32>
      %broadcast_in_dim3A_1790 = vector.broadcast %reduce_max3A_1789 : f32 to vector<1x1xf32>
      %jit3A_1791 = arith.constant -1.000000e+30 : f32
      %broadcast_in_dim3A_1792 = vector.broadcast %jit3A_1791 : f32 to vector<1x128xf32>
      %select_n3A_1793 = arith.select %eq3A_1754, %slice3A_1167, %broadcast_in_dim3A_1792 : vector<1x128xi1>, vector<1x128xf32>
      %reduce_max3A_1794 = vector.shape_cast %select_n3A_1793 : vector<1x128xf32> to vector<1x1x128xf32>
      %reduce_max3A_1795 = arith.constant dense<0xFF800000> : vector<1xf32>
      %reduce_max3A_1796 = vector.multi_reduction <maximumf>, %reduce_max3A_1794, %reduce_max3A_1795 [1, 2] : vector<1x1x128xf32> to vector<1xf32>
      %reduce_max3A_1797 = vector.shape_cast %reduce_max3A_1796 : vector<1xf32> to vector<1x1x1xf32>
      %reduce_max3A_1798 = vector.extract %reduce_max3A_1797[0, 0, 0] : f32 from vector<1x1x1xf32>
      %broadcast_in_dim3A_1799 = vector.broadcast %reduce_max3A_1798 : f32 to vector<1x1xf32>
      %jit3A_1800 = arith.constant 0.000000e+00 : f32
      %broadcast_in_dim3A_1801 = vector.broadcast %jit3A_1800 : f32 to vector<1x128xf32>
      %select_n3A_1802 = arith.select %eq3A_1754, %scan3A_1752, %broadcast_in_dim3A_1801 : vector<1x128xi1>, vector<1x128xf32>
      %reduce_max3A_1803 = vector.shape_cast %select_n3A_1802 : vector<1x128xf32> to vector<1x1x128xf32>
      %reduce_max3A_1804 = arith.constant dense<0xFF800000> : vector<1xf32>
      %reduce_max3A_1805 = vector.multi_reduction <maximumf>, %reduce_max3A_1803, %reduce_max3A_1804 [1, 2] : vector<1x1x128xf32> to vector<1xf32>
      %reduce_max3A_1806 = vector.shape_cast %reduce_max3A_1805 : vector<1xf32> to vector<1x1x1xf32>
      %reduce_max3A_1807 = vector.extract %reduce_max3A_1806[0, 0, 0] : f32 from vector<1x1x1xf32>
      %broadcast_in_dim3A_1808 = vector.broadcast %reduce_max3A_1807 : f32 to vector<1x1xf32>
      %min3A_1809 = vector.broadcast %broadcast_in_dim3A_1781 : vector<1x1xf32> to vector<1x128xf32>
      %min3A_1810 = arith.minimumf %slice3A_1165, %min3A_1809 : vector<1x128xf32>
      %max3A_1811 = vector.broadcast %broadcast_in_dim3A_1763 : vector<1x1xf32> to vector<1x128xf32>
      %max3A_1812 = arith.maximumf %slice3A_1163, %max3A_1811 : vector<1x128xf32>
      %sub3A_1813 = arith.subf %min3A_1810, %max3A_1812 : vector<1x128xf32>
      %add3A_1814 = arith.constant 1.000000e+00 : f32
      %add3A_1815 = vector.broadcast %add3A_1814 : f32 to vector<1x128xf32>
      %add3A_1816 = arith.addf %sub3A_1813, %add3A_1815 : vector<1x128xf32>
      %max3A_1817 = arith.constant 0.000000e+00 : f32
      %max3A_1818 = vector.broadcast %max3A_1817 : f32 to vector<1x128xf32>
      %max3A_1819 = arith.maximumf %add3A_1816, %max3A_1818 : vector<1x128xf32>
      %min3A_1820 = vector.broadcast %broadcast_in_dim3A_1790 : vector<1x1xf32> to vector<1x128xf32>
      %min3A_1821 = arith.minimumf %slice3A_1166, %min3A_1820 : vector<1x128xf32>
      %max3A_1822 = vector.broadcast %broadcast_in_dim3A_1772 : vector<1x1xf32> to vector<1x128xf32>
      %max3A_1823 = arith.maximumf %slice3A_1164, %max3A_1822 : vector<1x128xf32>
      %sub3A_1824 = arith.subf %min3A_1821, %max3A_1823 : vector<1x128xf32>
      %add3A_1825 = arith.constant 1.000000e+00 : f32
      %add3A_1826 = vector.broadcast %add3A_1825 : f32 to vector<1x128xf32>
      %add3A_1827 = arith.addf %sub3A_1824, %add3A_1826 : vector<1x128xf32>
      %max3A_1828 = arith.constant 0.000000e+00 : f32
      %max3A_1829 = vector.broadcast %max3A_1828 : f32 to vector<1x128xf32>
      %max3A_1830 = arith.maximumf %add3A_1827, %max3A_1829 : vector<1x128xf32>
      %mul3A_1831 = arith.mulf %max3A_1819, %max3A_1830 : vector<1x128xf32>
      %add3A_1832 = vector.broadcast %broadcast_in_dim3A_1799 : vector<1x1xf32> to vector<1x128xf32>
      %add3A_1833 = arith.addf %slice3A_1167, %add3A_1832 : vector<1x128xf32>
      %sub3A_1834 = arith.subf %add3A_1833, %mul3A_1831 : vector<1x128xf32>
      %div3A_1835 = arith.divf %mul3A_1831, %sub3A_1834 : vector<1x128xf32>
      %gt3A_1836 = arith.constant 0.699999988 : f32
      %gt3A_1837 = vector.broadcast %gt3A_1836 : f32 to vector<1x128xf32>
      %gt3A_1838 = arith.cmpf ogt, %div3A_1835, %gt3A_1837 : vector<1x128xf32>
      %gt3A_1839 = vector.broadcast %scan3A_1751 : i32 to vector<1x128xi32>
      %gt3A_1840 = arith.cmpi sgt, %iota3A, %gt3A_1839 : vector<1x128xi32>
      %and3A_1841 = arith.andi %gt3A_1838, %gt3A_1840 : vector<1x128xi1>
      %gt3A_1842 = arith.constant 5.000000e-01 : f32
      %gt3A_1843 = vector.broadcast %gt3A_1842 : f32 to vector<1x1xf32>
      %gt3A_1844 = arith.cmpf ogt, %broadcast_in_dim3A_1808, %gt3A_1843 : vector<1x1xf32>
      %and3A_1845 = vector.broadcast %gt3A_1844 : vector<1x1xi1> to vector<1x128xi1>
      %and3A_1846 = arith.andi %and3A_1841, %and3A_1845 : vector<1x128xi1>
      %jit3A_1847 = arith.constant 0.000000e+00 : f32
      %jit3A_1848 = arith.constant 1.000000e+00 : f32
      %broadcast_in_dim3A_1849 = vector.broadcast %jit3A_1847 : f32 to vector<1x128xf32>
      %broadcast_in_dim3A_1850 = vector.broadcast %jit3A_1848 : f32 to vector<1x128xf32>
      %select_n3A_1851 = arith.select %and3A_1846, %broadcast_in_dim3A_1849, %broadcast_in_dim3A_1850 : vector<1x128xi1>, vector<1x128xf32>
      %mul3A_1852 = arith.mulf %scan3A_1752, %select_n3A_1851 : vector<1x128xf32>
      scf.yield %mul3A_1852 : vector<1x128xf32>
    }
    %scan3A_1174 = arith.constant 128 : i32
    %gt3A_1175 = arith.constant 5.000000e-01 : f32
    %gt3A_1176 = vector.broadcast %gt3A_1175 : f32 to vector<1x128xf32>
    %gt3A_1177 = arith.cmpf ogt, %scan3A_1173, %gt3A_1176 : vector<1x128xf32>
    %and3A_1178 = vector.broadcast %gt3A_1177 : vector<1x128xi1> to vector<128x128xi1>
    %and3A_1179 = arith.andi %eq3A, %and3A_1178 : vector<128x128xi1>
    %jit3A_1180 = arith.constant 1.000000e+00 : f32
    %jit3A_1181 = arith.constant 0.000000e+00 : f32
    %broadcast_in_dim3A_1182 = vector.broadcast %jit3A_1180 : f32 to vector<128x128xf32>
    %broadcast_in_dim3A_1183 = vector.broadcast %jit3A_1181 : f32 to vector<128x128xf32>
    %select_n3A_1184 = arith.select %and3A_1179, %broadcast_in_dim3A_1182, %broadcast_in_dim3A_1183 : vector<128x128xi1>, vector<128x128xf32>
    %reduce_max3A_1185 = arith.constant dense<0xFF800000> : vector<128xf32>
    %reduce_max3A_1186 = vector.multi_reduction <maximumf>, %select_n3A_1184, %reduce_max3A_1185 [1] : vector<128x128xf32> to vector<128xf32>
    %broadcast_in_dim3A_1187 = vector.shape_cast %reduce_max3A_1186 : vector<128xf32> to vector<128x1xf32>
    %slice3A_1188 = vector.extract_strided_slice %min3A_156 {offsets = [0, 10], sizes = [128, 1], strides = [1, 1]} : vector<128x16xf32> to vector<128x1xf32>
    %slice3A_1189 = vector.extract_strided_slice %min3A_166 {offsets = [0, 10], sizes = [128, 1], strides = [1, 1]} : vector<128x16xf32> to vector<128x1xf32>
    %slice3A_1190 = vector.extract_strided_slice %min3A_179 {offsets = [0, 10], sizes = [128, 1], strides = [1, 1]} : vector<128x16xf32> to vector<128x1xf32>
    %slice3A_1191 = vector.extract_strided_slice %min3A_192 {offsets = [0, 10], sizes = [128, 1], strides = [1, 1]} : vector<128x16xf32> to vector<128x1xf32>
    %slice3A_1192 = vector.extract_strided_slice %mul3A_215 {offsets = [0, 10], sizes = [128, 1], strides = [1, 1]} : vector<128x16xf32> to vector<128x1xf32>
    %min3A_1193 = vector.broadcast %min3A_76 : vector<1x2048xf32> to vector<128x2048xf32>
    %min3A_1194 = vector.broadcast %slice3A_1190 : vector<128x1xf32> to vector<128x2048xf32>
    %min3A_1195 = arith.minimumf %min3A_1193, %min3A_1194 : vector<128x2048xf32>
    %max3A_1196 = vector.broadcast %min3A_53 : vector<1x2048xf32> to vector<128x2048xf32>
    %max3A_1197 = vector.broadcast %slice3A_1188 : vector<128x1xf32> to vector<128x2048xf32>
    %max3A_1198 = arith.maximumf %max3A_1196, %max3A_1197 : vector<128x2048xf32>
    %sub3A_1199 = arith.subf %min3A_1195, %max3A_1198 : vector<128x2048xf32>
    %add3A_1200 = arith.constant 1.000000e+00 : f32
    %add3A_1201 = vector.broadcast %add3A_1200 : f32 to vector<128x2048xf32>
    %add3A_1202 = arith.addf %sub3A_1199, %add3A_1201 : vector<128x2048xf32>
    %max3A_1203 = arith.constant 0.000000e+00 : f32
    %max3A_1204 = vector.broadcast %max3A_1203 : f32 to vector<128x2048xf32>
    %max3A_1205 = arith.maximumf %add3A_1202, %max3A_1204 : vector<128x2048xf32>
    %min3A_1206 = vector.broadcast %min3A_89 : vector<1x2048xf32> to vector<128x2048xf32>
    %min3A_1207 = vector.broadcast %slice3A_1191 : vector<128x1xf32> to vector<128x2048xf32>
    %min3A_1208 = arith.minimumf %min3A_1206, %min3A_1207 : vector<128x2048xf32>
    %max3A_1209 = vector.broadcast %min3A_63 : vector<1x2048xf32> to vector<128x2048xf32>
    %max3A_1210 = vector.broadcast %slice3A_1189 : vector<128x1xf32> to vector<128x2048xf32>
    %max3A_1211 = arith.maximumf %max3A_1209, %max3A_1210 : vector<128x2048xf32>
    %sub3A_1212 = arith.subf %min3A_1208, %max3A_1211 : vector<128x2048xf32>
    %add3A_1213 = arith.constant 1.000000e+00 : f32
    %add3A_1214 = vector.broadcast %add3A_1213 : f32 to vector<128x2048xf32>
    %add3A_1215 = arith.addf %sub3A_1212, %add3A_1214 : vector<128x2048xf32>
    %max3A_1216 = arith.constant 0.000000e+00 : f32
    %max3A_1217 = vector.broadcast %max3A_1216 : f32 to vector<128x2048xf32>
    %max3A_1218 = arith.maximumf %add3A_1215, %max3A_1217 : vector<128x2048xf32>
    %mul3A_1219 = arith.mulf %max3A_1205, %max3A_1218 : vector<128x2048xf32>
    %add3A_1220 = vector.broadcast %mul3A_206 : vector<1x2048xf32> to vector<128x2048xf32>
    %add3A_1221 = vector.broadcast %slice3A_1192 : vector<128x1xf32> to vector<128x2048xf32>
    %add3A_1222 = arith.addf %add3A_1220, %add3A_1221 : vector<128x2048xf32>
    %sub3A_1223 = arith.subf %add3A_1222, %mul3A_1219 : vector<128x2048xf32>
    %div3A_1224 = arith.divf %mul3A_1219, %sub3A_1223 : vector<128x2048xf32>
    %gt3A_1225 = arith.constant 0.699999988 : f32
    %gt3A_1226 = vector.broadcast %gt3A_1225 : f32 to vector<128x2048xf32>
    %gt3A_1227 = arith.cmpf ogt, %div3A_1224, %gt3A_1226 : vector<128x2048xf32>
    %ge3A_1228 = arith.constant 1408 : i32
    %ge3A_1229 = vector.broadcast %ge3A_1228 : i32 to vector<1x2048xi32>
    %ge3A_1230 = arith.cmpi sge, %iota3A_216, %ge3A_1229 : vector<1x2048xi32>
    %and3A_1231 = vector.broadcast %ge3A_1230 : vector<1x2048xi1> to vector<128x2048xi1>
    %and3A_1232 = arith.andi %gt3A_1227, %and3A_1231 : vector<128x2048xi1>
    %gt3A_1233 = arith.constant 5.000000e-01 : f32
    %gt3A_1234 = vector.broadcast %gt3A_1233 : f32 to vector<128x1xf32>
    %gt3A_1235 = arith.cmpf ogt, %broadcast_in_dim3A_1187, %gt3A_1234 : vector<128x1xf32>
    %and3A_1236 = vector.broadcast %gt3A_1235 : vector<128x1xi1> to vector<128x2048xi1>
    %and3A_1237 = arith.andi %and3A_1232, %and3A_1236 : vector<128x2048xi1>
    %jit3A_1238 = arith.constant 1.000000e+00 : f32
    %jit3A_1239 = arith.constant 0.000000e+00 : f32
    %broadcast_in_dim3A_1240 = vector.broadcast %jit3A_1238 : f32 to vector<128x2048xf32>
    %broadcast_in_dim3A_1241 = vector.broadcast %jit3A_1239 : f32 to vector<128x2048xf32>
    %select_n3A_1242 = arith.select %and3A_1237, %broadcast_in_dim3A_1240, %broadcast_in_dim3A_1241 : vector<128x2048xi1>, vector<128x2048xf32>
    %reduce_max3A_1243 = arith.constant dense<0xFF800000> : vector<2048xf32>
    %reduce_max3A_1244 = vector.multi_reduction <maximumf>, %select_n3A_1242, %reduce_max3A_1243 [0] : vector<128x2048xf32> to vector<2048xf32>
    %broadcast_in_dim3A_1245 = vector.shape_cast %reduce_max3A_1244 : vector<2048xf32> to vector<1x2048xf32>
    %slice3A_1246 = vector.extract_strided_slice %mul3A_1162 {offsets = [0, 0], sizes = [1, 1280], strides = [1, 1]} : vector<1x2048xf32> to vector<1x1280xf32>
    %slice3A_1247 = vector.extract_strided_slice %mul3A_1162 {offsets = [0, 1408], sizes = [1, 640], strides = [1, 1]} : vector<1x2048xf32> to vector<1x640xf32>
    %concatenate3A_1248 = tpu.concatenate %slice3A_1246, %scan3A_1173, %slice3A_1247 in 1 : vector<1x1280xf32>, vector<1x128xf32>, vector<1x640xf32> -> vector<1x2048xf32>
    %gt3A_1249 = arith.constant 5.000000e-01 : f32
    %gt3A_1250 = vector.broadcast %gt3A_1249 : f32 to vector<1x2048xf32>
    %gt3A_1251 = arith.cmpf ogt, %broadcast_in_dim3A_1245, %gt3A_1250 : vector<1x2048xf32>
    %jit3A_1252 = arith.constant 0.000000e+00 : f32
    %jit3A_1253 = arith.constant 1.000000e+00 : f32
    %broadcast_in_dim3A_1254 = vector.broadcast %jit3A_1252 : f32 to vector<1x2048xf32>
    %broadcast_in_dim3A_1255 = vector.broadcast %jit3A_1253 : f32 to vector<1x2048xf32>
    %select_n3A_1256 = arith.select %gt3A_1251, %broadcast_in_dim3A_1254, %broadcast_in_dim3A_1255 : vector<1x2048xi1>, vector<1x2048xf32>
    %mul3A_1257 = arith.mulf %concatenate3A_1248, %select_n3A_1256 : vector<1x2048xf32>
    %slice3A_1258 = vector.extract_strided_slice %min3A_53 {offsets = [0, 1408], sizes = [1, 128], strides = [1, 1]} : vector<1x2048xf32> to vector<1x128xf32>
    %slice3A_1259 = vector.extract_strided_slice %min3A_63 {offsets = [0, 1408], sizes = [1, 128], strides = [1, 1]} : vector<1x2048xf32> to vector<1x128xf32>
    %slice3A_1260 = vector.extract_strided_slice %min3A_76 {offsets = [0, 1408], sizes = [1, 128], strides = [1, 1]} : vector<1x2048xf32> to vector<1x128xf32>
    %slice3A_1261 = vector.extract_strided_slice %min3A_89 {offsets = [0, 1408], sizes = [1, 128], strides = [1, 1]} : vector<1x2048xf32> to vector<1x128xf32>
    %slice3A_1262 = vector.extract_strided_slice %mul3A_206 {offsets = [0, 1408], sizes = [1, 128], strides = [1, 1]} : vector<1x2048xf32> to vector<1x128xf32>
    %slice3A_1263 = vector.extract_strided_slice %mul3A_1257 {offsets = [0, 1408], sizes = [1, 128], strides = [1, 1]} : vector<1x2048xf32> to vector<1x128xf32>
    %scan3A_1264 = arith.constant 0 : i32
    %scan3A_1265 = arith.constant 128 : i32
    %scan3A_1266 = arith.addi %scan3A_1264, %scan3A_1265 : i32
    %scan3A_1267 = arith.constant 1 : i32
    %scan3A_1268 = scf.for %scan3A_1751 = %scan3A_1264 to %scan3A_1266 step %scan3A_1267 iter_args(%scan3A_1752 = %slice3A_1263) -> (vector<1x128xf32>)  : i32 {
      %eq3A_1753 = vector.broadcast %scan3A_1751 : i32 to vector<1x128xi32>
      %eq3A_1754 = arith.cmpi eq, %iota3A, %eq3A_1753 : vector<1x128xi32>
      %jit3A_1755 = arith.constant -1.000000e+30 : f32
      %broadcast_in_dim3A_1756 = vector.broadcast %jit3A_1755 : f32 to vector<1x128xf32>
      %select_n3A_1757 = arith.select %eq3A_1754, %slice3A_1258, %broadcast_in_dim3A_1756 : vector<1x128xi1>, vector<1x128xf32>
      %reduce_max3A_1758 = vector.shape_cast %select_n3A_1757 : vector<1x128xf32> to vector<1x1x128xf32>
      %reduce_max3A_1759 = arith.constant dense<0xFF800000> : vector<1xf32>
      %reduce_max3A_1760 = vector.multi_reduction <maximumf>, %reduce_max3A_1758, %reduce_max3A_1759 [1, 2] : vector<1x1x128xf32> to vector<1xf32>
      %reduce_max3A_1761 = vector.shape_cast %reduce_max3A_1760 : vector<1xf32> to vector<1x1x1xf32>
      %reduce_max3A_1762 = vector.extract %reduce_max3A_1761[0, 0, 0] : f32 from vector<1x1x1xf32>
      %broadcast_in_dim3A_1763 = vector.broadcast %reduce_max3A_1762 : f32 to vector<1x1xf32>
      %jit3A_1764 = arith.constant -1.000000e+30 : f32
      %broadcast_in_dim3A_1765 = vector.broadcast %jit3A_1764 : f32 to vector<1x128xf32>
      %select_n3A_1766 = arith.select %eq3A_1754, %slice3A_1259, %broadcast_in_dim3A_1765 : vector<1x128xi1>, vector<1x128xf32>
      %reduce_max3A_1767 = vector.shape_cast %select_n3A_1766 : vector<1x128xf32> to vector<1x1x128xf32>
      %reduce_max3A_1768 = arith.constant dense<0xFF800000> : vector<1xf32>
      %reduce_max3A_1769 = vector.multi_reduction <maximumf>, %reduce_max3A_1767, %reduce_max3A_1768 [1, 2] : vector<1x1x128xf32> to vector<1xf32>
      %reduce_max3A_1770 = vector.shape_cast %reduce_max3A_1769 : vector<1xf32> to vector<1x1x1xf32>
      %reduce_max3A_1771 = vector.extract %reduce_max3A_1770[0, 0, 0] : f32 from vector<1x1x1xf32>
      %broadcast_in_dim3A_1772 = vector.broadcast %reduce_max3A_1771 : f32 to vector<1x1xf32>
      %jit3A_1773 = arith.constant -1.000000e+30 : f32
      %broadcast_in_dim3A_1774 = vector.broadcast %jit3A_1773 : f32 to vector<1x128xf32>
      %select_n3A_1775 = arith.select %eq3A_1754, %slice3A_1260, %broadcast_in_dim3A_1774 : vector<1x128xi1>, vector<1x128xf32>
      %reduce_max3A_1776 = vector.shape_cast %select_n3A_1775 : vector<1x128xf32> to vector<1x1x128xf32>
      %reduce_max3A_1777 = arith.constant dense<0xFF800000> : vector<1xf32>
      %reduce_max3A_1778 = vector.multi_reduction <maximumf>, %reduce_max3A_1776, %reduce_max3A_1777 [1, 2] : vector<1x1x128xf32> to vector<1xf32>
      %reduce_max3A_1779 = vector.shape_cast %reduce_max3A_1778 : vector<1xf32> to vector<1x1x1xf32>
      %reduce_max3A_1780 = vector.extract %reduce_max3A_1779[0, 0, 0] : f32 from vector<1x1x1xf32>
      %broadcast_in_dim3A_1781 = vector.broadcast %reduce_max3A_1780 : f32 to vector<1x1xf32>
      %jit3A_1782 = arith.constant -1.000000e+30 : f32
      %broadcast_in_dim3A_1783 = vector.broadcast %jit3A_1782 : f32 to vector<1x128xf32>
      %select_n3A_1784 = arith.select %eq3A_1754, %slice3A_1261, %broadcast_in_dim3A_1783 : vector<1x128xi1>, vector<1x128xf32>
      %reduce_max3A_1785 = vector.shape_cast %select_n3A_1784 : vector<1x128xf32> to vector<1x1x128xf32>
      %reduce_max3A_1786 = arith.constant dense<0xFF800000> : vector<1xf32>
      %reduce_max3A_1787 = vector.multi_reduction <maximumf>, %reduce_max3A_1785, %reduce_max3A_1786 [1, 2] : vector<1x1x128xf32> to vector<1xf32>
      %reduce_max3A_1788 = vector.shape_cast %reduce_max3A_1787 : vector<1xf32> to vector<1x1x1xf32>
      %reduce_max3A_1789 = vector.extract %reduce_max3A_1788[0, 0, 0] : f32 from vector<1x1x1xf32>
      %broadcast_in_dim3A_1790 = vector.broadcast %reduce_max3A_1789 : f32 to vector<1x1xf32>
      %jit3A_1791 = arith.constant -1.000000e+30 : f32
      %broadcast_in_dim3A_1792 = vector.broadcast %jit3A_1791 : f32 to vector<1x128xf32>
      %select_n3A_1793 = arith.select %eq3A_1754, %slice3A_1262, %broadcast_in_dim3A_1792 : vector<1x128xi1>, vector<1x128xf32>
      %reduce_max3A_1794 = vector.shape_cast %select_n3A_1793 : vector<1x128xf32> to vector<1x1x128xf32>
      %reduce_max3A_1795 = arith.constant dense<0xFF800000> : vector<1xf32>
      %reduce_max3A_1796 = vector.multi_reduction <maximumf>, %reduce_max3A_1794, %reduce_max3A_1795 [1, 2] : vector<1x1x128xf32> to vector<1xf32>
      %reduce_max3A_1797 = vector.shape_cast %reduce_max3A_1796 : vector<1xf32> to vector<1x1x1xf32>
      %reduce_max3A_1798 = vector.extract %reduce_max3A_1797[0, 0, 0] : f32 from vector<1x1x1xf32>
      %broadcast_in_dim3A_1799 = vector.broadcast %reduce_max3A_1798 : f32 to vector<1x1xf32>
      %jit3A_1800 = arith.constant 0.000000e+00 : f32
      %broadcast_in_dim3A_1801 = vector.broadcast %jit3A_1800 : f32 to vector<1x128xf32>
      %select_n3A_1802 = arith.select %eq3A_1754, %scan3A_1752, %broadcast_in_dim3A_1801 : vector<1x128xi1>, vector<1x128xf32>
      %reduce_max3A_1803 = vector.shape_cast %select_n3A_1802 : vector<1x128xf32> to vector<1x1x128xf32>
      %reduce_max3A_1804 = arith.constant dense<0xFF800000> : vector<1xf32>
      %reduce_max3A_1805 = vector.multi_reduction <maximumf>, %reduce_max3A_1803, %reduce_max3A_1804 [1, 2] : vector<1x1x128xf32> to vector<1xf32>
      %reduce_max3A_1806 = vector.shape_cast %reduce_max3A_1805 : vector<1xf32> to vector<1x1x1xf32>
      %reduce_max3A_1807 = vector.extract %reduce_max3A_1806[0, 0, 0] : f32 from vector<1x1x1xf32>
      %broadcast_in_dim3A_1808 = vector.broadcast %reduce_max3A_1807 : f32 to vector<1x1xf32>
      %min3A_1809 = vector.broadcast %broadcast_in_dim3A_1781 : vector<1x1xf32> to vector<1x128xf32>
      %min3A_1810 = arith.minimumf %slice3A_1260, %min3A_1809 : vector<1x128xf32>
      %max3A_1811 = vector.broadcast %broadcast_in_dim3A_1763 : vector<1x1xf32> to vector<1x128xf32>
      %max3A_1812 = arith.maximumf %slice3A_1258, %max3A_1811 : vector<1x128xf32>
      %sub3A_1813 = arith.subf %min3A_1810, %max3A_1812 : vector<1x128xf32>
      %add3A_1814 = arith.constant 1.000000e+00 : f32
      %add3A_1815 = vector.broadcast %add3A_1814 : f32 to vector<1x128xf32>
      %add3A_1816 = arith.addf %sub3A_1813, %add3A_1815 : vector<1x128xf32>
      %max3A_1817 = arith.constant 0.000000e+00 : f32
      %max3A_1818 = vector.broadcast %max3A_1817 : f32 to vector<1x128xf32>
      %max3A_1819 = arith.maximumf %add3A_1816, %max3A_1818 : vector<1x128xf32>
      %min3A_1820 = vector.broadcast %broadcast_in_dim3A_1790 : vector<1x1xf32> to vector<1x128xf32>
      %min3A_1821 = arith.minimumf %slice3A_1261, %min3A_1820 : vector<1x128xf32>
      %max3A_1822 = vector.broadcast %broadcast_in_dim3A_1772 : vector<1x1xf32> to vector<1x128xf32>
      %max3A_1823 = arith.maximumf %slice3A_1259, %max3A_1822 : vector<1x128xf32>
      %sub3A_1824 = arith.subf %min3A_1821, %max3A_1823 : vector<1x128xf32>
      %add3A_1825 = arith.constant 1.000000e+00 : f32
      %add3A_1826 = vector.broadcast %add3A_1825 : f32 to vector<1x128xf32>
      %add3A_1827 = arith.addf %sub3A_1824, %add3A_1826 : vector<1x128xf32>
      %max3A_1828 = arith.constant 0.000000e+00 : f32
      %max3A_1829 = vector.broadcast %max3A_1828 : f32 to vector<1x128xf32>
      %max3A_1830 = arith.maximumf %add3A_1827, %max3A_1829 : vector<1x128xf32>
      %mul3A_1831 = arith.mulf %max3A_1819, %max3A_1830 : vector<1x128xf32>
      %add3A_1832 = vector.broadcast %broadcast_in_dim3A_1799 : vector<1x1xf32> to vector<1x128xf32>
      %add3A_1833 = arith.addf %slice3A_1262, %add3A_1832 : vector<1x128xf32>
      %sub3A_1834 = arith.subf %add3A_1833, %mul3A_1831 : vector<1x128xf32>
      %div3A_1835 = arith.divf %mul3A_1831, %sub3A_1834 : vector<1x128xf32>
      %gt3A_1836 = arith.constant 0.699999988 : f32
      %gt3A_1837 = vector.broadcast %gt3A_1836 : f32 to vector<1x128xf32>
      %gt3A_1838 = arith.cmpf ogt, %div3A_1835, %gt3A_1837 : vector<1x128xf32>
      %gt3A_1839 = vector.broadcast %scan3A_1751 : i32 to vector<1x128xi32>
      %gt3A_1840 = arith.cmpi sgt, %iota3A, %gt3A_1839 : vector<1x128xi32>
      %and3A_1841 = arith.andi %gt3A_1838, %gt3A_1840 : vector<1x128xi1>
      %gt3A_1842 = arith.constant 5.000000e-01 : f32
      %gt3A_1843 = vector.broadcast %gt3A_1842 : f32 to vector<1x1xf32>
      %gt3A_1844 = arith.cmpf ogt, %broadcast_in_dim3A_1808, %gt3A_1843 : vector<1x1xf32>
      %and3A_1845 = vector.broadcast %gt3A_1844 : vector<1x1xi1> to vector<1x128xi1>
      %and3A_1846 = arith.andi %and3A_1841, %and3A_1845 : vector<1x128xi1>
      %jit3A_1847 = arith.constant 0.000000e+00 : f32
      %jit3A_1848 = arith.constant 1.000000e+00 : f32
      %broadcast_in_dim3A_1849 = vector.broadcast %jit3A_1847 : f32 to vector<1x128xf32>
      %broadcast_in_dim3A_1850 = vector.broadcast %jit3A_1848 : f32 to vector<1x128xf32>
      %select_n3A_1851 = arith.select %and3A_1846, %broadcast_in_dim3A_1849, %broadcast_in_dim3A_1850 : vector<1x128xi1>, vector<1x128xf32>
      %mul3A_1852 = arith.mulf %scan3A_1752, %select_n3A_1851 : vector<1x128xf32>
      scf.yield %mul3A_1852 : vector<1x128xf32>
    }
    %scan3A_1269 = arith.constant 128 : i32
    %gt3A_1270 = arith.constant 5.000000e-01 : f32
    %gt3A_1271 = vector.broadcast %gt3A_1270 : f32 to vector<1x128xf32>
    %gt3A_1272 = arith.cmpf ogt, %scan3A_1268, %gt3A_1271 : vector<1x128xf32>
    %and3A_1273 = vector.broadcast %gt3A_1272 : vector<1x128xi1> to vector<128x128xi1>
    %and3A_1274 = arith.andi %eq3A, %and3A_1273 : vector<128x128xi1>
    %jit3A_1275 = arith.constant 1.000000e+00 : f32
    %jit3A_1276 = arith.constant 0.000000e+00 : f32
    %broadcast_in_dim3A_1277 = vector.broadcast %jit3A_1275 : f32 to vector<128x128xf32>
    %broadcast_in_dim3A_1278 = vector.broadcast %jit3A_1276 : f32 to vector<128x128xf32>
    %select_n3A_1279 = arith.select %and3A_1274, %broadcast_in_dim3A_1277, %broadcast_in_dim3A_1278 : vector<128x128xi1>, vector<128x128xf32>
    %reduce_max3A_1280 = arith.constant dense<0xFF800000> : vector<128xf32>
    %reduce_max3A_1281 = vector.multi_reduction <maximumf>, %select_n3A_1279, %reduce_max3A_1280 [1] : vector<128x128xf32> to vector<128xf32>
    %broadcast_in_dim3A_1282 = vector.shape_cast %reduce_max3A_1281 : vector<128xf32> to vector<128x1xf32>
    %slice3A_1283 = vector.extract_strided_slice %min3A_156 {offsets = [0, 11], sizes = [128, 1], strides = [1, 1]} : vector<128x16xf32> to vector<128x1xf32>
    %slice3A_1284 = vector.extract_strided_slice %min3A_166 {offsets = [0, 11], sizes = [128, 1], strides = [1, 1]} : vector<128x16xf32> to vector<128x1xf32>
    %slice3A_1285 = vector.extract_strided_slice %min3A_179 {offsets = [0, 11], sizes = [128, 1], strides = [1, 1]} : vector<128x16xf32> to vector<128x1xf32>
    %slice3A_1286 = vector.extract_strided_slice %min3A_192 {offsets = [0, 11], sizes = [128, 1], strides = [1, 1]} : vector<128x16xf32> to vector<128x1xf32>
    %slice3A_1287 = vector.extract_strided_slice %mul3A_215 {offsets = [0, 11], sizes = [128, 1], strides = [1, 1]} : vector<128x16xf32> to vector<128x1xf32>
    %min3A_1288 = vector.broadcast %min3A_76 : vector<1x2048xf32> to vector<128x2048xf32>
    %min3A_1289 = vector.broadcast %slice3A_1285 : vector<128x1xf32> to vector<128x2048xf32>
    %min3A_1290 = arith.minimumf %min3A_1288, %min3A_1289 : vector<128x2048xf32>
    %max3A_1291 = vector.broadcast %min3A_53 : vector<1x2048xf32> to vector<128x2048xf32>
    %max3A_1292 = vector.broadcast %slice3A_1283 : vector<128x1xf32> to vector<128x2048xf32>
    %max3A_1293 = arith.maximumf %max3A_1291, %max3A_1292 : vector<128x2048xf32>
    %sub3A_1294 = arith.subf %min3A_1290, %max3A_1293 : vector<128x2048xf32>
    %add3A_1295 = arith.constant 1.000000e+00 : f32
    %add3A_1296 = vector.broadcast %add3A_1295 : f32 to vector<128x2048xf32>
    %add3A_1297 = arith.addf %sub3A_1294, %add3A_1296 : vector<128x2048xf32>
    %max3A_1298 = arith.constant 0.000000e+00 : f32
    %max3A_1299 = vector.broadcast %max3A_1298 : f32 to vector<128x2048xf32>
    %max3A_1300 = arith.maximumf %add3A_1297, %max3A_1299 : vector<128x2048xf32>
    %min3A_1301 = vector.broadcast %min3A_89 : vector<1x2048xf32> to vector<128x2048xf32>
    %min3A_1302 = vector.broadcast %slice3A_1286 : vector<128x1xf32> to vector<128x2048xf32>
    %min3A_1303 = arith.minimumf %min3A_1301, %min3A_1302 : vector<128x2048xf32>
    %max3A_1304 = vector.broadcast %min3A_63 : vector<1x2048xf32> to vector<128x2048xf32>
    %max3A_1305 = vector.broadcast %slice3A_1284 : vector<128x1xf32> to vector<128x2048xf32>
    %max3A_1306 = arith.maximumf %max3A_1304, %max3A_1305 : vector<128x2048xf32>
    %sub3A_1307 = arith.subf %min3A_1303, %max3A_1306 : vector<128x2048xf32>
    %add3A_1308 = arith.constant 1.000000e+00 : f32
    %add3A_1309 = vector.broadcast %add3A_1308 : f32 to vector<128x2048xf32>
    %add3A_1310 = arith.addf %sub3A_1307, %add3A_1309 : vector<128x2048xf32>
    %max3A_1311 = arith.constant 0.000000e+00 : f32
    %max3A_1312 = vector.broadcast %max3A_1311 : f32 to vector<128x2048xf32>
    %max3A_1313 = arith.maximumf %add3A_1310, %max3A_1312 : vector<128x2048xf32>
    %mul3A_1314 = arith.mulf %max3A_1300, %max3A_1313 : vector<128x2048xf32>
    %add3A_1315 = vector.broadcast %mul3A_206 : vector<1x2048xf32> to vector<128x2048xf32>
    %add3A_1316 = vector.broadcast %slice3A_1287 : vector<128x1xf32> to vector<128x2048xf32>
    %add3A_1317 = arith.addf %add3A_1315, %add3A_1316 : vector<128x2048xf32>
    %sub3A_1318 = arith.subf %add3A_1317, %mul3A_1314 : vector<128x2048xf32>
    %div3A_1319 = arith.divf %mul3A_1314, %sub3A_1318 : vector<128x2048xf32>
    %gt3A_1320 = arith.constant 0.699999988 : f32
    %gt3A_1321 = vector.broadcast %gt3A_1320 : f32 to vector<128x2048xf32>
    %gt3A_1322 = arith.cmpf ogt, %div3A_1319, %gt3A_1321 : vector<128x2048xf32>
    %ge3A_1323 = arith.constant 1536 : i32
    %ge3A_1324 = vector.broadcast %ge3A_1323 : i32 to vector<1x2048xi32>
    %ge3A_1325 = arith.cmpi sge, %iota3A_216, %ge3A_1324 : vector<1x2048xi32>
    %and3A_1326 = vector.broadcast %ge3A_1325 : vector<1x2048xi1> to vector<128x2048xi1>
    %and3A_1327 = arith.andi %gt3A_1322, %and3A_1326 : vector<128x2048xi1>
    %gt3A_1328 = arith.constant 5.000000e-01 : f32
    %gt3A_1329 = vector.broadcast %gt3A_1328 : f32 to vector<128x1xf32>
    %gt3A_1330 = arith.cmpf ogt, %broadcast_in_dim3A_1282, %gt3A_1329 : vector<128x1xf32>
    %and3A_1331 = vector.broadcast %gt3A_1330 : vector<128x1xi1> to vector<128x2048xi1>
    %and3A_1332 = arith.andi %and3A_1327, %and3A_1331 : vector<128x2048xi1>
    %jit3A_1333 = arith.constant 1.000000e+00 : f32
    %jit3A_1334 = arith.constant 0.000000e+00 : f32
    %broadcast_in_dim3A_1335 = vector.broadcast %jit3A_1333 : f32 to vector<128x2048xf32>
    %broadcast_in_dim3A_1336 = vector.broadcast %jit3A_1334 : f32 to vector<128x2048xf32>
    %select_n3A_1337 = arith.select %and3A_1332, %broadcast_in_dim3A_1335, %broadcast_in_dim3A_1336 : vector<128x2048xi1>, vector<128x2048xf32>
    %reduce_max3A_1338 = arith.constant dense<0xFF800000> : vector<2048xf32>
    %reduce_max3A_1339 = vector.multi_reduction <maximumf>, %select_n3A_1337, %reduce_max3A_1338 [0] : vector<128x2048xf32> to vector<2048xf32>
    %broadcast_in_dim3A_1340 = vector.shape_cast %reduce_max3A_1339 : vector<2048xf32> to vector<1x2048xf32>
    %slice3A_1341 = vector.extract_strided_slice %mul3A_1257 {offsets = [0, 0], sizes = [1, 1408], strides = [1, 1]} : vector<1x2048xf32> to vector<1x1408xf32>
    %slice3A_1342 = vector.extract_strided_slice %mul3A_1257 {offsets = [0, 1536], sizes = [1, 512], strides = [1, 1]} : vector<1x2048xf32> to vector<1x512xf32>
    %concatenate3A_1343 = tpu.concatenate %slice3A_1341, %scan3A_1268, %slice3A_1342 in 1 : vector<1x1408xf32>, vector<1x128xf32>, vector<1x512xf32> -> vector<1x2048xf32>
    %gt3A_1344 = arith.constant 5.000000e-01 : f32
    %gt3A_1345 = vector.broadcast %gt3A_1344 : f32 to vector<1x2048xf32>
    %gt3A_1346 = arith.cmpf ogt, %broadcast_in_dim3A_1340, %gt3A_1345 : vector<1x2048xf32>
    %jit3A_1347 = arith.constant 0.000000e+00 : f32
    %jit3A_1348 = arith.constant 1.000000e+00 : f32
    %broadcast_in_dim3A_1349 = vector.broadcast %jit3A_1347 : f32 to vector<1x2048xf32>
    %broadcast_in_dim3A_1350 = vector.broadcast %jit3A_1348 : f32 to vector<1x2048xf32>
    %select_n3A_1351 = arith.select %gt3A_1346, %broadcast_in_dim3A_1349, %broadcast_in_dim3A_1350 : vector<1x2048xi1>, vector<1x2048xf32>
    %mul3A_1352 = arith.mulf %concatenate3A_1343, %select_n3A_1351 : vector<1x2048xf32>
    %slice3A_1353 = vector.extract_strided_slice %min3A_53 {offsets = [0, 1536], sizes = [1, 128], strides = [1, 1]} : vector<1x2048xf32> to vector<1x128xf32>
    %slice3A_1354 = vector.extract_strided_slice %min3A_63 {offsets = [0, 1536], sizes = [1, 128], strides = [1, 1]} : vector<1x2048xf32> to vector<1x128xf32>
    %slice3A_1355 = vector.extract_strided_slice %min3A_76 {offsets = [0, 1536], sizes = [1, 128], strides = [1, 1]} : vector<1x2048xf32> to vector<1x128xf32>
    %slice3A_1356 = vector.extract_strided_slice %min3A_89 {offsets = [0, 1536], sizes = [1, 128], strides = [1, 1]} : vector<1x2048xf32> to vector<1x128xf32>
    %slice3A_1357 = vector.extract_strided_slice %mul3A_206 {offsets = [0, 1536], sizes = [1, 128], strides = [1, 1]} : vector<1x2048xf32> to vector<1x128xf32>
    %slice3A_1358 = vector.extract_strided_slice %mul3A_1352 {offsets = [0, 1536], sizes = [1, 128], strides = [1, 1]} : vector<1x2048xf32> to vector<1x128xf32>
    %scan3A_1359 = arith.constant 0 : i32
    %scan3A_1360 = arith.constant 128 : i32
    %scan3A_1361 = arith.addi %scan3A_1359, %scan3A_1360 : i32
    %scan3A_1362 = arith.constant 1 : i32
    %scan3A_1363 = scf.for %scan3A_1751 = %scan3A_1359 to %scan3A_1361 step %scan3A_1362 iter_args(%scan3A_1752 = %slice3A_1358) -> (vector<1x128xf32>)  : i32 {
      %eq3A_1753 = vector.broadcast %scan3A_1751 : i32 to vector<1x128xi32>
      %eq3A_1754 = arith.cmpi eq, %iota3A, %eq3A_1753 : vector<1x128xi32>
      %jit3A_1755 = arith.constant -1.000000e+30 : f32
      %broadcast_in_dim3A_1756 = vector.broadcast %jit3A_1755 : f32 to vector<1x128xf32>
      %select_n3A_1757 = arith.select %eq3A_1754, %slice3A_1353, %broadcast_in_dim3A_1756 : vector<1x128xi1>, vector<1x128xf32>
      %reduce_max3A_1758 = vector.shape_cast %select_n3A_1757 : vector<1x128xf32> to vector<1x1x128xf32>
      %reduce_max3A_1759 = arith.constant dense<0xFF800000> : vector<1xf32>
      %reduce_max3A_1760 = vector.multi_reduction <maximumf>, %reduce_max3A_1758, %reduce_max3A_1759 [1, 2] : vector<1x1x128xf32> to vector<1xf32>
      %reduce_max3A_1761 = vector.shape_cast %reduce_max3A_1760 : vector<1xf32> to vector<1x1x1xf32>
      %reduce_max3A_1762 = vector.extract %reduce_max3A_1761[0, 0, 0] : f32 from vector<1x1x1xf32>
      %broadcast_in_dim3A_1763 = vector.broadcast %reduce_max3A_1762 : f32 to vector<1x1xf32>
      %jit3A_1764 = arith.constant -1.000000e+30 : f32
      %broadcast_in_dim3A_1765 = vector.broadcast %jit3A_1764 : f32 to vector<1x128xf32>
      %select_n3A_1766 = arith.select %eq3A_1754, %slice3A_1354, %broadcast_in_dim3A_1765 : vector<1x128xi1>, vector<1x128xf32>
      %reduce_max3A_1767 = vector.shape_cast %select_n3A_1766 : vector<1x128xf32> to vector<1x1x128xf32>
      %reduce_max3A_1768 = arith.constant dense<0xFF800000> : vector<1xf32>
      %reduce_max3A_1769 = vector.multi_reduction <maximumf>, %reduce_max3A_1767, %reduce_max3A_1768 [1, 2] : vector<1x1x128xf32> to vector<1xf32>
      %reduce_max3A_1770 = vector.shape_cast %reduce_max3A_1769 : vector<1xf32> to vector<1x1x1xf32>
      %reduce_max3A_1771 = vector.extract %reduce_max3A_1770[0, 0, 0] : f32 from vector<1x1x1xf32>
      %broadcast_in_dim3A_1772 = vector.broadcast %reduce_max3A_1771 : f32 to vector<1x1xf32>
      %jit3A_1773 = arith.constant -1.000000e+30 : f32
      %broadcast_in_dim3A_1774 = vector.broadcast %jit3A_1773 : f32 to vector<1x128xf32>
      %select_n3A_1775 = arith.select %eq3A_1754, %slice3A_1355, %broadcast_in_dim3A_1774 : vector<1x128xi1>, vector<1x128xf32>
      %reduce_max3A_1776 = vector.shape_cast %select_n3A_1775 : vector<1x128xf32> to vector<1x1x128xf32>
      %reduce_max3A_1777 = arith.constant dense<0xFF800000> : vector<1xf32>
      %reduce_max3A_1778 = vector.multi_reduction <maximumf>, %reduce_max3A_1776, %reduce_max3A_1777 [1, 2] : vector<1x1x128xf32> to vector<1xf32>
      %reduce_max3A_1779 = vector.shape_cast %reduce_max3A_1778 : vector<1xf32> to vector<1x1x1xf32>
      %reduce_max3A_1780 = vector.extract %reduce_max3A_1779[0, 0, 0] : f32 from vector<1x1x1xf32>
      %broadcast_in_dim3A_1781 = vector.broadcast %reduce_max3A_1780 : f32 to vector<1x1xf32>
      %jit3A_1782 = arith.constant -1.000000e+30 : f32
      %broadcast_in_dim3A_1783 = vector.broadcast %jit3A_1782 : f32 to vector<1x128xf32>
      %select_n3A_1784 = arith.select %eq3A_1754, %slice3A_1356, %broadcast_in_dim3A_1783 : vector<1x128xi1>, vector<1x128xf32>
      %reduce_max3A_1785 = vector.shape_cast %select_n3A_1784 : vector<1x128xf32> to vector<1x1x128xf32>
      %reduce_max3A_1786 = arith.constant dense<0xFF800000> : vector<1xf32>
      %reduce_max3A_1787 = vector.multi_reduction <maximumf>, %reduce_max3A_1785, %reduce_max3A_1786 [1, 2] : vector<1x1x128xf32> to vector<1xf32>
      %reduce_max3A_1788 = vector.shape_cast %reduce_max3A_1787 : vector<1xf32> to vector<1x1x1xf32>
      %reduce_max3A_1789 = vector.extract %reduce_max3A_1788[0, 0, 0] : f32 from vector<1x1x1xf32>
      %broadcast_in_dim3A_1790 = vector.broadcast %reduce_max3A_1789 : f32 to vector<1x1xf32>
      %jit3A_1791 = arith.constant -1.000000e+30 : f32
      %broadcast_in_dim3A_1792 = vector.broadcast %jit3A_1791 : f32 to vector<1x128xf32>
      %select_n3A_1793 = arith.select %eq3A_1754, %slice3A_1357, %broadcast_in_dim3A_1792 : vector<1x128xi1>, vector<1x128xf32>
      %reduce_max3A_1794 = vector.shape_cast %select_n3A_1793 : vector<1x128xf32> to vector<1x1x128xf32>
      %reduce_max3A_1795 = arith.constant dense<0xFF800000> : vector<1xf32>
      %reduce_max3A_1796 = vector.multi_reduction <maximumf>, %reduce_max3A_1794, %reduce_max3A_1795 [1, 2] : vector<1x1x128xf32> to vector<1xf32>
      %reduce_max3A_1797 = vector.shape_cast %reduce_max3A_1796 : vector<1xf32> to vector<1x1x1xf32>
      %reduce_max3A_1798 = vector.extract %reduce_max3A_1797[0, 0, 0] : f32 from vector<1x1x1xf32>
      %broadcast_in_dim3A_1799 = vector.broadcast %reduce_max3A_1798 : f32 to vector<1x1xf32>
      %jit3A_1800 = arith.constant 0.000000e+00 : f32
      %broadcast_in_dim3A_1801 = vector.broadcast %jit3A_1800 : f32 to vector<1x128xf32>
      %select_n3A_1802 = arith.select %eq3A_1754, %scan3A_1752, %broadcast_in_dim3A_1801 : vector<1x128xi1>, vector<1x128xf32>
      %reduce_max3A_1803 = vector.shape_cast %select_n3A_1802 : vector<1x128xf32> to vector<1x1x128xf32>
      %reduce_max3A_1804 = arith.constant dense<0xFF800000> : vector<1xf32>
      %reduce_max3A_1805 = vector.multi_reduction <maximumf>, %reduce_max3A_1803, %reduce_max3A_1804 [1, 2] : vector<1x1x128xf32> to vector<1xf32>
      %reduce_max3A_1806 = vector.shape_cast %reduce_max3A_1805 : vector<1xf32> to vector<1x1x1xf32>
      %reduce_max3A_1807 = vector.extract %reduce_max3A_1806[0, 0, 0] : f32 from vector<1x1x1xf32>
      %broadcast_in_dim3A_1808 = vector.broadcast %reduce_max3A_1807 : f32 to vector<1x1xf32>
      %min3A_1809 = vector.broadcast %broadcast_in_dim3A_1781 : vector<1x1xf32> to vector<1x128xf32>
      %min3A_1810 = arith.minimumf %slice3A_1355, %min3A_1809 : vector<1x128xf32>
      %max3A_1811 = vector.broadcast %broadcast_in_dim3A_1763 : vector<1x1xf32> to vector<1x128xf32>
      %max3A_1812 = arith.maximumf %slice3A_1353, %max3A_1811 : vector<1x128xf32>
      %sub3A_1813 = arith.subf %min3A_1810, %max3A_1812 : vector<1x128xf32>
      %add3A_1814 = arith.constant 1.000000e+00 : f32
      %add3A_1815 = vector.broadcast %add3A_1814 : f32 to vector<1x128xf32>
      %add3A_1816 = arith.addf %sub3A_1813, %add3A_1815 : vector<1x128xf32>
      %max3A_1817 = arith.constant 0.000000e+00 : f32
      %max3A_1818 = vector.broadcast %max3A_1817 : f32 to vector<1x128xf32>
      %max3A_1819 = arith.maximumf %add3A_1816, %max3A_1818 : vector<1x128xf32>
      %min3A_1820 = vector.broadcast %broadcast_in_dim3A_1790 : vector<1x1xf32> to vector<1x128xf32>
      %min3A_1821 = arith.minimumf %slice3A_1356, %min3A_1820 : vector<1x128xf32>
      %max3A_1822 = vector.broadcast %broadcast_in_dim3A_1772 : vector<1x1xf32> to vector<1x128xf32>
      %max3A_1823 = arith.maximumf %slice3A_1354, %max3A_1822 : vector<1x128xf32>
      %sub3A_1824 = arith.subf %min3A_1821, %max3A_1823 : vector<1x128xf32>
      %add3A_1825 = arith.constant 1.000000e+00 : f32
      %add3A_1826 = vector.broadcast %add3A_1825 : f32 to vector<1x128xf32>
      %add3A_1827 = arith.addf %sub3A_1824, %add3A_1826 : vector<1x128xf32>
      %max3A_1828 = arith.constant 0.000000e+00 : f32
      %max3A_1829 = vector.broadcast %max3A_1828 : f32 to vector<1x128xf32>
      %max3A_1830 = arith.maximumf %add3A_1827, %max3A_1829 : vector<1x128xf32>
      %mul3A_1831 = arith.mulf %max3A_1819, %max3A_1830 : vector<1x128xf32>
      %add3A_1832 = vector.broadcast %broadcast_in_dim3A_1799 : vector<1x1xf32> to vector<1x128xf32>
      %add3A_1833 = arith.addf %slice3A_1357, %add3A_1832 : vector<1x128xf32>
      %sub3A_1834 = arith.subf %add3A_1833, %mul3A_1831 : vector<1x128xf32>
      %div3A_1835 = arith.divf %mul3A_1831, %sub3A_1834 : vector<1x128xf32>
      %gt3A_1836 = arith.constant 0.699999988 : f32
      %gt3A_1837 = vector.broadcast %gt3A_1836 : f32 to vector<1x128xf32>
      %gt3A_1838 = arith.cmpf ogt, %div3A_1835, %gt3A_1837 : vector<1x128xf32>
      %gt3A_1839 = vector.broadcast %scan3A_1751 : i32 to vector<1x128xi32>
      %gt3A_1840 = arith.cmpi sgt, %iota3A, %gt3A_1839 : vector<1x128xi32>
      %and3A_1841 = arith.andi %gt3A_1838, %gt3A_1840 : vector<1x128xi1>
      %gt3A_1842 = arith.constant 5.000000e-01 : f32
      %gt3A_1843 = vector.broadcast %gt3A_1842 : f32 to vector<1x1xf32>
      %gt3A_1844 = arith.cmpf ogt, %broadcast_in_dim3A_1808, %gt3A_1843 : vector<1x1xf32>
      %and3A_1845 = vector.broadcast %gt3A_1844 : vector<1x1xi1> to vector<1x128xi1>
      %and3A_1846 = arith.andi %and3A_1841, %and3A_1845 : vector<1x128xi1>
      %jit3A_1847 = arith.constant 0.000000e+00 : f32
      %jit3A_1848 = arith.constant 1.000000e+00 : f32
      %broadcast_in_dim3A_1849 = vector.broadcast %jit3A_1847 : f32 to vector<1x128xf32>
      %broadcast_in_dim3A_1850 = vector.broadcast %jit3A_1848 : f32 to vector<1x128xf32>
      %select_n3A_1851 = arith.select %and3A_1846, %broadcast_in_dim3A_1849, %broadcast_in_dim3A_1850 : vector<1x128xi1>, vector<1x128xf32>
      %mul3A_1852 = arith.mulf %scan3A_1752, %select_n3A_1851 : vector<1x128xf32>
      scf.yield %mul3A_1852 : vector<1x128xf32>
    }
    %scan3A_1364 = arith.constant 128 : i32
    %gt3A_1365 = arith.constant 5.000000e-01 : f32
    %gt3A_1366 = vector.broadcast %gt3A_1365 : f32 to vector<1x128xf32>
    %gt3A_1367 = arith.cmpf ogt, %scan3A_1363, %gt3A_1366 : vector<1x128xf32>
    %and3A_1368 = vector.broadcast %gt3A_1367 : vector<1x128xi1> to vector<128x128xi1>
    %and3A_1369 = arith.andi %eq3A, %and3A_1368 : vector<128x128xi1>
    %jit3A_1370 = arith.constant 1.000000e+00 : f32
    %jit3A_1371 = arith.constant 0.000000e+00 : f32
    %broadcast_in_dim3A_1372 = vector.broadcast %jit3A_1370 : f32 to vector<128x128xf32>
    %broadcast_in_dim3A_1373 = vector.broadcast %jit3A_1371 : f32 to vector<128x128xf32>
    %select_n3A_1374 = arith.select %and3A_1369, %broadcast_in_dim3A_1372, %broadcast_in_dim3A_1373 : vector<128x128xi1>, vector<128x128xf32>
    %reduce_max3A_1375 = arith.constant dense<0xFF800000> : vector<128xf32>
    %reduce_max3A_1376 = vector.multi_reduction <maximumf>, %select_n3A_1374, %reduce_max3A_1375 [1] : vector<128x128xf32> to vector<128xf32>
    %broadcast_in_dim3A_1377 = vector.shape_cast %reduce_max3A_1376 : vector<128xf32> to vector<128x1xf32>
    %slice3A_1378 = vector.extract_strided_slice %min3A_156 {offsets = [0, 12], sizes = [128, 1], strides = [1, 1]} : vector<128x16xf32> to vector<128x1xf32>
    %slice3A_1379 = vector.extract_strided_slice %min3A_166 {offsets = [0, 12], sizes = [128, 1], strides = [1, 1]} : vector<128x16xf32> to vector<128x1xf32>
    %slice3A_1380 = vector.extract_strided_slice %min3A_179 {offsets = [0, 12], sizes = [128, 1], strides = [1, 1]} : vector<128x16xf32> to vector<128x1xf32>
    %slice3A_1381 = vector.extract_strided_slice %min3A_192 {offsets = [0, 12], sizes = [128, 1], strides = [1, 1]} : vector<128x16xf32> to vector<128x1xf32>
    %slice3A_1382 = vector.extract_strided_slice %mul3A_215 {offsets = [0, 12], sizes = [128, 1], strides = [1, 1]} : vector<128x16xf32> to vector<128x1xf32>
    %min3A_1383 = vector.broadcast %min3A_76 : vector<1x2048xf32> to vector<128x2048xf32>
    %min3A_1384 = vector.broadcast %slice3A_1380 : vector<128x1xf32> to vector<128x2048xf32>
    %min3A_1385 = arith.minimumf %min3A_1383, %min3A_1384 : vector<128x2048xf32>
    %max3A_1386 = vector.broadcast %min3A_53 : vector<1x2048xf32> to vector<128x2048xf32>
    %max3A_1387 = vector.broadcast %slice3A_1378 : vector<128x1xf32> to vector<128x2048xf32>
    %max3A_1388 = arith.maximumf %max3A_1386, %max3A_1387 : vector<128x2048xf32>
    %sub3A_1389 = arith.subf %min3A_1385, %max3A_1388 : vector<128x2048xf32>
    %add3A_1390 = arith.constant 1.000000e+00 : f32
    %add3A_1391 = vector.broadcast %add3A_1390 : f32 to vector<128x2048xf32>
    %add3A_1392 = arith.addf %sub3A_1389, %add3A_1391 : vector<128x2048xf32>
    %max3A_1393 = arith.constant 0.000000e+00 : f32
    %max3A_1394 = vector.broadcast %max3A_1393 : f32 to vector<128x2048xf32>
    %max3A_1395 = arith.maximumf %add3A_1392, %max3A_1394 : vector<128x2048xf32>
    %min3A_1396 = vector.broadcast %min3A_89 : vector<1x2048xf32> to vector<128x2048xf32>
    %min3A_1397 = vector.broadcast %slice3A_1381 : vector<128x1xf32> to vector<128x2048xf32>
    %min3A_1398 = arith.minimumf %min3A_1396, %min3A_1397 : vector<128x2048xf32>
    %max3A_1399 = vector.broadcast %min3A_63 : vector<1x2048xf32> to vector<128x2048xf32>
    %max3A_1400 = vector.broadcast %slice3A_1379 : vector<128x1xf32> to vector<128x2048xf32>
    %max3A_1401 = arith.maximumf %max3A_1399, %max3A_1400 : vector<128x2048xf32>
    %sub3A_1402 = arith.subf %min3A_1398, %max3A_1401 : vector<128x2048xf32>
    %add3A_1403 = arith.constant 1.000000e+00 : f32
    %add3A_1404 = vector.broadcast %add3A_1403 : f32 to vector<128x2048xf32>
    %add3A_1405 = arith.addf %sub3A_1402, %add3A_1404 : vector<128x2048xf32>
    %max3A_1406 = arith.constant 0.000000e+00 : f32
    %max3A_1407 = vector.broadcast %max3A_1406 : f32 to vector<128x2048xf32>
    %max3A_1408 = arith.maximumf %add3A_1405, %max3A_1407 : vector<128x2048xf32>
    %mul3A_1409 = arith.mulf %max3A_1395, %max3A_1408 : vector<128x2048xf32>
    %add3A_1410 = vector.broadcast %mul3A_206 : vector<1x2048xf32> to vector<128x2048xf32>
    %add3A_1411 = vector.broadcast %slice3A_1382 : vector<128x1xf32> to vector<128x2048xf32>
    %add3A_1412 = arith.addf %add3A_1410, %add3A_1411 : vector<128x2048xf32>
    %sub3A_1413 = arith.subf %add3A_1412, %mul3A_1409 : vector<128x2048xf32>
    %div3A_1414 = arith.divf %mul3A_1409, %sub3A_1413 : vector<128x2048xf32>
    %gt3A_1415 = arith.constant 0.699999988 : f32
    %gt3A_1416 = vector.broadcast %gt3A_1415 : f32 to vector<128x2048xf32>
    %gt3A_1417 = arith.cmpf ogt, %div3A_1414, %gt3A_1416 : vector<128x2048xf32>
    %ge3A_1418 = arith.constant 1664 : i32
    %ge3A_1419 = vector.broadcast %ge3A_1418 : i32 to vector<1x2048xi32>
    %ge3A_1420 = arith.cmpi sge, %iota3A_216, %ge3A_1419 : vector<1x2048xi32>
    %and3A_1421 = vector.broadcast %ge3A_1420 : vector<1x2048xi1> to vector<128x2048xi1>
    %and3A_1422 = arith.andi %gt3A_1417, %and3A_1421 : vector<128x2048xi1>
    %gt3A_1423 = arith.constant 5.000000e-01 : f32
    %gt3A_1424 = vector.broadcast %gt3A_1423 : f32 to vector<128x1xf32>
    %gt3A_1425 = arith.cmpf ogt, %broadcast_in_dim3A_1377, %gt3A_1424 : vector<128x1xf32>
    %and3A_1426 = vector.broadcast %gt3A_1425 : vector<128x1xi1> to vector<128x2048xi1>
    %and3A_1427 = arith.andi %and3A_1422, %and3A_1426 : vector<128x2048xi1>
    %jit3A_1428 = arith.constant 1.000000e+00 : f32
    %jit3A_1429 = arith.constant 0.000000e+00 : f32
    %broadcast_in_dim3A_1430 = vector.broadcast %jit3A_1428 : f32 to vector<128x2048xf32>
    %broadcast_in_dim3A_1431 = vector.broadcast %jit3A_1429 : f32 to vector<128x2048xf32>
    %select_n3A_1432 = arith.select %and3A_1427, %broadcast_in_dim3A_1430, %broadcast_in_dim3A_1431 : vector<128x2048xi1>, vector<128x2048xf32>
    %reduce_max3A_1433 = arith.constant dense<0xFF800000> : vector<2048xf32>
    %reduce_max3A_1434 = vector.multi_reduction <maximumf>, %select_n3A_1432, %reduce_max3A_1433 [0] : vector<128x2048xf32> to vector<2048xf32>
    %broadcast_in_dim3A_1435 = vector.shape_cast %reduce_max3A_1434 : vector<2048xf32> to vector<1x2048xf32>
    %slice3A_1436 = vector.extract_strided_slice %mul3A_1352 {offsets = [0, 0], sizes = [1, 1536], strides = [1, 1]} : vector<1x2048xf32> to vector<1x1536xf32>
    %slice3A_1437 = vector.extract_strided_slice %mul3A_1352 {offsets = [0, 1664], sizes = [1, 384], strides = [1, 1]} : vector<1x2048xf32> to vector<1x384xf32>
    %concatenate3A_1438 = tpu.concatenate %slice3A_1436, %scan3A_1363, %slice3A_1437 in 1 : vector<1x1536xf32>, vector<1x128xf32>, vector<1x384xf32> -> vector<1x2048xf32>
    %gt3A_1439 = arith.constant 5.000000e-01 : f32
    %gt3A_1440 = vector.broadcast %gt3A_1439 : f32 to vector<1x2048xf32>
    %gt3A_1441 = arith.cmpf ogt, %broadcast_in_dim3A_1435, %gt3A_1440 : vector<1x2048xf32>
    %jit3A_1442 = arith.constant 0.000000e+00 : f32
    %jit3A_1443 = arith.constant 1.000000e+00 : f32
    %broadcast_in_dim3A_1444 = vector.broadcast %jit3A_1442 : f32 to vector<1x2048xf32>
    %broadcast_in_dim3A_1445 = vector.broadcast %jit3A_1443 : f32 to vector<1x2048xf32>
    %select_n3A_1446 = arith.select %gt3A_1441, %broadcast_in_dim3A_1444, %broadcast_in_dim3A_1445 : vector<1x2048xi1>, vector<1x2048xf32>
    %mul3A_1447 = arith.mulf %concatenate3A_1438, %select_n3A_1446 : vector<1x2048xf32>
    %slice3A_1448 = vector.extract_strided_slice %min3A_53 {offsets = [0, 1664], sizes = [1, 128], strides = [1, 1]} : vector<1x2048xf32> to vector<1x128xf32>
    %slice3A_1449 = vector.extract_strided_slice %min3A_63 {offsets = [0, 1664], sizes = [1, 128], strides = [1, 1]} : vector<1x2048xf32> to vector<1x128xf32>
    %slice3A_1450 = vector.extract_strided_slice %min3A_76 {offsets = [0, 1664], sizes = [1, 128], strides = [1, 1]} : vector<1x2048xf32> to vector<1x128xf32>
    %slice3A_1451 = vector.extract_strided_slice %min3A_89 {offsets = [0, 1664], sizes = [1, 128], strides = [1, 1]} : vector<1x2048xf32> to vector<1x128xf32>
    %slice3A_1452 = vector.extract_strided_slice %mul3A_206 {offsets = [0, 1664], sizes = [1, 128], strides = [1, 1]} : vector<1x2048xf32> to vector<1x128xf32>
    %slice3A_1453 = vector.extract_strided_slice %mul3A_1447 {offsets = [0, 1664], sizes = [1, 128], strides = [1, 1]} : vector<1x2048xf32> to vector<1x128xf32>
    %scan3A_1454 = arith.constant 0 : i32
    %scan3A_1455 = arith.constant 128 : i32
    %scan3A_1456 = arith.addi %scan3A_1454, %scan3A_1455 : i32
    %scan3A_1457 = arith.constant 1 : i32
    %scan3A_1458 = scf.for %scan3A_1751 = %scan3A_1454 to %scan3A_1456 step %scan3A_1457 iter_args(%scan3A_1752 = %slice3A_1453) -> (vector<1x128xf32>)  : i32 {
      %eq3A_1753 = vector.broadcast %scan3A_1751 : i32 to vector<1x128xi32>
      %eq3A_1754 = arith.cmpi eq, %iota3A, %eq3A_1753 : vector<1x128xi32>
      %jit3A_1755 = arith.constant -1.000000e+30 : f32
      %broadcast_in_dim3A_1756 = vector.broadcast %jit3A_1755 : f32 to vector<1x128xf32>
      %select_n3A_1757 = arith.select %eq3A_1754, %slice3A_1448, %broadcast_in_dim3A_1756 : vector<1x128xi1>, vector<1x128xf32>
      %reduce_max3A_1758 = vector.shape_cast %select_n3A_1757 : vector<1x128xf32> to vector<1x1x128xf32>
      %reduce_max3A_1759 = arith.constant dense<0xFF800000> : vector<1xf32>
      %reduce_max3A_1760 = vector.multi_reduction <maximumf>, %reduce_max3A_1758, %reduce_max3A_1759 [1, 2] : vector<1x1x128xf32> to vector<1xf32>
      %reduce_max3A_1761 = vector.shape_cast %reduce_max3A_1760 : vector<1xf32> to vector<1x1x1xf32>
      %reduce_max3A_1762 = vector.extract %reduce_max3A_1761[0, 0, 0] : f32 from vector<1x1x1xf32>
      %broadcast_in_dim3A_1763 = vector.broadcast %reduce_max3A_1762 : f32 to vector<1x1xf32>
      %jit3A_1764 = arith.constant -1.000000e+30 : f32
      %broadcast_in_dim3A_1765 = vector.broadcast %jit3A_1764 : f32 to vector<1x128xf32>
      %select_n3A_1766 = arith.select %eq3A_1754, %slice3A_1449, %broadcast_in_dim3A_1765 : vector<1x128xi1>, vector<1x128xf32>
      %reduce_max3A_1767 = vector.shape_cast %select_n3A_1766 : vector<1x128xf32> to vector<1x1x128xf32>
      %reduce_max3A_1768 = arith.constant dense<0xFF800000> : vector<1xf32>
      %reduce_max3A_1769 = vector.multi_reduction <maximumf>, %reduce_max3A_1767, %reduce_max3A_1768 [1, 2] : vector<1x1x128xf32> to vector<1xf32>
      %reduce_max3A_1770 = vector.shape_cast %reduce_max3A_1769 : vector<1xf32> to vector<1x1x1xf32>
      %reduce_max3A_1771 = vector.extract %reduce_max3A_1770[0, 0, 0] : f32 from vector<1x1x1xf32>
      %broadcast_in_dim3A_1772 = vector.broadcast %reduce_max3A_1771 : f32 to vector<1x1xf32>
      %jit3A_1773 = arith.constant -1.000000e+30 : f32
      %broadcast_in_dim3A_1774 = vector.broadcast %jit3A_1773 : f32 to vector<1x128xf32>
      %select_n3A_1775 = arith.select %eq3A_1754, %slice3A_1450, %broadcast_in_dim3A_1774 : vector<1x128xi1>, vector<1x128xf32>
      %reduce_max3A_1776 = vector.shape_cast %select_n3A_1775 : vector<1x128xf32> to vector<1x1x128xf32>
      %reduce_max3A_1777 = arith.constant dense<0xFF800000> : vector<1xf32>
      %reduce_max3A_1778 = vector.multi_reduction <maximumf>, %reduce_max3A_1776, %reduce_max3A_1777 [1, 2] : vector<1x1x128xf32> to vector<1xf32>
      %reduce_max3A_1779 = vector.shape_cast %reduce_max3A_1778 : vector<1xf32> to vector<1x1x1xf32>
      %reduce_max3A_1780 = vector.extract %reduce_max3A_1779[0, 0, 0] : f32 from vector<1x1x1xf32>
      %broadcast_in_dim3A_1781 = vector.broadcast %reduce_max3A_1780 : f32 to vector<1x1xf32>
      %jit3A_1782 = arith.constant -1.000000e+30 : f32
      %broadcast_in_dim3A_1783 = vector.broadcast %jit3A_1782 : f32 to vector<1x128xf32>
      %select_n3A_1784 = arith.select %eq3A_1754, %slice3A_1451, %broadcast_in_dim3A_1783 : vector<1x128xi1>, vector<1x128xf32>
      %reduce_max3A_1785 = vector.shape_cast %select_n3A_1784 : vector<1x128xf32> to vector<1x1x128xf32>
      %reduce_max3A_1786 = arith.constant dense<0xFF800000> : vector<1xf32>
      %reduce_max3A_1787 = vector.multi_reduction <maximumf>, %reduce_max3A_1785, %reduce_max3A_1786 [1, 2] : vector<1x1x128xf32> to vector<1xf32>
      %reduce_max3A_1788 = vector.shape_cast %reduce_max3A_1787 : vector<1xf32> to vector<1x1x1xf32>
      %reduce_max3A_1789 = vector.extract %reduce_max3A_1788[0, 0, 0] : f32 from vector<1x1x1xf32>
      %broadcast_in_dim3A_1790 = vector.broadcast %reduce_max3A_1789 : f32 to vector<1x1xf32>
      %jit3A_1791 = arith.constant -1.000000e+30 : f32
      %broadcast_in_dim3A_1792 = vector.broadcast %jit3A_1791 : f32 to vector<1x128xf32>
      %select_n3A_1793 = arith.select %eq3A_1754, %slice3A_1452, %broadcast_in_dim3A_1792 : vector<1x128xi1>, vector<1x128xf32>
      %reduce_max3A_1794 = vector.shape_cast %select_n3A_1793 : vector<1x128xf32> to vector<1x1x128xf32>
      %reduce_max3A_1795 = arith.constant dense<0xFF800000> : vector<1xf32>
      %reduce_max3A_1796 = vector.multi_reduction <maximumf>, %reduce_max3A_1794, %reduce_max3A_1795 [1, 2] : vector<1x1x128xf32> to vector<1xf32>
      %reduce_max3A_1797 = vector.shape_cast %reduce_max3A_1796 : vector<1xf32> to vector<1x1x1xf32>
      %reduce_max3A_1798 = vector.extract %reduce_max3A_1797[0, 0, 0] : f32 from vector<1x1x1xf32>
      %broadcast_in_dim3A_1799 = vector.broadcast %reduce_max3A_1798 : f32 to vector<1x1xf32>
      %jit3A_1800 = arith.constant 0.000000e+00 : f32
      %broadcast_in_dim3A_1801 = vector.broadcast %jit3A_1800 : f32 to vector<1x128xf32>
      %select_n3A_1802 = arith.select %eq3A_1754, %scan3A_1752, %broadcast_in_dim3A_1801 : vector<1x128xi1>, vector<1x128xf32>
      %reduce_max3A_1803 = vector.shape_cast %select_n3A_1802 : vector<1x128xf32> to vector<1x1x128xf32>
      %reduce_max3A_1804 = arith.constant dense<0xFF800000> : vector<1xf32>
      %reduce_max3A_1805 = vector.multi_reduction <maximumf>, %reduce_max3A_1803, %reduce_max3A_1804 [1, 2] : vector<1x1x128xf32> to vector<1xf32>
      %reduce_max3A_1806 = vector.shape_cast %reduce_max3A_1805 : vector<1xf32> to vector<1x1x1xf32>
      %reduce_max3A_1807 = vector.extract %reduce_max3A_1806[0, 0, 0] : f32 from vector<1x1x1xf32>
      %broadcast_in_dim3A_1808 = vector.broadcast %reduce_max3A_1807 : f32 to vector<1x1xf32>
      %min3A_1809 = vector.broadcast %broadcast_in_dim3A_1781 : vector<1x1xf32> to vector<1x128xf32>
      %min3A_1810 = arith.minimumf %slice3A_1450, %min3A_1809 : vector<1x128xf32>
      %max3A_1811 = vector.broadcast %broadcast_in_dim3A_1763 : vector<1x1xf32> to vector<1x128xf32>
      %max3A_1812 = arith.maximumf %slice3A_1448, %max3A_1811 : vector<1x128xf32>
      %sub3A_1813 = arith.subf %min3A_1810, %max3A_1812 : vector<1x128xf32>
      %add3A_1814 = arith.constant 1.000000e+00 : f32
      %add3A_1815 = vector.broadcast %add3A_1814 : f32 to vector<1x128xf32>
      %add3A_1816 = arith.addf %sub3A_1813, %add3A_1815 : vector<1x128xf32>
      %max3A_1817 = arith.constant 0.000000e+00 : f32
      %max3A_1818 = vector.broadcast %max3A_1817 : f32 to vector<1x128xf32>
      %max3A_1819 = arith.maximumf %add3A_1816, %max3A_1818 : vector<1x128xf32>
      %min3A_1820 = vector.broadcast %broadcast_in_dim3A_1790 : vector<1x1xf32> to vector<1x128xf32>
      %min3A_1821 = arith.minimumf %slice3A_1451, %min3A_1820 : vector<1x128xf32>
      %max3A_1822 = vector.broadcast %broadcast_in_dim3A_1772 : vector<1x1xf32> to vector<1x128xf32>
      %max3A_1823 = arith.maximumf %slice3A_1449, %max3A_1822 : vector<1x128xf32>
      %sub3A_1824 = arith.subf %min3A_1821, %max3A_1823 : vector<1x128xf32>
      %add3A_1825 = arith.constant 1.000000e+00 : f32
      %add3A_1826 = vector.broadcast %add3A_1825 : f32 to vector<1x128xf32>
      %add3A_1827 = arith.addf %sub3A_1824, %add3A_1826 : vector<1x128xf32>
      %max3A_1828 = arith.constant 0.000000e+00 : f32
      %max3A_1829 = vector.broadcast %max3A_1828 : f32 to vector<1x128xf32>
      %max3A_1830 = arith.maximumf %add3A_1827, %max3A_1829 : vector<1x128xf32>
      %mul3A_1831 = arith.mulf %max3A_1819, %max3A_1830 : vector<1x128xf32>
      %add3A_1832 = vector.broadcast %broadcast_in_dim3A_1799 : vector<1x1xf32> to vector<1x128xf32>
      %add3A_1833 = arith.addf %slice3A_1452, %add3A_1832 : vector<1x128xf32>
      %sub3A_1834 = arith.subf %add3A_1833, %mul3A_1831 : vector<1x128xf32>
      %div3A_1835 = arith.divf %mul3A_1831, %sub3A_1834 : vector<1x128xf32>
      %gt3A_1836 = arith.constant 0.699999988 : f32
      %gt3A_1837 = vector.broadcast %gt3A_1836 : f32 to vector<1x128xf32>
      %gt3A_1838 = arith.cmpf ogt, %div3A_1835, %gt3A_1837 : vector<1x128xf32>
      %gt3A_1839 = vector.broadcast %scan3A_1751 : i32 to vector<1x128xi32>
      %gt3A_1840 = arith.cmpi sgt, %iota3A, %gt3A_1839 : vector<1x128xi32>
      %and3A_1841 = arith.andi %gt3A_1838, %gt3A_1840 : vector<1x128xi1>
      %gt3A_1842 = arith.constant 5.000000e-01 : f32
      %gt3A_1843 = vector.broadcast %gt3A_1842 : f32 to vector<1x1xf32>
      %gt3A_1844 = arith.cmpf ogt, %broadcast_in_dim3A_1808, %gt3A_1843 : vector<1x1xf32>
      %and3A_1845 = vector.broadcast %gt3A_1844 : vector<1x1xi1> to vector<1x128xi1>
      %and3A_1846 = arith.andi %and3A_1841, %and3A_1845 : vector<1x128xi1>
      %jit3A_1847 = arith.constant 0.000000e+00 : f32
      %jit3A_1848 = arith.constant 1.000000e+00 : f32
      %broadcast_in_dim3A_1849 = vector.broadcast %jit3A_1847 : f32 to vector<1x128xf32>
      %broadcast_in_dim3A_1850 = vector.broadcast %jit3A_1848 : f32 to vector<1x128xf32>
      %select_n3A_1851 = arith.select %and3A_1846, %broadcast_in_dim3A_1849, %broadcast_in_dim3A_1850 : vector<1x128xi1>, vector<1x128xf32>
      %mul3A_1852 = arith.mulf %scan3A_1752, %select_n3A_1851 : vector<1x128xf32>
      scf.yield %mul3A_1852 : vector<1x128xf32>
    }
    %scan3A_1459 = arith.constant 128 : i32
    %gt3A_1460 = arith.constant 5.000000e-01 : f32
    %gt3A_1461 = vector.broadcast %gt3A_1460 : f32 to vector<1x128xf32>
    %gt3A_1462 = arith.cmpf ogt, %scan3A_1458, %gt3A_1461 : vector<1x128xf32>
    %and3A_1463 = vector.broadcast %gt3A_1462 : vector<1x128xi1> to vector<128x128xi1>
    %and3A_1464 = arith.andi %eq3A, %and3A_1463 : vector<128x128xi1>
    %jit3A_1465 = arith.constant 1.000000e+00 : f32
    %jit3A_1466 = arith.constant 0.000000e+00 : f32
    %broadcast_in_dim3A_1467 = vector.broadcast %jit3A_1465 : f32 to vector<128x128xf32>
    %broadcast_in_dim3A_1468 = vector.broadcast %jit3A_1466 : f32 to vector<128x128xf32>
    %select_n3A_1469 = arith.select %and3A_1464, %broadcast_in_dim3A_1467, %broadcast_in_dim3A_1468 : vector<128x128xi1>, vector<128x128xf32>
    %reduce_max3A_1470 = arith.constant dense<0xFF800000> : vector<128xf32>
    %reduce_max3A_1471 = vector.multi_reduction <maximumf>, %select_n3A_1469, %reduce_max3A_1470 [1] : vector<128x128xf32> to vector<128xf32>
    %broadcast_in_dim3A_1472 = vector.shape_cast %reduce_max3A_1471 : vector<128xf32> to vector<128x1xf32>
    %slice3A_1473 = vector.extract_strided_slice %min3A_156 {offsets = [0, 13], sizes = [128, 1], strides = [1, 1]} : vector<128x16xf32> to vector<128x1xf32>
    %slice3A_1474 = vector.extract_strided_slice %min3A_166 {offsets = [0, 13], sizes = [128, 1], strides = [1, 1]} : vector<128x16xf32> to vector<128x1xf32>
    %slice3A_1475 = vector.extract_strided_slice %min3A_179 {offsets = [0, 13], sizes = [128, 1], strides = [1, 1]} : vector<128x16xf32> to vector<128x1xf32>
    %slice3A_1476 = vector.extract_strided_slice %min3A_192 {offsets = [0, 13], sizes = [128, 1], strides = [1, 1]} : vector<128x16xf32> to vector<128x1xf32>
    %slice3A_1477 = vector.extract_strided_slice %mul3A_215 {offsets = [0, 13], sizes = [128, 1], strides = [1, 1]} : vector<128x16xf32> to vector<128x1xf32>
    %min3A_1478 = vector.broadcast %min3A_76 : vector<1x2048xf32> to vector<128x2048xf32>
    %min3A_1479 = vector.broadcast %slice3A_1475 : vector<128x1xf32> to vector<128x2048xf32>
    %min3A_1480 = arith.minimumf %min3A_1478, %min3A_1479 : vector<128x2048xf32>
    %max3A_1481 = vector.broadcast %min3A_53 : vector<1x2048xf32> to vector<128x2048xf32>
    %max3A_1482 = vector.broadcast %slice3A_1473 : vector<128x1xf32> to vector<128x2048xf32>
    %max3A_1483 = arith.maximumf %max3A_1481, %max3A_1482 : vector<128x2048xf32>
    %sub3A_1484 = arith.subf %min3A_1480, %max3A_1483 : vector<128x2048xf32>
    %add3A_1485 = arith.constant 1.000000e+00 : f32
    %add3A_1486 = vector.broadcast %add3A_1485 : f32 to vector<128x2048xf32>
    %add3A_1487 = arith.addf %sub3A_1484, %add3A_1486 : vector<128x2048xf32>
    %max3A_1488 = arith.constant 0.000000e+00 : f32
    %max3A_1489 = vector.broadcast %max3A_1488 : f32 to vector<128x2048xf32>
    %max3A_1490 = arith.maximumf %add3A_1487, %max3A_1489 : vector<128x2048xf32>
    %min3A_1491 = vector.broadcast %min3A_89 : vector<1x2048xf32> to vector<128x2048xf32>
    %min3A_1492 = vector.broadcast %slice3A_1476 : vector<128x1xf32> to vector<128x2048xf32>
    %min3A_1493 = arith.minimumf %min3A_1491, %min3A_1492 : vector<128x2048xf32>
    %max3A_1494 = vector.broadcast %min3A_63 : vector<1x2048xf32> to vector<128x2048xf32>
    %max3A_1495 = vector.broadcast %slice3A_1474 : vector<128x1xf32> to vector<128x2048xf32>
    %max3A_1496 = arith.maximumf %max3A_1494, %max3A_1495 : vector<128x2048xf32>
    %sub3A_1497 = arith.subf %min3A_1493, %max3A_1496 : vector<128x2048xf32>
    %add3A_1498 = arith.constant 1.000000e+00 : f32
    %add3A_1499 = vector.broadcast %add3A_1498 : f32 to vector<128x2048xf32>
    %add3A_1500 = arith.addf %sub3A_1497, %add3A_1499 : vector<128x2048xf32>
    %max3A_1501 = arith.constant 0.000000e+00 : f32
    %max3A_1502 = vector.broadcast %max3A_1501 : f32 to vector<128x2048xf32>
    %max3A_1503 = arith.maximumf %add3A_1500, %max3A_1502 : vector<128x2048xf32>
    %mul3A_1504 = arith.mulf %max3A_1490, %max3A_1503 : vector<128x2048xf32>
    %add3A_1505 = vector.broadcast %mul3A_206 : vector<1x2048xf32> to vector<128x2048xf32>
    %add3A_1506 = vector.broadcast %slice3A_1477 : vector<128x1xf32> to vector<128x2048xf32>
    %add3A_1507 = arith.addf %add3A_1505, %add3A_1506 : vector<128x2048xf32>
    %sub3A_1508 = arith.subf %add3A_1507, %mul3A_1504 : vector<128x2048xf32>
    %div3A_1509 = arith.divf %mul3A_1504, %sub3A_1508 : vector<128x2048xf32>
    %gt3A_1510 = arith.constant 0.699999988 : f32
    %gt3A_1511 = vector.broadcast %gt3A_1510 : f32 to vector<128x2048xf32>
    %gt3A_1512 = arith.cmpf ogt, %div3A_1509, %gt3A_1511 : vector<128x2048xf32>
    %ge3A_1513 = arith.constant 1792 : i32
    %ge3A_1514 = vector.broadcast %ge3A_1513 : i32 to vector<1x2048xi32>
    %ge3A_1515 = arith.cmpi sge, %iota3A_216, %ge3A_1514 : vector<1x2048xi32>
    %and3A_1516 = vector.broadcast %ge3A_1515 : vector<1x2048xi1> to vector<128x2048xi1>
    %and3A_1517 = arith.andi %gt3A_1512, %and3A_1516 : vector<128x2048xi1>
    %gt3A_1518 = arith.constant 5.000000e-01 : f32
    %gt3A_1519 = vector.broadcast %gt3A_1518 : f32 to vector<128x1xf32>
    %gt3A_1520 = arith.cmpf ogt, %broadcast_in_dim3A_1472, %gt3A_1519 : vector<128x1xf32>
    %and3A_1521 = vector.broadcast %gt3A_1520 : vector<128x1xi1> to vector<128x2048xi1>
    %and3A_1522 = arith.andi %and3A_1517, %and3A_1521 : vector<128x2048xi1>
    %jit3A_1523 = arith.constant 1.000000e+00 : f32
    %jit3A_1524 = arith.constant 0.000000e+00 : f32
    %broadcast_in_dim3A_1525 = vector.broadcast %jit3A_1523 : f32 to vector<128x2048xf32>
    %broadcast_in_dim3A_1526 = vector.broadcast %jit3A_1524 : f32 to vector<128x2048xf32>
    %select_n3A_1527 = arith.select %and3A_1522, %broadcast_in_dim3A_1525, %broadcast_in_dim3A_1526 : vector<128x2048xi1>, vector<128x2048xf32>
    %reduce_max3A_1528 = arith.constant dense<0xFF800000> : vector<2048xf32>
    %reduce_max3A_1529 = vector.multi_reduction <maximumf>, %select_n3A_1527, %reduce_max3A_1528 [0] : vector<128x2048xf32> to vector<2048xf32>
    %broadcast_in_dim3A_1530 = vector.shape_cast %reduce_max3A_1529 : vector<2048xf32> to vector<1x2048xf32>
    %slice3A_1531 = vector.extract_strided_slice %mul3A_1447 {offsets = [0, 0], sizes = [1, 1664], strides = [1, 1]} : vector<1x2048xf32> to vector<1x1664xf32>
    %slice3A_1532 = vector.extract_strided_slice %mul3A_1447 {offsets = [0, 1792], sizes = [1, 256], strides = [1, 1]} : vector<1x2048xf32> to vector<1x256xf32>
    %concatenate3A_1533 = tpu.concatenate %slice3A_1531, %scan3A_1458, %slice3A_1532 in 1 : vector<1x1664xf32>, vector<1x128xf32>, vector<1x256xf32> -> vector<1x2048xf32>
    %gt3A_1534 = arith.constant 5.000000e-01 : f32
    %gt3A_1535 = vector.broadcast %gt3A_1534 : f32 to vector<1x2048xf32>
    %gt3A_1536 = arith.cmpf ogt, %broadcast_in_dim3A_1530, %gt3A_1535 : vector<1x2048xf32>
    %jit3A_1537 = arith.constant 0.000000e+00 : f32
    %jit3A_1538 = arith.constant 1.000000e+00 : f32
    %broadcast_in_dim3A_1539 = vector.broadcast %jit3A_1537 : f32 to vector<1x2048xf32>
    %broadcast_in_dim3A_1540 = vector.broadcast %jit3A_1538 : f32 to vector<1x2048xf32>
    %select_n3A_1541 = arith.select %gt3A_1536, %broadcast_in_dim3A_1539, %broadcast_in_dim3A_1540 : vector<1x2048xi1>, vector<1x2048xf32>
    %mul3A_1542 = arith.mulf %concatenate3A_1533, %select_n3A_1541 : vector<1x2048xf32>
    %slice3A_1543 = vector.extract_strided_slice %min3A_53 {offsets = [0, 1792], sizes = [1, 128], strides = [1, 1]} : vector<1x2048xf32> to vector<1x128xf32>
    %slice3A_1544 = vector.extract_strided_slice %min3A_63 {offsets = [0, 1792], sizes = [1, 128], strides = [1, 1]} : vector<1x2048xf32> to vector<1x128xf32>
    %slice3A_1545 = vector.extract_strided_slice %min3A_76 {offsets = [0, 1792], sizes = [1, 128], strides = [1, 1]} : vector<1x2048xf32> to vector<1x128xf32>
    %slice3A_1546 = vector.extract_strided_slice %min3A_89 {offsets = [0, 1792], sizes = [1, 128], strides = [1, 1]} : vector<1x2048xf32> to vector<1x128xf32>
    %slice3A_1547 = vector.extract_strided_slice %mul3A_206 {offsets = [0, 1792], sizes = [1, 128], strides = [1, 1]} : vector<1x2048xf32> to vector<1x128xf32>
    %slice3A_1548 = vector.extract_strided_slice %mul3A_1542 {offsets = [0, 1792], sizes = [1, 128], strides = [1, 1]} : vector<1x2048xf32> to vector<1x128xf32>
    %scan3A_1549 = arith.constant 0 : i32
    %scan3A_1550 = arith.constant 128 : i32
    %scan3A_1551 = arith.addi %scan3A_1549, %scan3A_1550 : i32
    %scan3A_1552 = arith.constant 1 : i32
    %scan3A_1553 = scf.for %scan3A_1751 = %scan3A_1549 to %scan3A_1551 step %scan3A_1552 iter_args(%scan3A_1752 = %slice3A_1548) -> (vector<1x128xf32>)  : i32 {
      %eq3A_1753 = vector.broadcast %scan3A_1751 : i32 to vector<1x128xi32>
      %eq3A_1754 = arith.cmpi eq, %iota3A, %eq3A_1753 : vector<1x128xi32>
      %jit3A_1755 = arith.constant -1.000000e+30 : f32
      %broadcast_in_dim3A_1756 = vector.broadcast %jit3A_1755 : f32 to vector<1x128xf32>
      %select_n3A_1757 = arith.select %eq3A_1754, %slice3A_1543, %broadcast_in_dim3A_1756 : vector<1x128xi1>, vector<1x128xf32>
      %reduce_max3A_1758 = vector.shape_cast %select_n3A_1757 : vector<1x128xf32> to vector<1x1x128xf32>
      %reduce_max3A_1759 = arith.constant dense<0xFF800000> : vector<1xf32>
      %reduce_max3A_1760 = vector.multi_reduction <maximumf>, %reduce_max3A_1758, %reduce_max3A_1759 [1, 2] : vector<1x1x128xf32> to vector<1xf32>
      %reduce_max3A_1761 = vector.shape_cast %reduce_max3A_1760 : vector<1xf32> to vector<1x1x1xf32>
      %reduce_max3A_1762 = vector.extract %reduce_max3A_1761[0, 0, 0] : f32 from vector<1x1x1xf32>
      %broadcast_in_dim3A_1763 = vector.broadcast %reduce_max3A_1762 : f32 to vector<1x1xf32>
      %jit3A_1764 = arith.constant -1.000000e+30 : f32
      %broadcast_in_dim3A_1765 = vector.broadcast %jit3A_1764 : f32 to vector<1x128xf32>
      %select_n3A_1766 = arith.select %eq3A_1754, %slice3A_1544, %broadcast_in_dim3A_1765 : vector<1x128xi1>, vector<1x128xf32>
      %reduce_max3A_1767 = vector.shape_cast %select_n3A_1766 : vector<1x128xf32> to vector<1x1x128xf32>
      %reduce_max3A_1768 = arith.constant dense<0xFF800000> : vector<1xf32>
      %reduce_max3A_1769 = vector.multi_reduction <maximumf>, %reduce_max3A_1767, %reduce_max3A_1768 [1, 2] : vector<1x1x128xf32> to vector<1xf32>
      %reduce_max3A_1770 = vector.shape_cast %reduce_max3A_1769 : vector<1xf32> to vector<1x1x1xf32>
      %reduce_max3A_1771 = vector.extract %reduce_max3A_1770[0, 0, 0] : f32 from vector<1x1x1xf32>
      %broadcast_in_dim3A_1772 = vector.broadcast %reduce_max3A_1771 : f32 to vector<1x1xf32>
      %jit3A_1773 = arith.constant -1.000000e+30 : f32
      %broadcast_in_dim3A_1774 = vector.broadcast %jit3A_1773 : f32 to vector<1x128xf32>
      %select_n3A_1775 = arith.select %eq3A_1754, %slice3A_1545, %broadcast_in_dim3A_1774 : vector<1x128xi1>, vector<1x128xf32>
      %reduce_max3A_1776 = vector.shape_cast %select_n3A_1775 : vector<1x128xf32> to vector<1x1x128xf32>
      %reduce_max3A_1777 = arith.constant dense<0xFF800000> : vector<1xf32>
      %reduce_max3A_1778 = vector.multi_reduction <maximumf>, %reduce_max3A_1776, %reduce_max3A_1777 [1, 2] : vector<1x1x128xf32> to vector<1xf32>
      %reduce_max3A_1779 = vector.shape_cast %reduce_max3A_1778 : vector<1xf32> to vector<1x1x1xf32>
      %reduce_max3A_1780 = vector.extract %reduce_max3A_1779[0, 0, 0] : f32 from vector<1x1x1xf32>
      %broadcast_in_dim3A_1781 = vector.broadcast %reduce_max3A_1780 : f32 to vector<1x1xf32>
      %jit3A_1782 = arith.constant -1.000000e+30 : f32
      %broadcast_in_dim3A_1783 = vector.broadcast %jit3A_1782 : f32 to vector<1x128xf32>
      %select_n3A_1784 = arith.select %eq3A_1754, %slice3A_1546, %broadcast_in_dim3A_1783 : vector<1x128xi1>, vector<1x128xf32>
      %reduce_max3A_1785 = vector.shape_cast %select_n3A_1784 : vector<1x128xf32> to vector<1x1x128xf32>
      %reduce_max3A_1786 = arith.constant dense<0xFF800000> : vector<1xf32>
      %reduce_max3A_1787 = vector.multi_reduction <maximumf>, %reduce_max3A_1785, %reduce_max3A_1786 [1, 2] : vector<1x1x128xf32> to vector<1xf32>
      %reduce_max3A_1788 = vector.shape_cast %reduce_max3A_1787 : vector<1xf32> to vector<1x1x1xf32>
      %reduce_max3A_1789 = vector.extract %reduce_max3A_1788[0, 0, 0] : f32 from vector<1x1x1xf32>
      %broadcast_in_dim3A_1790 = vector.broadcast %reduce_max3A_1789 : f32 to vector<1x1xf32>
      %jit3A_1791 = arith.constant -1.000000e+30 : f32
      %broadcast_in_dim3A_1792 = vector.broadcast %jit3A_1791 : f32 to vector<1x128xf32>
      %select_n3A_1793 = arith.select %eq3A_1754, %slice3A_1547, %broadcast_in_dim3A_1792 : vector<1x128xi1>, vector<1x128xf32>
      %reduce_max3A_1794 = vector.shape_cast %select_n3A_1793 : vector<1x128xf32> to vector<1x1x128xf32>
      %reduce_max3A_1795 = arith.constant dense<0xFF800000> : vector<1xf32>
      %reduce_max3A_1796 = vector.multi_reduction <maximumf>, %reduce_max3A_1794, %reduce_max3A_1795 [1, 2] : vector<1x1x128xf32> to vector<1xf32>
      %reduce_max3A_1797 = vector.shape_cast %reduce_max3A_1796 : vector<1xf32> to vector<1x1x1xf32>
      %reduce_max3A_1798 = vector.extract %reduce_max3A_1797[0, 0, 0] : f32 from vector<1x1x1xf32>
      %broadcast_in_dim3A_1799 = vector.broadcast %reduce_max3A_1798 : f32 to vector<1x1xf32>
      %jit3A_1800 = arith.constant 0.000000e+00 : f32
      %broadcast_in_dim3A_1801 = vector.broadcast %jit3A_1800 : f32 to vector<1x128xf32>
      %select_n3A_1802 = arith.select %eq3A_1754, %scan3A_1752, %broadcast_in_dim3A_1801 : vector<1x128xi1>, vector<1x128xf32>
      %reduce_max3A_1803 = vector.shape_cast %select_n3A_1802 : vector<1x128xf32> to vector<1x1x128xf32>
      %reduce_max3A_1804 = arith.constant dense<0xFF800000> : vector<1xf32>
      %reduce_max3A_1805 = vector.multi_reduction <maximumf>, %reduce_max3A_1803, %reduce_max3A_1804 [1, 2] : vector<1x1x128xf32> to vector<1xf32>
      %reduce_max3A_1806 = vector.shape_cast %reduce_max3A_1805 : vector<1xf32> to vector<1x1x1xf32>
      %reduce_max3A_1807 = vector.extract %reduce_max3A_1806[0, 0, 0] : f32 from vector<1x1x1xf32>
      %broadcast_in_dim3A_1808 = vector.broadcast %reduce_max3A_1807 : f32 to vector<1x1xf32>
      %min3A_1809 = vector.broadcast %broadcast_in_dim3A_1781 : vector<1x1xf32> to vector<1x128xf32>
      %min3A_1810 = arith.minimumf %slice3A_1545, %min3A_1809 : vector<1x128xf32>
      %max3A_1811 = vector.broadcast %broadcast_in_dim3A_1763 : vector<1x1xf32> to vector<1x128xf32>
      %max3A_1812 = arith.maximumf %slice3A_1543, %max3A_1811 : vector<1x128xf32>
      %sub3A_1813 = arith.subf %min3A_1810, %max3A_1812 : vector<1x128xf32>
      %add3A_1814 = arith.constant 1.000000e+00 : f32
      %add3A_1815 = vector.broadcast %add3A_1814 : f32 to vector<1x128xf32>
      %add3A_1816 = arith.addf %sub3A_1813, %add3A_1815 : vector<1x128xf32>
      %max3A_1817 = arith.constant 0.000000e+00 : f32
      %max3A_1818 = vector.broadcast %max3A_1817 : f32 to vector<1x128xf32>
      %max3A_1819 = arith.maximumf %add3A_1816, %max3A_1818 : vector<1x128xf32>
      %min3A_1820 = vector.broadcast %broadcast_in_dim3A_1790 : vector<1x1xf32> to vector<1x128xf32>
      %min3A_1821 = arith.minimumf %slice3A_1546, %min3A_1820 : vector<1x128xf32>
      %max3A_1822 = vector.broadcast %broadcast_in_dim3A_1772 : vector<1x1xf32> to vector<1x128xf32>
      %max3A_1823 = arith.maximumf %slice3A_1544, %max3A_1822 : vector<1x128xf32>
      %sub3A_1824 = arith.subf %min3A_1821, %max3A_1823 : vector<1x128xf32>
      %add3A_1825 = arith.constant 1.000000e+00 : f32
      %add3A_1826 = vector.broadcast %add3A_1825 : f32 to vector<1x128xf32>
      %add3A_1827 = arith.addf %sub3A_1824, %add3A_1826 : vector<1x128xf32>
      %max3A_1828 = arith.constant 0.000000e+00 : f32
      %max3A_1829 = vector.broadcast %max3A_1828 : f32 to vector<1x128xf32>
      %max3A_1830 = arith.maximumf %add3A_1827, %max3A_1829 : vector<1x128xf32>
      %mul3A_1831 = arith.mulf %max3A_1819, %max3A_1830 : vector<1x128xf32>
      %add3A_1832 = vector.broadcast %broadcast_in_dim3A_1799 : vector<1x1xf32> to vector<1x128xf32>
      %add3A_1833 = arith.addf %slice3A_1547, %add3A_1832 : vector<1x128xf32>
      %sub3A_1834 = arith.subf %add3A_1833, %mul3A_1831 : vector<1x128xf32>
      %div3A_1835 = arith.divf %mul3A_1831, %sub3A_1834 : vector<1x128xf32>
      %gt3A_1836 = arith.constant 0.699999988 : f32
      %gt3A_1837 = vector.broadcast %gt3A_1836 : f32 to vector<1x128xf32>
      %gt3A_1838 = arith.cmpf ogt, %div3A_1835, %gt3A_1837 : vector<1x128xf32>
      %gt3A_1839 = vector.broadcast %scan3A_1751 : i32 to vector<1x128xi32>
      %gt3A_1840 = arith.cmpi sgt, %iota3A, %gt3A_1839 : vector<1x128xi32>
      %and3A_1841 = arith.andi %gt3A_1838, %gt3A_1840 : vector<1x128xi1>
      %gt3A_1842 = arith.constant 5.000000e-01 : f32
      %gt3A_1843 = vector.broadcast %gt3A_1842 : f32 to vector<1x1xf32>
      %gt3A_1844 = arith.cmpf ogt, %broadcast_in_dim3A_1808, %gt3A_1843 : vector<1x1xf32>
      %and3A_1845 = vector.broadcast %gt3A_1844 : vector<1x1xi1> to vector<1x128xi1>
      %and3A_1846 = arith.andi %and3A_1841, %and3A_1845 : vector<1x128xi1>
      %jit3A_1847 = arith.constant 0.000000e+00 : f32
      %jit3A_1848 = arith.constant 1.000000e+00 : f32
      %broadcast_in_dim3A_1849 = vector.broadcast %jit3A_1847 : f32 to vector<1x128xf32>
      %broadcast_in_dim3A_1850 = vector.broadcast %jit3A_1848 : f32 to vector<1x128xf32>
      %select_n3A_1851 = arith.select %and3A_1846, %broadcast_in_dim3A_1849, %broadcast_in_dim3A_1850 : vector<1x128xi1>, vector<1x128xf32>
      %mul3A_1852 = arith.mulf %scan3A_1752, %select_n3A_1851 : vector<1x128xf32>
      scf.yield %mul3A_1852 : vector<1x128xf32>
    }
    %scan3A_1554 = arith.constant 128 : i32
    %gt3A_1555 = arith.constant 5.000000e-01 : f32
    %gt3A_1556 = vector.broadcast %gt3A_1555 : f32 to vector<1x128xf32>
    %gt3A_1557 = arith.cmpf ogt, %scan3A_1553, %gt3A_1556 : vector<1x128xf32>
    %and3A_1558 = vector.broadcast %gt3A_1557 : vector<1x128xi1> to vector<128x128xi1>
    %and3A_1559 = arith.andi %eq3A, %and3A_1558 : vector<128x128xi1>
    %jit3A_1560 = arith.constant 1.000000e+00 : f32
    %jit3A_1561 = arith.constant 0.000000e+00 : f32
    %broadcast_in_dim3A_1562 = vector.broadcast %jit3A_1560 : f32 to vector<128x128xf32>
    %broadcast_in_dim3A_1563 = vector.broadcast %jit3A_1561 : f32 to vector<128x128xf32>
    %select_n3A_1564 = arith.select %and3A_1559, %broadcast_in_dim3A_1562, %broadcast_in_dim3A_1563 : vector<128x128xi1>, vector<128x128xf32>
    %reduce_max3A_1565 = arith.constant dense<0xFF800000> : vector<128xf32>
    %reduce_max3A_1566 = vector.multi_reduction <maximumf>, %select_n3A_1564, %reduce_max3A_1565 [1] : vector<128x128xf32> to vector<128xf32>
    %broadcast_in_dim3A_1567 = vector.shape_cast %reduce_max3A_1566 : vector<128xf32> to vector<128x1xf32>
    %slice3A_1568 = vector.extract_strided_slice %min3A_156 {offsets = [0, 14], sizes = [128, 1], strides = [1, 1]} : vector<128x16xf32> to vector<128x1xf32>
    %slice3A_1569 = vector.extract_strided_slice %min3A_166 {offsets = [0, 14], sizes = [128, 1], strides = [1, 1]} : vector<128x16xf32> to vector<128x1xf32>
    %slice3A_1570 = vector.extract_strided_slice %min3A_179 {offsets = [0, 14], sizes = [128, 1], strides = [1, 1]} : vector<128x16xf32> to vector<128x1xf32>
    %slice3A_1571 = vector.extract_strided_slice %min3A_192 {offsets = [0, 14], sizes = [128, 1], strides = [1, 1]} : vector<128x16xf32> to vector<128x1xf32>
    %slice3A_1572 = vector.extract_strided_slice %mul3A_215 {offsets = [0, 14], sizes = [128, 1], strides = [1, 1]} : vector<128x16xf32> to vector<128x1xf32>
    %min3A_1573 = vector.broadcast %min3A_76 : vector<1x2048xf32> to vector<128x2048xf32>
    %min3A_1574 = vector.broadcast %slice3A_1570 : vector<128x1xf32> to vector<128x2048xf32>
    %min3A_1575 = arith.minimumf %min3A_1573, %min3A_1574 : vector<128x2048xf32>
    %max3A_1576 = vector.broadcast %min3A_53 : vector<1x2048xf32> to vector<128x2048xf32>
    %max3A_1577 = vector.broadcast %slice3A_1568 : vector<128x1xf32> to vector<128x2048xf32>
    %max3A_1578 = arith.maximumf %max3A_1576, %max3A_1577 : vector<128x2048xf32>
    %sub3A_1579 = arith.subf %min3A_1575, %max3A_1578 : vector<128x2048xf32>
    %add3A_1580 = arith.constant 1.000000e+00 : f32
    %add3A_1581 = vector.broadcast %add3A_1580 : f32 to vector<128x2048xf32>
    %add3A_1582 = arith.addf %sub3A_1579, %add3A_1581 : vector<128x2048xf32>
    %max3A_1583 = arith.constant 0.000000e+00 : f32
    %max3A_1584 = vector.broadcast %max3A_1583 : f32 to vector<128x2048xf32>
    %max3A_1585 = arith.maximumf %add3A_1582, %max3A_1584 : vector<128x2048xf32>
    %min3A_1586 = vector.broadcast %min3A_89 : vector<1x2048xf32> to vector<128x2048xf32>
    %min3A_1587 = vector.broadcast %slice3A_1571 : vector<128x1xf32> to vector<128x2048xf32>
    %min3A_1588 = arith.minimumf %min3A_1586, %min3A_1587 : vector<128x2048xf32>
    %max3A_1589 = vector.broadcast %min3A_63 : vector<1x2048xf32> to vector<128x2048xf32>
    %max3A_1590 = vector.broadcast %slice3A_1569 : vector<128x1xf32> to vector<128x2048xf32>
    %max3A_1591 = arith.maximumf %max3A_1589, %max3A_1590 : vector<128x2048xf32>
    %sub3A_1592 = arith.subf %min3A_1588, %max3A_1591 : vector<128x2048xf32>
    %add3A_1593 = arith.constant 1.000000e+00 : f32
    %add3A_1594 = vector.broadcast %add3A_1593 : f32 to vector<128x2048xf32>
    %add3A_1595 = arith.addf %sub3A_1592, %add3A_1594 : vector<128x2048xf32>
    %max3A_1596 = arith.constant 0.000000e+00 : f32
    %max3A_1597 = vector.broadcast %max3A_1596 : f32 to vector<128x2048xf32>
    %max3A_1598 = arith.maximumf %add3A_1595, %max3A_1597 : vector<128x2048xf32>
    %mul3A_1599 = arith.mulf %max3A_1585, %max3A_1598 : vector<128x2048xf32>
    %add3A_1600 = vector.broadcast %mul3A_206 : vector<1x2048xf32> to vector<128x2048xf32>
    %add3A_1601 = vector.broadcast %slice3A_1572 : vector<128x1xf32> to vector<128x2048xf32>
    %add3A_1602 = arith.addf %add3A_1600, %add3A_1601 : vector<128x2048xf32>
    %sub3A_1603 = arith.subf %add3A_1602, %mul3A_1599 : vector<128x2048xf32>
    %div3A_1604 = arith.divf %mul3A_1599, %sub3A_1603 : vector<128x2048xf32>
    %gt3A_1605 = arith.constant 0.699999988 : f32
    %gt3A_1606 = vector.broadcast %gt3A_1605 : f32 to vector<128x2048xf32>
    %gt3A_1607 = arith.cmpf ogt, %div3A_1604, %gt3A_1606 : vector<128x2048xf32>
    %ge3A_1608 = arith.constant 1920 : i32
    %ge3A_1609 = vector.broadcast %ge3A_1608 : i32 to vector<1x2048xi32>
    %ge3A_1610 = arith.cmpi sge, %iota3A_216, %ge3A_1609 : vector<1x2048xi32>
    %and3A_1611 = vector.broadcast %ge3A_1610 : vector<1x2048xi1> to vector<128x2048xi1>
    %and3A_1612 = arith.andi %gt3A_1607, %and3A_1611 : vector<128x2048xi1>
    %gt3A_1613 = arith.constant 5.000000e-01 : f32
    %gt3A_1614 = vector.broadcast %gt3A_1613 : f32 to vector<128x1xf32>
    %gt3A_1615 = arith.cmpf ogt, %broadcast_in_dim3A_1567, %gt3A_1614 : vector<128x1xf32>
    %and3A_1616 = vector.broadcast %gt3A_1615 : vector<128x1xi1> to vector<128x2048xi1>
    %and3A_1617 = arith.andi %and3A_1612, %and3A_1616 : vector<128x2048xi1>
    %jit3A_1618 = arith.constant 1.000000e+00 : f32
    %jit3A_1619 = arith.constant 0.000000e+00 : f32
    %broadcast_in_dim3A_1620 = vector.broadcast %jit3A_1618 : f32 to vector<128x2048xf32>
    %broadcast_in_dim3A_1621 = vector.broadcast %jit3A_1619 : f32 to vector<128x2048xf32>
    %select_n3A_1622 = arith.select %and3A_1617, %broadcast_in_dim3A_1620, %broadcast_in_dim3A_1621 : vector<128x2048xi1>, vector<128x2048xf32>
    %reduce_max3A_1623 = arith.constant dense<0xFF800000> : vector<2048xf32>
    %reduce_max3A_1624 = vector.multi_reduction <maximumf>, %select_n3A_1622, %reduce_max3A_1623 [0] : vector<128x2048xf32> to vector<2048xf32>
    %broadcast_in_dim3A_1625 = vector.shape_cast %reduce_max3A_1624 : vector<2048xf32> to vector<1x2048xf32>
    %slice3A_1626 = vector.extract_strided_slice %mul3A_1542 {offsets = [0, 0], sizes = [1, 1792], strides = [1, 1]} : vector<1x2048xf32> to vector<1x1792xf32>
    %slice3A_1627 = vector.extract_strided_slice %mul3A_1542 {offsets = [0, 1920], sizes = [1, 128], strides = [1, 1]} : vector<1x2048xf32> to vector<1x128xf32>
    %concatenate3A_1628 = tpu.concatenate %slice3A_1626, %scan3A_1553, %slice3A_1627 in 1 : vector<1x1792xf32>, vector<1x128xf32>, vector<1x128xf32> -> vector<1x2048xf32>
    %gt3A_1629 = arith.constant 5.000000e-01 : f32
    %gt3A_1630 = vector.broadcast %gt3A_1629 : f32 to vector<1x2048xf32>
    %gt3A_1631 = arith.cmpf ogt, %broadcast_in_dim3A_1625, %gt3A_1630 : vector<1x2048xf32>
    %jit3A_1632 = arith.constant 0.000000e+00 : f32
    %jit3A_1633 = arith.constant 1.000000e+00 : f32
    %broadcast_in_dim3A_1634 = vector.broadcast %jit3A_1632 : f32 to vector<1x2048xf32>
    %broadcast_in_dim3A_1635 = vector.broadcast %jit3A_1633 : f32 to vector<1x2048xf32>
    %select_n3A_1636 = arith.select %gt3A_1631, %broadcast_in_dim3A_1634, %broadcast_in_dim3A_1635 : vector<1x2048xi1>, vector<1x2048xf32>
    %mul3A_1637 = arith.mulf %concatenate3A_1628, %select_n3A_1636 : vector<1x2048xf32>
    %slice3A_1638 = vector.extract_strided_slice %min3A_53 {offsets = [0, 1920], sizes = [1, 128], strides = [1, 1]} : vector<1x2048xf32> to vector<1x128xf32>
    %slice3A_1639 = vector.extract_strided_slice %min3A_63 {offsets = [0, 1920], sizes = [1, 128], strides = [1, 1]} : vector<1x2048xf32> to vector<1x128xf32>
    %slice3A_1640 = vector.extract_strided_slice %min3A_76 {offsets = [0, 1920], sizes = [1, 128], strides = [1, 1]} : vector<1x2048xf32> to vector<1x128xf32>
    %slice3A_1641 = vector.extract_strided_slice %min3A_89 {offsets = [0, 1920], sizes = [1, 128], strides = [1, 1]} : vector<1x2048xf32> to vector<1x128xf32>
    %slice3A_1642 = vector.extract_strided_slice %mul3A_206 {offsets = [0, 1920], sizes = [1, 128], strides = [1, 1]} : vector<1x2048xf32> to vector<1x128xf32>
    %slice3A_1643 = vector.extract_strided_slice %mul3A_1637 {offsets = [0, 1920], sizes = [1, 128], strides = [1, 1]} : vector<1x2048xf32> to vector<1x128xf32>
    %scan3A_1644 = arith.constant 0 : i32
    %scan3A_1645 = arith.constant 128 : i32
    %scan3A_1646 = arith.addi %scan3A_1644, %scan3A_1645 : i32
    %scan3A_1647 = arith.constant 1 : i32
    %scan3A_1648 = scf.for %scan3A_1751 = %scan3A_1644 to %scan3A_1646 step %scan3A_1647 iter_args(%scan3A_1752 = %slice3A_1643) -> (vector<1x128xf32>)  : i32 {
      %eq3A_1753 = vector.broadcast %scan3A_1751 : i32 to vector<1x128xi32>
      %eq3A_1754 = arith.cmpi eq, %iota3A, %eq3A_1753 : vector<1x128xi32>
      %jit3A_1755 = arith.constant -1.000000e+30 : f32
      %broadcast_in_dim3A_1756 = vector.broadcast %jit3A_1755 : f32 to vector<1x128xf32>
      %select_n3A_1757 = arith.select %eq3A_1754, %slice3A_1638, %broadcast_in_dim3A_1756 : vector<1x128xi1>, vector<1x128xf32>
      %reduce_max3A_1758 = vector.shape_cast %select_n3A_1757 : vector<1x128xf32> to vector<1x1x128xf32>
      %reduce_max3A_1759 = arith.constant dense<0xFF800000> : vector<1xf32>
      %reduce_max3A_1760 = vector.multi_reduction <maximumf>, %reduce_max3A_1758, %reduce_max3A_1759 [1, 2] : vector<1x1x128xf32> to vector<1xf32>
      %reduce_max3A_1761 = vector.shape_cast %reduce_max3A_1760 : vector<1xf32> to vector<1x1x1xf32>
      %reduce_max3A_1762 = vector.extract %reduce_max3A_1761[0, 0, 0] : f32 from vector<1x1x1xf32>
      %broadcast_in_dim3A_1763 = vector.broadcast %reduce_max3A_1762 : f32 to vector<1x1xf32>
      %jit3A_1764 = arith.constant -1.000000e+30 : f32
      %broadcast_in_dim3A_1765 = vector.broadcast %jit3A_1764 : f32 to vector<1x128xf32>
      %select_n3A_1766 = arith.select %eq3A_1754, %slice3A_1639, %broadcast_in_dim3A_1765 : vector<1x128xi1>, vector<1x128xf32>
      %reduce_max3A_1767 = vector.shape_cast %select_n3A_1766 : vector<1x128xf32> to vector<1x1x128xf32>
      %reduce_max3A_1768 = arith.constant dense<0xFF800000> : vector<1xf32>
      %reduce_max3A_1769 = vector.multi_reduction <maximumf>, %reduce_max3A_1767, %reduce_max3A_1768 [1, 2] : vector<1x1x128xf32> to vector<1xf32>
      %reduce_max3A_1770 = vector.shape_cast %reduce_max3A_1769 : vector<1xf32> to vector<1x1x1xf32>
      %reduce_max3A_1771 = vector.extract %reduce_max3A_1770[0, 0, 0] : f32 from vector<1x1x1xf32>
      %broadcast_in_dim3A_1772 = vector.broadcast %reduce_max3A_1771 : f32 to vector<1x1xf32>
      %jit3A_1773 = arith.constant -1.000000e+30 : f32
      %broadcast_in_dim3A_1774 = vector.broadcast %jit3A_1773 : f32 to vector<1x128xf32>
      %select_n3A_1775 = arith.select %eq3A_1754, %slice3A_1640, %broadcast_in_dim3A_1774 : vector<1x128xi1>, vector<1x128xf32>
      %reduce_max3A_1776 = vector.shape_cast %select_n3A_1775 : vector<1x128xf32> to vector<1x1x128xf32>
      %reduce_max3A_1777 = arith.constant dense<0xFF800000> : vector<1xf32>
      %reduce_max3A_1778 = vector.multi_reduction <maximumf>, %reduce_max3A_1776, %reduce_max3A_1777 [1, 2] : vector<1x1x128xf32> to vector<1xf32>
      %reduce_max3A_1779 = vector.shape_cast %reduce_max3A_1778 : vector<1xf32> to vector<1x1x1xf32>
      %reduce_max3A_1780 = vector.extract %reduce_max3A_1779[0, 0, 0] : f32 from vector<1x1x1xf32>
      %broadcast_in_dim3A_1781 = vector.broadcast %reduce_max3A_1780 : f32 to vector<1x1xf32>
      %jit3A_1782 = arith.constant -1.000000e+30 : f32
      %broadcast_in_dim3A_1783 = vector.broadcast %jit3A_1782 : f32 to vector<1x128xf32>
      %select_n3A_1784 = arith.select %eq3A_1754, %slice3A_1641, %broadcast_in_dim3A_1783 : vector<1x128xi1>, vector<1x128xf32>
      %reduce_max3A_1785 = vector.shape_cast %select_n3A_1784 : vector<1x128xf32> to vector<1x1x128xf32>
      %reduce_max3A_1786 = arith.constant dense<0xFF800000> : vector<1xf32>
      %reduce_max3A_1787 = vector.multi_reduction <maximumf>, %reduce_max3A_1785, %reduce_max3A_1786 [1, 2] : vector<1x1x128xf32> to vector<1xf32>
      %reduce_max3A_1788 = vector.shape_cast %reduce_max3A_1787 : vector<1xf32> to vector<1x1x1xf32>
      %reduce_max3A_1789 = vector.extract %reduce_max3A_1788[0, 0, 0] : f32 from vector<1x1x1xf32>
      %broadcast_in_dim3A_1790 = vector.broadcast %reduce_max3A_1789 : f32 to vector<1x1xf32>
      %jit3A_1791 = arith.constant -1.000000e+30 : f32
      %broadcast_in_dim3A_1792 = vector.broadcast %jit3A_1791 : f32 to vector<1x128xf32>
      %select_n3A_1793 = arith.select %eq3A_1754, %slice3A_1642, %broadcast_in_dim3A_1792 : vector<1x128xi1>, vector<1x128xf32>
      %reduce_max3A_1794 = vector.shape_cast %select_n3A_1793 : vector<1x128xf32> to vector<1x1x128xf32>
      %reduce_max3A_1795 = arith.constant dense<0xFF800000> : vector<1xf32>
      %reduce_max3A_1796 = vector.multi_reduction <maximumf>, %reduce_max3A_1794, %reduce_max3A_1795 [1, 2] : vector<1x1x128xf32> to vector<1xf32>
      %reduce_max3A_1797 = vector.shape_cast %reduce_max3A_1796 : vector<1xf32> to vector<1x1x1xf32>
      %reduce_max3A_1798 = vector.extract %reduce_max3A_1797[0, 0, 0] : f32 from vector<1x1x1xf32>
      %broadcast_in_dim3A_1799 = vector.broadcast %reduce_max3A_1798 : f32 to vector<1x1xf32>
      %jit3A_1800 = arith.constant 0.000000e+00 : f32
      %broadcast_in_dim3A_1801 = vector.broadcast %jit3A_1800 : f32 to vector<1x128xf32>
      %select_n3A_1802 = arith.select %eq3A_1754, %scan3A_1752, %broadcast_in_dim3A_1801 : vector<1x128xi1>, vector<1x128xf32>
      %reduce_max3A_1803 = vector.shape_cast %select_n3A_1802 : vector<1x128xf32> to vector<1x1x128xf32>
      %reduce_max3A_1804 = arith.constant dense<0xFF800000> : vector<1xf32>
      %reduce_max3A_1805 = vector.multi_reduction <maximumf>, %reduce_max3A_1803, %reduce_max3A_1804 [1, 2] : vector<1x1x128xf32> to vector<1xf32>
      %reduce_max3A_1806 = vector.shape_cast %reduce_max3A_1805 : vector<1xf32> to vector<1x1x1xf32>
      %reduce_max3A_1807 = vector.extract %reduce_max3A_1806[0, 0, 0] : f32 from vector<1x1x1xf32>
      %broadcast_in_dim3A_1808 = vector.broadcast %reduce_max3A_1807 : f32 to vector<1x1xf32>
      %min3A_1809 = vector.broadcast %broadcast_in_dim3A_1781 : vector<1x1xf32> to vector<1x128xf32>
      %min3A_1810 = arith.minimumf %slice3A_1640, %min3A_1809 : vector<1x128xf32>
      %max3A_1811 = vector.broadcast %broadcast_in_dim3A_1763 : vector<1x1xf32> to vector<1x128xf32>
      %max3A_1812 = arith.maximumf %slice3A_1638, %max3A_1811 : vector<1x128xf32>
      %sub3A_1813 = arith.subf %min3A_1810, %max3A_1812 : vector<1x128xf32>
      %add3A_1814 = arith.constant 1.000000e+00 : f32
      %add3A_1815 = vector.broadcast %add3A_1814 : f32 to vector<1x128xf32>
      %add3A_1816 = arith.addf %sub3A_1813, %add3A_1815 : vector<1x128xf32>
      %max3A_1817 = arith.constant 0.000000e+00 : f32
      %max3A_1818 = vector.broadcast %max3A_1817 : f32 to vector<1x128xf32>
      %max3A_1819 = arith.maximumf %add3A_1816, %max3A_1818 : vector<1x128xf32>
      %min3A_1820 = vector.broadcast %broadcast_in_dim3A_1790 : vector<1x1xf32> to vector<1x128xf32>
      %min3A_1821 = arith.minimumf %slice3A_1641, %min3A_1820 : vector<1x128xf32>
      %max3A_1822 = vector.broadcast %broadcast_in_dim3A_1772 : vector<1x1xf32> to vector<1x128xf32>
      %max3A_1823 = arith.maximumf %slice3A_1639, %max3A_1822 : vector<1x128xf32>
      %sub3A_1824 = arith.subf %min3A_1821, %max3A_1823 : vector<1x128xf32>
      %add3A_1825 = arith.constant 1.000000e+00 : f32
      %add3A_1826 = vector.broadcast %add3A_1825 : f32 to vector<1x128xf32>
      %add3A_1827 = arith.addf %sub3A_1824, %add3A_1826 : vector<1x128xf32>
      %max3A_1828 = arith.constant 0.000000e+00 : f32
      %max3A_1829 = vector.broadcast %max3A_1828 : f32 to vector<1x128xf32>
      %max3A_1830 = arith.maximumf %add3A_1827, %max3A_1829 : vector<1x128xf32>
      %mul3A_1831 = arith.mulf %max3A_1819, %max3A_1830 : vector<1x128xf32>
      %add3A_1832 = vector.broadcast %broadcast_in_dim3A_1799 : vector<1x1xf32> to vector<1x128xf32>
      %add3A_1833 = arith.addf %slice3A_1642, %add3A_1832 : vector<1x128xf32>
      %sub3A_1834 = arith.subf %add3A_1833, %mul3A_1831 : vector<1x128xf32>
      %div3A_1835 = arith.divf %mul3A_1831, %sub3A_1834 : vector<1x128xf32>
      %gt3A_1836 = arith.constant 0.699999988 : f32
      %gt3A_1837 = vector.broadcast %gt3A_1836 : f32 to vector<1x128xf32>
      %gt3A_1838 = arith.cmpf ogt, %div3A_1835, %gt3A_1837 : vector<1x128xf32>
      %gt3A_1839 = vector.broadcast %scan3A_1751 : i32 to vector<1x128xi32>
      %gt3A_1840 = arith.cmpi sgt, %iota3A, %gt3A_1839 : vector<1x128xi32>
      %and3A_1841 = arith.andi %gt3A_1838, %gt3A_1840 : vector<1x128xi1>
      %gt3A_1842 = arith.constant 5.000000e-01 : f32
      %gt3A_1843 = vector.broadcast %gt3A_1842 : f32 to vector<1x1xf32>
      %gt3A_1844 = arith.cmpf ogt, %broadcast_in_dim3A_1808, %gt3A_1843 : vector<1x1xf32>
      %and3A_1845 = vector.broadcast %gt3A_1844 : vector<1x1xi1> to vector<1x128xi1>
      %and3A_1846 = arith.andi %and3A_1841, %and3A_1845 : vector<1x128xi1>
      %jit3A_1847 = arith.constant 0.000000e+00 : f32
      %jit3A_1848 = arith.constant 1.000000e+00 : f32
      %broadcast_in_dim3A_1849 = vector.broadcast %jit3A_1847 : f32 to vector<1x128xf32>
      %broadcast_in_dim3A_1850 = vector.broadcast %jit3A_1848 : f32 to vector<1x128xf32>
      %select_n3A_1851 = arith.select %and3A_1846, %broadcast_in_dim3A_1849, %broadcast_in_dim3A_1850 : vector<1x128xi1>, vector<1x128xf32>
      %mul3A_1852 = arith.mulf %scan3A_1752, %select_n3A_1851 : vector<1x128xf32>
      scf.yield %mul3A_1852 : vector<1x128xf32>
    }
    %scan3A_1649 = arith.constant 128 : i32
    %gt3A_1650 = arith.constant 5.000000e-01 : f32
    %gt3A_1651 = vector.broadcast %gt3A_1650 : f32 to vector<1x128xf32>
    %gt3A_1652 = arith.cmpf ogt, %scan3A_1648, %gt3A_1651 : vector<1x128xf32>
    %and3A_1653 = vector.broadcast %gt3A_1652 : vector<1x128xi1> to vector<128x128xi1>
    %and3A_1654 = arith.andi %eq3A, %and3A_1653 : vector<128x128xi1>
    %jit3A_1655 = arith.constant 1.000000e+00 : f32
    %jit3A_1656 = arith.constant 0.000000e+00 : f32
    %broadcast_in_dim3A_1657 = vector.broadcast %jit3A_1655 : f32 to vector<128x128xf32>
    %broadcast_in_dim3A_1658 = vector.broadcast %jit3A_1656 : f32 to vector<128x128xf32>
    %select_n3A_1659 = arith.select %and3A_1654, %broadcast_in_dim3A_1657, %broadcast_in_dim3A_1658 : vector<128x128xi1>, vector<128x128xf32>
    %reduce_max3A_1660 = arith.constant dense<0xFF800000> : vector<128xf32>
    %reduce_max3A_1661 = vector.multi_reduction <maximumf>, %select_n3A_1659, %reduce_max3A_1660 [1] : vector<128x128xf32> to vector<128xf32>
    %broadcast_in_dim3A_1662 = vector.shape_cast %reduce_max3A_1661 : vector<128xf32> to vector<128x1xf32>
    %slice3A_1663 = vector.extract_strided_slice %min3A_156 {offsets = [0, 15], sizes = [128, 1], strides = [1, 1]} : vector<128x16xf32> to vector<128x1xf32>
    %slice3A_1664 = vector.extract_strided_slice %min3A_166 {offsets = [0, 15], sizes = [128, 1], strides = [1, 1]} : vector<128x16xf32> to vector<128x1xf32>
    %slice3A_1665 = vector.extract_strided_slice %min3A_179 {offsets = [0, 15], sizes = [128, 1], strides = [1, 1]} : vector<128x16xf32> to vector<128x1xf32>
    %slice3A_1666 = vector.extract_strided_slice %min3A_192 {offsets = [0, 15], sizes = [128, 1], strides = [1, 1]} : vector<128x16xf32> to vector<128x1xf32>
    %slice3A_1667 = vector.extract_strided_slice %mul3A_215 {offsets = [0, 15], sizes = [128, 1], strides = [1, 1]} : vector<128x16xf32> to vector<128x1xf32>
    %min3A_1668 = vector.broadcast %min3A_76 : vector<1x2048xf32> to vector<128x2048xf32>
    %min3A_1669 = vector.broadcast %slice3A_1665 : vector<128x1xf32> to vector<128x2048xf32>
    %min3A_1670 = arith.minimumf %min3A_1668, %min3A_1669 : vector<128x2048xf32>
    %max3A_1671 = vector.broadcast %min3A_53 : vector<1x2048xf32> to vector<128x2048xf32>
    %max3A_1672 = vector.broadcast %slice3A_1663 : vector<128x1xf32> to vector<128x2048xf32>
    %max3A_1673 = arith.maximumf %max3A_1671, %max3A_1672 : vector<128x2048xf32>
    %sub3A_1674 = arith.subf %min3A_1670, %max3A_1673 : vector<128x2048xf32>
    %add3A_1675 = arith.constant 1.000000e+00 : f32
    %add3A_1676 = vector.broadcast %add3A_1675 : f32 to vector<128x2048xf32>
    %add3A_1677 = arith.addf %sub3A_1674, %add3A_1676 : vector<128x2048xf32>
    %max3A_1678 = arith.constant 0.000000e+00 : f32
    %max3A_1679 = vector.broadcast %max3A_1678 : f32 to vector<128x2048xf32>
    %max3A_1680 = arith.maximumf %add3A_1677, %max3A_1679 : vector<128x2048xf32>
    %min3A_1681 = vector.broadcast %min3A_89 : vector<1x2048xf32> to vector<128x2048xf32>
    %min3A_1682 = vector.broadcast %slice3A_1666 : vector<128x1xf32> to vector<128x2048xf32>
    %min3A_1683 = arith.minimumf %min3A_1681, %min3A_1682 : vector<128x2048xf32>
    %max3A_1684 = vector.broadcast %min3A_63 : vector<1x2048xf32> to vector<128x2048xf32>
    %max3A_1685 = vector.broadcast %slice3A_1664 : vector<128x1xf32> to vector<128x2048xf32>
    %max3A_1686 = arith.maximumf %max3A_1684, %max3A_1685 : vector<128x2048xf32>
    %sub3A_1687 = arith.subf %min3A_1683, %max3A_1686 : vector<128x2048xf32>
    %add3A_1688 = arith.constant 1.000000e+00 : f32
    %add3A_1689 = vector.broadcast %add3A_1688 : f32 to vector<128x2048xf32>
    %add3A_1690 = arith.addf %sub3A_1687, %add3A_1689 : vector<128x2048xf32>
    %max3A_1691 = arith.constant 0.000000e+00 : f32
    %max3A_1692 = vector.broadcast %max3A_1691 : f32 to vector<128x2048xf32>
    %max3A_1693 = arith.maximumf %add3A_1690, %max3A_1692 : vector<128x2048xf32>
    %mul3A_1694 = arith.mulf %max3A_1680, %max3A_1693 : vector<128x2048xf32>
    %add3A_1695 = vector.broadcast %mul3A_206 : vector<1x2048xf32> to vector<128x2048xf32>
    %add3A_1696 = vector.broadcast %slice3A_1667 : vector<128x1xf32> to vector<128x2048xf32>
    %add3A_1697 = arith.addf %add3A_1695, %add3A_1696 : vector<128x2048xf32>
    %sub3A_1698 = arith.subf %add3A_1697, %mul3A_1694 : vector<128x2048xf32>
    %div3A_1699 = arith.divf %mul3A_1694, %sub3A_1698 : vector<128x2048xf32>
    %gt3A_1700 = arith.constant 0.699999988 : f32
    %gt3A_1701 = vector.broadcast %gt3A_1700 : f32 to vector<128x2048xf32>
    %gt3A_1702 = arith.cmpf ogt, %div3A_1699, %gt3A_1701 : vector<128x2048xf32>
    %ge3A_1703 = arith.constant 2048 : i32
    %ge3A_1704 = vector.broadcast %ge3A_1703 : i32 to vector<1x2048xi32>
    %ge3A_1705 = arith.cmpi sge, %iota3A_216, %ge3A_1704 : vector<1x2048xi32>
    %and3A_1706 = vector.broadcast %ge3A_1705 : vector<1x2048xi1> to vector<128x2048xi1>
    %and3A_1707 = arith.andi %gt3A_1702, %and3A_1706 : vector<128x2048xi1>
    %gt3A_1708 = arith.constant 5.000000e-01 : f32
    %gt3A_1709 = vector.broadcast %gt3A_1708 : f32 to vector<128x1xf32>
    %gt3A_1710 = arith.cmpf ogt, %broadcast_in_dim3A_1662, %gt3A_1709 : vector<128x1xf32>
    %and3A_1711 = vector.broadcast %gt3A_1710 : vector<128x1xi1> to vector<128x2048xi1>
    %and3A_1712 = arith.andi %and3A_1707, %and3A_1711 : vector<128x2048xi1>
    %jit3A_1713 = arith.constant 1.000000e+00 : f32
    %jit3A_1714 = arith.constant 0.000000e+00 : f32
    %broadcast_in_dim3A_1715 = vector.broadcast %jit3A_1713 : f32 to vector<128x2048xf32>
    %broadcast_in_dim3A_1716 = vector.broadcast %jit3A_1714 : f32 to vector<128x2048xf32>
    %select_n3A_1717 = arith.select %and3A_1712, %broadcast_in_dim3A_1715, %broadcast_in_dim3A_1716 : vector<128x2048xi1>, vector<128x2048xf32>
    %reduce_max3A_1718 = arith.constant dense<0xFF800000> : vector<2048xf32>
    %reduce_max3A_1719 = vector.multi_reduction <maximumf>, %select_n3A_1717, %reduce_max3A_1718 [0] : vector<128x2048xf32> to vector<2048xf32>
    %broadcast_in_dim3A_1720 = vector.shape_cast %reduce_max3A_1719 : vector<2048xf32> to vector<1x2048xf32>
    %slice3A_1721 = vector.extract_strided_slice %mul3A_1637 {offsets = [0, 0], sizes = [1, 1920], strides = [1, 1]} : vector<1x2048xf32> to vector<1x1920xf32>
    %concatenate3A_1722 = tpu.concatenate %slice3A_1721, %scan3A_1648 in 1 : vector<1x1920xf32>, vector<1x128xf32> -> vector<1x2048xf32>
    %gt3A_1723 = arith.constant 5.000000e-01 : f32
    %gt3A_1724 = vector.broadcast %gt3A_1723 : f32 to vector<1x2048xf32>
    %gt3A_1725 = arith.cmpf ogt, %broadcast_in_dim3A_1720, %gt3A_1724 : vector<1x2048xf32>
    %jit3A_1726 = arith.constant 0.000000e+00 : f32
    %jit3A_1727 = arith.constant 1.000000e+00 : f32
    %broadcast_in_dim3A_1728 = vector.broadcast %jit3A_1726 : f32 to vector<1x2048xf32>
    %broadcast_in_dim3A_1729 = vector.broadcast %jit3A_1727 : f32 to vector<1x2048xf32>
    %select_n3A_1730 = arith.select %gt3A_1725, %broadcast_in_dim3A_1728, %broadcast_in_dim3A_1729 : vector<1x2048xi1>, vector<1x2048xf32>
    %mul3A_1731 = arith.mulf %concatenate3A_1722, %select_n3A_1730 : vector<1x2048xf32>
    %gt3A_1732 = arith.constant 5.000000e-01 : f32
    %gt3A_1733 = vector.broadcast %gt3A_1732 : f32 to vector<1x2048xf32>
    %gt3A_1734 = arith.cmpf ogt, %mul3A_1731, %gt3A_1733 : vector<1x2048xf32>
    %and3A_1735 = arith.andi %gt3A_1734, %and3A : vector<1x2048xi1>
    %jit3A_1736 = arith.constant -1.000000e+09 : f32
    %broadcast_in_dim3A_1737 = vector.broadcast %jit3A_1736 : f32 to vector<1x2048xf32>
    %select_n3A_1738 = arith.select %and3A_1735, %get3A_3, %broadcast_in_dim3A_1737 : vector<1x2048xi1>, vector<1x2048xf32>
    %swap3A = arith.constant 0 : index
    %swap3A_1739 = arith.constant 0 : index
    %swap3A_1740 = arith.constant 0 : index
    %swap3A_1741 = vector.load %arg6[%swap3A, %swap3A_1739, %swap3A_1740] : memref<1x1x2048xf32, #tpu.memory_space<vmem>>, vector<1x1x2048xf32>
    %swap3A_1742 = vector.shape_cast %swap3A_1741 : vector<1x1x2048xf32> to vector<1x2048xf32>
    %swap3A_1743 = vector.shape_cast %select_n3A_1738 : vector<1x2048xf32> to vector<1x1x2048xf32>
    tpu.vector_store %arg6[%swap3A, %swap3A_1739, %swap3A_1740], %swap3A_1743 {strides = array<i32>} : memref<1x1x2048xf32, #tpu.memory_space<vmem>>, vector<1x1x2048xf32>,
    %concatenate3A_1744 = tpu.concatenate %min3A_53, %min3A_63, %min3A_76, %min3A_89 in 0 : vector<1x2048xf32>, vector<1x2048xf32>, vector<1x2048xf32>, vector<1x2048xf32> -> vector<4x2048xf32>
    %swap3A_1745 = arith.constant 0 : index
    %swap3A_1746 = arith.constant 0 : index
    %swap3A_1747 = arith.constant 0 : index
    %swap3A_1748 = vector.load %arg7[%swap3A_1745, %swap3A_1746, %swap3A_1747] : memref<1x4x2048xf32, #tpu.memory_space<vmem>>, vector<1x4x2048xf32>
    %swap3A_1749 = vector.shape_cast %swap3A_1748 : vector<1x4x2048xf32> to vector<4x2048xf32>
    %swap3A_1750 = vector.shape_cast %concatenate3A_1744 : vector<4x2048xf32> to vector<1x4x2048xf32>
    tpu.vector_store %arg7[%swap3A_1745, %swap3A_1746, %swap3A_1747], %swap3A_1750 {strides = array<i32>} : memref<1x4x2048xf32, #tpu.memory_space<vmem>>, vector<1x4x2048xf32>,
    return
  }
  func.func @transform_0(%arg0: i32) -> (i32, i32, i32) {
    %c0_i32 = arith.constant 0 : i32
    %c0_i32_0 = arith.constant 0 : i32
    %c0_i32_1 = arith.constant 0 : i32
    return %arg0, %c0_i32, %c0_i32_0 : i32, i32, i32
  }
  func.func @transform_1(%arg0: i32) -> (i32, i32, i32) {
    %c0_i32 = arith.constant 0 : i32
    %c0_i32_0 = arith.constant 0 : i32
    %c0_i32_1 = arith.constant 0 : i32
    return %arg0, %c0_i32, %c0_i32_0 : i32, i32, i32
  }
  func.func @transform_2(%arg0: i32) -> (i32, i32, i32) {
    %c0_i32 = arith.constant 0 : i32
    %c0_i32_0 = arith.constant 0 : i32
    %c0_i32_1 = arith.constant 0 : i32
    return %arg0, %c0_i32, %c0_i32_0 : i32, i32, i32
  }
  func.func @transform_3(%arg0: i32) -> (i32, i32, i32, i32) {
    %c0_i32 = arith.constant 0 : i32
    %c0_i32_0 = arith.constant 0 : i32
    %c0_i32_1 = arith.constant 0 : i32
    %c0_i32_2 = arith.constant 0 : i32
    return %arg0, %c0_i32, %c0_i32_0, %c0_i32_1 : i32, i32, i32, i32
  }
  func.func @transform_4(%arg0: i32) -> (i32, i32, i32, i32) {
    %c0_i32 = arith.constant 0 : i32
    %c0_i32_0 = arith.constant 0 : i32
    %c0_i32_1 = arith.constant 0 : i32
    %c0_i32_2 = arith.constant 0 : i32
    return %arg0, %c0_i32, %c0_i32_0, %c0_i32_1 : i32, i32, i32, i32
  }
  func.func @transform_5(%arg0: i32) -> (i32, i32, i32) {
    %c0_i32 = arith.constant 0 : i32
    %c0_i32_0 = arith.constant 0 : i32
    %c0_i32_1 = arith.constant 0 : i32
    return %arg0, %c0_i32, %c0_i32_0 : i32, i32, i32
  }
  func.func @transform_6(%arg0: i32) -> (i32, i32, i32) {
    %c0_i32 = arith.constant 0 : i32
    %c0_i32_0 = arith.constant 0 : i32
    %c0_i32_1 = arith.constant 0 : i32
    return %arg0, %c0_i32, %c0_i32_0 : i32, i32, i32
  }
}

</mosaic_0001>

<sc_bundles>
// kernel: gather_offload_async_start.1
scs
__scs_entry_jumppad:
0x0: {  	(pc) =	sbr.rel $0x88, $3  }
0x1: {  	(tag) =	ssettag $0x0;
	lr =	simm.s32 $0x1  }
0x2: {  	[smem:$0x3F9E] =	sst lr;
	_ =	strace $0xD0000000  }
0x3: {  	_ = 	snop  }
0x4: {  	_ = 	snop  }
0x5: {  	_ = 	snop  }
0x6: {  	_ = 	snop  }
0x7: {  	_ = 	snop  }
__scs_overlays_trampoline_lowered:
0x8: {  	[smem:$0x3FAD] =	sst s0  }
0x9: {  	[smem:$0x3FAE] =	sst s1  }
0xa: {  	[smem:$0x3FAF] =	sst s2  }
0xb: {  	[smem:$0x3FB0] =	sst s3  }
0xc: {  	[smem:$0x3FB1] =	sst s4  }
0xd: {  	[smem:$0x3FB2] =	sst s5  }
0xe: {  	[smem:$0x3FB3] =	sst s6  }
0xf: {  	[smem:$0x3FB4] =	sst s7  }
0x10: {  	[smem:$0x3FB5] =	sst s8  }
0x11: {  	[smem:$0x3FB6] =	sst s9;
	s0 =	simm.s32 @!p0 $0x0  }
0x12: {  	s1 =	sld [smem:$0x3F9C];
	s0 =	simm.s32 @p0 $0x1  }
0x13: {  	[smem:$0x3FB7] =	sst s0;
	s0 =	simm.s32 @!p1 $0x0  }
0x14: {  	s2 =	sld [smem:$0x3F9B];
	s0 =	simm.s32 @p1 $0x1  }
0x15: {  	[smem:$0x3FB8] =	sst s0;
	s0 =	simm.s32 @!p2 $0x0  }
0x16: {  	s3 =	sld [smem:$0x3FDB];
	s0 =	simm.s32 @p2 $0x1  }
0x17: {  	s4 =	simm.s32 $0x1BF5;
	[smem:$0x3FBA] =	sst s0  }
0x18: {  	s0 =	sld [smem:$0x3F9D];
	_ =	swait.ge [sflag:s4], $0x0  }
0x19: {  	s7 =	sld [smem:$0x3F9E]  }
0x1a: {  	s8 =	sadd.s32 $0xFFFFE003, lr  }
0x1b: {  	s9 =	sadd.s32 $0xFFFFFEF7, lr;
	s5 =	simm.s32 $0xFFFFFFFF;
	p2 =	slt.u32 s8, $0xFFFFF086  }
0x1c: {  	p1 =	slt.u32 s9, $0xF7A;
	s5 =	simm.s32 @!p2 $0x0  }
0x1d: {  	s5 =	simm.s32 @p1 $0x1;
	p0 =	seq.s32 s7, s2  }
0x1e: {  	s7 =	smul.u32 @!p0 $0xF7A, s2;
	p2 =	seq.s32 @!p0 s5, $0x0  }
0x1f: {  	s9 =	smul.u32 $0xF7A, s1;
	s8 =	simm.s32 @!p0 $0x1BF5;
	p2 =	por !p2, p0  }
0x20: {  	[sflag:s8] =	ssyncset.s32 @!p0 $0xFFFFF086;
	s6 =	sadd.s32 @!p0 s3, s7;
	s7 =	simm.s32 @!p0 $0x108  }
0x21: {  	s3 =	sadd.s32 s3, s9;
	s6 =	sadd.s32 @!p0 $0x88, s6;
	s7 =	simm.s32 @p2 $0x1082  }
0x22: {  	[simem:s7], [sflag:s8] =	dma.local @!p0 [hbm:s6], $0xF7A  }
0x23: {  	s9 =	sor.u32 $0xD0000000, s2;
	s6 =	simm.s32 $0x108;
	_ =	swait.ge @!p0 [sflag:s8], $0x0  }
0x24: {  	s3 =	sadd.s32 $0x88, s3;
	s6 =	simm.s32 @!p1 $0x1082;
	[sflag:s4] =	ssyncset.s32 $0xFFFFF086  }
0x25: {  	[simem:s6], [sflag:s4] =	dma.local [hbm:s3], $0xF7A  }
0x26: {  	[smem:$0x3F9E] =	sst s1;
	(tag) =	ssettag s2;
	_ =	strace s9  }
0x27: {  	s1 =	sld [smem:$0x3FAE]  }
0x28: {  	s2 =	sld [smem:$0x3FAF]  }
0x29: {  	s4 =	sld [smem:$0x3FB1]  }
0x2a: {  	p0 =	seq.s32 s5, $0x0;
	s5 =	sld [smem:$0x3FB2]  }
0x2b: {  	s6 =	sld [smem:$0x3FB3]  }
0x2c: {  	s7 =	sld [smem:$0x3FB4]  }
0x2d: {  	s3 =	simm.s32 $0x108;
	s8 =	sld [smem:$0x3FB5]  }
0x2e: {  	s3 =	simm.s32 @!p0 $0x1082;
	s9 =	sld [smem:$0x3FB6]  }
0x2f: {  	lr =	sadd.s32 s0, s3;
	s0 =	sld [smem:$0x3FAD]  }
0x30: {  	s3 =	sld [smem:$0x3FB0]  }
0x31: {  	[smem:$0x3FB9] =	sst s10  }
0x32: {  	s10 =	sld [smem:$0x3FB7];
	_ =	sdelay $0x3  }
0x33: {  	p0 =	seq.s32 s10, $0x1;
	s10 =	sld [smem:$0x3FB9];
	_ =	sdelay $0x3  }
0x34: {  	[smem:$0x3FB9] =	sst s10  }
0x35: {  	s10 =	sld [smem:$0x3FB8];
	_ =	sdelay $0x3  }
0x36: {  	p1 =	seq.s32 s10, $0x1;
	s10 =	sld [smem:$0x3FB9];
	_ =	sdelay $0x3  }
0x37: {  	[smem:$0x3FB9] =	sst s10  }
0x38: {  	s10 =	sld [smem:$0x3FBA]  }
0x39: {  	_ = 	snop;
	(pc) =	sbr.ind lr, $3  }
0x3a: {  	_ = 	snop  }
0x3b: {  	_ = 	snop  }
0x3c: {  	p2 =	seq.s32 s10, $0x1;
	s10 =	sld [smem:$0x3FB9]  }
0x3d: {  	_ =	shalt  }
0x3e: {  	_ =	shalt  }
0x3f: {  	_ =	shalt  }
0x40: {  	_ =	shalt  }
0x41: {  	_ =	shalt  }
0x42: {  	_ =	shalt  }
0x43: {  	_ =	shalt  }
0x44: {  	_ =	shalt  }
0x45: {  	_ =	shalt  }
0x46: {  	_ =	shalt  }
0x47: {  	_ =	shalt  }
0x48: {  	_ =	shalt  }
0x49: {  	_ =	shalt  }
0x4a: {  	_ =	shalt  }
0x4b: {  	_ =	shalt  }
0x4c: {  	_ =	shalt  }
0x4d: {  	_ =	shalt  }
0x4e: {  	_ =	shalt  }
0x4f: {  	_ =	shalt  }
0x50: {  	_ =	shalt  }
0x51: {  	_ =	shalt  }
0x52: {  	_ =	shalt  }
0x53: {  	_ =	shalt  }
0x54: {  	_ =	shalt  }
0x55: {  	_ =	shalt  }
0x56: {  	_ =	shalt  }
0x57: {  	_ =	shalt  }
0x58: {  	_ =	shalt  }
0x59: {  	_ =	shalt  }
0x5a: {  	_ =	shalt  }
0x5b: {  	_ =	shalt  }
0x5c: {  	_ =	shalt  }
0x5d: {  	_ =	shalt  }
0x5e: {  	_ =	shalt  }
0x5f: {  	_ =	shalt  }
0x60: {  	_ =	shalt  }
0x61: {  	_ =	shalt  }
0x62: {  	_ =	shalt  }
0x63: {  	_ =	shalt  }
0x64: {  	_ =	shalt  }
0x65: {  	_ =	shalt  }
0x66: {  	_ =	shalt  }
0x67: {  	_ =	shalt  }
0x68: {  	_ =	shalt  }
0x69: {  	_ =	shalt  }
0x6a: {  	_ =	shalt  }
0x6b: {  	_ =	shalt  }
0x6c: {  	_ =	shalt  }
0x6d: {  	_ =	shalt  }
0x6e: {  	_ =	shalt  }
0x6f: {  	_ =	shalt  }
0x70: {  	_ =	shalt  }
0x71: {  	_ =	shalt  }
0x72: {  	_ =	shalt  }
0x73: {  	_ =	shalt  }
0x74: {  	_ =	shalt  }
0x75: {  	_ =	shalt  }
0x76: {  	_ =	shalt  }
0x77: {  	_ =	shalt  }
0x78: {  	_ =	shalt  }
0x79: {  	_ =	shalt  }
0x7a: {  	_ =	shalt  }
0x7b: {  	_ =	shalt  }
0x7c: {  	_ =	shalt  }
0x7d: {  	_ =	shalt  }
0x7e: {  	_ =	shalt  }
0x7f: {  	_ =	shalt  }
0x80: {  	_ =	shalt  }
0x81: {  	_ =	shalt  }
0x82: {  	_ =	shalt  }
0x83: {  	_ =	shalt  }
0x84: {  	_ =	shalt  }
0x85: {  	_ =	shalt  }
0x86: {  	_ =	shalt  }
0x87: {  	_ =	shalt  }
.Lfunc_end0:
.L_simem_size_0:
called_computation.1_lowered:
.L_overlay_start_0:
0x88: {  	s2 =	sld [smem:$0x3FD9]  }
0x89: {  	s3 =	sld [smem:$0x3FFE];
	_ =	sdelay $0x1  }
0x8a: {  	s1 =	srdreg.scid  }
0x8b: {  	s0 =	sand.u32 $0x1, s1  }
0x8c: {  	s16 =	sshll.u32 s0, $0xA;
	s2 =	sadd.s32 s3, s2  }
0x8d: {  	s2 =	sadd.s32 s2, s16  }
0x8e: {  	[smem:$0x3FC5] =	sst s2  }
0x8f: {  	_ = 	snop  }
0x90: {  	(tm) =	ssettm $0x1  }
0x91: {  	s17 =	sld [smem:$0x3FFB];
	_ =	sdelay $0x3  }
0x92: {  	_ =	strace s17  }
0x93: {  	s2 =	sld [smem:$0x3FFC];
	_ =	sdelay $0x3  }
0x94: {  	_ =	strace s2  }
0x95: {  	s2 =	sld [smem:$0x3FFD];
	_ =	sdelay $0x3  }
0x96: {  	_ =	strace s2  }
0x97: {  	_ =	strace $0x8FFFFFFF  }
0x98: {  	s18 =	sld [smem:$0x3FDB];
	_ =	sdelay $0x1  }
0x99: {  	s19 =	simm.s32 $_scs_section_size  }
0x9a: {  	s4 =	simm.s32 $_size__tile_overlayer_lowered;
	s5 =	simm.s32 $_tile_overlayer_lowered  }
0x9b: {  	s22 =	simm.s32 $0x1BFF;
	s21 =	sshll.u32 s5, $0x1;
	s2 =	sadd.s32 s19, s18  }
0x9c: {  	s6 =	simm.s32 $0x0;
	s20 =	sshll.u32 s4, $0x1;
	s4 =	sadd.s32 s21, s2  }
0x9d: {  	[timem:s6], [sflag:s22] =	dma.local [hbm:s4], s20  }
0x9e: {  	_ =	swait.ge [sflag:s22], s20  }
0x9f: {  	s3 =	ssub.s32 $0x0, s20;
	[sflag:s22] =	ssyncset.done $0x0  }
0xa0: {  	[sflag:s22] =	ssyncadd.s32 s3;
	_ =	sdelay $0x1  }
0xa1: {  	s23 =	simm.s32 $0x1B8B  }
0xa2: {  	_ =	swait.ge [sflag:s23], $0x1  }
0xa3: {  	[sflag:s23] =	ssyncset.done $0x0  }
0xa4: {  	s25 =	simm.s32 $0x1B8E;
	s24 =	sld [smem:$0x3FFE];
	[sflag:s23] =	ssyncadd.s32 $0xFFFFFFFF  }
0xa5: {  	s26 =	simm.s32 $execute0_lowered;
	[smem:$0x3FD2] =	sst s25  }
0xa6: {  	s4 =	sshll.u32 s26, $0x1;
	_ =	strace $0x80000046;
	[dreg:$0x1] =	wrdreg $0xFFFFFFFF  }
0xa7: {  	s28 =	simm.s32 $_size_execute0_lowered;
	s2 =	sadd.s32 s2, s4;
	[dreg:$0x0] =	wrdreg $0x0  }
0xa8: {  	s4 =	sshll.u32 s28, $0x1;
	[dreg:$0x2] =	wrdreg s2  }
0xa9: {  	[dreg:$0x3] =	wrdreg s4  }
0xaa: {  	[dreg:$0x4] =	wrdreg $0xC0  }
0xab: {  	_ =	task [dreg:s6], $0x5FFFF  }
0xac: {  	[dreg:$0x1] =	wrdreg $0xFFFFFFFF  }
0xad: {  	[dreg:$0x0] =	wrdreg $0x60  }
0xae: {  	[dreg:$0x2] =	wrdreg s24  }
0xaf: {  	[dreg:$0x3] =	wrdreg $0x9  }
0xb0: {  	_ =	task.clear_ibuf [dreg:s6], $0x4FFFF;
	_ =	strace $0x90000046  }
0xb1: {  	s29 =	simm.s32 $0x9;
	_ =	strace $0x80000048  }
0xb2: {  	_ =	swait.ge [sflag:s29], $0x1  }
0xb3: {  	[sflag:s29] =	ssyncadd.s32 $0xFFFFFFFF  }
0xb4: {  	_ =	strace $0x90000048  }
0xb5: {  	_ =	sfence  }
0xb6: {  	s30 =	sld [smem:$0x0];
	_ =	sdelay $0x2  }
0xb7: {  	s31 =	sshll.u32 s1, $0xD;
	s1 =	sshrl.u32 s1, $0x2  }
0xb8: {  	s3 =	sand.u32 $0x4000, s31;
	s1 =	sadd.s32 s1, s30  }
0xb9: {  	s0 =	sor.u32 s3, s0;
	s1 =	sshll.u32 s1, $0x11  }
0xba: {  	s0 =	sor.u32 s1, s0  }
0xbb: {  	s0 =	sadd.s32 $0x8F2B, s0  }
0xbc: {  	[sflag:s0] =	ssyncadd.remote.s32 $0x1  }
0xbd: {  	_ =	sfence.sel $0xFFFF  }
0xbe: {  	[dreg:$0x0] =	wrdreg $0xFFFFFFFF;
	(pc) =	sbr.abs _section_cstart, $3  }
0xbf: {  	[dreg:$0x1] =	wrdreg $0xFFFFFFFF  }
0xc0: {  	_ =	task.clear_ibuf [dreg:s6], $0x2FFFF;
	_ =	strace $0x9FFFFFFF  }
0xc1: {  	(tm) =	ssettm $0x7FFFFFFF  }
tec
execute0_lowered:
.L_overlay_start_1:
0x0: {  	(tag) =	ssettag $0x1  }
0x1: {  	s8 =	rddreg [dreg:$0x0];
	s1 =	stileid.u32  }
0x2: {  	s2 =	srdreg.scid;
	s0 =	rddreg [dreg:$0x1]  }
0x3: {  	_ =	strace $0x80000047;
	s5 =	simm.s32 $0x1;
	s9 =	simm.s32 $0x1  }
0x4: {  	s10 =	simm.s32 $0x3;
	s2 =	sand.u32 $0x1, s2;
	s3 =	sshll.u32 s1, $0x1  }
0x5: {  	s13 =	simm.s32 $0x0;
	s12 =	simm.s32 $0x0;
	s6 =	sor.u32 s3, s2  }
0x6: {  	[sflag:s5] =	ssyncpa.u1 $0x0;
	s2 =	sadd.s32 $0x1800, s8;
	s4 =	smul.u32 $0x320, s6  }
0x7: {  	s3 =	sadd.s32 $0x800, s8;
	p0 =	slt.u32 s6, $0x9;
	s6 =	simm.s32 $0x6400  }
.Ltmp0:
0x8: {  	s6 =	simm.s32 @!p0 $0x0;
	s7 =	ssub.s32 $0x7D00, s4;
	(pc) =	sbr.rel .LBB2_1-.Ltmp0, $4  }
0x9: {  	s9 =	simm.s32 @!p0 $0x0;
	p0 =	sne.s32 s7, s6;
	s7 =	simm.s32 $0x1  }
0xa: {  	s8 =	sadd.s32 $0x49C00, s8;
	s6 =	simm.s32 $0x2;
	s7 =	simm.s32 @!p0 $0x0  }
0xb: {  	s11 =	smov.u32 s4;
	[sflag:s6] =	ssyncpa.u1 $0x0;
	s7 =	sadd.s32 s9, s7  }
0xc: {  	vm0 =	vmmov $0xffff;
	[sflag:s10] =	ssyncpa.u1 $0x0;
	s10 =	simm.s32 $0x0;
	s9 =	sadd.s32 $0x1, s7  }
.LBB2_4:
0xd: {  	vm1 =	veq.s32 v4, $0x80000000;
	v56 =	vand.u32 $0x3, v4;
	v6 =	vand.u32 $0xFFFFF, v6  }
0xe: {  	v2 =	vor.u32 v2, v5;
	v59 =	vshrl.u32 v1, $0x2;
	v60 =	vand.u32 $0x3, v1  }
0xf: {  	v4 =	vsel vm1, $0xFFFFFFFF, v56;
	v6 =	vsel vm1, $0xFFFFFFFF, v6;
	v2 =	vor.u32 v3, v2  }
0x10: {  	vm1 =	veq.s32 v1, $0x80000000;
	v5 =	vand.u32 $0xFFFFF, v59;
	v7 =	vshrl.u32 v4, $0x2  }
0x11: {  	v57 =	vshll.u32 v6, $0x2;
	v4 =	vshll.u32 v4, $0x7;
	v1 =	vsel vm1, $0xFFFFFFFF, v60  }
0x12: {  	v5 =	vsel vm1, $0xFFFFFFFF, v5;
	v6 =	vand.u32 $0x7F, v6;
	v7 =	vmul.u32 $0x240000, v7  }
0x13: {  	v58 =	vand.u32 $0xFFFFFE00, v57;
	v4 =	vand.u32 $0x180, v4;
	v61 =	vshrl.u32 v1, $0x2  }
0x14: {  	v62 =	vshll.u32 v5, $0x2;
	v3 =	vadd.s32 v7, v58;
	v7 =	vmul.u32 $0x240000, v61  }
0x15: {  	v1 =	vshll.u32 v1, $0x7;
	v3 =	vor.u32 v4, v3;
	v4 =	vand.u32 $0xFFFFFE00, v62  }
0x16: {  	v1 =	vand.u32 $0x180, v1;
	v3 =	vor.u32 v6, v3;
	v4 =	vadd.s32 v7, v4  }
0x17: {  	[tilespmem:s16], [sflag:$0x1] =	stream.indirect_vreg.gather [hbm4b:s2+s10], $0x1, v0, vm0, $0x4038;
	v63 =	vand.u32 $0x7F, v5;
	v1 =	vor.u32 v1, v4;
	[tilespmem:$0xC80] =	vst v63  }
0x18: {  	s15 =	sadd.s32 $0x10, s15;
	(ifvalue) =	ssetifvalue $0x7FFFFFFF;
	v0 =	vor.u32 v63, v1  }
0x19: {  	[tilespmem:s15], [sflag:$0x1] =	stream.indirect_vreg.gather [hbm4b:s2+s10], $0x1, v2, vm0, $0x4038;
	[tilespmem:$0xC80] =	vst v63  }
0x1a: {  	s15 =	sadd.s32 $0x10, s15;
	(ifvalue) =	ssetifvalue $0x7FFFFFFF  }
0x1b: {  	[tilespmem:s15], [sflag:$0x1] =	stream.indirect_vreg.gather [hbm4b:s2+s10], $0x1, v3, vm0, $0x4038;
	[tilespmem:$0xC80] =	vst v63  }
0x1c: {  	s15 =	sadd.s32 $0x10, s15;
	(ifvalue) =	ssetifvalue $0x7FFFFFFF  }
0x1d: {  	[tilespmem:s15], [sflag:$0x1] =	stream.indirect_vreg.gather [hbm4b:s2+s10], $0x1, v0, vm0, $0x4038;
	[tilespmem:$0xC80] =	vst v63  }
0x1e: {  	_ =	swait.ge [sflag:s5], $0x320  }
0x1f: {  	s30 =	sshrl.u32 s13, $0x3;
	[sflag:s5] =	ssyncset.done $0x0  }
0x20: {  	s31 =	sand.u32 $0x7, s13;
	s15 =	sadd.s32 s8, s30;
	[sflag:s5] =	ssyncadd.s32 $0xFFFFFCE0  }
0x21: {  	[hbm4b:s15+s31] =	stream.linear.scatter [tilespmem:s14], [sflag:$0x3], $0x320, $0x38;
	[tilespmem:$0xC80] =	vst v63  }
.LBB2_5:
0x22: {  	s15 =	sadd.s32 $0x6400, s11  }
0x23: {  	p1 =	sgt.s32 s15, $0x7CFF  }
0x24: {  	s15 =	smov.u32 @p1 s4;
	p1 =	sne.s32 s12, s9  }
.Ltmp1:
0x25: {  	p0 =	slt.u32 s12, $0x2;
	(pc) =	sbr.rel @!p1 .LBB2_6-.Ltmp1, $4  }
0x26: {  	s14 =	simm.s32 @!p0 $0x3  }
0x27: {  	_ =	swait.ge @!p0 [sflag:s14], $0x320  }
0x28: {  	s16 =	sadd.s32 $0x1, s12;
	s13 =	smov.u32 s11;
	[sflag:s14] =	ssyncset.done @!p0 $0x0  }
0x29: {  	s12 =	smov.u32 s16;
	s11 =	smov.u32 s15;
	[sflag:s14] =	ssyncadd.s32 @!p0 $0xFFFFFCE0  }
.LBB2_1:
0x2a: {  	p0 =	sge.u32 s12, s7  }
0x2b: {  	s14 =	sxor.u32 @!p0 $0x1, s12  }
0x2c: {  	s14 =	smul.u32 @!p0 $0xC80, s14  }
0x2d: {  	s31 =	sadd.s32 $0xFFFFFFFF, s12;
	s15 =	sshrl.u32 @!p0 s11, $0x3  }
0x2e: {  	s16 =	sand.u32 @!p0 $0x7, s11;
	s15 =	sadd.s32 @!p0 s3, s15;
	s14 =	sshra.s32 @!p0 s14, $0x2  }
0x2f: {  	[tilespmem:s14], [sflag:$0x2] =	stream.linear.gather @!p0 [hbm4b:s15+s16], $0x320, $0x38;
	[tilespmem:$0xC80] =	vst v63  }
0x30: {  	p0 =	sge.u32 s31, s7  }
.Ltmp2:
0x31: {  	_ = 	snop;
	(pc) =	sbr.rel @p0 .LBB2_5-.Ltmp2, $1  }
0x32: {  	_ =	sdelay $0x3  }
0x33: {  	s14 =	sand.u32 $0x1, s12  }
0x34: {  	_ =	swait.ge [sflag:s6], $0x320;
	p0 =	seq.s32 s14, $0x1;
	s14 =	simm.s32 $0x320  }
0x35: {  	[sflag:s6] =	ssyncset.done $0x0;
	s14 =	simm.s32 @!p0 $0x0  }
0x36: {  	[sflag:s6] =	ssyncadd.s32 $0xFFFFFCE0;
	(ifvalue) =	ssetifvalue $0x7FFFFFFF;
	v0 =	vld.msk [tilespmem:s14+$0x0 ss:$0x1], $0xffff  }
0x37: {  	s15 =	sadd.s32 $0x10, s14  }
0x38: {  	v1 =	vld.msk [tilespmem:s15+$0x0 ss:$0x1], $0xffff;
	_ =	sdelay $0x2  }
0x39: {  	v2 =	vshrl.u32 v0, $0x2  }
0x3a: {  	vm1 =	veq.s32 v0, $0x80000000;
	v0 =	vand.u32 $0x3, v0;
	v2 =	vand.u32 $0xFFFFF, v2  }
0x3b: {  	v0 =	vsel vm1, $0xFFFFFFFF, v0;
	v6 =	vshrl.u32 v1, $0x2;
	v2 =	vsel vm1, $0xFFFFFFFF, v2  }
0x3c: {  	v3 =	vshrl.u32 v0, $0x2;
	v0 =	vshll.u32 v0, $0x7;
	vm1 =	veq.s32 v1, $0x80000000  }
0x3d: {  	s15 =	sadd.s32 $0x10, s15;
	v1 =	vand.u32 $0x3, v1;
	v4 =	vshll.u32 v2, $0x2;
	v3 =	vmul.u32 $0x240000, v3  }
0x3e: {  	v0 =	vand.u32 $0x180, v0;
	v7 =	vand.u32 $0x7F, v2;
	v5 =	vand.u32 $0xFFFFFE00, v4;
	v4 =	vld.msk [tilespmem:s15+$0x0 ss:$0x1], $0xffff  }
0x3f: {  	v1 =	vsel vm1, $0xFFFFFFFF, v1;
	v2 =	vadd.s32 v3, v5;
	v3 =	vand.u32 $0xFFFFF, v6  }
0x40: {  	v3 =	vsel vm1, $0xFFFFFFFF, v3;
	v0 =	vor.u32 v0, v2;
	v2 =	vshrl.u32 v1, $0x2  }
0x41: {  	v1 =	vshll.u32 v1, $0x7;
	v5 =	vshll.u32 v3, $0x2;
	v8 =	vmul.u32 $0x240000, v2  }
0x42: {  	s18 =	simm.s32 $0x30;
	s14 =	sadd.s32 $0x640, s14;
	s17 =	sadd.s32 $0x10, s15;
	v2 =	vand.u32 $0x180, v1;
	v0 =	vor.u32 v7, v0;
	v5 =	vand.u32 $0xFFFFFE00, v5  }
0x43: {  	s16 =	smov.u32 s14;
	s15 =	smov.u32 s14;
	v1 =	vld.msk [tilespmem:s17+$0x0 ss:$0x1], $0xffff;
	v3 =	vand.u32 $0x7F, v3;
	(ifvalue) =	ssetifvalue $0x7FFFFFFF;
	v6 =	vshrl.u32 v4, $0x2;
	v5 =	vadd.s32 v8, v5  }
.LBB2_3:
0x44: {  	s18 =	sadd.s32 $0x10, s18  }
0x45: {  	vm1 =	veq.s32 v4, $0x80000000;
	v4 =	vand.u32 $0x3, v4;
	v6 =	vand.u32 $0xFFFFF, v6;
	s15 =	sadd.s32 $0x10, s15;
	p0 =	slt.u32 s18, $0x310  }
.Ltmp3:
0x46: {  	v5 =	vor.u32 v2, v5;
	v4 =	vsel vm1, $0xFFFFFFFF, v4;
	v7 =	vsel vm1, $0xFFFFFFFF, v6;
	(pc) =	sbr.rel @p0 .LBB2_3-.Ltmp3, $4  }
0x47: {  	v2 =	vshrl.u32 v4, $0x2;
	v6 =	vshll.u32 v7, $0x2;
	v4 =	vshll.u32 v4, $0x7;
	[tilespmem:s16], [sflag:$0x1] =	stream.indirect_vreg.gather [hbm4b:s2+s10], $0x1, v0, vm0, $0x4038;
	[tilespmem:$0xC80] =	vst v63  }
0x48: {  	v0 =	vor.u32 v3, v5;
	s16 =	smov.u32 s15;
	v8 =	vmul.u32 $0x240000, v2;
	v2 =	vand.u32 $0x180, v4  }
0x49: {  	s17 =	sadd.s32 $0x10, s17;
	v9 =	vand.u32 $0xFFFFFE00, v6  }
0x4a: {  	v3 =	vand.u32 $0x7F, v7;
	v6 =	vshrl.u32 v1, $0x2;
	v5 =	vadd.s32 v8, v9;
	(ifvalue) =	ssetifvalue $0x7FFFFFFF;
	v4 =	vmovc v1;
	v1 =	vld.msk [tilespmem:s17+$0x0 ss:$0x1], $0xffff  }
.Ltmp4:
0x4b: {  	_ = 	snop;
	(pc) =	sbr.rel .LBB2_4-.Ltmp4, $1  }
0x4c: {  	_ =	sdelay $0x3  }
.LBB2_6:
0x4d: {  	_ =	sfence.sel $0x180000  }
0x4e: {  	s2 =	simm.s32 $0x2;
	[bflag:$0x0] =	sbarrier.arrive $0xFFFF  }
0x4f: {  	s30 =	simm.s32 $0x3;
	[sflag:s2] =	ssyncpa.u1 $0x1  }
0x50: {  	s31 =	simm.s32 $0x1;
	[sflag:s30] =	ssyncpa.u1 $0x1  }
0x51: {  	[sflag:s31] =	ssyncpa.u1 $0x1  }
0x52: {  	p0 =	sne.s32 s1, $0x0;
	_ =	strace $0x90000047  }
0x53: {  	s0 =	sadd.s32 @!p0 $0x100000, s0;
	[bflag:$0x2] =	sbarrier.arrive $0xFFFF  }
0x54: {  	[sflag:s0] =	ssyncadd.tile.s32 @!p0 $0x1;
	_ =	shalt  }
.Lfunc_end2:
_tile_overlayer_lowered:
.L_overlay_start_2:
0x55: {  	(tag) =	ssettag $0x2  }
0x56: {  	s0 =	rddreg [dreg:$0x0];
	s2 =	stileid.u32  }
0x57: {  	s1 =	rddreg [dreg:$0x1];
	p0 =	sne.s32 s2, $0x0  }
0x58: {  	s3 =	rddreg [dreg:$0x2];
	[bflag:$0x3] =	sbarrier.arrive $0xFFFF;
	s2 =	simm.s32 @!p0 $0x1C01  }
0x59: {  	[timem:s3], [sflag:s2] =	dma.local @!p0 [hbm:s0], s1  }
0x5a: {  	s0 =	simm.s32 @!p0 $0x1  }
0x5b: {  	_ =	swait.ge @!p0 [sflag:s0], s1  }
0x5c: {  	s1 =	ssub.s32 @!p0 $0x0, s1;
	[sflag:s0] =	ssyncset.done @!p0 $0x0  }
0x5d: {  	[sflag:s0] =	ssyncadd.s32 @!p0 s1  }
0x5e: {  	[bflag:$0x3] =	sbarrier.arrive $0xFFFF  }
0x5f: {  	_ =	shalt  }

// kernel: gather_offload_async_start.2
scs
__scs_entry_jumppad:
0x0: {  	(pc) =	sbr.rel $0x88, $3  }
0x1: {  	(tag) =	ssettag $0x0;
	lr =	simm.s32 $0x1  }
0x2: {  	[smem:$0x3F9E] =	sst lr;
	_ =	strace $0xD0000000  }
0x3: {  	_ = 	snop  }
0x4: {  	_ = 	snop  }
0x5: {  	_ = 	snop  }
0x6: {  	_ = 	snop  }
0x7: {  	_ = 	snop  }
__scs_overlays_trampoline_lowered:
0x8: {  	[smem:$0x3FAD] =	sst s0  }
0x9: {  	[smem:$0x3FAE] =	sst s1  }
0xa: {  	[smem:$0x3FAF] =	sst s2  }
0xb: {  	[smem:$0x3FB0] =	sst s3  }
0xc: {  	[smem:$0x3FB1] =	sst s4  }
0xd: {  	[smem:$0x3FB2] =	sst s5  }
0xe: {  	[smem:$0x3FB3] =	sst s6  }
0xf: {  	[smem:$0x3FB4] =	sst s7  }
0x10: {  	[smem:$0x3FB5] =	sst s8  }
0x11: {  	[smem:$0x3FB6] =	sst s9;
	s0 =	simm.s32 @!p0 $0x0  }
0x12: {  	s1 =	sld [smem:$0x3F9C];
	s0 =	simm.s32 @p0 $0x1  }
0x13: {  	[smem:$0x3FB7] =	sst s0;
	s0 =	simm.s32 @!p1 $0x0  }
0x14: {  	s2 =	sld [smem:$0x3F9B];
	s0 =	simm.s32 @p1 $0x1  }
0x15: {  	[smem:$0x3FB8] =	sst s0;
	s0 =	simm.s32 @!p2 $0x0  }
0x16: {  	s3 =	sld [smem:$0x3FDB];
	s0 =	simm.s32 @p2 $0x1  }
0x17: {  	s4 =	simm.s32 $0x1BF5;
	[smem:$0x3FBA] =	sst s0  }
0x18: {  	s0 =	sld [smem:$0x3F9D];
	_ =	swait.ge [sflag:s4], $0x0  }
0x19: {  	s7 =	sld [smem:$0x3F9E]  }
0x1a: {  	s8 =	sadd.s32 $0xFFFFE003, lr  }
0x1b: {  	s9 =	sadd.s32 $0xFFFFFEF7, lr;
	s5 =	simm.s32 $0xFFFFFFFF;
	p2 =	slt.u32 s8, $0xFFFFF086  }
0x1c: {  	p1 =	slt.u32 s9, $0xF7A;
	s5 =	simm.s32 @!p2 $0x0  }
0x1d: {  	s5 =	simm.s32 @p1 $0x1;
	p0 =	seq.s32 s7, s2  }
0x1e: {  	s7 =	smul.u32 @!p0 $0xF7A, s2;
	p2 =	seq.s32 @!p0 s5, $0x0  }
0x1f: {  	s9 =	smul.u32 $0xF7A, s1;
	s8 =	simm.s32 @!p0 $0x1BF5;
	p2 =	por !p2, p0  }
0x20: {  	[sflag:s8] =	ssyncset.s32 @!p0 $0xFFFFF086;
	s6 =	sadd.s32 @!p0 s3, s7;
	s7 =	simm.s32 @!p0 $0x108  }
0x21: {  	s3 =	sadd.s32 s3, s9;
	s6 =	sadd.s32 @!p0 $0x88, s6;
	s7 =	simm.s32 @p2 $0x1082  }
0x22: {  	[simem:s7], [sflag:s8] =	dma.local @!p0 [hbm:s6], $0xF7A  }
0x23: {  	s9 =	sor.u32 $0xD0000000, s2;
	s6 =	simm.s32 $0x108;
	_ =	swait.ge @!p0 [sflag:s8], $0x0  }
0x24: {  	s3 =	sadd.s32 $0x88, s3;
	s6 =	simm.s32 @!p1 $0x1082;
	[sflag:s4] =	ssyncset.s32 $0xFFFFF086  }
0x25: {  	[simem:s6], [sflag:s4] =	dma.local [hbm:s3], $0xF7A  }
0x26: {  	[smem:$0x3F9E] =	sst s1;
	(tag) =	ssettag s2;
	_ =	strace s9  }
0x27: {  	s1 =	sld [smem:$0x3FAE]  }
0x28: {  	s2 =	sld [smem:$0x3FAF]  }
0x29: {  	s4 =	sld [smem:$0x3FB1]  }
0x2a: {  	p0 =	seq.s32 s5, $0x0;
	s5 =	sld [smem:$0x3FB2]  }
0x2b: {  	s6 =	sld [smem:$0x3FB3]  }
0x2c: {  	s7 =	sld [smem:$0x3FB4]  }
0x2d: {  	s3 =	simm.s32 $0x108;
	s8 =	sld [smem:$0x3FB5]  }
0x2e: {  	s3 =	simm.s32 @!p0 $0x1082;
	s9 =	sld [smem:$0x3FB6]  }
0x2f: {  	lr =	sadd.s32 s0, s3;
	s0 =	sld [smem:$0x3FAD]  }
0x30: {  	s3 =	sld [smem:$0x3FB0]  }
0x31: {  	[smem:$0x3FB9] =	sst s10  }
0x32: {  	s10 =	sld [smem:$0x3FB7];
	_ =	sdelay $0x3  }
0x33: {  	p0 =	seq.s32 s10, $0x1;
	s10 =	sld [smem:$0x3FB9];
	_ =	sdelay $0x3  }
0x34: {  	[smem:$0x3FB9] =	sst s10  }
0x35: {  	s10 =	sld [smem:$0x3FB8];
	_ =	sdelay $0x3  }
0x36: {  	p1 =	seq.s32 s10, $0x1;
	s10 =	sld [smem:$0x3FB9];
	_ =	sdelay $0x3  }
0x37: {  	[smem:$0x3FB9] =	sst s10  }
0x38: {  	s10 =	sld [smem:$0x3FBA]  }
0x39: {  	_ = 	snop;
	(pc) =	sbr.ind lr, $3  }
0x3a: {  	_ = 	snop  }
0x3b: {  	_ = 	snop  }
0x3c: {  	p2 =	seq.s32 s10, $0x1;
	s10 =	sld [smem:$0x3FB9]  }
0x3d: {  	_ =	shalt  }
0x3e: {  	_ =	shalt  }
0x3f: {  	_ =	shalt  }
0x40: {  	_ =	shalt  }
0x41: {  	_ =	shalt  }
0x42: {  	_ =	shalt  }
0x43: {  	_ =	shalt  }
0x44: {  	_ =	shalt  }
0x45: {  	_ =	shalt  }
0x46: {  	_ =	shalt  }
0x47: {  	_ =	shalt  }
0x48: {  	_ =	shalt  }
0x49: {  	_ =	shalt  }
0x4a: {  	_ =	shalt  }
0x4b: {  	_ =	shalt  }
0x4c: {  	_ =	shalt  }
0x4d: {  	_ =	shalt  }
0x4e: {  	_ =	shalt  }
0x4f: {  	_ =	shalt  }
0x50: {  	_ =	shalt  }
0x51: {  	_ =	shalt  }
0x52: {  	_ =	shalt  }
0x53: {  	_ =	shalt  }
0x54: {  	_ =	shalt  }
0x55: {  	_ =	shalt  }
0x56: {  	_ =	shalt  }
0x57: {  	_ =	shalt  }
0x58: {  	_ =	shalt  }
0x59: {  	_ =	shalt  }
0x5a: {  	_ =	shalt  }
0x5b: {  	_ =	shalt  }
0x5c: {  	_ =	shalt  }
0x5d: {  	_ =	shalt  }
0x5e: {  	_ =	shalt  }
0x5f: {  	_ =	shalt  }
0x60: {  	_ =	shalt  }
0x61: {  	_ =	shalt  }
0x62: {  	_ =	shalt  }
0x63: {  	_ =	shalt  }
0x64: {  	_ =	shalt  }
0x65: {  	_ =	shalt  }
0x66: {  	_ =	shalt  }
0x67: {  	_ =	shalt  }
0x68: {  	_ =	shalt  }
0x69: {  	_ =	shalt  }
0x6a: {  	_ =	shalt  }
0x6b: {  	_ =	shalt  }
0x6c: {  	_ =	shalt  }
0x6d: {  	_ =	shalt  }
0x6e: {  	_ =	shalt  }
0x6f: {  	_ =	shalt  }
0x70: {  	_ =	shalt  }
0x71: {  	_ =	shalt  }
0x72: {  	_ =	shalt  }
0x73: {  	_ =	shalt  }
0x74: {  	_ =	shalt  }
0x75: {  	_ =	shalt  }
0x76: {  	_ =	shalt  }
0x77: {  	_ =	shalt  }
0x78: {  	_ =	shalt  }
0x79: {  	_ =	shalt  }
0x7a: {  	_ =	shalt  }
0x7b: {  	_ =	shalt  }
0x7c: {  	_ =	shalt  }
0x7d: {  	_ =	shalt  }
0x7e: {  	_ =	shalt  }
0x7f: {  	_ =	shalt  }
0x80: {  	_ =	shalt  }
0x81: {  	_ =	shalt  }
0x82: {  	_ =	shalt  }
0x83: {  	_ =	shalt  }
0x84: {  	_ =	shalt  }
0x85: {  	_ =	shalt  }
0x86: {  	_ =	shalt  }
0x87: {  	_ =	shalt  }
.Lfunc_end0:
.L_simem_size_0:
called_computation.2_lowered:
.L_overlay_start_0:
0x88: {  	s2 =	sld [smem:$0x3FD9]  }
0x89: {  	s3 =	sld [smem:$0x3FFE];
	_ =	sdelay $0x1  }
0x8a: {  	s1 =	srdreg.scid  }
0x8b: {  	s0 =	sand.u32 $0x1, s1  }
0x8c: {  	s14 =	sshll.u32 s0, $0xA;
	s2 =	sadd.s32 s3, s2  }
0x8d: {  	s2 =	sadd.s32 s2, s14  }
0x8e: {  	[smem:$0x3FC5] =	sst s2  }
0x8f: {  	_ = 	snop  }
0x90: {  	s2 =	sld [smem:$0x3FD0];
	_ =	sdelay $0x2  }
0x91: {  	s15 =	simm.s32 $0xA;
	s4 =	simm.s32 $0x10  }
0x92: {  	[smem:s4], [sflag:s15] =	dma.local [hbm:s2], $0x1  }
0x93: {  	_ =	swait.eq [sflag:s15], $0x1  }
0x94: {  	[sflag:s15] =	ssyncset.done $0x0  }
0x95: {  	[sflag:s15] =	ssyncadd.s32 $0xFFFFFFFF  }
0x96: {  	s16 =	sld [smem:$0x10];
	(tm) =	ssettm $0x1  }
0x97: {  	s17 =	sld [smem:$0x3FFB];
	_ =	sdelay $0x3  }
0x98: {  	_ =	strace s17  }
0x99: {  	s3 =	sld [smem:$0x3FFC];
	_ =	sdelay $0x3  }
0x9a: {  	_ =	strace s3  }
0x9b: {  	s3 =	sld [smem:$0x3FFD];
	_ =	sdelay $0x3  }
0x9c: {  	_ =	strace s3  }
0x9d: {  	_ =	strace $0x8FFFFFFF  }
0x9e: {  	s18 =	sld [smem:$0x3FDB];
	_ =	sdelay $0x1  }
0x9f: {  	s19 =	simm.s32 $_scs_section_size  }
0xa0: {  	s5 =	simm.s32 $_size__tile_overlayer_lowered;
	s6 =	simm.s32 $_tile_overlayer_lowered  }
0xa1: {  	s22 =	simm.s32 $0x1BFF;
	s21 =	sshll.u32 s6, $0x1;
	s3 =	sadd.s32 s19, s18  }
0xa2: {  	s7 =	simm.s32 $0x0;
	s20 =	sshll.u32 s5, $0x1;
	s5 =	sadd.s32 s21, s3  }
0xa3: {  	[timem:s7], [sflag:s22] =	dma.local [hbm:s5], s20  }
0xa4: {  	_ =	swait.ge [sflag:s22], s20  }
0xa5: {  	s4 =	ssub.s32 $0x0, s20;
	[sflag:s22] =	ssyncset.done $0x0  }
0xa6: {  	[sflag:s22] =	ssyncadd.s32 s4;
	_ =	sdelay $0x1  }
0xa7: {  	s23 =	simm.s32 $0x1B8B  }
0xa8: {  	_ =	swait.ge [sflag:s23], $0x1  }
0xa9: {  	[sflag:s23] =	ssyncset.done $0x0  }
0xaa: {  	s25 =	simm.s32 $0x1B8E;
	s24 =	sld [smem:$0x3FFE];
	[sflag:s23] =	ssyncadd.s32 $0xFFFFFFFF  }
0xab: {  	s26 =	simm.s32 $execute0_lowered;
	[smem:$0x3FD2] =	sst s25  }
0xac: {  	s5 =	sshll.u32 s26, $0x1;
	_ =	strace $0x8000004C;
	[dreg:$0x1] =	wrdreg $0xFFFFFFFF  }
0xad: {  	s28 =	simm.s32 $_size_execute0_lowered;
	s3 =	sadd.s32 s3, s5;
	[dreg:$0x0] =	wrdreg $0x0  }
0xae: {  	s5 =	sshll.u32 s28, $0x1;
	[dreg:$0x2] =	wrdreg s3  }
0xaf: {  	[dreg:$0x3] =	wrdreg s5  }
0xb0: {  	[dreg:$0x4] =	wrdreg $0xC0  }
0xb1: {  	_ =	task [dreg:s7], $0x5FFFF  }
0xb2: {  	[dreg:$0x1] =	wrdreg $0xFFFFFFFF  }
0xb3: {  	[dreg:$0x0] =	wrdreg $0x60  }
0xb4: {  	[dreg:$0x2] =	wrdreg s24  }
0xb5: {  	[dreg:$0x3] =	wrdreg s16  }
0xb6: {  	[dreg:$0x4] =	wrdreg $0x9  }
0xb7: {  	_ =	task.clear_ibuf [dreg:s7], $0x5FFFF;
	_ =	strace $0x9000004C  }
0xb8: {  	s29 =	simm.s32 $0x9;
	_ =	strace $0x8000004E  }
0xb9: {  	_ =	swait.ge [sflag:s29], $0x1  }
0xba: {  	[sflag:s29] =	ssyncadd.s32 $0xFFFFFFFF  }
0xbb: {  	_ =	strace $0x9000004E  }
0xbc: {  	_ =	sfence  }
0xbd: {  	s30 =	sld [smem:$0x0];
	_ =	sdelay $0x2  }
0xbe: {  	s31 =	sshll.u32 s1, $0xD;
	s1 =	sshrl.u32 s1, $0x2  }
0xbf: {  	s3 =	sand.u32 $0x4000, s31;
	s1 =	sadd.s32 s1, s30  }
0xc0: {  	s0 =	sor.u32 s3, s0;
	s1 =	sshll.u32 s1, $0x11  }
0xc1: {  	s0 =	sor.u32 s1, s0  }
0xc2: {  	s0 =	sadd.s32 $0x8F2B, s0  }
0xc3: {  	[sflag:s0] =	ssyncadd.remote.s32 $0x1  }
0xc4: {  	_ =	sfence.sel $0xFFFF  }
0xc5: {  	[dreg:$0x0] =	wrdreg $0xFFFFFFFF;
	(pc) =	sbr.abs _section_cstart, $3  }
0xc6: {  	[dreg:$0x1] =	wrdreg $0xFFFFFFFF  }
0xc7: {  	_ =	task.clear_ibuf [dreg:s7], $0x2FFFF;
	_ =	strace $0x9FFFFFFF  }
0xc8: {  	(tm) =	ssettm $0x7FFFFFFF  }
0xc9: {  	_ =	shalt  }
tec
execute0_lowered:
.L_overlay_start_1:
0x0: {  	(tag) =	ssettag $0x1  }
0x1: {  	s0 =	srdreg.scid  }
0x2: {  	s1 =	sshll.u32 s0, $0x4  }
0x3: {  	s0 =	stileid.u32;
	s1 =	sand.u32 $0x10, s1  }
0x4: {  	s2 =	sor.u32 s0, s1  }
0x5: {  	s1 =	smin.u32 s2, $0x12  }
0x6: {  	s1 =	sadd.s32 s2, s1  }
0x7: {  	p0 =	slt.u32 s2, $0x12;
	s2 =	simm.s32 $0xA0;
	s1 =	smul.u32 $0x50, s1  }
0x8: {  	s2 =	simm.s32 @!p0 $0x50  }
0x9: {  	s2 =	sadd.s32 s2, s1  }
0xa: {  	s3 =	smin.u32 s2, $0xFA0  }
0xb: {  	s7 =	ssub.s32 s3, s1  }
0xc: {  	p0 =	sgt.s32 s7, $0x0  }
0xd: {  	s7 =	simm.s32 @!p0 $0x0  }
0xe: {  	s4 =	rddreg [dreg:$0x0];
	s31 =	smul.u32 $0xCCCD, s7  }
0xf: {  	s5 =	rddreg [dreg:$0x1]  }
0x10: {  	s6 =	simm.s32 $0x1;
	s10 =	simm.s32 $0x3;
	s8 =	sshrl.u32 s31, $0x16  }
0x11: {  	s13 =	simm.s32 $0x0;
	s12 =	simm.s32 $0x0;
	s9 =	smul.u32 $0x50, s8  }
.Ltmp0:
0x12: {  	s11 =	smov.u32 s1;
	s2 =	rddreg [dreg:$0x2];
	(pc) =	sbr.rel .LBB2_1-.Ltmp0, $4  }
0x13: {  	_ =	strace $0x8000004D;
	p0 =	sne.s32 s7, s9;
	s9 =	simm.s32 $0x1  }
0x14: {  	[sflag:s6] =	ssyncpa.u1 $0x0;
	s7 =	simm.s32 $0x2;
	s9 =	simm.s32 @!p0 $0x0  }
0x15: {  	[sflag:s7] =	ssyncpa.u1 $0x0;
	p0 =	por $0x0, $0x0;
	s8 =	sadd.s32 s8, s9  }
0x16: {  	vm0 =	vmmov $0xff;
	vm1 =	vcmask $0x3F20;
	s9 =	sadd.s32 $0x1F400, s4;
	[sflag:s10] =	ssyncpa.u1 $0x0;
	s10 =	sadd.s32 $0x1, s8  }
.LBB2_6:
0x17: {  	[hbm:s17] =	stream.linear.scatter [tilespmem:s14], [sflag:$0x3], $0x400, $0x38;
	[tilespmem:$0x50A0] =	vst v63  }
.LBB2_7:
0x18: {  	s13 =	sadd.s32 $0x50, s11  }
0x19: {  	s15 =	smov.u32 s1;
	p2 =	slt.s32 s13, s3  }
0x1a: {  	s15 =	smov.u32 @p2 s13;
	p2 =	sne.s32 s12, s10  }
.Ltmp1:
0x1b: {  	p1 =	slt.u32 s12, $0x2;
	(pc) =	sbr.rel @!p2 .LBB2_8-.Ltmp1, $4  }
0x1c: {  	s14 =	simm.s32 @!p1 $0x3  }
0x1d: {  	s16 =	sadd.s32 $0x1, s12;
	_ =	swait.ge @!p1 [sflag:s14], $0x2800  }
0x1e: {  	p0 =	por !p0, !p0;
	s13 =	smov.u32 s11;
	[sflag:s14] =	ssyncset.done @!p1 $0x0  }
0x1f: {  	s12 =	smov.u32 s16;
	s11 =	smov.u32 s15;
	[sflag:s14] =	ssyncadd.s32 @!p1 $0xFFFFD800  }
.LBB2_1:
0x20: {  	p1 =	sge.u32 s12, s8  }
0x21: {  	s14 =	sxor.u32 @!p1 $0xFFFFFFFF, s12  }
0x22: {  	s14 =	sand.u32 @!p1 $0x1, s14  }
0x23: {  	s14 =	smul.u32 @!p1 $0x140, s14  }
0x24: {  	s31 =	sadd.s32 $0xFFFFFFFF, s12;
	s15 =	sshrl.u32 @!p1 s11, $0x3  }
0x25: {  	s16 =	sand.u32 @!p1 $0x7, s11;
	s15 =	sadd.s32 @!p1 s5, s15;
	s14 =	sshrl.u32 @!p1 s14, $0x2  }
0x26: {  	[tilespmem:s14], [sflag:$0x2] =	stream.linear.gather @!p1 [hbm4b:s15+s16], $0x50, $0x38;
	[tilespmem:$0x50A0] =	vst v63  }
0x27: {  	p1 =	sge.u32 s31, s8  }
.Ltmp2:
0x28: {  	_ = 	snop;
	(pc) =	sbr.rel @p1 .LBB2_7-.Ltmp2, $1  }
0x29: {  	_ =	sdelay $0x3  }
0x2a: {  	s14 =	simm.s32 $0x1  }
0x2b: {  	s14 =	simm.s32 @!p0 $0x0  }
0x2c: {  	s15 =	smul.u32 $0x140, s14  }
0x2d: {  	_ =	swait.ge [sflag:s7], $0x50  }
0x2e: {  	[sflag:s7] =	ssyncset.done $0x0;
	s16 =	sshrl.u32 s15, $0x2  }
0x2f: {  	[sflag:s7] =	ssyncadd.s32 $0xFFFFFFB0;
	s15 =	sadd.s32 $0x0, s16  }
0x30: {  	v0 =	vld.msk [tilespmem:s15+$0x0 ss:$0x1], $0xffff;
	_ =	sdelay $0x4  }
0x31: {  	v1 =	vand.u32 $0x3, v0;
	v2 =	vshll.u32 v0, $0x5  }
0x32: {  	vm2 =	veq.s32 v0, $0x80000000;
	v0 =	vmul.u32 $0x3E800, v1;
	v1 =	vand.u32 $0x3FF80, v2  }
0x33: {  	v1 =	vsel vm2, $0xFFFFFF80, v1  }
0x34: {  	v0 =	vsel vm2, $0xFFFC1800, v0;
	v2 =	vand.u32 $0xFFFFFC00, v1  }
0x35: {  	v1 =	vand.u32 $0x380, v1;
	v0 =	vadd.s32 v0, v2  }
0x36: {  	v0 =	vor.u32 v1, v0  }
0x37: {  	v0 =	vshrl.u32 v0, $0x3  }
0x38: {  	s14 =	smul.u32 $0xA000, s14;
	_ =	sdelay $0x1  }
0x39: {  	s14 =	sshrl.u32 s14, $0x2  }
0x3a: {  	s14 =	sor.u32 $0xA0, s14  }
0x3b: {  	[tilespmem:s14], [sflag:$0x1] =	stream.indirect_vreg.gather [hbm:s4], $0x80, v0, vm0, $0x38;
	[tilespmem:$0x50A0] =	vst v63  }
0x3c: {  	s17 =	sadd.s32 $0x10, s16;
	s15 =	sadd.s32 $0x400, s14  }
0x3d: {  	[tilespmem:s15], [sflag:$0x1] =	stream.indirect_vreg.gather [hbm:s4], $0x80, v0, vm1, $0x38;
	[tilespmem:$0x50A0] =	vst v63  }
0x3e: {  	s18 =	simm.s32 $0x80;
	v0 =	vld.msk [tilespmem:s17+$0x0 ss:$0x1], $0xffff;
	s17 =	smov.u32 s14  }
.LBB2_3:
0x3f: {  	p1 =	sne.s32 s18, $0x100;
	_ =	sdelay $0x4  }
0x40: {  	v1 =	vand.u32 $0x3, v0;
	v2 =	vshll.u32 v0, $0x5  }
0x41: {  	vm2 =	veq.s32 v0, $0x80000000;
	v0 =	vmul.u32 $0x3E800, v1;
	v1 =	vand.u32 $0x3FF80, v2  }
0x42: {  	v1 =	vsel vm2, $0xFFFFFF80, v1  }
0x43: {  	v0 =	vsel vm2, $0xFFFC1800, v0;
	v2 =	vand.u32 $0xFFFFFC00, v1  }
0x44: {  	v1 =	vand.u32 $0x380, v1;
	v0 =	vadd.s32 v0, v2  }
0x45: {  	v0 =	vor.u32 v1, v0  }
0x46: {  	v0 =	vshrl.u32 v0, $0x3;
	_ =	sdelay $0x3  }
.Ltmp3:
0x47: {  	s19 =	sshra.s32 s18, $0x2;
	s17 =	sadd.s32 $0x800, s17;
	(pc) =	sbr.rel @p1 .LBB2_3-.Ltmp3, $4  }
0x48: {  	[tilespmem:s17], [sflag:$0x1] =	stream.indirect_vreg.gather [hbm:s4], $0x80, v0, vm0, $0x38;
	[tilespmem:$0x50A0] =	vst v63  }
0x49: {  	s19 =	sadd.s32 s19, s16;
	s20 =	sadd.s32 $0x400, s17  }
0x4a: {  	[tilespmem:s20], [sflag:$0x1] =	stream.indirect_vreg.gather [hbm:s4], $0x80, v0, vm1, $0x38;
	[tilespmem:$0x50A0] =	vst v63  }
0x4b: {  	s18 =	sadd.s32 $0x40, s18;
	v0 =	vld.msk [tilespmem:s19+$0x0 ss:$0x1], $0xffff  }
0x4c: {  	_ =	sdelay $0x3  }
0x4d: {  	v1 =	vand.u32 $0x3, v0;
	v2 =	vshll.u32 v0, $0x5  }
0x4e: {  	vm2 =	veq.s32 v0, $0x80000000;
	v61 =	vmul.u32 $0x3E800, v1;
	v62 =	vand.u32 $0x3FF80, v2  }
0x4f: {  	v1 =	vsel vm2, $0xFFFFFF80, v62  }
0x50: {  	v0 =	vsel vm2, $0xFFFC1800, v61;
	v63 =	vand.u32 $0xFFFFFC00, v1  }
0x51: {  	v1 =	vand.u32 $0x380, v1;
	v0 =	vadd.s32 v0, v63  }
0x52: {  	v0 =	vor.u32 v1, v0  }
0x53: {  	v0 =	vshrl.u32 v0, $0x3;
	_ =	sdelay $0x3  }
0x54: {  	s16 =	sadd.s32 $0x800, s17  }
0x55: {  	[tilespmem:s16], [sflag:$0x1] =	stream.indirect_vreg.gather [hbm:s4], $0x80, v0, vm0, $0x38;
	[tilespmem:$0x50A0] =	vst v63  }
0x56: {  	s16 =	sadd.s32 $0x400, s16  }
0x57: {  	[tilespmem:s16], [sflag:$0x1] =	stream.indirect_vreg.gather [hbm:s4], $0x80, v0, vm1, $0x38;
	[tilespmem:$0x50A0] =	vst v63  }
0x58: {  	s13 =	sshll.u32 s13, $0x4;
	_ =	swait.ge [sflag:s6], $0x2800  }
0x59: {  	s13 =	sadd.s32 s13, s9;
	[sflag:s6] =	ssyncset.done $0x0  }
0x5a: {  	s17 =	sadd.s32 $0x0, s13;
	s16 =	simm.s32 $0x80;
	[sflag:s6] =	ssyncadd.s32 $0xFFFFD800  }
.LBB2_5:
0x5b: {  	[hbm:s17] =	stream.linear.scatter [tilespmem:s14], [sflag:$0x3], $0x400, $0x38;
	[tilespmem:$0x50A0] =	vst v63  }
0x5c: {  	s17 =	smov.u32 s16;
	s14 =	smov.u32 s15;
	p1 =	sne.s32 s16, $0x480  }
.Ltmp4:
0x5d: {  	s16 =	sadd.s32 $0x80, s16;
	(pc) =	sbr.rel @p1 .LBB2_5-.Ltmp4, $2  }
0x5e: {  	_ =	sdelay $0x2  }
0x5f: {  	s15 =	sadd.s32 $0x400, s15;
	s17 =	sadd.s32 s17, s13  }
.Ltmp5:
0x60: {  	_ = 	snop;
	(pc) =	sbr.rel .LBB2_6-.Ltmp5, $1  }
0x61: {  	_ =	sdelay $0x3  }
.LBB2_8:
0x62: {  	_ =	sfence.sel $0x180000  }
0x63: {  	s1 =	simm.s32 $0x2;
	[bflag:$0x0] =	sbarrier.arrive $0xFFFF  }
0x64: {  	s30 =	simm.s32 $0x3;
	[sflag:s1] =	ssyncpa.u1 $0x1  }
0x65: {  	s31 =	simm.s32 $0x1;
	[sflag:s30] =	ssyncpa.u1 $0x1  }
0x66: {  	[sflag:s31] =	ssyncpa.u1 $0x1  }
0x67: {  	p0 =	sne.s32 s0, $0x0;
	_ =	strace $0x9000004D  }
0x68: {  	s0 =	sadd.s32 @!p0 $0x100000, s2;
	[bflag:$0x2] =	sbarrier.arrive $0xFFFF  }
0x69: {  	[sflag:s0] =	ssyncadd.tile.s32 @!p0 $0x1;
	_ =	shalt  }
.Lfunc_end2:
_tile_overlayer_lowered:
.L_overlay_start_2:
0x6a: {  	(tag) =	ssettag $0x2  }
0x6b: {  	s0 =	rddreg [dreg:$0x0];
	s2 =	stileid.u32  }
0x6c: {  	s1 =	rddreg [dreg:$0x1];
	p0 =	sne.s32 s2, $0x0  }
0x6d: {  	s3 =	rddreg [dreg:$0x2];
	[bflag:$0x3] =	sbarrier.arrive $0xFFFF;
	s2 =	simm.s32 @!p0 $0x1C01  }
0x6e: {  	[timem:s3], [sflag:s2] =	dma.local @!p0 [hbm:s0], s1  }
0x6f: {  	s0 =	simm.s32 @!p0 $0x1  }
0x70: {  	_ =	swait.ge @!p0 [sflag:s0], s1  }
0x71: {  	s1 =	ssub.s32 @!p0 $0x0, s1;
	[sflag:s0] =	ssyncset.done @!p0 $0x0  }
0x72: {  	[sflag:s0] =	ssyncadd.s32 @!p0 s1  }
0x73: {  	[bflag:$0x3] =	sbarrier.arrive $0xFFFF  }
0x74: {  	_ =	shalt  }

// kernel: gather_offload_async_start
scs
__scs_entry_jumppad:
0x0: {  	(pc) =	sbr.rel $0x88, $3  }
0x1: {  	(tag) =	ssettag $0x0;
	lr =	simm.s32 $0x1  }
0x2: {  	[smem:$0x3F9E] =	sst lr;
	_ =	strace $0xD0000000  }
0x3: {  	_ = 	snop  }
0x4: {  	_ = 	snop  }
0x5: {  	_ = 	snop  }
0x6: {  	_ = 	snop  }
0x7: {  	_ = 	snop  }
__scs_overlays_trampoline_lowered:
0x8: {  	[smem:$0x3FAD] =	sst s0  }
0x9: {  	[smem:$0x3FAE] =	sst s1  }
0xa: {  	[smem:$0x3FAF] =	sst s2  }
0xb: {  	[smem:$0x3FB0] =	sst s3  }
0xc: {  	[smem:$0x3FB1] =	sst s4  }
0xd: {  	[smem:$0x3FB2] =	sst s5  }
0xe: {  	[smem:$0x3FB3] =	sst s6  }
0xf: {  	[smem:$0x3FB4] =	sst s7  }
0x10: {  	[smem:$0x3FB5] =	sst s8  }
0x11: {  	[smem:$0x3FB6] =	sst s9;
	s0 =	simm.s32 @!p0 $0x0  }
0x12: {  	s1 =	sld [smem:$0x3F9C];
	s0 =	simm.s32 @p0 $0x1  }
0x13: {  	[smem:$0x3FB7] =	sst s0;
	s0 =	simm.s32 @!p1 $0x0  }
0x14: {  	s2 =	sld [smem:$0x3F9B];
	s0 =	simm.s32 @p1 $0x1  }
0x15: {  	[smem:$0x3FB8] =	sst s0;
	s0 =	simm.s32 @!p2 $0x0  }
0x16: {  	s3 =	sld [smem:$0x3FDB];
	s0 =	simm.s32 @p2 $0x1  }
0x17: {  	s4 =	simm.s32 $0x1BF5;
	[smem:$0x3FBA] =	sst s0  }
0x18: {  	s0 =	sld [smem:$0x3F9D];
	_ =	swait.ge [sflag:s4], $0x0  }
0x19: {  	s7 =	sld [smem:$0x3F9E]  }
0x1a: {  	s8 =	sadd.s32 $0xFFFFE003, lr  }
0x1b: {  	s9 =	sadd.s32 $0xFFFFFEF7, lr;
	s5 =	simm.s32 $0xFFFFFFFF;
	p2 =	slt.u32 s8, $0xFFFFF086  }
0x1c: {  	p1 =	slt.u32 s9, $0xF7A;
	s5 =	simm.s32 @!p2 $0x0  }
0x1d: {  	s5 =	simm.s32 @p1 $0x1;
	p0 =	seq.s32 s7, s2  }
0x1e: {  	s7 =	smul.u32 @!p0 $0xF7A, s2;
	p2 =	seq.s32 @!p0 s5, $0x0  }
0x1f: {  	s9 =	smul.u32 $0xF7A, s1;
	s8 =	simm.s32 @!p0 $0x1BF5;
	p2 =	por !p2, p0  }
0x20: {  	[sflag:s8] =	ssyncset.s32 @!p0 $0xFFFFF086;
	s6 =	sadd.s32 @!p0 s3, s7;
	s7 =	simm.s32 @!p0 $0x108  }
0x21: {  	s3 =	sadd.s32 s3, s9;
	s6 =	sadd.s32 @!p0 $0x88, s6;
	s7 =	simm.s32 @p2 $0x1082  }
0x22: {  	[simem:s7], [sflag:s8] =	dma.local @!p0 [hbm:s6], $0xF7A  }
0x23: {  	s9 =	sor.u32 $0xD0000000, s2;
	s6 =	simm.s32 $0x108;
	_ =	swait.ge @!p0 [sflag:s8], $0x0  }
0x24: {  	s3 =	sadd.s32 $0x88, s3;
	s6 =	simm.s32 @!p1 $0x1082;
	[sflag:s4] =	ssyncset.s32 $0xFFFFF086  }
0x25: {  	[simem:s6], [sflag:s4] =	dma.local [hbm:s3], $0xF7A  }
0x26: {  	[smem:$0x3F9E] =	sst s1;
	(tag) =	ssettag s2;
	_ =	strace s9  }
0x27: {  	s1 =	sld [smem:$0x3FAE]  }
0x28: {  	s2 =	sld [smem:$0x3FAF]  }
0x29: {  	s4 =	sld [smem:$0x3FB1]  }
0x2a: {  	p0 =	seq.s32 s5, $0x0;
	s5 =	sld [smem:$0x3FB2]  }
0x2b: {  	s6 =	sld [smem:$0x3FB3]  }
0x2c: {  	s7 =	sld [smem:$0x3FB4]  }
0x2d: {  	s3 =	simm.s32 $0x108;
	s8 =	sld [smem:$0x3FB5]  }
0x2e: {  	s3 =	simm.s32 @!p0 $0x1082;
	s9 =	sld [smem:$0x3FB6]  }
0x2f: {  	lr =	sadd.s32 s0, s3;
	s0 =	sld [smem:$0x3FAD]  }
0x30: {  	s3 =	sld [smem:$0x3FB0]  }
0x31: {  	[smem:$0x3FB9] =	sst s10  }
0x32: {  	s10 =	sld [smem:$0x3FB7];
	_ =	sdelay $0x3  }
0x33: {  	p0 =	seq.s32 s10, $0x1;
	s10 =	sld [smem:$0x3FB9];
	_ =	sdelay $0x3  }
0x34: {  	[smem:$0x3FB9] =	sst s10  }
0x35: {  	s10 =	sld [smem:$0x3FB8];
	_ =	sdelay $0x3  }
0x36: {  	p1 =	seq.s32 s10, $0x1;
	s10 =	sld [smem:$0x3FB9];
	_ =	sdelay $0x3  }
0x37: {  	[smem:$0x3FB9] =	sst s10  }
0x38: {  	s10 =	sld [smem:$0x3FBA]  }
0x39: {  	_ = 	snop;
	(pc) =	sbr.ind lr, $3  }
0x3a: {  	_ = 	snop  }
0x3b: {  	_ = 	snop  }
0x3c: {  	p2 =	seq.s32 s10, $0x1;
	s10 =	sld [smem:$0x3FB9]  }
0x3d: {  	_ =	shalt  }
0x3e: {  	_ =	shalt  }
0x3f: {  	_ =	shalt  }
0x40: {  	_ =	shalt  }
0x41: {  	_ =	shalt  }
0x42: {  	_ =	shalt  }
0x43: {  	_ =	shalt  }
0x44: {  	_ =	shalt  }
0x45: {  	_ =	shalt  }
0x46: {  	_ =	shalt  }
0x47: {  	_ =	shalt  }
0x48: {  	_ =	shalt  }
0x49: {  	_ =	shalt  }
0x4a: {  	_ =	shalt  }
0x4b: {  	_ =	shalt  }
0x4c: {  	_ =	shalt  }
0x4d: {  	_ =	shalt  }
0x4e: {  	_ =	shalt  }
0x4f: {  	_ =	shalt  }
0x50: {  	_ =	shalt  }
0x51: {  	_ =	shalt  }
0x52: {  	_ =	shalt  }
0x53: {  	_ =	shalt  }
0x54: {  	_ =	shalt  }
0x55: {  	_ =	shalt  }
0x56: {  	_ =	shalt  }
0x57: {  	_ =	shalt  }
0x58: {  	_ =	shalt  }
0x59: {  	_ =	shalt  }
0x5a: {  	_ =	shalt  }
0x5b: {  	_ =	shalt  }
0x5c: {  	_ =	shalt  }
0x5d: {  	_ =	shalt  }
0x5e: {  	_ =	shalt  }
0x5f: {  	_ =	shalt  }
0x60: {  	_ =	shalt  }
0x61: {  	_ =	shalt  }
0x62: {  	_ =	shalt  }
0x63: {  	_ =	shalt  }
0x64: {  	_ =	shalt  }
0x65: {  	_ =	shalt  }
0x66: {  	_ =	shalt  }
0x67: {  	_ =	shalt  }
0x68: {  	_ =	shalt  }
0x69: {  	_ =	shalt  }
0x6a: {  	_ =	shalt  }
0x6b: {  	_ =	shalt  }
0x6c: {  	_ =	shalt  }
0x6d: {  	_ =	shalt  }
0x6e: {  	_ =	shalt  }
0x6f: {  	_ =	shalt  }
0x70: {  	_ =	shalt  }
0x71: {  	_ =	shalt  }
0x72: {  	_ =	shalt  }
0x73: {  	_ =	shalt  }
0x74: {  	_ =	shalt  }
0x75: {  	_ =	shalt  }
0x76: {  	_ =	shalt  }
0x77: {  	_ =	shalt  }
0x78: {  	_ =	shalt  }
0x79: {  	_ =	shalt  }
0x7a: {  	_ =	shalt  }
0x7b: {  	_ =	shalt  }
0x7c: {  	_ =	shalt  }
0x7d: {  	_ =	shalt  }
0x7e: {  	_ =	shalt  }
0x7f: {  	_ =	shalt  }
0x80: {  	_ =	shalt  }
0x81: {  	_ =	shalt  }
0x82: {  	_ =	shalt  }
0x83: {  	_ =	shalt  }
0x84: {  	_ =	shalt  }
0x85: {  	_ =	shalt  }
0x86: {  	_ =	shalt  }
0x87: {  	_ =	shalt  }
.Lfunc_end0:
.L_simem_size_0:
called_computation_lowered:
.L_overlay_start_0:
0x88: {  	s2 =	sld [smem:$0x3FD9]  }
0x89: {  	s3 =	sld [smem:$0x3FFE];
	_ =	sdelay $0x1  }
0x8a: {  	s1 =	srdreg.scid  }
0x8b: {  	s0 =	sand.u32 $0x1, s1  }
0x8c: {  	s17 =	sshll.u32 s0, $0xA;
	s2 =	sadd.s32 s3, s2  }
0x8d: {  	s2 =	sadd.s32 s2, s17  }
0x8e: {  	[smem:$0x3FC5] =	sst s2  }
0x8f: {  	_ = 	snop  }
0x90: {  	s2 =	sld [smem:$0x3FC9];
	(tm) =	ssettm $0x1  }
0x91: {  	s18 =	sld [smem:$0x3FFB];
	_ =	sdelay $0x3  }
0x92: {  	_ =	strace s18  }
0x93: {  	s3 =	sld [smem:$0x3FFC];
	_ =	sdelay $0x3  }
0x94: {  	_ =	strace s3  }
0x95: {  	s3 =	sld [smem:$0x3FFD];
	_ =	sdelay $0x3  }
0x96: {  	_ =	strace s3  }
0x97: {  	_ =	strace $0x8FFFFFFF  }
0x98: {  	s19 =	sld [smem:$0x3FDB];
	_ =	sdelay $0x1  }
0x99: {  	s4 =	simm.s32 $_scs_section_size  }
0x9a: {  	s5 =	simm.s32 $_size__tile_overlayer_lowered;
	s6 =	simm.s32 $_tile_overlayer_lowered  }
0x9b: {  	s22 =	simm.s32 $0x1BFF;
	s21 =	sshll.u32 s6, $0x1;
	s3 =	sadd.s32 s4, s19  }
0x9c: {  	s7 =	simm.s32 $0x0;
	s20 =	sshll.u32 s5, $0x1;
	s5 =	sadd.s32 s21, s3  }
0x9d: {  	[timem:s7], [sflag:s22] =	dma.local [hbm:s5], s20  }
0x9e: {  	_ =	swait.ge [sflag:s22], s20  }
0x9f: {  	s4 =	ssub.s32 $0x0, s20;
	[sflag:s22] =	ssyncset.done $0x0  }
0xa0: {  	[sflag:s22] =	ssyncadd.s32 s4;
	_ =	sdelay $0x1  }
0xa1: {  	s23 =	simm.s32 $0x1B8B  }
0xa2: {  	_ =	swait.ge [sflag:s23], $0x1  }
0xa3: {  	[sflag:s23] =	ssyncset.done $0x0  }
0xa4: {  	s25 =	simm.s32 $0x1B8E;
	s24 =	sld [smem:$0x3FFE];
	[sflag:s23] =	ssyncadd.s32 $0xFFFFFFFF  }
0xa5: {  	s26 =	simm.s32 $execute0_lowered;
	[smem:$0x3FD2] =	sst s25  }
0xa6: {  	s5 =	sshll.u32 s26, $0x1;
	_ =	strace $0x80000049;
	[dreg:$0x1] =	wrdreg $0xFFFFFFFF  }
0xa7: {  	s28 =	simm.s32 $_size_execute0_lowered;
	s3 =	sadd.s32 s3, s5;
	[dreg:$0x0] =	wrdreg $0x0  }
0xa8: {  	s5 =	sshll.u32 s28, $0x1;
	[dreg:$0x2] =	wrdreg s3  }
0xa9: {  	[dreg:$0x3] =	wrdreg s5  }
0xaa: {  	[dreg:$0x4] =	wrdreg $0xC0  }
0xab: {  	_ =	task [dreg:s7], $0x5FFFF  }
0xac: {  	[dreg:$0x1] =	wrdreg $0xFFFFFFFF  }
0xad: {  	[dreg:$0x0] =	wrdreg $0x60  }
0xae: {  	[dreg:$0x2] =	wrdreg s2  }
0xaf: {  	[dreg:$0x3] =	wrdreg s24  }
0xb0: {  	[dreg:$0x4] =	wrdreg $0x9  }
0xb1: {  	_ =	task.clear_ibuf [dreg:s7], $0x5FFFF;
	_ =	strace $0x90000049  }
0xb2: {  	s29 =	simm.s32 $0x9;
	_ =	strace $0x8000004B  }
0xb3: {  	_ =	swait.ge [sflag:s29], $0x1  }
0xb4: {  	[sflag:s29] =	ssyncadd.s32 $0xFFFFFFFF  }
0xb5: {  	_ =	strace $0x9000004B  }
0xb6: {  	_ =	sfence  }
0xb7: {  	s30 =	sld [smem:$0x0];
	_ =	sdelay $0x2  }
0xb8: {  	s31 =	sshll.u32 s1, $0xD;
	s1 =	sshrl.u32 s1, $0x2  }
0xb9: {  	s3 =	sand.u32 $0x4000, s31;
	s1 =	sadd.s32 s1, s30  }
0xba: {  	s0 =	sor.u32 s3, s0;
	s1 =	sshll.u32 s1, $0x11  }
0xbb: {  	s0 =	sor.u32 s1, s0  }
0xbc: {  	s0 =	sadd.s32 $0x8F2B, s0  }
0xbd: {  	[sflag:s0] =	ssyncadd.remote.s32 $0x1  }
0xbe: {  	_ =	sfence.sel $0xFFFF  }
0xbf: {  	[dreg:$0x0] =	wrdreg $0xFFFFFFFF;
	(pc) =	sbr.abs _section_cstart, $3  }
0xc0: {  	[dreg:$0x1] =	wrdreg $0xFFFFFFFF  }
0xc1: {  	_ =	task.clear_ibuf [dreg:s7], $0x2FFFF;
	_ =	strace $0x9FFFFFFF  }
0xc2: {  	(tm) =	ssettm $0x7FFFFFFF  }
0xc3: {  	_ =	shalt  }
tec
execute0_lowered:
.L_overlay_start_1:
0x0: {  	(tag) =	ssettag $0x1  }
0x1: {  	s2 =	rddreg [dreg:$0x0]  }
0x2: {  	s5 =	rddreg [dreg:$0x1]  }
0x3: {  	s0 =	rddreg [dreg:$0x2];
	_ =	strace $0x8000004A  }
0x4: {  	s4 =	srdreg.scid;
	s1 =	stileid.u32;
	s8 =	simm.s32 $0x1  }
0x5: {  	s9 =	simm.s32 $0x3;
	s10 =	simm.s32 $0x0;
	s13 =	simm.s32 $0x0  }
0x6: {  	s12 =	simm.s32 $0x0;
	s3 =	sadd.s32 $0x49800, s5;
	s6 =	sshll.u32 s4, $0x7  }
.Ltmp0:
0x7: {  	s7 =	sshll.u32 s1, $0x8;
	s6 =	sand.u32 $0x80, s6;
	(pc) =	sbr.rel .LBB2_1-.Ltmp0, $4  }
0x8: {  	s4 =	simm.s32 $0x1;
	s5 =	sadd.s32 $0x1800, s5;
	s6 =	sor.u32 s7, s6  }
0x9: {  	[sflag:s4] =	ssyncpa.u1 $0x0;
	s7 =	simm.s32 $0x2;
	p0 =	seq.s32 s6, $0xF80  }
0xa: {  	[sflag:s7] =	ssyncpa.u1 $0x0;
	s11 =	smov.u32 s6;
	s8 =	simm.s32 @!p0 $0x2  }
0xb: {  	vm0 =	vmmov $0xffff;
	v0 =	vlaneseq.u32;
	[sflag:s9] =	ssyncpa.u1 $0x0;
	p0 =	por $0x0, $0x0;
	s9 =	sadd.s32 $0x1, s8  }
.LBB2_4:
0xc: {  	_ =	sdelay $0x3  }
0xd: {  	[tilespmem:s21], [sflag:$0x1] =	stream.indirect_vreg.gather [hbm4b:s2+s10], $0x1, v1, vm0, $0x4038;
	[tilespmem:$0x500] =	vst v63  }
0xe: {  	s15 =	sadd.s32 s17, s15  }
0xf: {  	v1 =	vld.msk [tilespmem:s15+$0x0 ss:$0x1], $0xffff;
	_ =	sdelay $0x4  }
0x10: {  	v2 =	vshrl.u32 v1, $0x2  }
0x11: {  	v3 =	vand.u32 $0x3, v1;
	vm1 =	veq.s32 v1, $0x80000000;
	v1 =	vand.u32 $0x3FFFF, v2  }
0x12: {  	p1 =	sgt.s32 s18, $0x0;
	v2 =	vmul.u32 $0x90000, v3;
	v1 =	vsel vm1, $0xFFFFFFFF, v1  }
0x13: {  	s18 =	simm.s32 @!p1 $0x0;
	v3 =	vshll.u32 v1, $0x2  }
0x14: {  	s26 =	smin.u32 s18, $0x10;
	v2 =	vsel vm1, $0xFFF70000, v2;
	v3 =	vand.u32 $0xFFFFFE00, v3  }
0x15: {  	v1 =	vand.u32 $0x7F, v1;
	v2 =	vadd.s32 v2, v3;
	v3 =	vmov s26  }
0x16: {  	v1 =	vor.u32 v1, v2;
	vm1 =	vgt.u32 v3, v0  }
0x17: {  	v2 =	vnsel vm1, $0x7FFFFFFF, v1;
	_ =	sdelay $0x1  }
0x18: {  	v3 =	vor.u32 $0x80, v1  }
0x19: {  	(ifvalue) =	ssetifvalue $0x7FFFFFFF;
	v3 =	vnsel vm1, $0x7FFFFFFF, v3  }
0x1a: {  	s28 =	sadd.s32 s17, s16;
	(ifvalue) =	ssetifvalue $0x7FFFFFFF  }
0x1b: {  	v4 =	vor.u32 $0x100, v1;
	[tilespmem:s28], [sflag:$0x1] =	stream.indirect_vreg.gather [hbm4b:s2+s10], $0x1, v2, vm0, $0x4038;
	[tilespmem:$0x500] =	vst v63  }
0x1c: {  	(ifvalue) =	ssetifvalue $0x7FFFFFFF;
	v2 =	vnsel vm1, $0x7FFFFFFF, v4  }
0x1d: {  	s16 =	sadd.s32 $0x80, s28;
	(ifvalue) =	ssetifvalue $0x7FFFFFFF  }
0x1e: {  	v1 =	vor.u32 $0x180, v1;
	[tilespmem:s16], [sflag:$0x1] =	stream.indirect_vreg.gather [hbm4b:s2+s10], $0x1, v3, vm0, $0x4038;
	[tilespmem:$0x500] =	vst v63  }
0x1f: {  	v1 =	vnsel vm1, $0x7FFFFFFF, v1;
	(ifvalue) =	ssetifvalue $0x7FFFFFFF  }
0x20: {  	s29 =	sadd.s32 $0x100, s28;
	(ifvalue) =	ssetifvalue $0x7FFFFFFF  }
0x21: {  	[tilespmem:s29], [sflag:$0x1] =	stream.indirect_vreg.gather [hbm4b:s2+s10], $0x1, v2, vm0, $0x4038;
	[tilespmem:$0x500] =	vst v63  }
0x22: {  	(ifvalue) =	ssetifvalue $0x7FFFFFFF  }
0x23: {  	s30 =	sshll.u32 s13, $0x2;
	s15 =	sadd.s32 $0x180, s28;
	(ifvalue) =	ssetifvalue $0x7FFFFFFF  }
0x24: {  	[tilespmem:s15], [sflag:$0x1] =	stream.indirect_vreg.gather [hbm4b:s2+s10], $0x1, v1, vm0, $0x4038;
	[tilespmem:$0x500] =	vst v63  }
0x25: {  	s31 =	sand.u32 $0x78, s13;
	s15 =	sand.u32 $0xFFFFFE00, s30  }
0x26: {  	_ =	swait.ge [sflag:s4], $0x200;
	s13 =	sor.u32 s31, s15  }
0x27: {  	[sflag:s4] =	ssyncset.done $0x0;
	s13 =	sshrl.u32 s13, $0x3  }
0x28: {  	[sflag:s4] =	ssyncadd.s32 $0xFFFFFE00;
	s13 =	sadd.s32 s5, s13  }
0x29: {  	[hbm:s13] =	stream.linear.scatter [tilespmem:s14], [sflag:$0x3], $0x200, $0x38;
	[tilespmem:$0x500] =	vst v63  }
.LBB2_5:
0x2a: {  	s15 =	sadd.s32 $0x1000, s11  }
0x2b: {  	p2 =	sgt.s32 s15, $0x1F7F  }
0x2c: {  	s15 =	smov.u32 @p2 s6;
	p2 =	sne.s32 s12, s9  }
.Ltmp1:
0x2d: {  	p1 =	slt.u32 s12, $0x2;
	(pc) =	sbr.rel @!p2 .LBB2_6-.Ltmp1, $4  }
0x2e: {  	s14 =	simm.s32 @!p1 $0x3  }
0x2f: {  	s16 =	sadd.s32 $0x1, s12;
	_ =	swait.ge @!p1 [sflag:s14], $0x200  }
0x30: {  	s13 =	smov.u32 s11;
	p0 =	por !p0, !p0;
	[sflag:s14] =	ssyncset.done @!p1 $0x0  }
0x31: {  	s12 =	smov.u32 s16;
	s11 =	smov.u32 s15;
	[sflag:s14] =	ssyncadd.s32 @!p1 $0xFFFFFE00  }
.LBB2_1:
0x32: {  	p1 =	sge.u32 s12, s8  }
0x33: {  	s14 =	sxor.u32 @!p1 $0xFFFFFFFF, s12  }
0x34: {  	s31 =	sadd.s32 $0xFFFFFFFF, s12;
	s15 =	sshrl.u32 @!p1 s11, $0x3;
	s14 =	sshll.u32 @!p1 s14, $0x7  }
0x35: {  	s16 =	sand.u32 @!p1 $0x7, s11;
	s15 =	sadd.s32 @!p1 s3, s15;
	s14 =	sand.u32 @!p1 $0x80, s14  }
0x36: {  	[tilespmem:s14], [sflag:$0x2] =	stream.linear.gather @!p1 [hbm4b:s15+s16], $0x80, $0x38;
	[tilespmem:$0x500] =	vst v63  }
0x37: {  	p1 =	sge.u32 s31, s8  }
.Ltmp2:
0x38: {  	_ = 	snop;
	(pc) =	sbr.rel @p1 .LBB2_5-.Ltmp2, $1  }
0x39: {  	_ =	sdelay $0x3  }
0x3a: {  	s14 =	simm.s32 $0x1  }
0x3b: {  	_ =	swait.ge [sflag:s7], $0x80;
	s14 =	simm.s32 @!p0 $0x0  }
0x3c: {  	[sflag:s7] =	ssyncset.done $0x0;
	s15 =	sshll.u32 s14, $0x7  }
0x3d: {  	[sflag:s7] =	ssyncadd.s32 $0xFFFFFF80;
	s16 =	sadd.s32 $0x0, s15  }
0x3e: {  	v1 =	vld.msk [tilespmem:s16+$0x0 ss:$0x1], $0xffff;
	_ =	sdelay $0x3  }
0x3f: {  	s18 =	ssub.s32 $0x1F40, s13  }
0x40: {  	p1 =	slt.s32 s18, $0x80;
	v2 =	vshrl.u32 v1, $0x2  }
0x41: {  	s18 =	simm.s32 @!p1 $0x80;
	v3 =	vand.u32 $0x3, v1;
	vm1 =	veq.s32 v1, $0x80000000;
	v1 =	vand.u32 $0x3FFFF, v2  }
0x42: {  	p1 =	sgt.s32 s18, $0x0;
	s16 =	smov.u32 s18;
	v2 =	vmul.u32 $0x90000, v3;
	v1 =	vsel vm1, $0xFFFFFFFF, v1  }
0x43: {  	s16 =	simm.s32 @!p1 $0x0;
	v3 =	vshll.u32 v1, $0x2  }
0x44: {  	s16 =	smin.u32 s16, $0x10;
	v2 =	vsel vm1, $0xFFF70000, v2;
	v3 =	vand.u32 $0xFFFFFE00, v3  }
0x45: {  	v1 =	vand.u32 $0x7F, v1;
	v2 =	vadd.s32 v2, v3;
	v3 =	vmov s16  }
0x46: {  	v1 =	vor.u32 v1, v2;
	vm1 =	vgt.u32 v3, v0  }
0x47: {  	v2 =	vnsel vm1, $0x7FFFFFFF, v1;
	_ =	sdelay $0x1  }
0x48: {  	s14 =	sshll.u32 s14, $0x9;
	v3 =	vor.u32 $0x80, v1  }
0x49: {  	(ifvalue) =	ssetifvalue $0x7FFFFFFF;
	s16 =	sor.u32 $0x100, s14;
	v3 =	vnsel vm1, $0x7FFFFFFF, v3  }
0x4a: {  	(ifvalue) =	ssetifvalue $0x7FFFFFFF;
	s19 =	sadd.s32 $0x0, s16  }
0x4b: {  	v4 =	vor.u32 $0x100, v1;
	[tilespmem:s19], [sflag:$0x1] =	stream.indirect_vreg.gather [hbm4b:s2+s10], $0x1, v2, vm0, $0x4038;
	[tilespmem:$0x500] =	vst v63  }
0x4c: {  	(ifvalue) =	ssetifvalue $0x7FFFFFFF;
	v2 =	vnsel vm1, $0x7FFFFFFF, v4  }
0x4d: {  	s17 =	sadd.s32 $0x80, s19;
	(ifvalue) =	ssetifvalue $0x7FFFFFFF  }
0x4e: {  	v1 =	vor.u32 $0x180, v1;
	[tilespmem:s17], [sflag:$0x1] =	stream.indirect_vreg.gather [hbm4b:s2+s10], $0x1, v3, vm0, $0x4038;
	[tilespmem:$0x500] =	vst v63  }
0x4f: {  	s30 =	sshll.u32 s12, $0x9;
	s20 =	simm.s32 $0x80;
	v1 =	vnsel vm1, $0x7FFFFFFF, v1;
	(ifvalue) =	ssetifvalue $0x7FFFFFFF  }
0x50: {  	s14 =	sand.u32 $0x200, s30;
	s31 =	sadd.s32 $0x100, s19;
	(ifvalue) =	ssetifvalue $0x7FFFFFFF  }
0x51: {  	[tilespmem:s31], [sflag:$0x1] =	stream.indirect_vreg.gather [hbm4b:s2+s10], $0x1, v2, vm0, $0x4038;
	[tilespmem:$0x500] =	vst v63  }
0x52: {  	s18 =	sadd.s32 $0xFFFFFFF0, s18;
	s14 =	sor.u32 $0x100, s14;
	(ifvalue) =	ssetifvalue $0x7FFFFFFF  }
0x53: {  	s21 =	sadd.s32 $0x180, s19;
	s17 =	simm.s32 $0x10;
	(ifvalue) =	ssetifvalue $0x7FFFFFFF  }
.LBB2_3:
0x54: {  	[tilespmem:s21], [sflag:$0x1] =	stream.indirect_vreg.gather [hbm4b:s2+s10], $0x1, v1, vm0, $0x4038;
	[tilespmem:$0x500] =	vst v63  }
0x55: {  	s19 =	smov.u32 s20  }
0x56: {  	s22 =	sadd.s32 s17, s15;
	s21 =	sshra.s32 s19, $0x2;
	s19 =	sadd.s32 $0x40, s20  }
0x57: {  	p1 =	sne.s32 s20, $0x1C0;
	v1 =	vld.msk [tilespmem:s22+$0x0 ss:$0x1], $0xffff  }
0x58: {  	(ifvalue) =	ssetifvalue $0x7FFFFFFF;
	_ =	sdelay $0x4  }
0x59: {  	v2 =	vand.u32 $0x3, v1;
	v3 =	vshrl.u32 v1, $0x2  }
0x5a: {  	vm1 =	veq.s32 v1, $0x80000000;
	v1 =	vand.u32 $0x3FFFF, v3;
	v2 =	vmul.u32 $0x90000, v2  }
0x5b: {  	p2 =	sgt.s32 s18, $0x0;
	s20 =	smov.u32 s18;
	v1 =	vsel vm1, $0xFFFFFFFF, v1  }
0x5c: {  	s20 =	simm.s32 @!p2 $0x0;
	v2 =	vsel vm1, $0xFFF70000, v2;
	v3 =	vshll.u32 v1, $0x2  }
0x5d: {  	s20 =	smin.u32 s20, $0x10;
	v3 =	vand.u32 $0xFFFFFE00, v3  }
0x5e: {  	v1 =	vand.u32 $0x7F, v1;
	v2 =	vadd.s32 v2, v3;
	v3 =	vmov s20  }
0x5f: {  	v1 =	vor.u32 v1, v2;
	vm1 =	vgt.u32 v3, v0  }
0x60: {  	v2 =	vnsel vm1, $0x7FFFFFFF, v1;
	v3 =	vor.u32 $0x80, v1;
	v4 =	vor.u32 $0x100, v1  }
0x61: {  	v1 =	vor.u32 $0x180, v1;
	_ =	sdelay $0x1  }
0x62: {  	v3 =	vnsel vm1, $0x7FFFFFFF, v3  }
0x63: {  	s20 =	sadd.s32 s17, s16;
	s17 =	smov.u32 s21;
	(ifvalue) =	ssetifvalue $0x7FFFFFFF  }
0x64: {  	[tilespmem:s20], [sflag:$0x1] =	stream.indirect_vreg.gather [hbm4b:s2+s10], $0x1, v2, vm0, $0x4038;
	[tilespmem:$0x500] =	vst v63  }
0x65: {  	v2 =	vnsel vm1, $0x7FFFFFFF, v4;
	(ifvalue) =	ssetifvalue $0x7FFFFFFF  }
0x66: {  	s21 =	sadd.s32 $0x80, s20;
	(ifvalue) =	ssetifvalue $0x7FFFFFFF  }
0x67: {  	[tilespmem:s21], [sflag:$0x1] =	stream.indirect_vreg.gather [hbm4b:s2+s10], $0x1, v3, vm0, $0x4038;
	[tilespmem:$0x500] =	vst v63  }
.Ltmp3:
0x68: {  	v1 =	vnsel vm1, $0x7FFFFFFF, v1;
	(ifvalue) =	ssetifvalue $0x7FFFFFFF;
	(pc) =	sbr.rel @p1 .LBB2_3-.Ltmp3, $4  }
0x69: {  	s21 =	sadd.s32 $0x100, s20;
	(ifvalue) =	ssetifvalue $0x7FFFFFFF  }
0x6a: {  	[tilespmem:s21], [sflag:$0x1] =	stream.indirect_vreg.gather [hbm4b:s2+s10], $0x1, v2, vm0, $0x4038;
	[tilespmem:$0x500] =	vst v63  }
0x6b: {  	s18 =	sadd.s32 $0xFFFFFFF0, s18;
	(ifvalue) =	ssetifvalue $0x7FFFFFFF  }
0x6c: {  	s21 =	sadd.s32 $0x180, s20;
	s20 =	smov.u32 s19;
	(ifvalue) =	ssetifvalue $0x7FFFFFFF  }
.Ltmp4:
0x6d: {  	_ = 	snop;
	(pc) =	sbr.rel .LBB2_4-.Ltmp4, $1  }
0x6e: {  	_ =	sdelay $0x3  }
.LBB2_6:
0x6f: {  	_ =	sfence.sel $0x180000  }
0x70: {  	s2 =	simm.s32 $0x2;
	[bflag:$0x0] =	sbarrier.arrive $0xFFFF  }
0x71: {  	s30 =	simm.s32 $0x3;
	[sflag:s2] =	ssyncpa.u1 $0x1  }
0x72: {  	s31 =	simm.s32 $0x1;
	[sflag:s30] =	ssyncpa.u1 $0x1  }
0x73: {  	[sflag:s31] =	ssyncpa.u1 $0x1  }
0x74: {  	p0 =	sne.s32 s1, $0x0;
	_ =	strace $0x9000004A  }
0x75: {  	s0 =	sadd.s32 @!p0 $0x100000, s0;
	[bflag:$0x2] =	sbarrier.arrive $0xFFFF  }
0x76: {  	[sflag:s0] =	ssyncadd.tile.s32 @!p0 $0x1;
	_ =	shalt  }
.Lfunc_end2:
_tile_overlayer_lowered:
.L_overlay_start_2:
0x77: {  	(tag) =	ssettag $0x2  }
0x78: {  	s0 =	rddreg [dreg:$0x0];
	s2 =	stileid.u32  }
0x79: {  	s1 =	rddreg [dreg:$0x1];
	p0 =	sne.s32 s2, $0x0  }
0x7a: {  	s3 =	rddreg [dreg:$0x2];
	[bflag:$0x3] =	sbarrier.arrive $0xFFFF;
	s2 =	simm.s32 @!p0 $0x1C01  }
0x7b: {  	[timem:s3], [sflag:s2] =	dma.local @!p0 [hbm:s0], s1  }
0x7c: {  	s0 =	simm.s32 @!p0 $0x1  }
0x7d: {  	_ =	swait.ge @!p0 [sflag:s0], s1  }
0x7e: {  	s1 =	ssub.s32 @!p0 $0x0, s1;
	[sflag:s0] =	ssyncset.done @!p0 $0x0  }
0x7f: {  	[sflag:s0] =	ssyncadd.s32 @!p0 s1  }
0x80: {  	[bflag:$0x3] =	sbarrier.arrive $0xFFFF  }
0x81: {  	_ =	shalt  }

</sc_bundles>
